<compile_context>
chip_gen: v7x
topology: tpu7x:2x2x1
jax: 0.10.2.dev20260603
libtpu: 0.0.44.dev20260713+nightly
codegen_flags: <defaults>
</compile_context>

<pallas_src>
import jax
import jax.numpy as jnp
from jax import lax
from jax.experimental import pallas as pl
from jax.experimental.pallas import tpu as pltpu
from jax.experimental.pallas import tpu_sc as plsc

N = 10000
NP = 10240
D = 128
E = 320000
DH = D // 2
NS = 16
C = 125
EPT = E // NS
CHUNKS = EPT // C
CW = 16
NBUF = 4
ROWS_PT = NP // NS
RB = 128
NB = ROWS_PT // RB


def _zero_2d(ref, nrows, ncols):
    zeros = jnp.zeros((16,), jnp.float32)

    def body(r, _):
        for k in range(ncols // 16):
            ref[r, pl.ds(k * 16, 16)] = zeros
        return 0

    lax.fori_loop(0, nrows, body, 0)


def _edge_loop(table_hbm, c, src_v, dst_hbm, s, dstb, rows, ones_v, acc_sp,
               cnt_sp, sem_g, sem_di, sem_s, sem_cnt, with_count):
    def tab(i):
        return table_hbm.at[c].at[src_v.at[i]]

    def dst_load(i, j):
        pltpu.async_copy(dst_hbm.at[s, i], dstb[j], sem_di[j])

    pltpu.async_copy(tab(0), rows[0], sem_g[0])
    pltpu.async_copy(tab(1), rows[1], sem_g[1])
    dst_load(0, 0)
    dst_load(1, 1)

    def body(g, _):
        for b in range(NBUF):
            i = g * NBUF + b
            bn = (b + 2) % NBUF

            pltpu.make_async_copy(tab(i), rows[b], sem_g[b]).wait()
            pltpu.make_async_copy(
                dst_hbm.at[s, 0], dstb[b], sem_di[b]).wait()

            if with_count:
                pltpu.async_copy(
                    ones_v, cnt_sp.at[dstb[b]], sem_cnt[b], add=True)
            pltpu.async_copy(
                rows[b], acc_sp.at[dstb[b]], sem_s[b], add=True)

            @pl.when(i >= 2)
            def _():
                pltpu.make_async_copy(
                    rows[bn], acc_sp.at[dstb[bn]], sem_s[bn]).wait()
                if with_count:
                    pltpu.make_async_copy(
                        ones_v, cnt_sp.at[dstb[bn]], sem_cnt[bn]).wait()

            @pl.when(i + 2 < CHUNKS)
            def _():
                pltpu.async_copy(tab(i + 2), rows[bn], sem_g[bn])
                dst_load(i + 2, bn)
        return 0

    lax.fori_loop(0, CHUNKS // NBUF, body, 0)

    for i in (CHUNKS - 2, CHUNKS - 1):
        b = i % NBUF
        pltpu.make_async_copy(
            rows[b], acc_sp.at[dstb[b]], sem_s[b]).wait()
        if with_count:
            pltpu.make_async_copy(
                ones_v, cnt_sp.at[dstb[b]], sem_cnt[b]).wait()


def _finalize(s, c, acc_sp, cnt_sp, accbuf_v, cntbuf_v, dst_hbm, col_slice):
    for b in range(NB):
        base = s * ROWS_PT + b * RB
        pltpu.sync_copy(acc_sp.at[pl.ds(base, RB)], accbuf_v)
        pltpu.sync_copy(cnt_sp.at[pl.ds(base, RB)], cntbuf_v)

        def body(r, _):
            q = 1.0 / jnp.maximum(cntbuf_v[r, pl.ds(0, 16)], 1.0)
            for k in range(DH // 16):
                accbuf_v[r, pl.ds(k * 16, 16)] = (
                    accbuf_v[r, pl.ds(k * 16, 16)] * q)
            return 0

        lax.fori_loop(0, RB, body, 0)
        if not col_slice:
            pltpu.sync_copy(accbuf_v, dst_hbm.at[c].at[pl.ds(base, RB)])
        else:
            full_blocks = (N - s * ROWS_PT) // RB

            @pl.when(b < full_blocks)
            def _():
                pltpu.sync_copy(
                    accbuf_v, dst_hbm.at[pl.ds(base, RB), pl.ds(c * DH, DH)])

            if b == (N % ROWS_PT) // RB:
                tail = N % RB

                @pl.when(s == NS - 1)
                def _():
                    pltpu.sync_copy(
                        accbuf_v.at[pl.ds(0, tail)],
                        dst_hbm.at[pl.ds(N - tail, tail), pl.ds(c * DH, DH)])


def _gcn_body(x_hbm, src_hbm, dst_hbm, ones_hbm, zeros_hbm, xh_hbm, out_hbm,
              src_v, dstb0, dstb1, dstb2, dstb3,
              rows0_v, rows1_v, rows2_v, rows3_v, ones_v,
              accbuf_v, cntbuf_v, acc_sp, cnt_sp, *sems):
    s = lax.axis_index("s")
    c = lax.axis_index("c")
    rows = (rows0_v, rows1_v, rows2_v, rows3_v)
    dstb = (dstb0, dstb1, dstb2, dstb3)
    sem_g = sems[0:4]
    sem_di = sems[4:8]
    sem_s = sems[8:12]
    sem_cnt = sems[12:16]

    pltpu.sync_copy(src_hbm.at[s], src_v)

    full_blocks = (N - s * ROWS_PT) // RB
    for b in range(NB):
        base = s * ROWS_PT + b * RB

        @pl.when(b < full_blocks)
        def _():
            pltpu.sync_copy(
                x_hbm.at[pl.ds(base, RB), pl.ds(c * DH, DH)], accbuf_v)
            pltpu.sync_copy(accbuf_v, xh_hbm.at[c].at[pl.ds(base, RB)])

        if b == (N % ROWS_PT) // RB:
            tail = N % RB

            @pl.when(s == NS - 1)
            def _():
                pltpu.sync_copy(
                    x_hbm.at[pl.ds(N - tail, tail), pl.ds(c * DH, DH)],
                    accbuf_v.at[pl.ds(0, tail)])
                pltpu.sync_copy(accbuf_v.at[pl.ds(0, tail)],
                                xh_hbm.at[c].at[pl.ds(N - tail, tail)])

    pltpu.sync_copy(ones_hbm, ones_v)
    pltpu.sync_copy(zeros_hbm, cntbuf_v)

    _zero_2d(accbuf_v, RB, DH)
    for b in range(NB):
        pltpu.sync_copy(accbuf_v, acc_sp.at[pl.ds(s * ROWS_PT + b * RB, RB)])
        pltpu.sync_copy(cntbuf_v, cnt_sp.at[pl.ds(s * ROWS_PT + b * RB, RB)])
    plsc.subcore_barrier()

    _edge_loop(xh_hbm, c, src_v, dst_hbm, s, dstb, rows, ones_v, acc_sp,
               cnt_sp, sem_g, sem_di, sem_s, sem_cnt, True)
    plsc.subcore_barrier()

    _finalize(s, c, acc_sp, cnt_sp, accbuf_v, cntbuf_v, xh_hbm, False)
    _zero_2d(accbuf_v, RB, DH)
    for b in range(NB):
        pltpu.sync_copy(accbuf_v, acc_sp.at[pl.ds(s * ROWS_PT + b * RB, RB)])
    plsc.subcore_barrier()

    _edge_loop(xh_hbm, c, src_v, dst_hbm, s, dstb, rows, ones_v, acc_sp,
               cnt_sp, sem_g, sem_di, sem_s, sem_cnt, False)
    plsc.subcore_barrier()

    _finalize(s, c, acc_sp, cnt_sp, accbuf_v, cntbuf_v, out_hbm, True)


@jax.jit
def _gcn(x, src3, dst3, ones8, zeros8):
    f32 = jnp.float32
    kern = pl.kernel(
        _gcn_body,
        mesh=plsc.VectorSubcoreMesh(core_axis_name="c", subcore_axis_name="s"),
        out_type=[
            jax.ShapeDtypeStruct((2, NP, DH), f32),
            jax.ShapeDtypeStruct((N, D), f32),
        ],
        scratch_types=[
            pltpu.VMEM((CHUNKS, C), jnp.int32),
            pltpu.VMEM((C,), jnp.int32),
            pltpu.VMEM((C,), jnp.int32),
            pltpu.VMEM((C,), jnp.int32),
            pltpu.VMEM((C,), jnp.int32),
            pltpu.VMEM((C, DH), f32),
            pltpu.VMEM((C, DH), f32),
            pltpu.VMEM((C, DH), f32),
            pltpu.VMEM((C, DH), f32),
            pltpu.VMEM((C, CW), f32),
            pltpu.VMEM((RB, DH), f32),
            pltpu.VMEM((RB, CW), f32),
            pltpu.VMEM_SHARED((NP, DH), f32),
            pltpu.VMEM_SHARED((NP, CW), f32),
        ] + [pltpu.SemaphoreType.DMA] * 16,
        compiler_params=pltpu.CompilerParams(use_tc_tiling_on_sc=False),
    )
    _, out2 = kern(x, src3, dst3, ones8, zeros8)
    return out2


def kernel(x, edge_index):
    src3 = edge_index[0].reshape(NS, CHUNKS, C)
    dst3 = edge_index[1].reshape(NS, CHUNKS, C)
    ones8 = jnp.ones((C, CW), jnp.float32)
    zeros8 = jnp.zeros((RB, CW), jnp.float32)
    return _gcn(x, src3, dst3, ones8, zeros8)

# --- scband reference (transcript-rebuilt; emitter-appended) ---
"""Pipeline reference for scband-simple-graph-conv-12068858102168 (READ-ONLY COPY).

The authoritative reference and input builder live on the scoring server;
editing this copy changes nothing except your own understanding.
"""

import jax, jax.numpy as jnp
import numpy as np

N = 10000
D = 128
E = 320000
L = 2

def setup_inputs(seed: int = 0) -> dict:
    key = jax.random.key(seed)
    k1, k2 = jax.random.split(key)
    x = jax.random.normal(k1, (N, D), dtype=jnp.float32)
    edge_index = jax.random.randint(k2, (2, E), 0, N, dtype=jnp.int32)
    return {"x": x, "edge_index": edge_index}

def _mean_pool(x, edge_index):
    # PyG SimpleConv(aggr='mean'): out[i] = mean_{(j->i) in E} x[j]; isolated dst nodes get 0
    src = edge_index[0]
    dst = edge_index[1]
    msgs = jnp.take(x, src, axis=0)
    sums = jax.ops.segment_sum(msgs, dst, num_segments=N)
    cnt = jax.ops.segment_sum(jnp.ones((src.shape[0],), dtype=x.dtype), dst, num_segments=N)
    return sums / jnp.clip(cnt, 1.0)[:, None]

def reference(x, edge_index):
    # num_layers=2, require_weights=False (no linear), self_loop=False, sigma=0 (no noise)
    h = x
    for _ in range(L):
        h = _mean_pool(h, edge_index)
    return h

if __name__ == "__main__":
    import jax
    _d = setup_inputs()
    print(jax.jit(kernel)(*tuple(_d.values())))

</pallas_src>

<mosaic_0001>
#map = affine_map<(d0, d1) -> (0, 0)>
#map1 = affine_map<(d0, d1) -> (0, 0, 0)>
module attributes {stable_mosaic.version = 14 : i64} {
  func.func @_gcn_body(%arg0: i32, %arg1: i32, %arg2: memref<10000x128xf32, #tpu.memory_space<hbm>>, %arg3: memref<16x160x125xi32, #tpu.memory_space<hbm>>, %arg4: memref<16x160x125xi32, #tpu.memory_space<hbm>>, %arg5: memref<125x16xf32, #tpu.memory_space<hbm>>, %arg6: memref<128x16xf32, #tpu.memory_space<hbm>>, %arg7: memref<2x10240x64xf32, #tpu.memory_space<hbm>>, %arg8: memref<10000x128xf32, #tpu.memory_space<hbm>>, %arg9: memref<160x125xi32, #tpu.memory_space<vmem>>, %arg10: memref<125xi32, #tpu.memory_space<vmem>>, %arg11: memref<125xi32, #tpu.memory_space<vmem>>, %arg12: memref<125xi32, #tpu.memory_space<vmem>>, %arg13: memref<125xi32, #tpu.memory_space<vmem>>, %arg14: memref<125x64xf32, #tpu.memory_space<vmem>>, %arg15: memref<125x64xf32, #tpu.memory_space<vmem>>, %arg16: memref<125x64xf32, #tpu.memory_space<vmem>>, %arg17: memref<125x64xf32, #tpu.memory_space<vmem>>, %arg18: memref<125x16xf32, #tpu.memory_space<vmem>>, %arg19: memref<128x64xf32, #tpu.memory_space<vmem>>, %arg20: memref<128x16xf32, #tpu.memory_space<vmem>>, %arg21: memref<10240x64xf32, #tpu.memory_space<vmem_shared>>, %arg22: memref<10240x16xf32, #tpu.memory_space<vmem_shared>>, %arg23: memref<!tpu.dma_semaphore, #tpu.memory_space<semaphore_mem>>, %arg24: memref<!tpu.dma_semaphore, #tpu.memory_space<semaphore_mem>>, %arg25: memref<!tpu.dma_semaphore, #tpu.memory_space<semaphore_mem>>, %arg26: memref<!tpu.dma_semaphore, #tpu.memory_space<semaphore_mem>>, %arg27: memref<!tpu.dma_semaphore, #tpu.memory_space<semaphore_mem>>, %arg28: memref<!tpu.dma_semaphore, #tpu.memory_space<semaphore_mem>>, %arg29: memref<!tpu.dma_semaphore, #tpu.memory_space<semaphore_mem>>, %arg30: memref<!tpu.dma_semaphore, #tpu.memory_space<semaphore_mem>>, %arg31: memref<!tpu.dma_semaphore, #tpu.memory_space<semaphore_mem>>, %arg32: memref<!tpu.dma_semaphore, #tpu.memory_space<semaphore_mem>>, %arg33: memref<!tpu.dma_semaphore, #tpu.memory_space<semaphore_mem>>, %arg34: memref<!tpu.dma_semaphore, #tpu.memory_space<semaphore_mem>>, %arg35: memref<!tpu.dma_semaphore, #tpu.memory_space<semaphore_mem>>, %arg36: memref<!tpu.dma_semaphore, #tpu.memory_space<semaphore_mem>>, %arg37: memref<!tpu.dma_semaphore, #tpu.memory_space<semaphore_mem>>, %arg38: memref<!tpu.dma_semaphore, #tpu.memory_space<semaphore_mem>>) attributes {dimension_semantics = [#tpu.dimension_semantics<core_parallel>, #tpu.dimension_semantics<subcore_parallel>], iteration_bounds = array<i64: 2, 16>, scalar_prefetch = 0 : i64, scratch_operands = 30 : i64, tpu.core_type = #tpu.core_type<sc_vector_subcore>, window_params = [{transform_indices = #map}, {transform_indices = #map1}, {transform_indices = #map1}, {transform_indices = #map}, {transform_indices = #map}, {transform_indices = #map1}, {transform_indices = #map}]} {
    "tpu.region"() ({
      %run_scoped3A = tpu.sem_alloc : memref<!tpu.dma_semaphore, #tpu.memory_space<semaphore_mem>>
      %dma_start3A_525 = arith.constant 0 : i32
      %dma_start3A_526 = arith.constant 0 : i32
      %dma_start3A_527 = tpu.memref_slice %arg3[%arg1, %dma_start3A_525, %dma_start3A_526] : memref<16x160x125xi32, #tpu.memory_space<hbm>> -> memref<1x160x125xi32, #tpu.memory_space<hbm>>
      %dma_start3A_528 = tpu.memref_squeeze %dma_start3A_527 : memref<1x160x125xi32, #tpu.memory_space<hbm>> -> memref<160x125xi32, #tpu.memory_space<hbm>>
      %dma_start3A_529 = arith.constant 0 : i32
      %dma_start3A_530 = arith.constant 0 : i32
      %dma_start3A_531 = tpu.memref_slice %arg3[%arg1, %dma_start3A_529, %dma_start3A_530] : memref<16x160x125xi32, #tpu.memory_space<hbm>> -> memref<1x160x125xi32, #tpu.memory_space<hbm>>
      %dma_start3A_532 = tpu.memref_squeeze %dma_start3A_531 : memref<1x160x125xi32, #tpu.memory_space<hbm>> -> memref<160x125xi32, #tpu.memory_space<hbm>>
      tpu.enqueue_dma source(%dma_start3A_532 : memref<160x125xi32, #tpu.memory_space<hbm>>) target(%arg9 : memref<160x125xi32, #tpu.memory_space<vmem>>) target_semaphore(%run_scoped3A : memref<!tpu.dma_semaphore, #tpu.memory_space<semaphore_mem>>)
      %dma_wait3A_533 = arith.constant 0 : i32
      %dma_wait3A_534 = arith.constant 0 : i32
      %dma_wait3A_535 = tpu.memref_slice %arg3[%arg1, %dma_wait3A_533, %dma_wait3A_534] : memref<16x160x125xi32, #tpu.memory_space<hbm>> -> memref<1x160x125xi32, #tpu.memory_space<hbm>>
      %dma_wait3A_536 = tpu.memref_squeeze %dma_wait3A_535 : memref<1x160x125xi32, #tpu.memory_space<hbm>> -> memref<160x125xi32, #tpu.memory_space<hbm>>
      %dma_wait3A_537 = arith.constant 0 : i32
      %dma_wait3A_538 = arith.constant 0 : i32
      %dma_wait3A_539 = tpu.memref_slice %arg3[%arg1, %dma_wait3A_537, %dma_wait3A_538] : memref<16x160x125xi32, #tpu.memory_space<hbm>> -> memref<1x160x125xi32, #tpu.memory_space<hbm>>
      %dma_wait3A_540 = tpu.memref_squeeze %dma_wait3A_539 : memref<1x160x125xi32, #tpu.memory_space<hbm>> -> memref<160x125xi32, #tpu.memory_space<hbm>>
      tpu.wait_dma2 semaphore(%run_scoped3A : memref<!tpu.dma_semaphore, #tpu.memory_space<semaphore_mem>>) src(%dma_wait3A_540 : memref<160x125xi32, #tpu.memory_space<hbm>>) dst(%arg9 : memref<160x125xi32, #tpu.memory_space<vmem>>)
      tpu.yield
    }) : () -> ()
    %mul3A = arith.constant 640 : i32
    %mul3A_0 = arith.muli %arg1, %mul3A : i32
    %sub3A = arith.constant 10000 : i32
    %sub3A_1 = arith.subi %sub3A, %mul3A_0 : i32
    %jit3A = arith.constant 128 : i32
    %div3A = arith.divsi %sub3A_1, %jit3A : i32
    %sign3A = arith.constant 0 : i32
    %sign3A_2 = arith.cmpi sgt, %sub3A_1, %sign3A : i32
    %sign3A_3 = arith.extui %sign3A_2 : i1 to i32
    %sign3A_4 = arith.constant 0 : i32
    %sign3A_5 = arith.cmpi slt, %sub3A_1, %sign3A_4 : i32
    %sign3A_6 = arith.extui %sign3A_5 : i1 to i32
    %sign3A_7 = arith.subi %sign3A_3, %sign3A_6 : i32
    %sign3A_8 = arith.constant 0 : i32
    %sign3A_9 = arith.cmpi sgt, %jit3A, %sign3A_8 : i32
    %sign3A_10 = arith.extui %sign3A_9 : i1 to i32
    %sign3A_11 = arith.constant 0 : i32
    %sign3A_12 = arith.cmpi slt, %jit3A, %sign3A_11 : i32
    %sign3A_13 = arith.extui %sign3A_12 : i1 to i32
    %sign3A_14 = arith.subi %sign3A_10, %sign3A_13 : i32
    %ne3A = arith.cmpi ne, %sign3A_7, %sign3A_14 : i32
    %rem3A = arith.remsi %sub3A_1, %jit3A : i32
    %ne3A_15 = arith.constant 0 : i32
    %ne3A_16 = arith.cmpi ne, %rem3A, %ne3A_15 : i32
    %and3A = arith.andi %ne3A, %ne3A_16 : i1
    %sub3A_17 = arith.constant 1 : i32
    %sub3A_18 = arith.subi %div3A, %sub3A_17 : i32
    %select_n3A = arith.select %and3A, %sub3A_18, %div3A : i32
    %mul3A_19 = arith.constant 640 : i32
    %mul3A_20 = arith.muli %arg1, %mul3A_19 : i32
    %add3A = arith.constant 0 : i32
    %add3A_21 = arith.addi %mul3A_20, %add3A : i32
    %gt3A = arith.constant 0 : i32
    %gt3A_22 = arith.cmpi sgt, %select_n3A, %gt3A : i32
    %convert_element_type3A = arith.extui %gt3A_22 : i1 to i32
    %cond3A = arith.constant 0 : i32
    %cond3A_23 = arith.cmpi ne, %convert_element_type3A, %cond3A : i32
    scf.if %cond3A_23 {
      %mul3A_525 = arith.constant 64 : i32
      %mul3A_526 = arith.muli %arg0, %mul3A_525 : i32
      "tpu.region"() ({
        %run_scoped3A = tpu.sem_alloc : memref<!tpu.dma_semaphore, #tpu.memory_space<semaphore_mem>>
        %dma_start3A_527 = tpu.memref_slice %arg2[%add3A_21, %mul3A_526] : memref<10000x128xf32, #tpu.memory_space<hbm>> -> memref<128x64xf32, #tpu.memory_space<hbm>>
        %dma_start3A_528 = tpu.memref_slice %arg2[%add3A_21, %mul3A_526] : memref<10000x128xf32, #tpu.memory_space<hbm>> -> memref<128x64xf32, #tpu.memory_space<hbm>>
        tpu.enqueue_dma source(%dma_start3A_528 : memref<128x64xf32, #tpu.memory_space<hbm>>) target(%arg19 : memref<128x64xf32, #tpu.memory_space<vmem>>) target_semaphore(%run_scoped3A : memref<!tpu.dma_semaphore, #tpu.memory_space<semaphore_mem>>)
        %dma_wait3A_529 = tpu.memref_slice %arg2[%add3A_21, %mul3A_526] : memref<10000x128xf32, #tpu.memory_space<hbm>> -> memref<128x64xf32, #tpu.memory_space<hbm>>
        %dma_wait3A_530 = tpu.memref_slice %arg2[%add3A_21, %mul3A_526] : memref<10000x128xf32, #tpu.memory_space<hbm>> -> memref<128x64xf32, #tpu.memory_space<hbm>>
        tpu.wait_dma2 semaphore(%run_scoped3A : memref<!tpu.dma_semaphore, #tpu.memory_space<semaphore_mem>>) src(%dma_wait3A_530 : memref<128x64xf32, #tpu.memory_space<hbm>>) dst(%arg19 : memref<128x64xf32, #tpu.memory_space<vmem>>)
        tpu.yield
      }) : () -> ()
      "tpu.region"() ({
        %run_scoped3A = tpu.sem_alloc : memref<!tpu.dma_semaphore, #tpu.memory_space<semaphore_mem>>
        %dma_start3A_527 = arith.constant 0 : i32
        %dma_start3A_528 = arith.constant 0 : i32
        %dma_start3A_529 = tpu.memref_slice %arg7[%arg0, %dma_start3A_527, %dma_start3A_528] : memref<2x10240x64xf32, #tpu.memory_space<hbm>> -> memref<1x10240x64xf32, #tpu.memory_space<hbm>>
        %dma_start3A_530 = tpu.memref_squeeze %dma_start3A_529 : memref<1x10240x64xf32, #tpu.memory_space<hbm>> -> memref<10240x64xf32, #tpu.memory_space<hbm>>
        %dma_start3A_531 = arith.constant 0 : i32
        %dma_start3A_532 = tpu.memref_slice %dma_start3A_530[%add3A_21, %dma_start3A_531] : memref<10240x64xf32, #tpu.memory_space<hbm>> -> memref<128x64xf32, #tpu.memory_space<hbm>>
        %dma_start3A_533 = arith.constant 0 : i32
        %dma_start3A_534 = arith.constant 0 : i32
        %dma_start3A_535 = tpu.memref_slice %arg7[%arg0, %dma_start3A_533, %dma_start3A_534] : memref<2x10240x64xf32, #tpu.memory_space<hbm>> -> memref<1x10240x64xf32, #tpu.memory_space<hbm>>
        %dma_start3A_536 = tpu.memref_squeeze %dma_start3A_535 : memref<1x10240x64xf32, #tpu.memory_space<hbm>> -> memref<10240x64xf32, #tpu.memory_space<hbm>>
        %dma_start3A_537 = arith.constant 0 : i32
        %dma_start3A_538 = tpu.memref_slice %dma_start3A_536[%add3A_21, %dma_start3A_537] : memref<10240x64xf32, #tpu.memory_space<hbm>> -> memref<128x64xf32, #tpu.memory_space<hbm>>
        tpu.enqueue_dma source(%arg19 : memref<128x64xf32, #tpu.memory_space<vmem>>) target(%dma_start3A_538 : memref<128x64xf32, #tpu.memory_space<hbm>>) target_semaphore(%run_scoped3A : memref<!tpu.dma_semaphore, #tpu.memory_space<semaphore_mem>>)
        %dma_wait3A_539 = arith.constant 0 : i32
        %dma_wait3A_540 = arith.constant 0 : i32
        %dma_wait3A_541 = tpu.memref_slice %arg7[%arg0, %dma_wait3A_539, %dma_wait3A_540] : memref<2x10240x64xf32, #tpu.memory_space<hbm>> -> memref<1x10240x64xf32, #tpu.memory_space<hbm>>
        %dma_wait3A_542 = tpu.memref_squeeze %dma_wait3A_541 : memref<1x10240x64xf32, #tpu.memory_space<hbm>> -> memref<10240x64xf32, #tpu.memory_space<hbm>>
        %dma_wait3A_543 = arith.constant 0 : i32
        %dma_wait3A_544 = tpu.memref_slice %dma_wait3A_542[%add3A_21, %dma_wait3A_543] : memref<10240x64xf32, #tpu.memory_space<hbm>> -> memref<128x64xf32, #tpu.memory_space<hbm>>
        %dma_wait3A_545 = arith.constant 0 : i32
        %dma_wait3A_546 = arith.constant 0 : i32
        %dma_wait3A_547 = tpu.memref_slice %arg7[%arg0, %dma_wait3A_545, %dma_wait3A_546] : memref<2x10240x64xf32, #tpu.memory_space<hbm>> -> memref<1x10240x64xf32, #tpu.memory_space<hbm>>
        %dma_wait3A_548 = tpu.memref_squeeze %dma_wait3A_547 : memref<1x10240x64xf32, #tpu.memory_space<hbm>> -> memref<10240x64xf32, #tpu.memory_space<hbm>>
        %dma_wait3A_549 = arith.constant 0 : i32
        %dma_wait3A_550 = tpu.memref_slice %dma_wait3A_548[%add3A_21, %dma_wait3A_549] : memref<10240x64xf32, #tpu.memory_space<hbm>> -> memref<128x64xf32, #tpu.memory_space<hbm>>
        tpu.wait_dma2 semaphore(%run_scoped3A : memref<!tpu.dma_semaphore, #tpu.memory_space<semaphore_mem>>) src(%arg19 : memref<128x64xf32, #tpu.memory_space<vmem>>) dst(%dma_wait3A_550 : memref<128x64xf32, #tpu.memory_space<hbm>>)
        tpu.yield
      }) : () -> ()
    } else {
    }
    %mul3A_24 = arith.constant 640 : i32
    %mul3A_25 = arith.muli %arg1, %mul3A_24 : i32
    %add3A_26 = arith.constant 128 : i32
    %add3A_27 = arith.addi %mul3A_25, %add3A_26 : i32
    %gt3A_28 = arith.constant 1 : i32
    %gt3A_29 = arith.cmpi sgt, %select_n3A, %gt3A_28 : i32
    %convert_element_type3A_30 = arith.extui %gt3A_29 : i1 to i32
    %cond3A_31 = arith.constant 0 : i32
    %cond3A_32 = arith.cmpi ne, %convert_element_type3A_30, %cond3A_31 : i32
    scf.if %cond3A_32 {
      %mul3A_525 = arith.constant 64 : i32
      %mul3A_526 = arith.muli %arg0, %mul3A_525 : i32
      "tpu.region"() ({
        %run_scoped3A = tpu.sem_alloc : memref<!tpu.dma_semaphore, #tpu.memory_space<semaphore_mem>>
        %dma_start3A_527 = tpu.memref_slice %arg2[%add3A_27, %mul3A_526] : memref<10000x128xf32, #tpu.memory_space<hbm>> -> memref<128x64xf32, #tpu.memory_space<hbm>>
        %dma_start3A_528 = tpu.memref_slice %arg2[%add3A_27, %mul3A_526] : memref<10000x128xf32, #tpu.memory_space<hbm>> -> memref<128x64xf32, #tpu.memory_space<hbm>>
        tpu.enqueue_dma source(%dma_start3A_528 : memref<128x64xf32, #tpu.memory_space<hbm>>) target(%arg19 : memref<128x64xf32, #tpu.memory_space<vmem>>) target_semaphore(%run_scoped3A : memref<!tpu.dma_semaphore, #tpu.memory_space<semaphore_mem>>)
        %dma_wait3A_529 = tpu.memref_slice %arg2[%add3A_27, %mul3A_526] : memref<10000x128xf32, #tpu.memory_space<hbm>> -> memref<128x64xf32, #tpu.memory_space<hbm>>
        %dma_wait3A_530 = tpu.memref_slice %arg2[%add3A_27, %mul3A_526] : memref<10000x128xf32, #tpu.memory_space<hbm>> -> memref<128x64xf32, #tpu.memory_space<hbm>>
        tpu.wait_dma2 semaphore(%run_scoped3A : memref<!tpu.dma_semaphore, #tpu.memory_space<semaphore_mem>>) src(%dma_wait3A_530 : memref<128x64xf32, #tpu.memory_space<hbm>>) dst(%arg19 : memref<128x64xf32, #tpu.memory_space<vmem>>)
        tpu.yield
      }) : () -> ()
      "tpu.region"() ({
        %run_scoped3A = tpu.sem_alloc : memref<!tpu.dma_semaphore, #tpu.memory_space<semaphore_mem>>
        %dma_start3A_527 = arith.constant 0 : i32
        %dma_start3A_528 = arith.constant 0 : i32
        %dma_start3A_529 = tpu.memref_slice %arg7[%arg0, %dma_start3A_527, %dma_start3A_528] : memref<2x10240x64xf32, #tpu.memory_space<hbm>> -> memref<1x10240x64xf32, #tpu.memory_space<hbm>>
        %dma_start3A_530 = tpu.memref_squeeze %dma_start3A_529 : memref<1x10240x64xf32, #tpu.memory_space<hbm>> -> memref<10240x64xf32, #tpu.memory_space<hbm>>
        %dma_start3A_531 = arith.constant 0 : i32
        %dma_start3A_532 = tpu.memref_slice %dma_start3A_530[%add3A_27, %dma_start3A_531] : memref<10240x64xf32, #tpu.memory_space<hbm>> -> memref<128x64xf32, #tpu.memory_space<hbm>>
        %dma_start3A_533 = arith.constant 0 : i32
        %dma_start3A_534 = arith.constant 0 : i32
        %dma_start3A_535 = tpu.memref_slice %arg7[%arg0, %dma_start3A_533, %dma_start3A_534] : memref<2x10240x64xf32, #tpu.memory_space<hbm>> -> memref<1x10240x64xf32, #tpu.memory_space<hbm>>
        %dma_start3A_536 = tpu.memref_squeeze %dma_start3A_535 : memref<1x10240x64xf32, #tpu.memory_space<hbm>> -> memref<10240x64xf32, #tpu.memory_space<hbm>>
        %dma_start3A_537 = arith.constant 0 : i32
        %dma_start3A_538 = tpu.memref_slice %dma_start3A_536[%add3A_27, %dma_start3A_537] : memref<10240x64xf32, #tpu.memory_space<hbm>> -> memref<128x64xf32, #tpu.memory_space<hbm>>
        tpu.enqueue_dma source(%arg19 : memref<128x64xf32, #tpu.memory_space<vmem>>) target(%dma_start3A_538 : memref<128x64xf32, #tpu.memory_space<hbm>>) target_semaphore(%run_scoped3A : memref<!tpu.dma_semaphore, #tpu.memory_space<semaphore_mem>>)
        %dma_wait3A_539 = arith.constant 0 : i32
        %dma_wait3A_540 = arith.constant 0 : i32
        %dma_wait3A_541 = tpu.memref_slice %arg7[%arg0, %dma_wait3A_539, %dma_wait3A_540] : memref<2x10240x64xf32, #tpu.memory_space<hbm>> -> memref<1x10240x64xf32, #tpu.memory_space<hbm>>
        %dma_wait3A_542 = tpu.memref_squeeze %dma_wait3A_541 : memref<1x10240x64xf32, #tpu.memory_space<hbm>> -> memref<10240x64xf32, #tpu.memory_space<hbm>>
        %dma_wait3A_543 = arith.constant 0 : i32
        %dma_wait3A_544 = tpu.memref_slice %dma_wait3A_542[%add3A_27, %dma_wait3A_543] : memref<10240x64xf32, #tpu.memory_space<hbm>> -> memref<128x64xf32, #tpu.memory_space<hbm>>
        %dma_wait3A_545 = arith.constant 0 : i32
        %dma_wait3A_546 = arith.constant 0 : i32
        %dma_wait3A_547 = tpu.memref_slice %arg7[%arg0, %dma_wait3A_545, %dma_wait3A_546] : memref<2x10240x64xf32, #tpu.memory_space<hbm>> -> memref<1x10240x64xf32, #tpu.memory_space<hbm>>
        %dma_wait3A_548 = tpu.memref_squeeze %dma_wait3A_547 : memref<1x10240x64xf32, #tpu.memory_space<hbm>> -> memref<10240x64xf32, #tpu.memory_space<hbm>>
        %dma_wait3A_549 = arith.constant 0 : i32
        %dma_wait3A_550 = tpu.memref_slice %dma_wait3A_548[%add3A_27, %dma_wait3A_549] : memref<10240x64xf32, #tpu.memory_space<hbm>> -> memref<128x64xf32, #tpu.memory_space<hbm>>
        tpu.wait_dma2 semaphore(%run_scoped3A : memref<!tpu.dma_semaphore, #tpu.memory_space<semaphore_mem>>) src(%arg19 : memref<128x64xf32, #tpu.memory_space<vmem>>) dst(%dma_wait3A_550 : memref<128x64xf32, #tpu.memory_space<hbm>>)
        tpu.yield
      }) : () -> ()
    } else {
    }
    %mul3A_33 = arith.constant 640 : i32
    %mul3A_34 = arith.muli %arg1, %mul3A_33 : i32
    %add3A_35 = arith.constant 256 : i32
    %add3A_36 = arith.addi %mul3A_34, %add3A_35 : i32
    %gt3A_37 = arith.constant 2 : i32
    %gt3A_38 = arith.cmpi sgt, %select_n3A, %gt3A_37 : i32
    %convert_element_type3A_39 = arith.extui %gt3A_38 : i1 to i32
    %cond3A_40 = arith.constant 0 : i32
    %cond3A_41 = arith.cmpi ne, %convert_element_type3A_39, %cond3A_40 : i32
    scf.if %cond3A_41 {
      %mul3A_525 = arith.constant 64 : i32
      %mul3A_526 = arith.muli %arg0, %mul3A_525 : i32
      "tpu.region"() ({
        %run_scoped3A = tpu.sem_alloc : memref<!tpu.dma_semaphore, #tpu.memory_space<semaphore_mem>>
        %dma_start3A_527 = tpu.memref_slice %arg2[%add3A_36, %mul3A_526] : memref<10000x128xf32, #tpu.memory_space<hbm>> -> memref<128x64xf32, #tpu.memory_space<hbm>>
        %dma_start3A_528 = tpu.memref_slice %arg2[%add3A_36, %mul3A_526] : memref<10000x128xf32, #tpu.memory_space<hbm>> -> memref<128x64xf32, #tpu.memory_space<hbm>>
        tpu.enqueue_dma source(%dma_start3A_528 : memref<128x64xf32, #tpu.memory_space<hbm>>) target(%arg19 : memref<128x64xf32, #tpu.memory_space<vmem>>) target_semaphore(%run_scoped3A : memref<!tpu.dma_semaphore, #tpu.memory_space<semaphore_mem>>)
        %dma_wait3A_529 = tpu.memref_slice %arg2[%add3A_36, %mul3A_526] : memref<10000x128xf32, #tpu.memory_space<hbm>> -> memref<128x64xf32, #tpu.memory_space<hbm>>
        %dma_wait3A_530 = tpu.memref_slice %arg2[%add3A_36, %mul3A_526] : memref<10000x128xf32, #tpu.memory_space<hbm>> -> memref<128x64xf32, #tpu.memory_space<hbm>>
        tpu.wait_dma2 semaphore(%run_scoped3A : memref<!tpu.dma_semaphore, #tpu.memory_space<semaphore_mem>>) src(%dma_wait3A_530 : memref<128x64xf32, #tpu.memory_space<hbm>>) dst(%arg19 : memref<128x64xf32, #tpu.memory_space<vmem>>)
        tpu.yield
      }) : () -> ()
      "tpu.region"() ({
        %run_scoped3A = tpu.sem_alloc : memref<!tpu.dma_semaphore, #tpu.memory_space<semaphore_mem>>
        %dma_start3A_527 = arith.constant 0 : i32
        %dma_start3A_528 = arith.constant 0 : i32
        %dma_start3A_529 = tpu.memref_slice %arg7[%arg0, %dma_start3A_527, %dma_start3A_528] : memref<2x10240x64xf32, #tpu.memory_space<hbm>> -> memref<1x10240x64xf32, #tpu.memory_space<hbm>>
        %dma_start3A_530 = tpu.memref_squeeze %dma_start3A_529 : memref<1x10240x64xf32, #tpu.memory_space<hbm>> -> memref<10240x64xf32, #tpu.memory_space<hbm>>
        %dma_start3A_531 = arith.constant 0 : i32
        %dma_start3A_532 = tpu.memref_slice %dma_start3A_530[%add3A_36, %dma_start3A_531] : memref<10240x64xf32, #tpu.memory_space<hbm>> -> memref<128x64xf32, #tpu.memory_space<hbm>>
        %dma_start3A_533 = arith.constant 0 : i32
        %dma_start3A_534 = arith.constant 0 : i32
        %dma_start3A_535 = tpu.memref_slice %arg7[%arg0, %dma_start3A_533, %dma_start3A_534] : memref<2x10240x64xf32, #tpu.memory_space<hbm>> -> memref<1x10240x64xf32, #tpu.memory_space<hbm>>
        %dma_start3A_536 = tpu.memref_squeeze %dma_start3A_535 : memref<1x10240x64xf32, #tpu.memory_space<hbm>> -> memref<10240x64xf32, #tpu.memory_space<hbm>>
        %dma_start3A_537 = arith.constant 0 : i32
        %dma_start3A_538 = tpu.memref_slice %dma_start3A_536[%add3A_36, %dma_start3A_537] : memref<10240x64xf32, #tpu.memory_space<hbm>> -> memref<128x64xf32, #tpu.memory_space<hbm>>
        tpu.enqueue_dma source(%arg19 : memref<128x64xf32, #tpu.memory_space<vmem>>) target(%dma_start3A_538 : memref<128x64xf32, #tpu.memory_space<hbm>>) target_semaphore(%run_scoped3A : memref<!tpu.dma_semaphore, #tpu.memory_space<semaphore_mem>>)
        %dma_wait3A_539 = arith.constant 0 : i32
        %dma_wait3A_540 = arith.constant 0 : i32
        %dma_wait3A_541 = tpu.memref_slice %arg7[%arg0, %dma_wait3A_539, %dma_wait3A_540] : memref<2x10240x64xf32, #tpu.memory_space<hbm>> -> memref<1x10240x64xf32, #tpu.memory_space<hbm>>
        %dma_wait3A_542 = tpu.memref_squeeze %dma_wait3A_541 : memref<1x10240x64xf32, #tpu.memory_space<hbm>> -> memref<10240x64xf32, #tpu.memory_space<hbm>>
        %dma_wait3A_543 = arith.constant 0 : i32
        %dma_wait3A_544 = tpu.memref_slice %dma_wait3A_542[%add3A_36, %dma_wait3A_543] : memref<10240x64xf32, #tpu.memory_space<hbm>> -> memref<128x64xf32, #tpu.memory_space<hbm>>
        %dma_wait3A_545 = arith.constant 0 : i32
        %dma_wait3A_546 = arith.constant 0 : i32
        %dma_wait3A_547 = tpu.memref_slice %arg7[%arg0, %dma_wait3A_545, %dma_wait3A_546] : memref<2x10240x64xf32, #tpu.memory_space<hbm>> -> memref<1x10240x64xf32, #tpu.memory_space<hbm>>
        %dma_wait3A_548 = tpu.memref_squeeze %dma_wait3A_547 : memref<1x10240x64xf32, #tpu.memory_space<hbm>> -> memref<10240x64xf32, #tpu.memory_space<hbm>>
        %dma_wait3A_549 = arith.constant 0 : i32
        %dma_wait3A_550 = tpu.memref_slice %dma_wait3A_548[%add3A_36, %dma_wait3A_549] : memref<10240x64xf32, #tpu.memory_space<hbm>> -> memref<128x64xf32, #tpu.memory_space<hbm>>
        tpu.wait_dma2 semaphore(%run_scoped3A : memref<!tpu.dma_semaphore, #tpu.memory_space<semaphore_mem>>) src(%arg19 : memref<128x64xf32, #tpu.memory_space<vmem>>) dst(%dma_wait3A_550 : memref<128x64xf32, #tpu.memory_space<hbm>>)
        tpu.yield
      }) : () -> ()
    } else {
    }
    %mul3A_42 = arith.constant 640 : i32
    %mul3A_43 = arith.muli %arg1, %mul3A_42 : i32
    %add3A_44 = arith.constant 384 : i32
    %add3A_45 = arith.addi %mul3A_43, %add3A_44 : i32
    %gt3A_46 = arith.constant 3 : i32
    %gt3A_47 = arith.cmpi sgt, %select_n3A, %gt3A_46 : i32
    %convert_element_type3A_48 = arith.extui %gt3A_47 : i1 to i32
    %cond3A_49 = arith.constant 0 : i32
    %cond3A_50 = arith.cmpi ne, %convert_element_type3A_48, %cond3A_49 : i32
    scf.if %cond3A_50 {
      %mul3A_525 = arith.constant 64 : i32
      %mul3A_526 = arith.muli %arg0, %mul3A_525 : i32
      "tpu.region"() ({
        %run_scoped3A = tpu.sem_alloc : memref<!tpu.dma_semaphore, #tpu.memory_space<semaphore_mem>>
        %dma_start3A_527 = tpu.memref_slice %arg2[%add3A_45, %mul3A_526] : memref<10000x128xf32, #tpu.memory_space<hbm>> -> memref<128x64xf32, #tpu.memory_space<hbm>>
        %dma_start3A_528 = tpu.memref_slice %arg2[%add3A_45, %mul3A_526] : memref<10000x128xf32, #tpu.memory_space<hbm>> -> memref<128x64xf32, #tpu.memory_space<hbm>>
        tpu.enqueue_dma source(%dma_start3A_528 : memref<128x64xf32, #tpu.memory_space<hbm>>) target(%arg19 : memref<128x64xf32, #tpu.memory_space<vmem>>) target_semaphore(%run_scoped3A : memref<!tpu.dma_semaphore, #tpu.memory_space<semaphore_mem>>)
        %dma_wait3A_529 = tpu.memref_slice %arg2[%add3A_45, %mul3A_526] : memref<10000x128xf32, #tpu.memory_space<hbm>> -> memref<128x64xf32, #tpu.memory_space<hbm>>
        %dma_wait3A_530 = tpu.memref_slice %arg2[%add3A_45, %mul3A_526] : memref<10000x128xf32, #tpu.memory_space<hbm>> -> memref<128x64xf32, #tpu.memory_space<hbm>>
        tpu.wait_dma2 semaphore(%run_scoped3A : memref<!tpu.dma_semaphore, #tpu.memory_space<semaphore_mem>>) src(%dma_wait3A_530 : memref<128x64xf32, #tpu.memory_space<hbm>>) dst(%arg19 : memref<128x64xf32, #tpu.memory_space<vmem>>)
        tpu.yield
      }) : () -> ()
      "tpu.region"() ({
        %run_scoped3A = tpu.sem_alloc : memref<!tpu.dma_semaphore, #tpu.memory_space<semaphore_mem>>
        %dma_start3A_527 = arith.constant 0 : i32
        %dma_start3A_528 = arith.constant 0 : i32
        %dma_start3A_529 = tpu.memref_slice %arg7[%arg0, %dma_start3A_527, %dma_start3A_528] : memref<2x10240x64xf32, #tpu.memory_space<hbm>> -> memref<1x10240x64xf32, #tpu.memory_space<hbm>>
        %dma_start3A_530 = tpu.memref_squeeze %dma_start3A_529 : memref<1x10240x64xf32, #tpu.memory_space<hbm>> -> memref<10240x64xf32, #tpu.memory_space<hbm>>
        %dma_start3A_531 = arith.constant 0 : i32
        %dma_start3A_532 = tpu.memref_slice %dma_start3A_530[%add3A_45, %dma_start3A_531] : memref<10240x64xf32, #tpu.memory_space<hbm>> -> memref<128x64xf32, #tpu.memory_space<hbm>>
        %dma_start3A_533 = arith.constant 0 : i32
        %dma_start3A_534 = arith.constant 0 : i32
        %dma_start3A_535 = tpu.memref_slice %arg7[%arg0, %dma_start3A_533, %dma_start3A_534] : memref<2x10240x64xf32, #tpu.memory_space<hbm>> -> memref<1x10240x64xf32, #tpu.memory_space<hbm>>
        %dma_start3A_536 = tpu.memref_squeeze %dma_start3A_535 : memref<1x10240x64xf32, #tpu.memory_space<hbm>> -> memref<10240x64xf32, #tpu.memory_space<hbm>>
        %dma_start3A_537 = arith.constant 0 : i32
        %dma_start3A_538 = tpu.memref_slice %dma_start3A_536[%add3A_45, %dma_start3A_537] : memref<10240x64xf32, #tpu.memory_space<hbm>> -> memref<128x64xf32, #tpu.memory_space<hbm>>
        tpu.enqueue_dma source(%arg19 : memref<128x64xf32, #tpu.memory_space<vmem>>) target(%dma_start3A_538 : memref<128x64xf32, #tpu.memory_space<hbm>>) target_semaphore(%run_scoped3A : memref<!tpu.dma_semaphore, #tpu.memory_space<semaphore_mem>>)
        %dma_wait3A_539 = arith.constant 0 : i32
        %dma_wait3A_540 = arith.constant 0 : i32
        %dma_wait3A_541 = tpu.memref_slice %arg7[%arg0, %dma_wait3A_539, %dma_wait3A_540] : memref<2x10240x64xf32, #tpu.memory_space<hbm>> -> memref<1x10240x64xf32, #tpu.memory_space<hbm>>
        %dma_wait3A_542 = tpu.memref_squeeze %dma_wait3A_541 : memref<1x10240x64xf32, #tpu.memory_space<hbm>> -> memref<10240x64xf32, #tpu.memory_space<hbm>>
        %dma_wait3A_543 = arith.constant 0 : i32
        %dma_wait3A_544 = tpu.memref_slice %dma_wait3A_542[%add3A_45, %dma_wait3A_543] : memref<10240x64xf32, #tpu.memory_space<hbm>> -> memref<128x64xf32, #tpu.memory_space<hbm>>
        %dma_wait3A_545 = arith.constant 0 : i32
        %dma_wait3A_546 = arith.constant 0 : i32
        %dma_wait3A_547 = tpu.memref_slice %arg7[%arg0, %dma_wait3A_545, %dma_wait3A_546] : memref<2x10240x64xf32, #tpu.memory_space<hbm>> -> memref<1x10240x64xf32, #tpu.memory_space<hbm>>
        %dma_wait3A_548 = tpu.memref_squeeze %dma_wait3A_547 : memref<1x10240x64xf32, #tpu.memory_space<hbm>> -> memref<10240x64xf32, #tpu.memory_space<hbm>>
        %dma_wait3A_549 = arith.constant 0 : i32
        %dma_wait3A_550 = tpu.memref_slice %dma_wait3A_548[%add3A_45, %dma_wait3A_549] : memref<10240x64xf32, #tpu.memory_space<hbm>> -> memref<128x64xf32, #tpu.memory_space<hbm>>
        tpu.wait_dma2 semaphore(%run_scoped3A : memref<!tpu.dma_semaphore, #tpu.memory_space<semaphore_mem>>) src(%arg19 : memref<128x64xf32, #tpu.memory_space<vmem>>) dst(%dma_wait3A_550 : memref<128x64xf32, #tpu.memory_space<hbm>>)
        tpu.yield
      }) : () -> ()
    } else {
    }
    %eq3A = arith.constant 15 : i32
    %eq3A_51 = arith.cmpi eq, %arg1, %eq3A : i32
    %convert_element_type3A_52 = arith.extui %eq3A_51 : i1 to i32
    %cond3A_53 = arith.constant 0 : i32
    %cond3A_54 = arith.cmpi ne, %convert_element_type3A_52, %cond3A_53 : i32
    scf.if %cond3A_54 {
      %mul3A_525 = arith.constant 64 : i32
      %mul3A_526 = arith.muli %arg0, %mul3A_525 : i32
      "tpu.region"() ({
        %run_scoped3A = tpu.sem_alloc : memref<!tpu.dma_semaphore, #tpu.memory_space<semaphore_mem>>
        %dma_start3A_527 = arith.constant 0 : i32
        %dma_start3A_528 = arith.constant 0 : i32
        %dma_start3A_529 = tpu.memref_slice %arg19[%dma_start3A_527, %dma_start3A_528] : memref<128x64xf32, #tpu.memory_space<vmem>> -> memref<16x64xf32, #tpu.memory_space<vmem>>
        %dma_start3A_530 = arith.constant 9984 : i32
        %dma_start3A_531 = tpu.memref_slice %arg2[%dma_start3A_530, %mul3A_526] : memref<10000x128xf32, #tpu.memory_space<hbm>> -> memref<16x64xf32, #tpu.memory_space<hbm>>
        %dma_start3A_532 = arith.constant 0 : i32
        %dma_start3A_533 = arith.constant 0 : i32
        %dma_start3A_534 = tpu.memref_slice %arg19[%dma_start3A_532, %dma_start3A_533] : memref<128x64xf32, #tpu.memory_space<vmem>> -> memref<16x64xf32, #tpu.memory_space<vmem>>
        %dma_start3A_535 = arith.constant 9984 : i32
        %dma_start3A_536 = tpu.memref_slice %arg2[%dma_start3A_535, %mul3A_526] : memref<10000x128xf32, #tpu.memory_space<hbm>> -> memref<16x64xf32, #tpu.memory_space<hbm>>
        tpu.enqueue_dma source(%dma_start3A_536 : memref<16x64xf32, #tpu.memory_space<hbm>>) target(%dma_start3A_534 : memref<16x64xf32, #tpu.memory_space<vmem>>) target_semaphore(%run_scoped3A : memref<!tpu.dma_semaphore, #tpu.memory_space<semaphore_mem>>)
        %dma_wait3A_537 = arith.constant 0 : i32
        %dma_wait3A_538 = arith.constant 0 : i32
        %dma_wait3A_539 = tpu.memref_slice %arg19[%dma_wait3A_537, %dma_wait3A_538] : memref<128x64xf32, #tpu.memory_space<vmem>> -> memref<16x64xf32, #tpu.memory_space<vmem>>
        %dma_wait3A_540 = arith.constant 9984 : i32
        %dma_wait3A_541 = tpu.memref_slice %arg2[%dma_wait3A_540, %mul3A_526] : memref<10000x128xf32, #tpu.memory_space<hbm>> -> memref<16x64xf32, #tpu.memory_space<hbm>>
        %dma_wait3A_542 = arith.constant 0 : i32
        %dma_wait3A_543 = arith.constant 0 : i32
        %dma_wait3A_544 = tpu.memref_slice %arg19[%dma_wait3A_542, %dma_wait3A_543] : memref<128x64xf32, #tpu.memory_space<vmem>> -> memref<16x64xf32, #tpu.memory_space<vmem>>
        %dma_wait3A_545 = arith.constant 9984 : i32
        %dma_wait3A_546 = tpu.memref_slice %arg2[%dma_wait3A_545, %mul3A_526] : memref<10000x128xf32, #tpu.memory_space<hbm>> -> memref<16x64xf32, #tpu.memory_space<hbm>>
        tpu.wait_dma2 semaphore(%run_scoped3A : memref<!tpu.dma_semaphore, #tpu.memory_space<semaphore_mem>>) src(%dma_wait3A_546 : memref<16x64xf32, #tpu.memory_space<hbm>>) dst(%dma_wait3A_544 : memref<16x64xf32, #tpu.memory_space<vmem>>)
        tpu.yield
      }) : () -> ()
      "tpu.region"() ({
        %run_scoped3A = tpu.sem_alloc : memref<!tpu.dma_semaphore, #tpu.memory_space<semaphore_mem>>
        %dma_start3A_527 = arith.constant 0 : i32
        %dma_start3A_528 = arith.constant 0 : i32
        %dma_start3A_529 = tpu.memref_slice %arg19[%dma_start3A_527, %dma_start3A_528] : memref<128x64xf32, #tpu.memory_space<vmem>> -> memref<16x64xf32, #tpu.memory_space<vmem>>
        %dma_start3A_530 = arith.constant 0 : i32
        %dma_start3A_531 = arith.constant 0 : i32
        %dma_start3A_532 = tpu.memref_slice %arg7[%arg0, %dma_start3A_530, %dma_start3A_531] : memref<2x10240x64xf32, #tpu.memory_space<hbm>> -> memref<1x10240x64xf32, #tpu.memory_space<hbm>>
        %dma_start3A_533 = tpu.memref_squeeze %dma_start3A_532 : memref<1x10240x64xf32, #tpu.memory_space<hbm>> -> memref<10240x64xf32, #tpu.memory_space<hbm>>
        %dma_start3A_534 = arith.constant 9984 : i32
        %dma_start3A_535 = arith.constant 0 : i32
        %dma_start3A_536 = tpu.memref_slice %dma_start3A_533[%dma_start3A_534, %dma_start3A_535] : memref<10240x64xf32, #tpu.memory_space<hbm>> -> memref<16x64xf32, #tpu.memory_space<hbm>>
        %dma_start3A_537 = arith.constant 0 : i32
        %dma_start3A_538 = arith.constant 0 : i32
        %dma_start3A_539 = tpu.memref_slice %arg7[%arg0, %dma_start3A_537, %dma_start3A_538] : memref<2x10240x64xf32, #tpu.memory_space<hbm>> -> memref<1x10240x64xf32, #tpu.memory_space<hbm>>
        %dma_start3A_540 = tpu.memref_squeeze %dma_start3A_539 : memref<1x10240x64xf32, #tpu.memory_space<hbm>> -> memref<10240x64xf32, #tpu.memory_space<hbm>>
        %dma_start3A_541 = arith.constant 9984 : i32
        %dma_start3A_542 = arith.constant 0 : i32
        %dma_start3A_543 = tpu.memref_slice %dma_start3A_540[%dma_start3A_541, %dma_start3A_542] : memref<10240x64xf32, #tpu.memory_space<hbm>> -> memref<16x64xf32, #tpu.memory_space<hbm>>
        %dma_start3A_544 = arith.constant 0 : i32
        %dma_start3A_545 = arith.constant 0 : i32
        %dma_start3A_546 = tpu.memref_slice %arg19[%dma_start3A_544, %dma_start3A_545] : memref<128x64xf32, #tpu.memory_space<vmem>> -> memref<16x64xf32, #tpu.memory_space<vmem>>
        tpu.enqueue_dma source(%dma_start3A_546 : memref<16x64xf32, #tpu.memory_space<vmem>>) target(%dma_start3A_543 : memref<16x64xf32, #tpu.memory_space<hbm>>) target_semaphore(%run_scoped3A : memref<!tpu.dma_semaphore, #tpu.memory_space<semaphore_mem>>)
        %dma_wait3A_547 = arith.constant 0 : i32
        %dma_wait3A_548 = arith.constant 0 : i32
        %dma_wait3A_549 = tpu.memref_slice %arg19[%dma_wait3A_547, %dma_wait3A_548] : memref<128x64xf32, #tpu.memory_space<vmem>> -> memref<16x64xf32, #tpu.memory_space<vmem>>
        %dma_wait3A_550 = arith.constant 0 : i32
        %dma_wait3A_551 = arith.constant 0 : i32
        %dma_wait3A_552 = tpu.memref_slice %arg7[%arg0, %dma_wait3A_550, %dma_wait3A_551] : memref<2x10240x64xf32, #tpu.memory_space<hbm>> -> memref<1x10240x64xf32, #tpu.memory_space<hbm>>
        %dma_wait3A_553 = tpu.memref_squeeze %dma_wait3A_552 : memref<1x10240x64xf32, #tpu.memory_space<hbm>> -> memref<10240x64xf32, #tpu.memory_space<hbm>>
        %dma_wait3A_554 = arith.constant 9984 : i32
        %dma_wait3A_555 = arith.constant 0 : i32
        %dma_wait3A_556 = tpu.memref_slice %dma_wait3A_553[%dma_wait3A_554, %dma_wait3A_555] : memref<10240x64xf32, #tpu.memory_space<hbm>> -> memref<16x64xf32, #tpu.memory_space<hbm>>
        %dma_wait3A_557 = arith.constant 0 : i32
        %dma_wait3A_558 = arith.constant 0 : i32
        %dma_wait3A_559 = tpu.memref_slice %arg7[%arg0, %dma_wait3A_557, %dma_wait3A_558] : memref<2x10240x64xf32, #tpu.memory_space<hbm>> -> memref<1x10240x64xf32, #tpu.memory_space<hbm>>
        %dma_wait3A_560 = tpu.memref_squeeze %dma_wait3A_559 : memref<1x10240x64xf32, #tpu.memory_space<hbm>> -> memref<10240x64xf32, #tpu.memory_space<hbm>>
        %dma_wait3A_561 = arith.constant 9984 : i32
        %dma_wait3A_562 = arith.constant 0 : i32
        %dma_wait3A_563 = tpu.memref_slice %dma_wait3A_560[%dma_wait3A_561, %dma_wait3A_562] : memref<10240x64xf32, #tpu.memory_space<hbm>> -> memref<16x64xf32, #tpu.memory_space<hbm>>
        %dma_wait3A_564 = arith.constant 0 : i32
        %dma_wait3A_565 = arith.constant 0 : i32
        %dma_wait3A_566 = tpu.memref_slice %arg19[%dma_wait3A_564, %dma_wait3A_565] : memref<128x64xf32, #tpu.memory_space<vmem>> -> memref<16x64xf32, #tpu.memory_space<vmem>>
        tpu.wait_dma2 semaphore(%run_scoped3A : memref<!tpu.dma_semaphore, #tpu.memory_space<semaphore_mem>>) src(%dma_wait3A_566 : memref<16x64xf32, #tpu.memory_space<vmem>>) dst(%dma_wait3A_563 : memref<16x64xf32, #tpu.memory_space<hbm>>)
        tpu.yield
      }) : () -> ()
    } else {
    }
    %mul3A_55 = arith.constant 640 : i32
    %mul3A_56 = arith.muli %arg1, %mul3A_55 : i32
    %add3A_57 = arith.constant 512 : i32
    %add3A_58 = arith.addi %mul3A_56, %add3A_57 : i32
    %gt3A_59 = arith.constant 4 : i32
    %gt3A_60 = arith.cmpi sgt, %select_n3A, %gt3A_59 : i32
    %convert_element_type3A_61 = arith.extui %gt3A_60 : i1 to i32
    %cond3A_62 = arith.constant 0 : i32
    %cond3A_63 = arith.cmpi ne, %convert_element_type3A_61, %cond3A_62 : i32
    scf.if %cond3A_63 {
      %mul3A_525 = arith.constant 64 : i32
      %mul3A_526 = arith.muli %arg0, %mul3A_525 : i32
      "tpu.region"() ({
        %run_scoped3A = tpu.sem_alloc : memref<!tpu.dma_semaphore, #tpu.memory_space<semaphore_mem>>
        %dma_start3A_527 = tpu.memref_slice %arg2[%add3A_58, %mul3A_526] : memref<10000x128xf32, #tpu.memory_space<hbm>> -> memref<128x64xf32, #tpu.memory_space<hbm>>
        %dma_start3A_528 = tpu.memref_slice %arg2[%add3A_58, %mul3A_526] : memref<10000x128xf32, #tpu.memory_space<hbm>> -> memref<128x64xf32, #tpu.memory_space<hbm>>
        tpu.enqueue_dma source(%dma_start3A_528 : memref<128x64xf32, #tpu.memory_space<hbm>>) target(%arg19 : memref<128x64xf32, #tpu.memory_space<vmem>>) target_semaphore(%run_scoped3A : memref<!tpu.dma_semaphore, #tpu.memory_space<semaphore_mem>>)
        %dma_wait3A_529 = tpu.memref_slice %arg2[%add3A_58, %mul3A_526] : memref<10000x128xf32, #tpu.memory_space<hbm>> -> memref<128x64xf32, #tpu.memory_space<hbm>>
        %dma_wait3A_530 = tpu.memref_slice %arg2[%add3A_58, %mul3A_526] : memref<10000x128xf32, #tpu.memory_space<hbm>> -> memref<128x64xf32, #tpu.memory_space<hbm>>
        tpu.wait_dma2 semaphore(%run_scoped3A : memref<!tpu.dma_semaphore, #tpu.memory_space<semaphore_mem>>) src(%dma_wait3A_530 : memref<128x64xf32, #tpu.memory_space<hbm>>) dst(%arg19 : memref<128x64xf32, #tpu.memory_space<vmem>>)
        tpu.yield
      }) : () -> ()
      "tpu.region"() ({
        %run_scoped3A = tpu.sem_alloc : memref<!tpu.dma_semaphore, #tpu.memory_space<semaphore_mem>>
        %dma_start3A_527 = arith.constant 0 : i32
        %dma_start3A_528 = arith.constant 0 : i32
        %dma_start3A_529 = tpu.memref_slice %arg7[%arg0, %dma_start3A_527, %dma_start3A_528] : memref<2x10240x64xf32, #tpu.memory_space<hbm>> -> memref<1x10240x64xf32, #tpu.memory_space<hbm>>
        %dma_start3A_530 = tpu.memref_squeeze %dma_start3A_529 : memref<1x10240x64xf32, #tpu.memory_space<hbm>> -> memref<10240x64xf32, #tpu.memory_space<hbm>>
        %dma_start3A_531 = arith.constant 0 : i32
        %dma_start3A_532 = tpu.memref_slice %dma_start3A_530[%add3A_58, %dma_start3A_531] : memref<10240x64xf32, #tpu.memory_space<hbm>> -> memref<128x64xf32, #tpu.memory_space<hbm>>
        %dma_start3A_533 = arith.constant 0 : i32
        %dma_start3A_534 = arith.constant 0 : i32
        %dma_start3A_535 = tpu.memref_slice %arg7[%arg0, %dma_start3A_533, %dma_start3A_534] : memref<2x10240x64xf32, #tpu.memory_space<hbm>> -> memref<1x10240x64xf32, #tpu.memory_space<hbm>>
        %dma_start3A_536 = tpu.memref_squeeze %dma_start3A_535 : memref<1x10240x64xf32, #tpu.memory_space<hbm>> -> memref<10240x64xf32, #tpu.memory_space<hbm>>
        %dma_start3A_537 = arith.constant 0 : i32
        %dma_start3A_538 = tpu.memref_slice %dma_start3A_536[%add3A_58, %dma_start3A_537] : memref<10240x64xf32, #tpu.memory_space<hbm>> -> memref<128x64xf32, #tpu.memory_space<hbm>>
        tpu.enqueue_dma source(%arg19 : memref<128x64xf32, #tpu.memory_space<vmem>>) target(%dma_start3A_538 : memref<128x64xf32, #tpu.memory_space<hbm>>) target_semaphore(%run_scoped3A : memref<!tpu.dma_semaphore, #tpu.memory_space<semaphore_mem>>)
        %dma_wait3A_539 = arith.constant 0 : i32
        %dma_wait3A_540 = arith.constant 0 : i32
        %dma_wait3A_541 = tpu.memref_slice %arg7[%arg0, %dma_wait3A_539, %dma_wait3A_540] : memref<2x10240x64xf32, #tpu.memory_space<hbm>> -> memref<1x10240x64xf32, #tpu.memory_space<hbm>>
        %dma_wait3A_542 = tpu.memref_squeeze %dma_wait3A_541 : memref<1x10240x64xf32, #tpu.memory_space<hbm>> -> memref<10240x64xf32, #tpu.memory_space<hbm>>
        %dma_wait3A_543 = arith.constant 0 : i32
        %dma_wait3A_544 = tpu.memref_slice %dma_wait3A_542[%add3A_58, %dma_wait3A_543] : memref<10240x64xf32, #tpu.memory_space<hbm>> -> memref<128x64xf32, #tpu.memory_space<hbm>>
        %dma_wait3A_545 = arith.constant 0 : i32
        %dma_wait3A_546 = arith.constant 0 : i32
        %dma_wait3A_547 = tpu.memref_slice %arg7[%arg0, %dma_wait3A_545, %dma_wait3A_546] : memref<2x10240x64xf32, #tpu.memory_space<hbm>> -> memref<1x10240x64xf32, #tpu.memory_space<hbm>>
        %dma_wait3A_548 = tpu.memref_squeeze %dma_wait3A_547 : memref<1x10240x64xf32, #tpu.memory_space<hbm>> -> memref<10240x64xf32, #tpu.memory_space<hbm>>
        %dma_wait3A_549 = arith.constant 0 : i32
        %dma_wait3A_550 = tpu.memref_slice %dma_wait3A_548[%add3A_58, %dma_wait3A_549] : memref<10240x64xf32, #tpu.memory_space<hbm>> -> memref<128x64xf32, #tpu.memory_space<hbm>>
        tpu.wait_dma2 semaphore(%run_scoped3A : memref<!tpu.dma_semaphore, #tpu.memory_space<semaphore_mem>>) src(%arg19 : memref<128x64xf32, #tpu.memory_space<vmem>>) dst(%dma_wait3A_550 : memref<128x64xf32, #tpu.memory_space<hbm>>)
        tpu.yield
      }) : () -> ()
    } else {
    }
    "tpu.region"() ({
      %run_scoped3A = tpu.sem_alloc : memref<!tpu.dma_semaphore, #tpu.memory_space<semaphore_mem>>
      tpu.enqueue_dma source(%arg5 : memref<125x16xf32, #tpu.memory_space<hbm>>) target(%arg18 : memref<125x16xf32, #tpu.memory_space<vmem>>) target_semaphore(%run_scoped3A : memref<!tpu.dma_semaphore, #tpu.memory_space<semaphore_mem>>)
      tpu.wait_dma2 semaphore(%run_scoped3A : memref<!tpu.dma_semaphore, #tpu.memory_space<semaphore_mem>>) src(%arg5 : memref<125x16xf32, #tpu.memory_space<hbm>>) dst(%arg18 : memref<125x16xf32, #tpu.memory_space<vmem>>)
      tpu.yield
    }) : () -> ()
    "tpu.region"() ({
      %run_scoped3A = tpu.sem_alloc : memref<!tpu.dma_semaphore, #tpu.memory_space<semaphore_mem>>
      tpu.enqueue_dma source(%arg6 : memref<128x16xf32, #tpu.memory_space<hbm>>) target(%arg20 : memref<128x16xf32, #tpu.memory_space<vmem>>) target_semaphore(%run_scoped3A : memref<!tpu.dma_semaphore, #tpu.memory_space<semaphore_mem>>)
      tpu.wait_dma2 semaphore(%run_scoped3A : memref<!tpu.dma_semaphore, #tpu.memory_space<semaphore_mem>>) src(%arg6 : memref<128x16xf32, #tpu.memory_space<hbm>>) dst(%arg20 : memref<128x16xf32, #tpu.memory_space<vmem>>)
      tpu.yield
    }) : () -> ()
    %broadcast_in_dim3A = arith.constant 0.000000e+00 : f32
    %broadcast_in_dim3A_64 = vector.broadcast %broadcast_in_dim3A : f32 to vector<16xf32>
    %scan3A = arith.constant 0 : i32
    %scan3A_65 = arith.constant 0 : i32
    %scan3A_66 = arith.constant 128 : i32
    %scan3A_67 = arith.addi %scan3A_65, %scan3A_66 : i32
    %scan3A_68 = arith.constant 1 : i32
    %scan3A_69 = scf.for %scan3A_525 = %scan3A_65 to %scan3A_67 step %scan3A_68 iter_args(%scan3A_526 = %scan3A) -> (i32)  : i32 {
      %swap3A = arith.index_cast %scan3A_525 : i32 to index
      %swap3A_527 = arith.constant 0 : index
      %swap3A_528 = tpu.vector_load %arg19[%swap3A, %swap3A_527] {strides = array<i32>} : memref<128x64xf32, #tpu.memory_space<vmem>>, vector<1x16xf32>,
      %swap3A_529 = vector.shape_cast %swap3A_528 : vector<1x16xf32> to vector<16xf32>
      %swap3A_530 = vector.shape_cast %broadcast_in_dim3A_64 : vector<16xf32> to vector<1x16xf32>
      tpu.vector_store %arg19[%swap3A, %swap3A_527], %swap3A_530 {strides = array<i32>} : memref<128x64xf32, #tpu.memory_space<vmem>>, vector<1x16xf32>,
      %swap3A_531 = arith.index_cast %scan3A_525 : i32 to index
      %swap3A_532 = arith.constant 16 : index
      %swap3A_533 = tpu.vector_load %arg19[%swap3A_531, %swap3A_532] {strides = array<i32>} : memref<128x64xf32, #tpu.memory_space<vmem>>, vector<1x16xf32>,
      %swap3A_534 = vector.shape_cast %swap3A_533 : vector<1x16xf32> to vector<16xf32>
      %swap3A_535 = vector.shape_cast %broadcast_in_dim3A_64 : vector<16xf32> to vector<1x16xf32>
      tpu.vector_store %arg19[%swap3A_531, %swap3A_532], %swap3A_535 {strides = array<i32>} : memref<128x64xf32, #tpu.memory_space<vmem>>, vector<1x16xf32>,
      %swap3A_536 = arith.index_cast %scan3A_525 : i32 to index
      %swap3A_537 = arith.constant 32 : index
      %swap3A_538 = tpu.vector_load %arg19[%swap3A_536, %swap3A_537] {strides = array<i32>} : memref<128x64xf32, #tpu.memory_space<vmem>>, vector<1x16xf32>,
      %swap3A_539 = vector.shape_cast %swap3A_538 : vector<1x16xf32> to vector<16xf32>
      %swap3A_540 = vector.shape_cast %broadcast_in_dim3A_64 : vector<16xf32> to vector<1x16xf32>
      tpu.vector_store %arg19[%swap3A_536, %swap3A_537], %swap3A_540 {strides = array<i32>} : memref<128x64xf32, #tpu.memory_space<vmem>>, vector<1x16xf32>,
      %swap3A_541 = arith.index_cast %scan3A_525 : i32 to index
      %swap3A_542 = arith.constant 48 : index
      %swap3A_543 = tpu.vector_load %arg19[%swap3A_541, %swap3A_542] {strides = array<i32>} : memref<128x64xf32, #tpu.memory_space<vmem>>, vector<1x16xf32>,
      %swap3A_544 = vector.shape_cast %swap3A_543 : vector<1x16xf32> to vector<16xf32>
      %swap3A_545 = vector.shape_cast %broadcast_in_dim3A_64 : vector<16xf32> to vector<1x16xf32>
      tpu.vector_store %arg19[%swap3A_541, %swap3A_542], %swap3A_545 {strides = array<i32>} : memref<128x64xf32, #tpu.memory_space<vmem>>, vector<1x16xf32>,
      %scan3A_546 = arith.constant 0 : i32
      scf.yield %scan3A_546 : i32
    }
    %scan3A_70 = arith.constant 128 : i32
    %mul3A_71 = arith.constant 640 : i32
    %mul3A_72 = arith.muli %arg1, %mul3A_71 : i32
    %add3A_73 = arith.constant 0 : i32
    %add3A_74 = arith.addi %mul3A_72, %add3A_73 : i32
    "tpu.region"() ({
      %run_scoped3A = tpu.sem_alloc : memref<!tpu.dma_semaphore, #tpu.memory_space<semaphore_mem>>
      %dma_start3A_525 = arith.constant 0 : i32
      %dma_start3A_526 = tpu.memref_slice %arg21[%add3A_74, %dma_start3A_525] : memref<10240x64xf32, #tpu.memory_space<vmem_shared>> -> memref<128x64xf32, #tpu.memory_space<vmem_shared>>
      %dma_start3A_527 = arith.constant 0 : i32
      %dma_start3A_528 = tpu.memref_slice %arg21[%add3A_74, %dma_start3A_527] : memref<10240x64xf32, #tpu.memory_space<vmem_shared>> -> memref<128x64xf32, #tpu.memory_space<vmem_shared>>
      tpu.enqueue_dma source(%arg19 : memref<128x64xf32, #tpu.memory_space<vmem>>) target(%dma_start3A_528 : memref<128x64xf32, #tpu.memory_space<vmem_shared>>) target_semaphore(%run_scoped3A : memref<!tpu.dma_semaphore, #tpu.memory_space<semaphore_mem>>)
      %dma_wait3A_529 = arith.constant 0 : i32
      %dma_wait3A_530 = tpu.memref_slice %arg21[%add3A_74, %dma_wait3A_529] : memref<10240x64xf32, #tpu.memory_space<vmem_shared>> -> memref<128x64xf32, #tpu.memory_space<vmem_shared>>
      %dma_wait3A_531 = arith.constant 0 : i32
      %dma_wait3A_532 = tpu.memref_slice %arg21[%add3A_74, %dma_wait3A_531] : memref<10240x64xf32, #tpu.memory_space<vmem_shared>> -> memref<128x64xf32, #tpu.memory_space<vmem_shared>>
      tpu.wait_dma2 semaphore(%run_scoped3A : memref<!tpu.dma_semaphore, #tpu.memory_space<semaphore_mem>>) src(%arg19 : memref<128x64xf32, #tpu.memory_space<vmem>>) dst(%dma_wait3A_532 : memref<128x64xf32, #tpu.memory_space<vmem_shared>>)
      tpu.yield
    }) : () -> ()
    %mul3A_75 = arith.constant 640 : i32
    %mul3A_76 = arith.muli %arg1, %mul3A_75 : i32
    %add3A_77 = arith.constant 0 : i32
    %add3A_78 = arith.addi %mul3A_76, %add3A_77 : i32
    "tpu.region"() ({
      %run_scoped3A = tpu.sem_alloc : memref<!tpu.dma_semaphore, #tpu.memory_space<semaphore_mem>>
      %dma_start3A_525 = arith.constant 0 : i32
      %dma_start3A_526 = tpu.memref_slice %arg22[%add3A_78, %dma_start3A_525] : memref<10240x16xf32, #tpu.memory_space<vmem_shared>> -> memref<128x16xf32, #tpu.memory_space<vmem_shared>>
      %dma_start3A_527 = arith.constant 0 : i32
      %dma_start3A_528 = tpu.memref_slice %arg22[%add3A_78, %dma_start3A_527] : memref<10240x16xf32, #tpu.memory_space<vmem_shared>> -> memref<128x16xf32, #tpu.memory_space<vmem_shared>>
      tpu.enqueue_dma source(%arg20 : memref<128x16xf32, #tpu.memory_space<vmem>>) target(%dma_start3A_528 : memref<128x16xf32, #tpu.memory_space<vmem_shared>>) target_semaphore(%run_scoped3A : memref<!tpu.dma_semaphore, #tpu.memory_space<semaphore_mem>>)
      %dma_wait3A_529 = arith.constant 0 : i32
      %dma_wait3A_530 = tpu.memref_slice %arg22[%add3A_78, %dma_wait3A_529] : memref<10240x16xf32, #tpu.memory_space<vmem_shared>> -> memref<128x16xf32, #tpu.memory_space<vmem_shared>>
      %dma_wait3A_531 = arith.constant 0 : i32
      %dma_wait3A_532 = tpu.memref_slice %arg22[%add3A_78, %dma_wait3A_531] : memref<10240x16xf32, #tpu.memory_space<vmem_shared>> -> memref<128x16xf32, #tpu.memory_space<vmem_shared>>
      tpu.wait_dma2 semaphore(%run_scoped3A : memref<!tpu.dma_semaphore, #tpu.memory_space<semaphore_mem>>) src(%arg20 : memref<128x16xf32, #tpu.memory_space<vmem>>) dst(%dma_wait3A_532 : memref<128x16xf32, #tpu.memory_space<vmem_shared>>)
      tpu.yield
    }) : () -> ()
    %mul3A_79 = arith.constant 640 : i32
    %mul3A_80 = arith.muli %arg1, %mul3A_79 : i32
    %add3A_81 = arith.constant 128 : i32
    %add3A_82 = arith.addi %mul3A_80, %add3A_81 : i32
    "tpu.region"() ({
      %run_scoped3A = tpu.sem_alloc : memref<!tpu.dma_semaphore, #tpu.memory_space<semaphore_mem>>
      %dma_start3A_525 = arith.constant 0 : i32
      %dma_start3A_526 = tpu.memref_slice %arg21[%add3A_82, %dma_start3A_525] : memref<10240x64xf32, #tpu.memory_space<vmem_shared>> -> memref<128x64xf32, #tpu.memory_space<vmem_shared>>
      %dma_start3A_527 = arith.constant 0 : i32
      %dma_start3A_528 = tpu.memref_slice %arg21[%add3A_82, %dma_start3A_527] : memref<10240x64xf32, #tpu.memory_space<vmem_shared>> -> memref<128x64xf32, #tpu.memory_space<vmem_shared>>
      tpu.enqueue_dma source(%arg19 : memref<128x64xf32, #tpu.memory_space<vmem>>) target(%dma_start3A_528 : memref<128x64xf32, #tpu.memory_space<vmem_shared>>) target_semaphore(%run_scoped3A : memref<!tpu.dma_semaphore, #tpu.memory_space<semaphore_mem>>)
      %dma_wait3A_529 = arith.constant 0 : i32
      %dma_wait3A_530 = tpu.memref_slice %arg21[%add3A_82, %dma_wait3A_529] : memref<10240x64xf32, #tpu.memory_space<vmem_shared>> -> memref<128x64xf32, #tpu.memory_space<vmem_shared>>
      %dma_wait3A_531 = arith.constant 0 : i32
      %dma_wait3A_532 = tpu.memref_slice %arg21[%add3A_82, %dma_wait3A_531] : memref<10240x64xf32, #tpu.memory_space<vmem_shared>> -> memref<128x64xf32, #tpu.memory_space<vmem_shared>>
      tpu.wait_dma2 semaphore(%run_scoped3A : memref<!tpu.dma_semaphore, #tpu.memory_space<semaphore_mem>>) src(%arg19 : memref<128x64xf32, #tpu.memory_space<vmem>>) dst(%dma_wait3A_532 : memref<128x64xf32, #tpu.memory_space<vmem_shared>>)
      tpu.yield
    }) : () -> ()
    %mul3A_83 = arith.constant 640 : i32
    %mul3A_84 = arith.muli %arg1, %mul3A_83 : i32
    %add3A_85 = arith.constant 128 : i32
    %add3A_86 = arith.addi %mul3A_84, %add3A_85 : i32
    "tpu.region"() ({
      %run_scoped3A = tpu.sem_alloc : memref<!tpu.dma_semaphore, #tpu.memory_space<semaphore_mem>>
      %dma_start3A_525 = arith.constant 0 : i32
      %dma_start3A_526 = tpu.memref_slice %arg22[%add3A_86, %dma_start3A_525] : memref<10240x16xf32, #tpu.memory_space<vmem_shared>> -> memref<128x16xf32, #tpu.memory_space<vmem_shared>>
      %dma_start3A_527 = arith.constant 0 : i32
      %dma_start3A_528 = tpu.memref_slice %arg22[%add3A_86, %dma_start3A_527] : memref<10240x16xf32, #tpu.memory_space<vmem_shared>> -> memref<128x16xf32, #tpu.memory_space<vmem_shared>>
      tpu.enqueue_dma source(%arg20 : memref<128x16xf32, #tpu.memory_space<vmem>>) target(%dma_start3A_528 : memref<128x16xf32, #tpu.memory_space<vmem_shared>>) target_semaphore(%run_scoped3A : memref<!tpu.dma_semaphore, #tpu.memory_space<semaphore_mem>>)
      %dma_wait3A_529 = arith.constant 0 : i32
      %dma_wait3A_530 = tpu.memref_slice %arg22[%add3A_86, %dma_wait3A_529] : memref<10240x16xf32, #tpu.memory_space<vmem_shared>> -> memref<128x16xf32, #tpu.memory_space<vmem_shared>>
      %dma_wait3A_531 = arith.constant 0 : i32
      %dma_wait3A_532 = tpu.memref_slice %arg22[%add3A_86, %dma_wait3A_531] : memref<10240x16xf32, #tpu.memory_space<vmem_shared>> -> memref<128x16xf32, #tpu.memory_space<vmem_shared>>
      tpu.wait_dma2 semaphore(%run_scoped3A : memref<!tpu.dma_semaphore, #tpu.memory_space<semaphore_mem>>) src(%arg20 : memref<128x16xf32, #tpu.memory_space<vmem>>) dst(%dma_wait3A_532 : memref<128x16xf32, #tpu.memory_space<vmem_shared>>)
      tpu.yield
    }) : () -> ()
    %mul3A_87 = arith.constant 640 : i32
    %mul3A_88 = arith.muli %arg1, %mul3A_87 : i32
    %add3A_89 = arith.constant 256 : i32
    %add3A_90 = arith.addi %mul3A_88, %add3A_89 : i32
    "tpu.region"() ({
      %run_scoped3A = tpu.sem_alloc : memref<!tpu.dma_semaphore, #tpu.memory_space<semaphore_mem>>
      %dma_start3A_525 = arith.constant 0 : i32
      %dma_start3A_526 = tpu.memref_slice %arg21[%add3A_90, %dma_start3A_525] : memref<10240x64xf32, #tpu.memory_space<vmem_shared>> -> memref<128x64xf32, #tpu.memory_space<vmem_shared>>
      %dma_start3A_527 = arith.constant 0 : i32
      %dma_start3A_528 = tpu.memref_slice %arg21[%add3A_90, %dma_start3A_527] : memref<10240x64xf32, #tpu.memory_space<vmem_shared>> -> memref<128x64xf32, #tpu.memory_space<vmem_shared>>
      tpu.enqueue_dma source(%arg19 : memref<128x64xf32, #tpu.memory_space<vmem>>) target(%dma_start3A_528 : memref<128x64xf32, #tpu.memory_space<vmem_shared>>) target_semaphore(%run_scoped3A : memref<!tpu.dma_semaphore, #tpu.memory_space<semaphore_mem>>)
      %dma_wait3A_529 = arith.constant 0 : i32
      %dma_wait3A_530 = tpu.memref_slice %arg21[%add3A_90, %dma_wait3A_529] : memref<10240x64xf32, #tpu.memory_space<vmem_shared>> -> memref<128x64xf32, #tpu.memory_space<vmem_shared>>
      %dma_wait3A_531 = arith.constant 0 : i32
      %dma_wait3A_532 = tpu.memref_slice %arg21[%add3A_90, %dma_wait3A_531] : memref<10240x64xf32, #tpu.memory_space<vmem_shared>> -> memref<128x64xf32, #tpu.memory_space<vmem_shared>>
      tpu.wait_dma2 semaphore(%run_scoped3A : memref<!tpu.dma_semaphore, #tpu.memory_space<semaphore_mem>>) src(%arg19 : memref<128x64xf32, #tpu.memory_space<vmem>>) dst(%dma_wait3A_532 : memref<128x64xf32, #tpu.memory_space<vmem_shared>>)
      tpu.yield
    }) : () -> ()
    %mul3A_91 = arith.constant 640 : i32
    %mul3A_92 = arith.muli %arg1, %mul3A_91 : i32
    %add3A_93 = arith.constant 256 : i32
    %add3A_94 = arith.addi %mul3A_92, %add3A_93 : i32
    "tpu.region"() ({
      %run_scoped3A = tpu.sem_alloc : memref<!tpu.dma_semaphore, #tpu.memory_space<semaphore_mem>>
      %dma_start3A_525 = arith.constant 0 : i32
      %dma_start3A_526 = tpu.memref_slice %arg22[%add3A_94, %dma_start3A_525] : memref<10240x16xf32, #tpu.memory_space<vmem_shared>> -> memref<128x16xf32, #tpu.memory_space<vmem_shared>>
      %dma_start3A_527 = arith.constant 0 : i32
      %dma_start3A_528 = tpu.memref_slice %arg22[%add3A_94, %dma_start3A_527] : memref<10240x16xf32, #tpu.memory_space<vmem_shared>> -> memref<128x16xf32, #tpu.memory_space<vmem_shared>>
      tpu.enqueue_dma source(%arg20 : memref<128x16xf32, #tpu.memory_space<vmem>>) target(%dma_start3A_528 : memref<128x16xf32, #tpu.memory_space<vmem_shared>>) target_semaphore(%run_scoped3A : memref<!tpu.dma_semaphore, #tpu.memory_space<semaphore_mem>>)
      %dma_wait3A_529 = arith.constant 0 : i32
      %dma_wait3A_530 = tpu.memref_slice %arg22[%add3A_94, %dma_wait3A_529] : memref<10240x16xf32, #tpu.memory_space<vmem_shared>> -> memref<128x16xf32, #tpu.memory_space<vmem_shared>>
      %dma_wait3A_531 = arith.constant 0 : i32
      %dma_wait3A_532 = tpu.memref_slice %arg22[%add3A_94, %dma_wait3A_531] : memref<10240x16xf32, #tpu.memory_space<vmem_shared>> -> memref<128x16xf32, #tpu.memory_space<vmem_shared>>
      tpu.wait_dma2 semaphore(%run_scoped3A : memref<!tpu.dma_semaphore, #tpu.memory_space<semaphore_mem>>) src(%arg20 : memref<128x16xf32, #tpu.memory_space<vmem>>) dst(%dma_wait3A_532 : memref<128x16xf32, #tpu.memory_space<vmem_shared>>)
      tpu.yield
    }) : () -> ()
    %mul3A_95 = arith.constant 640 : i32
    %mul3A_96 = arith.muli %arg1, %mul3A_95 : i32
    %add3A_97 = arith.constant 384 : i32
    %add3A_98 = arith.addi %mul3A_96, %add3A_97 : i32
    "tpu.region"() ({
      %run_scoped3A = tpu.sem_alloc : memref<!tpu.dma_semaphore, #tpu.memory_space<semaphore_mem>>
      %dma_start3A_525 = arith.constant 0 : i32
      %dma_start3A_526 = tpu.memref_slice %arg21[%add3A_98, %dma_start3A_525] : memref<10240x64xf32, #tpu.memory_space<vmem_shared>> -> memref<128x64xf32, #tpu.memory_space<vmem_shared>>
      %dma_start3A_527 = arith.constant 0 : i32
      %dma_start3A_528 = tpu.memref_slice %arg21[%add3A_98, %dma_start3A_527] : memref<10240x64xf32, #tpu.memory_space<vmem_shared>> -> memref<128x64xf32, #tpu.memory_space<vmem_shared>>
      tpu.enqueue_dma source(%arg19 : memref<128x64xf32, #tpu.memory_space<vmem>>) target(%dma_start3A_528 : memref<128x64xf32, #tpu.memory_space<vmem_shared>>) target_semaphore(%run_scoped3A : memref<!tpu.dma_semaphore, #tpu.memory_space<semaphore_mem>>)
      %dma_wait3A_529 = arith.constant 0 : i32
      %dma_wait3A_530 = tpu.memref_slice %arg21[%add3A_98, %dma_wait3A_529] : memref<10240x64xf32, #tpu.memory_space<vmem_shared>> -> memref<128x64xf32, #tpu.memory_space<vmem_shared>>
      %dma_wait3A_531 = arith.constant 0 : i32
      %dma_wait3A_532 = tpu.memref_slice %arg21[%add3A_98, %dma_wait3A_531] : memref<10240x64xf32, #tpu.memory_space<vmem_shared>> -> memref<128x64xf32, #tpu.memory_space<vmem_shared>>
      tpu.wait_dma2 semaphore(%run_scoped3A : memref<!tpu.dma_semaphore, #tpu.memory_space<semaphore_mem>>) src(%arg19 : memref<128x64xf32, #tpu.memory_space<vmem>>) dst(%dma_wait3A_532 : memref<128x64xf32, #tpu.memory_space<vmem_shared>>)
      tpu.yield
    }) : () -> ()
    %mul3A_99 = arith.constant 640 : i32
    %mul3A_100 = arith.muli %arg1, %mul3A_99 : i32
    %add3A_101 = arith.constant 384 : i32
    %add3A_102 = arith.addi %mul3A_100, %add3A_101 : i32
    "tpu.region"() ({
      %run_scoped3A = tpu.sem_alloc : memref<!tpu.dma_semaphore, #tpu.memory_space<semaphore_mem>>
      %dma_start3A_525 = arith.constant 0 : i32
      %dma_start3A_526 = tpu.memref_slice %arg22[%add3A_102, %dma_start3A_525] : memref<10240x16xf32, #tpu.memory_space<vmem_shared>> -> memref<128x16xf32, #tpu.memory_space<vmem_shared>>
      %dma_start3A_527 = arith.constant 0 : i32
      %dma_start3A_528 = tpu.memref_slice %arg22[%add3A_102, %dma_start3A_527] : memref<10240x16xf32, #tpu.memory_space<vmem_shared>> -> memref<128x16xf32, #tpu.memory_space<vmem_shared>>
      tpu.enqueue_dma source(%arg20 : memref<128x16xf32, #tpu.memory_space<vmem>>) target(%dma_start3A_528 : memref<128x16xf32, #tpu.memory_space<vmem_shared>>) target_semaphore(%run_scoped3A : memref<!tpu.dma_semaphore, #tpu.memory_space<semaphore_mem>>)
      %dma_wait3A_529 = arith.constant 0 : i32
      %dma_wait3A_530 = tpu.memref_slice %arg22[%add3A_102, %dma_wait3A_529] : memref<10240x16xf32, #tpu.memory_space<vmem_shared>> -> memref<128x16xf32, #tpu.memory_space<vmem_shared>>
      %dma_wait3A_531 = arith.constant 0 : i32
      %dma_wait3A_532 = tpu.memref_slice %arg22[%add3A_102, %dma_wait3A_531] : memref<10240x16xf32, #tpu.memory_space<vmem_shared>> -> memref<128x16xf32, #tpu.memory_space<vmem_shared>>
      tpu.wait_dma2 semaphore(%run_scoped3A : memref<!tpu.dma_semaphore, #tpu.memory_space<semaphore_mem>>) src(%arg20 : memref<128x16xf32, #tpu.memory_space<vmem>>) dst(%dma_wait3A_532 : memref<128x16xf32, #tpu.memory_space<vmem_shared>>)
      tpu.yield
    }) : () -> ()
    %mul3A_103 = arith.constant 640 : i32
    %mul3A_104 = arith.muli %arg1, %mul3A_103 : i32
    %add3A_105 = arith.constant 512 : i32
    %add3A_106 = arith.addi %mul3A_104, %add3A_105 : i32
    "tpu.region"() ({
      %run_scoped3A = tpu.sem_alloc : memref<!tpu.dma_semaphore, #tpu.memory_space<semaphore_mem>>
      %dma_start3A_525 = arith.constant 0 : i32
      %dma_start3A_526 = tpu.memref_slice %arg21[%add3A_106, %dma_start3A_525] : memref<10240x64xf32, #tpu.memory_space<vmem_shared>> -> memref<128x64xf32, #tpu.memory_space<vmem_shared>>
      %dma_start3A_527 = arith.constant 0 : i32
      %dma_start3A_528 = tpu.memref_slice %arg21[%add3A_106, %dma_start3A_527] : memref<10240x64xf32, #tpu.memory_space<vmem_shared>> -> memref<128x64xf32, #tpu.memory_space<vmem_shared>>
      tpu.enqueue_dma source(%arg19 : memref<128x64xf32, #tpu.memory_space<vmem>>) target(%dma_start3A_528 : memref<128x64xf32, #tpu.memory_space<vmem_shared>>) target_semaphore(%run_scoped3A : memref<!tpu.dma_semaphore, #tpu.memory_space<semaphore_mem>>)
      %dma_wait3A_529 = arith.constant 0 : i32
      %dma_wait3A_530 = tpu.memref_slice %arg21[%add3A_106, %dma_wait3A_529] : memref<10240x64xf32, #tpu.memory_space<vmem_shared>> -> memref<128x64xf32, #tpu.memory_space<vmem_shared>>
      %dma_wait3A_531 = arith.constant 0 : i32
      %dma_wait3A_532 = tpu.memref_slice %arg21[%add3A_106, %dma_wait3A_531] : memref<10240x64xf32, #tpu.memory_space<vmem_shared>> -> memref<128x64xf32, #tpu.memory_space<vmem_shared>>
      tpu.wait_dma2 semaphore(%run_scoped3A : memref<!tpu.dma_semaphore, #tpu.memory_space<semaphore_mem>>) src(%arg19 : memref<128x64xf32, #tpu.memory_space<vmem>>) dst(%dma_wait3A_532 : memref<128x64xf32, #tpu.memory_space<vmem_shared>>)
      tpu.yield
    }) : () -> ()
    %mul3A_107 = arith.constant 640 : i32
    %mul3A_108 = arith.muli %arg1, %mul3A_107 : i32
    %add3A_109 = arith.constant 512 : i32
    %add3A_110 = arith.addi %mul3A_108, %add3A_109 : i32
    "tpu.region"() ({
      %run_scoped3A = tpu.sem_alloc : memref<!tpu.dma_semaphore, #tpu.memory_space<semaphore_mem>>
      %dma_start3A_525 = arith.constant 0 : i32
      %dma_start3A_526 = tpu.memref_slice %arg22[%add3A_110, %dma_start3A_525] : memref<10240x16xf32, #tpu.memory_space<vmem_shared>> -> memref<128x16xf32, #tpu.memory_space<vmem_shared>>
      %dma_start3A_527 = arith.constant 0 : i32
      %dma_start3A_528 = tpu.memref_slice %arg22[%add3A_110, %dma_start3A_527] : memref<10240x16xf32, #tpu.memory_space<vmem_shared>> -> memref<128x16xf32, #tpu.memory_space<vmem_shared>>
      tpu.enqueue_dma source(%arg20 : memref<128x16xf32, #tpu.memory_space<vmem>>) target(%dma_start3A_528 : memref<128x16xf32, #tpu.memory_space<vmem_shared>>) target_semaphore(%run_scoped3A : memref<!tpu.dma_semaphore, #tpu.memory_space<semaphore_mem>>)
      %dma_wait3A_529 = arith.constant 0 : i32
      %dma_wait3A_530 = tpu.memref_slice %arg22[%add3A_110, %dma_wait3A_529] : memref<10240x16xf32, #tpu.memory_space<vmem_shared>> -> memref<128x16xf32, #tpu.memory_space<vmem_shared>>
      %dma_wait3A_531 = arith.constant 0 : i32
      %dma_wait3A_532 = tpu.memref_slice %arg22[%add3A_110, %dma_wait3A_531] : memref<10240x16xf32, #tpu.memory_space<vmem_shared>> -> memref<128x16xf32, #tpu.memory_space<vmem_shared>>
      tpu.wait_dma2 semaphore(%run_scoped3A : memref<!tpu.dma_semaphore, #tpu.memory_space<semaphore_mem>>) src(%arg20 : memref<128x16xf32, #tpu.memory_space<vmem>>) dst(%dma_wait3A_532 : memref<128x16xf32, #tpu.memory_space<vmem_shared>>)
      tpu.yield
    }) : () -> ()
    %barrier3A = arith.constant 0 : index
    tpu.barrier barrier_id(%barrier3A)
    %dma_start3A = arith.constant 0 : i32
    %dma_start3A_111 = arith.constant 0 : i32
    %dma_start3A_112 = tpu.memref_slice %arg9[%dma_start3A, %dma_start3A_111] : memref<160x125xi32, #tpu.memory_space<vmem>> -> memref<1x125xi32, #tpu.memory_space<vmem>>
    %dma_start3A_113 = tpu.memref_squeeze %dma_start3A_112 : memref<1x125xi32, #tpu.memory_space<vmem>> -> memref<125xi32, #tpu.memory_space<vmem>>
    %dma_start3A_114 = arith.constant 0 : i32
    %dma_start3A_115 = arith.constant 0 : i32
    %dma_start3A_116 = tpu.memref_slice %arg7[%arg0, %dma_start3A_114, %dma_start3A_115] : memref<2x10240x64xf32, #tpu.memory_space<hbm>> -> memref<1x10240x64xf32, #tpu.memory_space<hbm>>
    %dma_start3A_117 = tpu.memref_squeeze %dma_start3A_116 : memref<1x10240x64xf32, #tpu.memory_space<hbm>> -> memref<10240x64xf32, #tpu.memory_space<hbm>>
    %dma_start3A_118 = arith.constant 0 : i32
    %dma_start3A_119 = arith.constant 0 : i32
    %dma_start3A_120 = tpu.memref_slice %dma_start3A_117[%dma_start3A_118, %dma_start3A_119] : memref<10240x64xf32, #tpu.memory_space<hbm>> -> memref<10240x64xf32, #tpu.memory_space<hbm>>
    tpu.enqueue_indirect_dma source(%dma_start3A_120 : memref<10240x64xf32, #tpu.memory_space<hbm>>) target(%arg14 : memref<125x64xf32, #tpu.memory_space<vmem>>) offsets(%dma_start3A_113 : memref<125xi32, #tpu.memory_space<vmem>>) semaphore(%arg23 : memref<!tpu.dma_semaphore, #tpu.memory_space<semaphore_mem>>)
    %dma_start3A_121 = arith.constant 1 : i32
    %dma_start3A_122 = arith.constant 0 : i32
    %dma_start3A_123 = tpu.memref_slice %arg9[%dma_start3A_121, %dma_start3A_122] : memref<160x125xi32, #tpu.memory_space<vmem>> -> memref<1x125xi32, #tpu.memory_space<vmem>>
    %dma_start3A_124 = tpu.memref_squeeze %dma_start3A_123 : memref<1x125xi32, #tpu.memory_space<vmem>> -> memref<125xi32, #tpu.memory_space<vmem>>
    %dma_start3A_125 = arith.constant 0 : i32
    %dma_start3A_126 = arith.constant 0 : i32
    %dma_start3A_127 = tpu.memref_slice %arg7[%arg0, %dma_start3A_125, %dma_start3A_126] : memref<2x10240x64xf32, #tpu.memory_space<hbm>> -> memref<1x10240x64xf32, #tpu.memory_space<hbm>>
    %dma_start3A_128 = tpu.memref_squeeze %dma_start3A_127 : memref<1x10240x64xf32, #tpu.memory_space<hbm>> -> memref<10240x64xf32, #tpu.memory_space<hbm>>
    %dma_start3A_129 = arith.constant 0 : i32
    %dma_start3A_130 = arith.constant 0 : i32
    %dma_start3A_131 = tpu.memref_slice %dma_start3A_128[%dma_start3A_129, %dma_start3A_130] : memref<10240x64xf32, #tpu.memory_space<hbm>> -> memref<10240x64xf32, #tpu.memory_space<hbm>>
    tpu.enqueue_indirect_dma source(%dma_start3A_131 : memref<10240x64xf32, #tpu.memory_space<hbm>>) target(%arg15 : memref<125x64xf32, #tpu.memory_space<vmem>>) offsets(%dma_start3A_124 : memref<125xi32, #tpu.memory_space<vmem>>) semaphore(%arg24 : memref<!tpu.dma_semaphore, #tpu.memory_space<semaphore_mem>>)
    %dma_start3A_132 = arith.constant 0 : i32
    %dma_start3A_133 = arith.constant 0 : i32
    %dma_start3A_134 = tpu.memref_slice %arg4[%arg1, %dma_start3A_132, %dma_start3A_133] : memref<16x160x125xi32, #tpu.memory_space<hbm>> -> memref<1x1x125xi32, #tpu.memory_space<hbm>>
    %dma_start3A_135 = tpu.memref_squeeze %dma_start3A_134 : memref<1x1x125xi32, #tpu.memory_space<hbm>> -> memref<125xi32, #tpu.memory_space<hbm>>
    %dma_start3A_136 = arith.constant 0 : i32
    %dma_start3A_137 = tpu.memref_slice %arg4[%arg1, %dma_start3A_132, %dma_start3A_136] : memref<16x160x125xi32, #tpu.memory_space<hbm>> -> memref<1x1x125xi32, #tpu.memory_space<hbm>>
    %dma_start3A_138 = tpu.memref_squeeze %dma_start3A_137 : memref<1x1x125xi32, #tpu.memory_space<hbm>> -> memref<125xi32, #tpu.memory_space<hbm>>
    tpu.enqueue_dma source(%dma_start3A_138 : memref<125xi32, #tpu.memory_space<hbm>>) target(%arg10 : memref<125xi32, #tpu.memory_space<vmem>>) target_semaphore(%arg27 : memref<!tpu.dma_semaphore, #tpu.memory_space<semaphore_mem>>)
    %dma_start3A_139 = arith.constant 1 : i32
    %dma_start3A_140 = arith.constant 0 : i32
    %dma_start3A_141 = tpu.memref_slice %arg4[%arg1, %dma_start3A_139, %dma_start3A_140] : memref<16x160x125xi32, #tpu.memory_space<hbm>> -> memref<1x1x125xi32, #tpu.memory_space<hbm>>
    %dma_start3A_142 = tpu.memref_squeeze %dma_start3A_141 : memref<1x1x125xi32, #tpu.memory_space<hbm>> -> memref<125xi32, #tpu.memory_space<hbm>>
    %dma_start3A_143 = arith.constant 0 : i32
    %dma_start3A_144 = tpu.memref_slice %arg4[%arg1, %dma_start3A_139, %dma_start3A_143] : memref<16x160x125xi32, #tpu.memory_space<hbm>> -> memref<1x1x125xi32, #tpu.memory_space<hbm>>
    %dma_start3A_145 = tpu.memref_squeeze %dma_start3A_144 : memref<1x1x125xi32, #tpu.memory_space<hbm>> -> memref<125xi32, #tpu.memory_space<hbm>>
    tpu.enqueue_dma source(%dma_start3A_145 : memref<125xi32, #tpu.memory_space<hbm>>) target(%arg11 : memref<125xi32, #tpu.memory_space<vmem>>) target_semaphore(%arg28 : memref<!tpu.dma_semaphore, #tpu.memory_space<semaphore_mem>>)
    %scan3A_146 = arith.constant 0 : i32
    %scan3A_147 = arith.constant 0 : i32
    %scan3A_148 = arith.constant 40 : i32
    %scan3A_149 = arith.addi %scan3A_147, %scan3A_148 : i32
    %scan3A_150 = arith.constant 1 : i32
    %scan3A_151 = scf.for %scan3A_525 = %scan3A_147 to %scan3A_149 step %scan3A_150 iter_args(%scan3A_526 = %scan3A_146) -> (i32)  : i32 {
      %mul3A_527 = arith.constant 4 : i32
      %mul3A_528 = arith.muli %scan3A_525, %mul3A_527 : i32
      %add3A_529 = arith.constant 0 : i32
      %add3A_530 = arith.addi %mul3A_528, %add3A_529 : i32
      %dma_wait3A_531 = arith.constant 0 : i32
      %dma_wait3A_532 = tpu.memref_slice %arg9[%add3A_530, %dma_wait3A_531] : memref<160x125xi32, #tpu.memory_space<vmem>> -> memref<1x125xi32, #tpu.memory_space<vmem>>
      %dma_wait3A_533 = tpu.memref_squeeze %dma_wait3A_532 : memref<1x125xi32, #tpu.memory_space<vmem>> -> memref<125xi32, #tpu.memory_space<vmem>>
      %dma_wait3A_534 = arith.constant 0 : i32
      %dma_wait3A_535 = arith.constant 0 : i32
      %dma_wait3A_536 = tpu.memref_slice %arg7[%arg0, %dma_wait3A_534, %dma_wait3A_535] : memref<2x10240x64xf32, #tpu.memory_space<hbm>> -> memref<1x10240x64xf32, #tpu.memory_space<hbm>>
      %dma_wait3A_537 = tpu.memref_squeeze %dma_wait3A_536 : memref<1x10240x64xf32, #tpu.memory_space<hbm>> -> memref<10240x64xf32, #tpu.memory_space<hbm>>
      %dma_wait3A_538 = arith.constant 0 : i32
      %dma_wait3A_539 = arith.constant 0 : i32
      %dma_wait3A_540 = tpu.memref_slice %dma_wait3A_537[%dma_wait3A_538, %dma_wait3A_539] : memref<10240x64xf32, #tpu.memory_space<hbm>> -> memref<10240x64xf32, #tpu.memory_space<hbm>>
      tpu.wait_indirect_dma semaphore(%arg23 : memref<!tpu.dma_semaphore, #tpu.memory_space<semaphore_mem>>) src(%dma_wait3A_540 : memref<10240x64xf32, #tpu.memory_space<hbm>>) dst(%arg14 : memref<125x64xf32, #tpu.memory_space<vmem>>)
      %dma_wait3A_541 = arith.constant 0 : i32
      %dma_wait3A_542 = arith.constant 0 : i32
      %dma_wait3A_543 = tpu.memref_slice %arg4[%arg1, %dma_wait3A_541, %dma_wait3A_542] : memref<16x160x125xi32, #tpu.memory_space<hbm>> -> memref<1x1x125xi32, #tpu.memory_space<hbm>>
      %dma_wait3A_544 = tpu.memref_squeeze %dma_wait3A_543 : memref<1x1x125xi32, #tpu.memory_space<hbm>> -> memref<125xi32, #tpu.memory_space<hbm>>
      %dma_wait3A_545 = arith.constant 0 : i32
      %dma_wait3A_546 = tpu.memref_slice %arg4[%arg1, %dma_wait3A_541, %dma_wait3A_545] : memref<16x160x125xi32, #tpu.memory_space<hbm>> -> memref<1x1x125xi32, #tpu.memory_space<hbm>>
      %dma_wait3A_547 = tpu.memref_squeeze %dma_wait3A_546 : memref<1x1x125xi32, #tpu.memory_space<hbm>> -> memref<125xi32, #tpu.memory_space<hbm>>
      tpu.wait_dma2 semaphore(%arg27 : memref<!tpu.dma_semaphore, #tpu.memory_space<semaphore_mem>>) src(%dma_wait3A_547 : memref<125xi32, #tpu.memory_space<hbm>>) dst(%arg10 : memref<125xi32, #tpu.memory_space<vmem>>)
      %dma_start3A_548 = arith.constant 0 : i32
      %dma_start3A_549 = arith.constant 0 : i32
      %dma_start3A_550 = tpu.memref_slice %arg22[%dma_start3A_548, %dma_start3A_549] : memref<10240x16xf32, #tpu.memory_space<vmem_shared>> -> memref<10240x16xf32, #tpu.memory_space<vmem_shared>>
      tpu.enqueue_indirect_dma source(%arg18 : memref<125x16xf32, #tpu.memory_space<vmem>>) target(%dma_start3A_550 : memref<10240x16xf32, #tpu.memory_space<vmem_shared>>) offsets(%arg10 : memref<125xi32, #tpu.memory_space<vmem>>) semaphore(%arg35 : memref<!tpu.dma_semaphore, #tpu.memory_space<semaphore_mem>>) {add = true}
      %dma_start3A_551 = arith.constant 0 : i32
      %dma_start3A_552 = arith.constant 0 : i32
      %dma_start3A_553 = tpu.memref_slice %arg21[%dma_start3A_551, %dma_start3A_552] : memref<10240x64xf32, #tpu.memory_space<vmem_shared>> -> memref<10240x64xf32, #tpu.memory_space<vmem_shared>>
      tpu.enqueue_indirect_dma source(%arg14 : memref<125x64xf32, #tpu.memory_space<vmem>>) target(%dma_start3A_553 : memref<10240x64xf32, #tpu.memory_space<vmem_shared>>) offsets(%arg10 : memref<125xi32, #tpu.memory_space<vmem>>) semaphore(%arg31 : memref<!tpu.dma_semaphore, #tpu.memory_space<semaphore_mem>>) {add = true}
      %ge3A = arith.constant 2 : i32
      %ge3A_554 = arith.cmpi sge, %add3A_530, %ge3A : i32
      %convert_element_type3A_555 = arith.extui %ge3A_554 : i1 to i32
      %cond3A_556 = arith.constant 0 : i32
      %cond3A_557 = arith.cmpi ne, %convert_element_type3A_555, %cond3A_556 : i32
      scf.if %cond3A_557 {
        %dma_wait3A_682 = arith.constant 0 : i32
        %dma_wait3A_683 = arith.constant 0 : i32
        %dma_wait3A_684 = tpu.memref_slice %arg21[%dma_wait3A_682, %dma_wait3A_683] : memref<10240x64xf32, #tpu.memory_space<vmem_shared>> -> memref<10240x64xf32, #tpu.memory_space<vmem_shared>>
        tpu.wait_indirect_dma semaphore(%arg33 : memref<!tpu.dma_semaphore, #tpu.memory_space<semaphore_mem>>) src(%arg16 : memref<125x64xf32, #tpu.memory_space<vmem>>) dst(%dma_wait3A_684 : memref<10240x64xf32, #tpu.memory_space<vmem_shared>>)
        %dma_wait3A_685 = arith.constant 0 : i32
        %dma_wait3A_686 = arith.constant 0 : i32
        %dma_wait3A_687 = tpu.memref_slice %arg22[%dma_wait3A_685, %dma_wait3A_686] : memref<10240x16xf32, #tpu.memory_space<vmem_shared>> -> memref<10240x16xf32, #tpu.memory_space<vmem_shared>>
        tpu.wait_indirect_dma semaphore(%arg37 : memref<!tpu.dma_semaphore, #tpu.memory_space<semaphore_mem>>) src(%arg18 : memref<125x16xf32, #tpu.memory_space<vmem>>) dst(%dma_wait3A_687 : memref<10240x16xf32, #tpu.memory_space<vmem_shared>>)
      } else {
      }
      %add3A_558 = arith.constant 2 : i32
      %add3A_559 = arith.addi %add3A_530, %add3A_558 : i32
      %lt3A = arith.constant 160 : i32
      %lt3A_560 = arith.cmpi slt, %add3A_559, %lt3A : i32
      %convert_element_type3A_561 = arith.extui %lt3A_560 : i1 to i32
      %cond3A_562 = arith.constant 0 : i32
      %cond3A_563 = arith.cmpi ne, %convert_element_type3A_561, %cond3A_562 : i32
      scf.if %cond3A_563 {
        %add3A_682 = arith.constant 2 : i32
        %add3A_683 = arith.addi %add3A_530, %add3A_682 : i32
        %dma_start3A_684 = arith.constant 0 : i32
        %dma_start3A_685 = tpu.memref_slice %arg9[%add3A_683, %dma_start3A_684] : memref<160x125xi32, #tpu.memory_space<vmem>> -> memref<1x125xi32, #tpu.memory_space<vmem>>
        %dma_start3A_686 = tpu.memref_squeeze %dma_start3A_685 : memref<1x125xi32, #tpu.memory_space<vmem>> -> memref<125xi32, #tpu.memory_space<vmem>>
        %dma_start3A_687 = arith.constant 0 : i32
        %dma_start3A_688 = arith.constant 0 : i32
        %dma_start3A_689 = tpu.memref_slice %arg7[%arg0, %dma_start3A_687, %dma_start3A_688] : memref<2x10240x64xf32, #tpu.memory_space<hbm>> -> memref<1x10240x64xf32, #tpu.memory_space<hbm>>
        %dma_start3A_690 = tpu.memref_squeeze %dma_start3A_689 : memref<1x10240x64xf32, #tpu.memory_space<hbm>> -> memref<10240x64xf32, #tpu.memory_space<hbm>>
        %dma_start3A_691 = arith.constant 0 : i32
        %dma_start3A_692 = arith.constant 0 : i32
        %dma_start3A_693 = tpu.memref_slice %dma_start3A_690[%dma_start3A_691, %dma_start3A_692] : memref<10240x64xf32, #tpu.memory_space<hbm>> -> memref<10240x64xf32, #tpu.memory_space<hbm>>
        tpu.enqueue_indirect_dma source(%dma_start3A_693 : memref<10240x64xf32, #tpu.memory_space<hbm>>) target(%arg16 : memref<125x64xf32, #tpu.memory_space<vmem>>) offsets(%dma_start3A_686 : memref<125xi32, #tpu.memory_space<vmem>>) semaphore(%arg25 : memref<!tpu.dma_semaphore, #tpu.memory_space<semaphore_mem>>)
        %add3A_694 = arith.constant 2 : i32
        %add3A_695 = arith.addi %add3A_530, %add3A_694 : i32
        %dma_start3A_696 = arith.constant 0 : i32
        %dma_start3A_697 = tpu.memref_slice %arg4[%arg1, %add3A_695, %dma_start3A_696] : memref<16x160x125xi32, #tpu.memory_space<hbm>> -> memref<1x1x125xi32, #tpu.memory_space<hbm>>
        %dma_start3A_698 = tpu.memref_squeeze %dma_start3A_697 : memref<1x1x125xi32, #tpu.memory_space<hbm>> -> memref<125xi32, #tpu.memory_space<hbm>>
        %dma_start3A_699 = arith.constant 0 : i32
        %dma_start3A_700 = tpu.memref_slice %arg4[%arg1, %add3A_695, %dma_start3A_699] : memref<16x160x125xi32, #tpu.memory_space<hbm>> -> memref<1x1x125xi32, #tpu.memory_space<hbm>>
        %dma_start3A_701 = tpu.memref_squeeze %dma_start3A_700 : memref<1x1x125xi32, #tpu.memory_space<hbm>> -> memref<125xi32, #tpu.memory_space<hbm>>
        tpu.enqueue_dma source(%dma_start3A_701 : memref<125xi32, #tpu.memory_space<hbm>>) target(%arg12 : memref<125xi32, #tpu.memory_space<vmem>>) target_semaphore(%arg29 : memref<!tpu.dma_semaphore, #tpu.memory_space<semaphore_mem>>)
      } else {
      }
      %mul3A_564 = arith.constant 4 : i32
      %mul3A_565 = arith.muli %scan3A_525, %mul3A_564 : i32
      %add3A_566 = arith.constant 1 : i32
      %add3A_567 = arith.addi %mul3A_565, %add3A_566 : i32
      %dma_wait3A_568 = arith.constant 0 : i32
      %dma_wait3A_569 = tpu.memref_slice %arg9[%add3A_567, %dma_wait3A_568] : memref<160x125xi32, #tpu.memory_space<vmem>> -> memref<1x125xi32, #tpu.memory_space<vmem>>
      %dma_wait3A_570 = tpu.memref_squeeze %dma_wait3A_569 : memref<1x125xi32, #tpu.memory_space<vmem>> -> memref<125xi32, #tpu.memory_space<vmem>>
      %dma_wait3A_571 = arith.constant 0 : i32
      %dma_wait3A_572 = arith.constant 0 : i32
      %dma_wait3A_573 = tpu.memref_slice %arg7[%arg0, %dma_wait3A_571, %dma_wait3A_572] : memref<2x10240x64xf32, #tpu.memory_space<hbm>> -> memref<1x10240x64xf32, #tpu.memory_space<hbm>>
      %dma_wait3A_574 = tpu.memref_squeeze %dma_wait3A_573 : memref<1x10240x64xf32, #tpu.memory_space<hbm>> -> memref<10240x64xf32, #tpu.memory_space<hbm>>
      %dma_wait3A_575 = arith.constant 0 : i32
      %dma_wait3A_576 = arith.constant 0 : i32
      %dma_wait3A_577 = tpu.memref_slice %dma_wait3A_574[%dma_wait3A_575, %dma_wait3A_576] : memref<10240x64xf32, #tpu.memory_space<hbm>> -> memref<10240x64xf32, #tpu.memory_space<hbm>>
      tpu.wait_indirect_dma semaphore(%arg24 : memref<!tpu.dma_semaphore, #tpu.memory_space<semaphore_mem>>) src(%dma_wait3A_577 : memref<10240x64xf32, #tpu.memory_space<hbm>>) dst(%arg15 : memref<125x64xf32, #tpu.memory_space<vmem>>)
      %dma_wait3A_578 = arith.constant 0 : i32
      %dma_wait3A_579 = arith.constant 0 : i32
      %dma_wait3A_580 = tpu.memref_slice %arg4[%arg1, %dma_wait3A_578, %dma_wait3A_579] : memref<16x160x125xi32, #tpu.memory_space<hbm>> -> memref<1x1x125xi32, #tpu.memory_space<hbm>>
      %dma_wait3A_581 = tpu.memref_squeeze %dma_wait3A_580 : memref<1x1x125xi32, #tpu.memory_space<hbm>> -> memref<125xi32, #tpu.memory_space<hbm>>
      %dma_wait3A_582 = arith.constant 0 : i32
      %dma_wait3A_583 = tpu.memref_slice %arg4[%arg1, %dma_wait3A_578, %dma_wait3A_582] : memref<16x160x125xi32, #tpu.memory_space<hbm>> -> memref<1x1x125xi32, #tpu.memory_space<hbm>>
      %dma_wait3A_584 = tpu.memref_squeeze %dma_wait3A_583 : memref<1x1x125xi32, #tpu.memory_space<hbm>> -> memref<125xi32, #tpu.memory_space<hbm>>
      tpu.wait_dma2 semaphore(%arg28 : memref<!tpu.dma_semaphore, #tpu.memory_space<semaphore_mem>>) src(%dma_wait3A_584 : memref<125xi32, #tpu.memory_space<hbm>>) dst(%arg11 : memref<125xi32, #tpu.memory_space<vmem>>)
      %dma_start3A_585 = arith.constant 0 : i32
      %dma_start3A_586 = arith.constant 0 : i32
      %dma_start3A_587 = tpu.memref_slice %arg22[%dma_start3A_585, %dma_start3A_586] : memref<10240x16xf32, #tpu.memory_space<vmem_shared>> -> memref<10240x16xf32, #tpu.memory_space<vmem_shared>>
      tpu.enqueue_indirect_dma source(%arg18 : memref<125x16xf32, #tpu.memory_space<vmem>>) target(%dma_start3A_587 : memref<10240x16xf32, #tpu.memory_space<vmem_shared>>) offsets(%arg11 : memref<125xi32, #tpu.memory_space<vmem>>) semaphore(%arg36 : memref<!tpu.dma_semaphore, #tpu.memory_space<semaphore_mem>>) {add = true}
      %dma_start3A_588 = arith.constant 0 : i32
      %dma_start3A_589 = arith.constant 0 : i32
      %dma_start3A_590 = tpu.memref_slice %arg21[%dma_start3A_588, %dma_start3A_589] : memref<10240x64xf32, #tpu.memory_space<vmem_shared>> -> memref<10240x64xf32, #tpu.memory_space<vmem_shared>>
      tpu.enqueue_indirect_dma source(%arg15 : memref<125x64xf32, #tpu.memory_space<vmem>>) target(%dma_start3A_590 : memref<10240x64xf32, #tpu.memory_space<vmem_shared>>) offsets(%arg11 : memref<125xi32, #tpu.memory_space<vmem>>) semaphore(%arg32 : memref<!tpu.dma_semaphore, #tpu.memory_space<semaphore_mem>>) {add = true}
      %ge3A_591 = arith.constant 2 : i32
      %ge3A_592 = arith.cmpi sge, %add3A_567, %ge3A_591 : i32
      %convert_element_type3A_593 = arith.extui %ge3A_592 : i1 to i32
      %cond3A_594 = arith.constant 0 : i32
      %cond3A_595 = arith.cmpi ne, %convert_element_type3A_593, %cond3A_594 : i32
      scf.if %cond3A_595 {
        %dma_wait3A_682 = arith.constant 0 : i32
        %dma_wait3A_683 = arith.constant 0 : i32
        %dma_wait3A_684 = tpu.memref_slice %arg21[%dma_wait3A_682, %dma_wait3A_683] : memref<10240x64xf32, #tpu.memory_space<vmem_shared>> -> memref<10240x64xf32, #tpu.memory_space<vmem_shared>>
        tpu.wait_indirect_dma semaphore(%arg34 : memref<!tpu.dma_semaphore, #tpu.memory_space<semaphore_mem>>) src(%arg17 : memref<125x64xf32, #tpu.memory_space<vmem>>) dst(%dma_wait3A_684 : memref<10240x64xf32, #tpu.memory_space<vmem_shared>>)
        %dma_wait3A_685 = arith.constant 0 : i32
        %dma_wait3A_686 = arith.constant 0 : i32
        %dma_wait3A_687 = tpu.memref_slice %arg22[%dma_wait3A_685, %dma_wait3A_686] : memref<10240x16xf32, #tpu.memory_space<vmem_shared>> -> memref<10240x16xf32, #tpu.memory_space<vmem_shared>>
        tpu.wait_indirect_dma semaphore(%arg38 : memref<!tpu.dma_semaphore, #tpu.memory_space<semaphore_mem>>) src(%arg18 : memref<125x16xf32, #tpu.memory_space<vmem>>) dst(%dma_wait3A_687 : memref<10240x16xf32, #tpu.memory_space<vmem_shared>>)
      } else {
      }
      %add3A_596 = arith.constant 2 : i32
      %add3A_597 = arith.addi %add3A_567, %add3A_596 : i32
      %lt3A_598 = arith.constant 160 : i32
      %lt3A_599 = arith.cmpi slt, %add3A_597, %lt3A_598 : i32
      %convert_element_type3A_600 = arith.extui %lt3A_599 : i1 to i32
      %cond3A_601 = arith.constant 0 : i32
      %cond3A_602 = arith.cmpi ne, %convert_element_type3A_600, %cond3A_601 : i32
      scf.if %cond3A_602 {
        %add3A_682 = arith.constant 2 : i32
        %add3A_683 = arith.addi %add3A_567, %add3A_682 : i32
        %dma_start3A_684 = arith.constant 0 : i32
        %dma_start3A_685 = tpu.memref_slice %arg9[%add3A_683, %dma_start3A_684] : memref<160x125xi32, #tpu.memory_space<vmem>> -> memref<1x125xi32, #tpu.memory_space<vmem>>
        %dma_start3A_686 = tpu.memref_squeeze %dma_start3A_685 : memref<1x125xi32, #tpu.memory_space<vmem>> -> memref<125xi32, #tpu.memory_space<vmem>>
        %dma_start3A_687 = arith.constant 0 : i32
        %dma_start3A_688 = arith.constant 0 : i32
        %dma_start3A_689 = tpu.memref_slice %arg7[%arg0, %dma_start3A_687, %dma_start3A_688] : memref<2x10240x64xf32, #tpu.memory_space<hbm>> -> memref<1x10240x64xf32, #tpu.memory_space<hbm>>
        %dma_start3A_690 = tpu.memref_squeeze %dma_start3A_689 : memref<1x10240x64xf32, #tpu.memory_space<hbm>> -> memref<10240x64xf32, #tpu.memory_space<hbm>>
        %dma_start3A_691 = arith.constant 0 : i32
        %dma_start3A_692 = arith.constant 0 : i32
        %dma_start3A_693 = tpu.memref_slice %dma_start3A_690[%dma_start3A_691, %dma_start3A_692] : memref<10240x64xf32, #tpu.memory_space<hbm>> -> memref<10240x64xf32, #tpu.memory_space<hbm>>
        tpu.enqueue_indirect_dma source(%dma_start3A_693 : memref<10240x64xf32, #tpu.memory_space<hbm>>) target(%arg17 : memref<125x64xf32, #tpu.memory_space<vmem>>) offsets(%dma_start3A_686 : memref<125xi32, #tpu.memory_space<vmem>>) semaphore(%arg26 : memref<!tpu.dma_semaphore, #tpu.memory_space<semaphore_mem>>)
        %add3A_694 = arith.constant 2 : i32
        %add3A_695 = arith.addi %add3A_567, %add3A_694 : i32
        %dma_start3A_696 = arith.constant 0 : i32
        %dma_start3A_697 = tpu.memref_slice %arg4[%arg1, %add3A_695, %dma_start3A_696] : memref<16x160x125xi32, #tpu.memory_space<hbm>> -> memref<1x1x125xi32, #tpu.memory_space<hbm>>
        %dma_start3A_698 = tpu.memref_squeeze %dma_start3A_697 : memref<1x1x125xi32, #tpu.memory_space<hbm>> -> memref<125xi32, #tpu.memory_space<hbm>>
        %dma_start3A_699 = arith.constant 0 : i32
        %dma_start3A_700 = tpu.memref_slice %arg4[%arg1, %add3A_695, %dma_start3A_699] : memref<16x160x125xi32, #tpu.memory_space<hbm>> -> memref<1x1x125xi32, #tpu.memory_space<hbm>>
        %dma_start3A_701 = tpu.memref_squeeze %dma_start3A_700 : memref<1x1x125xi32, #tpu.memory_space<hbm>> -> memref<125xi32, #tpu.memory_space<hbm>>
        tpu.enqueue_dma source(%dma_start3A_701 : memref<125xi32, #tpu.memory_space<hbm>>) target(%arg13 : memref<125xi32, #tpu.memory_space<vmem>>) target_semaphore(%arg30 : memref<!tpu.dma_semaphore, #tpu.memory_space<semaphore_mem>>)
      } else {
      }
      %mul3A_603 = arith.constant 4 : i32
      %mul3A_604 = arith.muli %scan3A_525, %mul3A_603 : i32
      %add3A_605 = arith.constant 2 : i32
      %add3A_606 = arith.addi %mul3A_604, %add3A_605 : i32
      %dma_wait3A_607 = arith.constant 0 : i32
      %dma_wait3A_608 = tpu.memref_slice %arg9[%add3A_606, %dma_wait3A_607] : memref<160x125xi32, #tpu.memory_space<vmem>> -> memref<1x125xi32, #tpu.memory_space<vmem>>
      %dma_wait3A_609 = tpu.memref_squeeze %dma_wait3A_608 : memref<1x125xi32, #tpu.memory_space<vmem>> -> memref<125xi32, #tpu.memory_space<vmem>>
      %dma_wait3A_610 = arith.constant 0 : i32
      %dma_wait3A_611 = arith.constant 0 : i32
      %dma_wait3A_612 = tpu.memref_slice %arg7[%arg0, %dma_wait3A_610, %dma_wait3A_611] : memref<2x10240x64xf32, #tpu.memory_space<hbm>> -> memref<1x10240x64xf32, #tpu.memory_space<hbm>>
      %dma_wait3A_613 = tpu.memref_squeeze %dma_wait3A_612 : memref<1x10240x64xf32, #tpu.memory_space<hbm>> -> memref<10240x64xf32, #tpu.memory_space<hbm>>
      %dma_wait3A_614 = arith.constant 0 : i32
      %dma_wait3A_615 = arith.constant 0 : i32
      %dma_wait3A_616 = tpu.memref_slice %dma_wait3A_613[%dma_wait3A_614, %dma_wait3A_615] : memref<10240x64xf32, #tpu.memory_space<hbm>> -> memref<10240x64xf32, #tpu.memory_space<hbm>>
      tpu.wait_indirect_dma semaphore(%arg25 : memref<!tpu.dma_semaphore, #tpu.memory_space<semaphore_mem>>) src(%dma_wait3A_616 : memref<10240x64xf32, #tpu.memory_space<hbm>>) dst(%arg16 : memref<125x64xf32, #tpu.memory_space<vmem>>)
      %dma_wait3A_617 = arith.constant 0 : i32
      %dma_wait3A_618 = arith.constant 0 : i32
      %dma_wait3A_619 = tpu.memref_slice %arg4[%arg1, %dma_wait3A_617, %dma_wait3A_618] : memref<16x160x125xi32, #tpu.memory_space<hbm>> -> memref<1x1x125xi32, #tpu.memory_space<hbm>>
      %dma_wait3A_620 = tpu.memref_squeeze %dma_wait3A_619 : memref<1x1x125xi32, #tpu.memory_space<hbm>> -> memref<125xi32, #tpu.memory_space<hbm>>
      %dma_wait3A_621 = arith.constant 0 : i32
      %dma_wait3A_622 = tpu.memref_slice %arg4[%arg1, %dma_wait3A_617, %dma_wait3A_621] : memref<16x160x125xi32, #tpu.memory_space<hbm>> -> memref<1x1x125xi32, #tpu.memory_space<hbm>>
      %dma_wait3A_623 = tpu.memref_squeeze %dma_wait3A_622 : memref<1x1x125xi32, #tpu.memory_space<hbm>> -> memref<125xi32, #tpu.memory_space<hbm>>
      tpu.wait_dma2 semaphore(%arg29 : memref<!tpu.dma_semaphore, #tpu.memory_space<semaphore_mem>>) src(%dma_wait3A_623 : memref<125xi32, #tpu.memory_space<hbm>>) dst(%arg12 : memref<125xi32, #tpu.memory_space<vmem>>)
      %dma_start3A_624 = arith.constant 0 : i32
      %dma_start3A_625 = arith.constant 0 : i32
      %dma_start3A_626 = tpu.memref_slice %arg22[%dma_start3A_624, %dma_start3A_625] : memref<10240x16xf32, #tpu.memory_space<vmem_shared>> -> memref<10240x16xf32, #tpu.memory_space<vmem_shared>>
      tpu.enqueue_indirect_dma source(%arg18 : memref<125x16xf32, #tpu.memory_space<vmem>>) target(%dma_start3A_626 : memref<10240x16xf32, #tpu.memory_space<vmem_shared>>) offsets(%arg12 : memref<125xi32, #tpu.memory_space<vmem>>) semaphore(%arg37 : memref<!tpu.dma_semaphore, #tpu.memory_space<semaphore_mem>>) {add = true}
      %dma_start3A_627 = arith.constant 0 : i32
      %dma_start3A_628 = arith.constant 0 : i32
      %dma_start3A_629 = tpu.memref_slice %arg21[%dma_start3A_627, %dma_start3A_628] : memref<10240x64xf32, #tpu.memory_space<vmem_shared>> -> memref<10240x64xf32, #tpu.memory_space<vmem_shared>>
      tpu.enqueue_indirect_dma source(%arg16 : memref<125x64xf32, #tpu.memory_space<vmem>>) target(%dma_start3A_629 : memref<10240x64xf32, #tpu.memory_space<vmem_shared>>) offsets(%arg12 : memref<125xi32, #tpu.memory_space<vmem>>) semaphore(%arg33 : memref<!tpu.dma_semaphore, #tpu.memory_space<semaphore_mem>>) {add = true}
      %ge3A_630 = arith.constant 2 : i32
      %ge3A_631 = arith.cmpi sge, %add3A_606, %ge3A_630 : i32
      %convert_element_type3A_632 = arith.extui %ge3A_631 : i1 to i32
      %cond3A_633 = arith.constant 0 : i32
      %cond3A_634 = arith.cmpi ne, %convert_element_type3A_632, %cond3A_633 : i32
      scf.if %cond3A_634 {
        %dma_wait3A_682 = arith.constant 0 : i32
        %dma_wait3A_683 = arith.constant 0 : i32
        %dma_wait3A_684 = tpu.memref_slice %arg21[%dma_wait3A_682, %dma_wait3A_683] : memref<10240x64xf32, #tpu.memory_space<vmem_shared>> -> memref<10240x64xf32, #tpu.memory_space<vmem_shared>>
        tpu.wait_indirect_dma semaphore(%arg31 : memref<!tpu.dma_semaphore, #tpu.memory_space<semaphore_mem>>) src(%arg14 : memref<125x64xf32, #tpu.memory_space<vmem>>) dst(%dma_wait3A_684 : memref<10240x64xf32, #tpu.memory_space<vmem_shared>>)
        %dma_wait3A_685 = arith.constant 0 : i32
        %dma_wait3A_686 = arith.constant 0 : i32
        %dma_wait3A_687 = tpu.memref_slice %arg22[%dma_wait3A_685, %dma_wait3A_686] : memref<10240x16xf32, #tpu.memory_space<vmem_shared>> -> memref<10240x16xf32, #tpu.memory_space<vmem_shared>>
        tpu.wait_indirect_dma semaphore(%arg35 : memref<!tpu.dma_semaphore, #tpu.memory_space<semaphore_mem>>) src(%arg18 : memref<125x16xf32, #tpu.memory_space<vmem>>) dst(%dma_wait3A_687 : memref<10240x16xf32, #tpu.memory_space<vmem_shared>>)
      } else {
      }
      %add3A_635 = arith.constant 2 : i32
      %add3A_636 = arith.addi %add3A_606, %add3A_635 : i32
      %lt3A_637 = arith.constant 160 : i32
      %lt3A_638 = arith.cmpi slt, %add3A_636, %lt3A_637 : i32
      %convert_element_type3A_639 = arith.extui %lt3A_638 : i1 to i32
      %cond3A_640 = arith.constant 0 : i32
      %cond3A_641 = arith.cmpi ne, %convert_element_type3A_639, %cond3A_640 : i32
      scf.if %cond3A_641 {
        %add3A_682 = arith.constant 2 : i32
        %add3A_683 = arith.addi %add3A_606, %add3A_682 : i32
        %dma_start3A_684 = arith.constant 0 : i32
        %dma_start3A_685 = tpu.memref_slice %arg9[%add3A_683, %dma_start3A_684] : memref<160x125xi32, #tpu.memory_space<vmem>> -> memref<1x125xi32, #tpu.memory_space<vmem>>
        %dma_start3A_686 = tpu.memref_squeeze %dma_start3A_685 : memref<1x125xi32, #tpu.memory_space<vmem>> -> memref<125xi32, #tpu.memory_space<vmem>>
        %dma_start3A_687 = arith.constant 0 : i32
        %dma_start3A_688 = arith.constant 0 : i32
        %dma_start3A_689 = tpu.memref_slice %arg7[%arg0, %dma_start3A_687, %dma_start3A_688] : memref<2x10240x64xf32, #tpu.memory_space<hbm>> -> memref<1x10240x64xf32, #tpu.memory_space<hbm>>
        %dma_start3A_690 = tpu.memref_squeeze %dma_start3A_689 : memref<1x10240x64xf32, #tpu.memory_space<hbm>> -> memref<10240x64xf32, #tpu.memory_space<hbm>>
        %dma_start3A_691 = arith.constant 0 : i32
        %dma_start3A_692 = arith.constant 0 : i32
        %dma_start3A_693 = tpu.memref_slice %dma_start3A_690[%dma_start3A_691, %dma_start3A_692] : memref<10240x64xf32, #tpu.memory_space<hbm>> -> memref<10240x64xf32, #tpu.memory_space<hbm>>
        tpu.enqueue_indirect_dma source(%dma_start3A_693 : memref<10240x64xf32, #tpu.memory_space<hbm>>) target(%arg14 : memref<125x64xf32, #tpu.memory_space<vmem>>) offsets(%dma_start3A_686 : memref<125xi32, #tpu.memory_space<vmem>>) semaphore(%arg23 : memref<!tpu.dma_semaphore, #tpu.memory_space<semaphore_mem>>)
        %add3A_694 = arith.constant 2 : i32
        %add3A_695 = arith.addi %add3A_606, %add3A_694 : i32
        %dma_start3A_696 = arith.constant 0 : i32
        %dma_start3A_697 = tpu.memref_slice %arg4[%arg1, %add3A_695, %dma_start3A_696] : memref<16x160x125xi32, #tpu.memory_space<hbm>> -> memref<1x1x125xi32, #tpu.memory_space<hbm>>
        %dma_start3A_698 = tpu.memref_squeeze %dma_start3A_697 : memref<1x1x125xi32, #tpu.memory_space<hbm>> -> memref<125xi32, #tpu.memory_space<hbm>>
        %dma_start3A_699 = arith.constant 0 : i32
        %dma_start3A_700 = tpu.memref_slice %arg4[%arg1, %add3A_695, %dma_start3A_699] : memref<16x160x125xi32, #tpu.memory_space<hbm>> -> memref<1x1x125xi32, #tpu.memory_space<hbm>>
        %dma_start3A_701 = tpu.memref_squeeze %dma_start3A_700 : memref<1x1x125xi32, #tpu.memory_space<hbm>> -> memref<125xi32, #tpu.memory_space<hbm>>
        tpu.enqueue_dma source(%dma_start3A_701 : memref<125xi32, #tpu.memory_space<hbm>>) target(%arg10 : memref<125xi32, #tpu.memory_space<vmem>>) target_semaphore(%arg27 : memref<!tpu.dma_semaphore, #tpu.memory_space<semaphore_mem>>)
      } else {
      }
      %mul3A_642 = arith.constant 4 : i32
      %mul3A_643 = arith.muli %scan3A_525, %mul3A_642 : i32
      %add3A_644 = arith.constant 3 : i32
      %add3A_645 = arith.addi %mul3A_643, %add3A_644 : i32
      %dma_wait3A_646 = arith.constant 0 : i32
      %dma_wait3A_647 = tpu.memref_slice %arg9[%add3A_645, %dma_wait3A_646] : memref<160x125xi32, #tpu.memory_space<vmem>> -> memref<1x125xi32, #tpu.memory_space<vmem>>
      %dma_wait3A_648 = tpu.memref_squeeze %dma_wait3A_647 : memref<1x125xi32, #tpu.memory_space<vmem>> -> memref<125xi32, #tpu.memory_space<vmem>>
      %dma_wait3A_649 = arith.constant 0 : i32
      %dma_wait3A_650 = arith.constant 0 : i32
      %dma_wait3A_651 = tpu.memref_slice %arg7[%arg0, %dma_wait3A_649, %dma_wait3A_650] : memref<2x10240x64xf32, #tpu.memory_space<hbm>> -> memref<1x10240x64xf32, #tpu.memory_space<hbm>>
      %dma_wait3A_652 = tpu.memref_squeeze %dma_wait3A_651 : memref<1x10240x64xf32, #tpu.memory_space<hbm>> -> memref<10240x64xf32, #tpu.memory_space<hbm>>
      %dma_wait3A_653 = arith.constant 0 : i32
      %dma_wait3A_654 = arith.constant 0 : i32
      %dma_wait3A_655 = tpu.memref_slice %dma_wait3A_652[%dma_wait3A_653, %dma_wait3A_654] : memref<10240x64xf32, #tpu.memory_space<hbm>> -> memref<10240x64xf32, #tpu.memory_space<hbm>>
      tpu.wait_indirect_dma semaphore(%arg26 : memref<!tpu.dma_semaphore, #tpu.memory_space<semaphore_mem>>) src(%dma_wait3A_655 : memref<10240x64xf32, #tpu.memory_space<hbm>>) dst(%arg17 : memref<125x64xf32, #tpu.memory_space<vmem>>)
      %dma_wait3A_656 = arith.constant 0 : i32
      %dma_wait3A_657 = arith.constant 0 : i32
      %dma_wait3A_658 = tpu.memref_slice %arg4[%arg1, %dma_wait3A_656, %dma_wait3A_657] : memref<16x160x125xi32, #tpu.memory_space<hbm>> -> memref<1x1x125xi32, #tpu.memory_space<hbm>>
      %dma_wait3A_659 = tpu.memref_squeeze %dma_wait3A_658 : memref<1x1x125xi32, #tpu.memory_space<hbm>> -> memref<125xi32, #tpu.memory_space<hbm>>
      %dma_wait3A_660 = arith.constant 0 : i32
      %dma_wait3A_661 = tpu.memref_slice %arg4[%arg1, %dma_wait3A_656, %dma_wait3A_660] : memref<16x160x125xi32, #tpu.memory_space<hbm>> -> memref<1x1x125xi32, #tpu.memory_space<hbm>>
      %dma_wait3A_662 = tpu.memref_squeeze %dma_wait3A_661 : memref<1x1x125xi32, #tpu.memory_space<hbm>> -> memref<125xi32, #tpu.memory_space<hbm>>
      tpu.wait_dma2 semaphore(%arg30 : memref<!tpu.dma_semaphore, #tpu.memory_space<semaphore_mem>>) src(%dma_wait3A_662 : memref<125xi32, #tpu.memory_space<hbm>>) dst(%arg13 : memref<125xi32, #tpu.memory_space<vmem>>)
      %dma_start3A_663 = arith.constant 0 : i32
      %dma_start3A_664 = arith.constant 0 : i32
      %dma_start3A_665 = tpu.memref_slice %arg22[%dma_start3A_663, %dma_start3A_664] : memref<10240x16xf32, #tpu.memory_space<vmem_shared>> -> memref<10240x16xf32, #tpu.memory_space<vmem_shared>>
      tpu.enqueue_indirect_dma source(%arg18 : memref<125x16xf32, #tpu.memory_space<vmem>>) target(%dma_start3A_665 : memref<10240x16xf32, #tpu.memory_space<vmem_shared>>) offsets(%arg13 : memref<125xi32, #tpu.memory_space<vmem>>) semaphore(%arg38 : memref<!tpu.dma_semaphore, #tpu.memory_space<semaphore_mem>>) {add = true}
      %dma_start3A_666 = arith.constant 0 : i32
      %dma_start3A_667 = arith.constant 0 : i32
      %dma_start3A_668 = tpu.memref_slice %arg21[%dma_start3A_666, %dma_start3A_667] : memref<10240x64xf32, #tpu.memory_space<vmem_shared>> -> memref<10240x64xf32, #tpu.memory_space<vmem_shared>>
      tpu.enqueue_indirect_dma source(%arg17 : memref<125x64xf32, #tpu.memory_space<vmem>>) target(%dma_start3A_668 : memref<10240x64xf32, #tpu.memory_space<vmem_shared>>) offsets(%arg13 : memref<125xi32, #tpu.memory_space<vmem>>) semaphore(%arg34 : memref<!tpu.dma_semaphore, #tpu.memory_space<semaphore_mem>>) {add = true}
      %ge3A_669 = arith.constant 2 : i32
      %ge3A_670 = arith.cmpi sge, %add3A_645, %ge3A_669 : i32
      %convert_element_type3A_671 = arith.extui %ge3A_670 : i1 to i32
      %cond3A_672 = arith.constant 0 : i32
      %cond3A_673 = arith.cmpi ne, %convert_element_type3A_671, %cond3A_672 : i32
      scf.if %cond3A_673 {
        %dma_wait3A_682 = arith.constant 0 : i32
        %dma_wait3A_683 = arith.constant 0 : i32
        %dma_wait3A_684 = tpu.memref_slice %arg21[%dma_wait3A_682, %dma_wait3A_683] : memref<10240x64xf32, #tpu.memory_space<vmem_shared>> -> memref<10240x64xf32, #tpu.memory_space<vmem_shared>>
        tpu.wait_indirect_dma semaphore(%arg32 : memref<!tpu.dma_semaphore, #tpu.memory_space<semaphore_mem>>) src(%arg15 : memref<125x64xf32, #tpu.memory_space<vmem>>) dst(%dma_wait3A_684 : memref<10240x64xf32, #tpu.memory_space<vmem_shared>>)
        %dma_wait3A_685 = arith.constant 0 : i32
        %dma_wait3A_686 = arith.constant 0 : i32
        %dma_wait3A_687 = tpu.memref_slice %arg22[%dma_wait3A_685, %dma_wait3A_686] : memref<10240x16xf32, #tpu.memory_space<vmem_shared>> -> memref<10240x16xf32, #tpu.memory_space<vmem_shared>>
        tpu.wait_indirect_dma semaphore(%arg36 : memref<!tpu.dma_semaphore, #tpu.memory_space<semaphore_mem>>) src(%arg18 : memref<125x16xf32, #tpu.memory_space<vmem>>) dst(%dma_wait3A_687 : memref<10240x16xf32, #tpu.memory_space<vmem_shared>>)
      } else {
      }
      %add3A_674 = arith.constant 2 : i32
      %add3A_675 = arith.addi %add3A_645, %add3A_674 : i32
      %lt3A_676 = arith.constant 160 : i32
      %lt3A_677 = arith.cmpi slt, %add3A_675, %lt3A_676 : i32
      %convert_element_type3A_678 = arith.extui %lt3A_677 : i1 to i32
      %cond3A_679 = arith.constant 0 : i32
      %cond3A_680 = arith.cmpi ne, %convert_element_type3A_678, %cond3A_679 : i32
      scf.if %cond3A_680 {
        %add3A_682 = arith.constant 2 : i32
        %add3A_683 = arith.addi %add3A_645, %add3A_682 : i32
        %dma_start3A_684 = arith.constant 0 : i32
        %dma_start3A_685 = tpu.memref_slice %arg9[%add3A_683, %dma_start3A_684] : memref<160x125xi32, #tpu.memory_space<vmem>> -> memref<1x125xi32, #tpu.memory_space<vmem>>
        %dma_start3A_686 = tpu.memref_squeeze %dma_start3A_685 : memref<1x125xi32, #tpu.memory_space<vmem>> -> memref<125xi32, #tpu.memory_space<vmem>>
        %dma_start3A_687 = arith.constant 0 : i32
        %dma_start3A_688 = arith.constant 0 : i32
        %dma_start3A_689 = tpu.memref_slice %arg7[%arg0, %dma_start3A_687, %dma_start3A_688] : memref<2x10240x64xf32, #tpu.memory_space<hbm>> -> memref<1x10240x64xf32, #tpu.memory_space<hbm>>
        %dma_start3A_690 = tpu.memref_squeeze %dma_start3A_689 : memref<1x10240x64xf32, #tpu.memory_space<hbm>> -> memref<10240x64xf32, #tpu.memory_space<hbm>>
        %dma_start3A_691 = arith.constant 0 : i32
        %dma_start3A_692 = arith.constant 0 : i32
        %dma_start3A_693 = tpu.memref_slice %dma_start3A_690[%dma_start3A_691, %dma_start3A_692] : memref<10240x64xf32, #tpu.memory_space<hbm>> -> memref<10240x64xf32, #tpu.memory_space<hbm>>
        tpu.enqueue_indirect_dma source(%dma_start3A_693 : memref<10240x64xf32, #tpu.memory_space<hbm>>) target(%arg15 : memref<125x64xf32, #tpu.memory_space<vmem>>) offsets(%dma_start3A_686 : memref<125xi32, #tpu.memory_space<vmem>>) semaphore(%arg24 : memref<!tpu.dma_semaphore, #tpu.memory_space<semaphore_mem>>)
        %add3A_694 = arith.constant 2 : i32
        %add3A_695 = arith.addi %add3A_645, %add3A_694 : i32
        %dma_start3A_696 = arith.constant 0 : i32
        %dma_start3A_697 = tpu.memref_slice %arg4[%arg1, %add3A_695, %dma_start3A_696] : memref<16x160x125xi32, #tpu.memory_space<hbm>> -> memref<1x1x125xi32, #tpu.memory_space<hbm>>
        %dma_start3A_698 = tpu.memref_squeeze %dma_start3A_697 : memref<1x1x125xi32, #tpu.memory_space<hbm>> -> memref<125xi32, #tpu.memory_space<hbm>>
        %dma_start3A_699 = arith.constant 0 : i32
        %dma_start3A_700 = tpu.memref_slice %arg4[%arg1, %add3A_695, %dma_start3A_699] : memref<16x160x125xi32, #tpu.memory_space<hbm>> -> memref<1x1x125xi32, #tpu.memory_space<hbm>>
        %dma_start3A_701 = tpu.memref_squeeze %dma_start3A_700 : memref<1x1x125xi32, #tpu.memory_space<hbm>> -> memref<125xi32, #tpu.memory_space<hbm>>
        tpu.enqueue_dma source(%dma_start3A_701 : memref<125xi32, #tpu.memory_space<hbm>>) target(%arg11 : memref<125xi32, #tpu.memory_space<vmem>>) target_semaphore(%arg28 : memref<!tpu.dma_semaphore, #tpu.memory_space<semaphore_mem>>)
      } else {
      }
      %scan3A_681 = arith.constant 0 : i32
      scf.yield %scan3A_681 : i32
    }
    %scan3A_152 = arith.constant 40 : i32
    %dma_wait3A = arith.constant 0 : i32
    %dma_wait3A_153 = arith.constant 0 : i32
    %dma_wait3A_154 = tpu.memref_slice %arg21[%dma_wait3A, %dma_wait3A_153] : memref<10240x64xf32, #tpu.memory_space<vmem_shared>> -> memref<10240x64xf32, #tpu.memory_space<vmem_shared>>
    tpu.wait_indirect_dma semaphore(%arg33 : memref<!tpu.dma_semaphore, #tpu.memory_space<semaphore_mem>>) src(%arg16 : memref<125x64xf32, #tpu.memory_space<vmem>>) dst(%dma_wait3A_154 : memref<10240x64xf32, #tpu.memory_space<vmem_shared>>)
    %dma_wait3A_155 = arith.constant 0 : i32
    %dma_wait3A_156 = arith.constant 0 : i32
    %dma_wait3A_157 = tpu.memref_slice %arg22[%dma_wait3A_155, %dma_wait3A_156] : memref<10240x16xf32, #tpu.memory_space<vmem_shared>> -> memref<10240x16xf32, #tpu.memory_space<vmem_shared>>
    tpu.wait_indirect_dma semaphore(%arg37 : memref<!tpu.dma_semaphore, #tpu.memory_space<semaphore_mem>>) src(%arg18 : memref<125x16xf32, #tpu.memory_space<vmem>>) dst(%dma_wait3A_157 : memref<10240x16xf32, #tpu.memory_space<vmem_shared>>)
    %dma_wait3A_158 = arith.constant 0 : i32
    %dma_wait3A_159 = arith.constant 0 : i32
    %dma_wait3A_160 = tpu.memref_slice %arg21[%dma_wait3A_158, %dma_wait3A_159] : memref<10240x64xf32, #tpu.memory_space<vmem_shared>> -> memref<10240x64xf32, #tpu.memory_space<vmem_shared>>
    tpu.wait_indirect_dma semaphore(%arg34 : memref<!tpu.dma_semaphore, #tpu.memory_space<semaphore_mem>>) src(%arg17 : memref<125x64xf32, #tpu.memory_space<vmem>>) dst(%dma_wait3A_160 : memref<10240x64xf32, #tpu.memory_space<vmem_shared>>)
    %dma_wait3A_161 = arith.constant 0 : i32
    %dma_wait3A_162 = arith.constant 0 : i32
    %dma_wait3A_163 = tpu.memref_slice %arg22[%dma_wait3A_161, %dma_wait3A_162] : memref<10240x16xf32, #tpu.memory_space<vmem_shared>> -> memref<10240x16xf32, #tpu.memory_space<vmem_shared>>
    tpu.wait_indirect_dma semaphore(%arg38 : memref<!tpu.dma_semaphore, #tpu.memory_space<semaphore_mem>>) src(%arg18 : memref<125x16xf32, #tpu.memory_space<vmem>>) dst(%dma_wait3A_163 : memref<10240x16xf32, #tpu.memory_space<vmem_shared>>)
    %barrier3A_164 = arith.constant 0 : index
    tpu.barrier barrier_id(%barrier3A_164)
    %mul3A_165 = arith.constant 640 : i32
    %mul3A_166 = arith.muli %arg1, %mul3A_165 : i32
    %add3A_167 = arith.constant 0 : i32
    %add3A_168 = arith.addi %mul3A_166, %add3A_167 : i32
    "tpu.region"() ({
      %run_scoped3A = tpu.sem_alloc : memref<!tpu.dma_semaphore, #tpu.memory_space<semaphore_mem>>
      %dma_start3A_525 = arith.constant 0 : i32
      %dma_start3A_526 = tpu.memref_slice %arg21[%add3A_168, %dma_start3A_525] : memref<10240x64xf32, #tpu.memory_space<vmem_shared>> -> memref<128x64xf32, #tpu.memory_space<vmem_shared>>
      %dma_start3A_527 = arith.constant 0 : i32
      %dma_start3A_528 = tpu.memref_slice %arg21[%add3A_168, %dma_start3A_527] : memref<10240x64xf32, #tpu.memory_space<vmem_shared>> -> memref<128x64xf32, #tpu.memory_space<vmem_shared>>
      tpu.enqueue_dma source(%dma_start3A_528 : memref<128x64xf32, #tpu.memory_space<vmem_shared>>) target(%arg19 : memref<128x64xf32, #tpu.memory_space<vmem>>) target_semaphore(%run_scoped3A : memref<!tpu.dma_semaphore, #tpu.memory_space<semaphore_mem>>)
      %dma_wait3A_529 = arith.constant 0 : i32
      %dma_wait3A_530 = tpu.memref_slice %arg21[%add3A_168, %dma_wait3A_529] : memref<10240x64xf32, #tpu.memory_space<vmem_shared>> -> memref<128x64xf32, #tpu.memory_space<vmem_shared>>
      %dma_wait3A_531 = arith.constant 0 : i32
      %dma_wait3A_532 = tpu.memref_slice %arg21[%add3A_168, %dma_wait3A_531] : memref<10240x64xf32, #tpu.memory_space<vmem_shared>> -> memref<128x64xf32, #tpu.memory_space<vmem_shared>>
      tpu.wait_dma2 semaphore(%run_scoped3A : memref<!tpu.dma_semaphore, #tpu.memory_space<semaphore_mem>>) src(%dma_wait3A_532 : memref<128x64xf32, #tpu.memory_space<vmem_shared>>) dst(%arg19 : memref<128x64xf32, #tpu.memory_space<vmem>>)
      tpu.yield
    }) : () -> ()
    "tpu.region"() ({
      %run_scoped3A = tpu.sem_alloc : memref<!tpu.dma_semaphore, #tpu.memory_space<semaphore_mem>>
      %dma_start3A_525 = arith.constant 0 : i32
      %dma_start3A_526 = tpu.memref_slice %arg22[%add3A_168, %dma_start3A_525] : memref<10240x16xf32, #tpu.memory_space<vmem_shared>> -> memref<128x16xf32, #tpu.memory_space<vmem_shared>>
      %dma_start3A_527 = arith.constant 0 : i32
      %dma_start3A_528 = tpu.memref_slice %arg22[%add3A_168, %dma_start3A_527] : memref<10240x16xf32, #tpu.memory_space<vmem_shared>> -> memref<128x16xf32, #tpu.memory_space<vmem_shared>>
      tpu.enqueue_dma source(%dma_start3A_528 : memref<128x16xf32, #tpu.memory_space<vmem_shared>>) target(%arg20 : memref<128x16xf32, #tpu.memory_space<vmem>>) target_semaphore(%run_scoped3A : memref<!tpu.dma_semaphore, #tpu.memory_space<semaphore_mem>>)
      %dma_wait3A_529 = arith.constant 0 : i32
      %dma_wait3A_530 = tpu.memref_slice %arg22[%add3A_168, %dma_wait3A_529] : memref<10240x16xf32, #tpu.memory_space<vmem_shared>> -> memref<128x16xf32, #tpu.memory_space<vmem_shared>>
      %dma_wait3A_531 = arith.constant 0 : i32
      %dma_wait3A_532 = tpu.memref_slice %arg22[%add3A_168, %dma_wait3A_531] : memref<10240x16xf32, #tpu.memory_space<vmem_shared>> -> memref<128x16xf32, #tpu.memory_space<vmem_shared>>
      tpu.wait_dma2 semaphore(%run_scoped3A : memref<!tpu.dma_semaphore, #tpu.memory_space<semaphore_mem>>) src(%dma_wait3A_532 : memref<128x16xf32, #tpu.memory_space<vmem_shared>>) dst(%arg20 : memref<128x16xf32, #tpu.memory_space<vmem>>)
      tpu.yield
    }) : () -> ()
    %scan3A_169 = arith.constant 0 : i32
    %scan3A_170 = arith.constant 0 : i32
    %scan3A_171 = arith.constant 128 : i32
    %scan3A_172 = arith.addi %scan3A_170, %scan3A_171 : i32
    %scan3A_173 = arith.constant 1 : i32
    %scan3A_174 = scf.for %scan3A_525 = %scan3A_170 to %scan3A_172 step %scan3A_173 iter_args(%scan3A_526 = %scan3A_169) -> (i32)  : i32 {
      %get3A = arith.index_cast %scan3A_525 : i32 to index
      %get3A_527 = arith.constant 0 : index
      %get3A_528 = tpu.vector_load %arg20[%get3A, %get3A_527] {strides = array<i32>} : memref<128x16xf32, #tpu.memory_space<vmem>>, vector<1x16xf32>,
      %get3A_529 = vector.shape_cast %get3A_528 : vector<1x16xf32> to vector<16xf32>
      %max3A = arith.constant 1.000000e+00 : f32
      %max3A_530 = vector.broadcast %max3A : f32 to vector<16xf32>
      %max3A_531 = arith.maximumf %get3A_529, %max3A_530 : vector<16xf32>
      %div3A_532 = arith.constant 1.000000e+00 : f32
      %div3A_533 = vector.broadcast %div3A_532 : f32 to vector<16xf32>
      %div3A_534 = arith.divf %div3A_533, %max3A_531 : vector<16xf32>
      %get3A_535 = arith.index_cast %scan3A_525 : i32 to index
      %get3A_536 = arith.constant 0 : index
      %get3A_537 = tpu.vector_load %arg19[%get3A_535, %get3A_536] {strides = array<i32>} : memref<128x64xf32, #tpu.memory_space<vmem>>, vector<1x16xf32>,
      %get3A_538 = vector.shape_cast %get3A_537 : vector<1x16xf32> to vector<16xf32>
      %mul3A_539 = arith.mulf %get3A_538, %div3A_534 : vector<16xf32>
      %swap3A = arith.index_cast %scan3A_525 : i32 to index
      %swap3A_540 = arith.constant 0 : index
      %swap3A_541 = tpu.vector_load %arg19[%swap3A, %swap3A_540] {strides = array<i32>} : memref<128x64xf32, #tpu.memory_space<vmem>>, vector<1x16xf32>,
      %swap3A_542 = vector.shape_cast %swap3A_541 : vector<1x16xf32> to vector<16xf32>
      %swap3A_543 = vector.shape_cast %mul3A_539 : vector<16xf32> to vector<1x16xf32>
      tpu.vector_store %arg19[%swap3A, %swap3A_540], %swap3A_543 {strides = array<i32>} : memref<128x64xf32, #tpu.memory_space<vmem>>, vector<1x16xf32>,
      %get3A_544 = arith.index_cast %scan3A_525 : i32 to index
      %get3A_545 = arith.constant 16 : index
      %get3A_546 = tpu.vector_load %arg19[%get3A_544, %get3A_545] {strides = array<i32>} : memref<128x64xf32, #tpu.memory_space<vmem>>, vector<1x16xf32>,
      %get3A_547 = vector.shape_cast %get3A_546 : vector<1x16xf32> to vector<16xf32>
      %mul3A_548 = arith.mulf %get3A_547, %div3A_534 : vector<16xf32>
      %swap3A_549 = arith.index_cast %scan3A_525 : i32 to index
      %swap3A_550 = arith.constant 16 : index
      %swap3A_551 = tpu.vector_load %arg19[%swap3A_549, %swap3A_550] {strides = array<i32>} : memref<128x64xf32, #tpu.memory_space<vmem>>, vector<1x16xf32>,
      %swap3A_552 = vector.shape_cast %swap3A_551 : vector<1x16xf32> to vector<16xf32>
      %swap3A_553 = vector.shape_cast %mul3A_548 : vector<16xf32> to vector<1x16xf32>
      tpu.vector_store %arg19[%swap3A_549, %swap3A_550], %swap3A_553 {strides = array<i32>} : memref<128x64xf32, #tpu.memory_space<vmem>>, vector<1x16xf32>,
      %get3A_554 = arith.index_cast %scan3A_525 : i32 to index
      %get3A_555 = arith.constant 32 : index
      %get3A_556 = tpu.vector_load %arg19[%get3A_554, %get3A_555] {strides = array<i32>} : memref<128x64xf32, #tpu.memory_space<vmem>>, vector<1x16xf32>,
      %get3A_557 = vector.shape_cast %get3A_556 : vector<1x16xf32> to vector<16xf32>
      %mul3A_558 = arith.mulf %get3A_557, %div3A_534 : vector<16xf32>
      %swap3A_559 = arith.index_cast %scan3A_525 : i32 to index
      %swap3A_560 = arith.constant 32 : index
      %swap3A_561 = tpu.vector_load %arg19[%swap3A_559, %swap3A_560] {strides = array<i32>} : memref<128x64xf32, #tpu.memory_space<vmem>>, vector<1x16xf32>,
      %swap3A_562 = vector.shape_cast %swap3A_561 : vector<1x16xf32> to vector<16xf32>
      %swap3A_563 = vector.shape_cast %mul3A_558 : vector<16xf32> to vector<1x16xf32>
      tpu.vector_store %arg19[%swap3A_559, %swap3A_560], %swap3A_563 {strides = array<i32>} : memref<128x64xf32, #tpu.memory_space<vmem>>, vector<1x16xf32>,
      %get3A_564 = arith.index_cast %scan3A_525 : i32 to index
      %get3A_565 = arith.constant 48 : index
      %get3A_566 = tpu.vector_load %arg19[%get3A_564, %get3A_565] {strides = array<i32>} : memref<128x64xf32, #tpu.memory_space<vmem>>, vector<1x16xf32>,
      %get3A_567 = vector.shape_cast %get3A_566 : vector<1x16xf32> to vector<16xf32>
      %mul3A_568 = arith.mulf %get3A_567, %div3A_534 : vector<16xf32>
      %swap3A_569 = arith.index_cast %scan3A_525 : i32 to index
      %swap3A_570 = arith.constant 48 : index
      %swap3A_571 = tpu.vector_load %arg19[%swap3A_569, %swap3A_570] {strides = array<i32>} : memref<128x64xf32, #tpu.memory_space<vmem>>, vector<1x16xf32>,
      %swap3A_572 = vector.shape_cast %swap3A_571 : vector<1x16xf32> to vector<16xf32>
      %swap3A_573 = vector.shape_cast %mul3A_568 : vector<16xf32> to vector<1x16xf32>
      tpu.vector_store %arg19[%swap3A_569, %swap3A_570], %swap3A_573 {strides = array<i32>} : memref<128x64xf32, #tpu.memory_space<vmem>>, vector<1x16xf32>,
      %scan3A_574 = arith.constant 0 : i32
      scf.yield %scan3A_574 : i32
    }
    %scan3A_175 = arith.constant 128 : i32
    "tpu.region"() ({
      %run_scoped3A = tpu.sem_alloc : memref<!tpu.dma_semaphore, #tpu.memory_space<semaphore_mem>>
      %dma_start3A_525 = arith.constant 0 : i32
      %dma_start3A_526 = arith.constant 0 : i32
      %dma_start3A_527 = tpu.memref_slice %arg7[%arg0, %dma_start3A_525, %dma_start3A_526] : memref<2x10240x64xf32, #tpu.memory_space<hbm>> -> memref<1x10240x64xf32, #tpu.memory_space<hbm>>
      %dma_start3A_528 = tpu.memref_squeeze %dma_start3A_527 : memref<1x10240x64xf32, #tpu.memory_space<hbm>> -> memref<10240x64xf32, #tpu.memory_space<hbm>>
      %dma_start3A_529 = arith.constant 0 : i32
      %dma_start3A_530 = tpu.memref_slice %dma_start3A_528[%add3A_168, %dma_start3A_529] : memref<10240x64xf32, #tpu.memory_space<hbm>> -> memref<128x64xf32, #tpu.memory_space<hbm>>
      %dma_start3A_531 = arith.constant 0 : i32
      %dma_start3A_532 = arith.constant 0 : i32
      %dma_start3A_533 = tpu.memref_slice %arg7[%arg0, %dma_start3A_531, %dma_start3A_532] : memref<2x10240x64xf32, #tpu.memory_space<hbm>> -> memref<1x10240x64xf32, #tpu.memory_space<hbm>>
      %dma_start3A_534 = tpu.memref_squeeze %dma_start3A_533 : memref<1x10240x64xf32, #tpu.memory_space<hbm>> -> memref<10240x64xf32, #tpu.memory_space<hbm>>
      %dma_start3A_535 = arith.constant 0 : i32
      %dma_start3A_536 = tpu.memref_slice %dma_start3A_534[%add3A_168, %dma_start3A_535] : memref<10240x64xf32, #tpu.memory_space<hbm>> -> memref<128x64xf32, #tpu.memory_space<hbm>>
      tpu.enqueue_dma source(%arg19 : memref<128x64xf32, #tpu.memory_space<vmem>>) target(%dma_start3A_536 : memref<128x64xf32, #tpu.memory_space<hbm>>) target_semaphore(%run_scoped3A : memref<!tpu.dma_semaphore, #tpu.memory_space<semaphore_mem>>)
      %dma_wait3A_537 = arith.constant 0 : i32
      %dma_wait3A_538 = arith.constant 0 : i32
      %dma_wait3A_539 = tpu.memref_slice %arg7[%arg0, %dma_wait3A_537, %dma_wait3A_538] : memref<2x10240x64xf32, #tpu.memory_space<hbm>> -> memref<1x10240x64xf32, #tpu.memory_space<hbm>>
      %dma_wait3A_540 = tpu.memref_squeeze %dma_wait3A_539 : memref<1x10240x64xf32, #tpu.memory_space<hbm>> -> memref<10240x64xf32, #tpu.memory_space<hbm>>
      %dma_wait3A_541 = arith.constant 0 : i32
      %dma_wait3A_542 = tpu.memref_slice %dma_wait3A_540[%add3A_168, %dma_wait3A_541] : memref<10240x64xf32, #tpu.memory_space<hbm>> -> memref<128x64xf32, #tpu.memory_space<hbm>>
      %dma_wait3A_543 = arith.constant 0 : i32
      %dma_wait3A_544 = arith.constant 0 : i32
      %dma_wait3A_545 = tpu.memref_slice %arg7[%arg0, %dma_wait3A_543, %dma_wait3A_544] : memref<2x10240x64xf32, #tpu.memory_space<hbm>> -> memref<1x10240x64xf32, #tpu.memory_space<hbm>>
      %dma_wait3A_546 = tpu.memref_squeeze %dma_wait3A_545 : memref<1x10240x64xf32, #tpu.memory_space<hbm>> -> memref<10240x64xf32, #tpu.memory_space<hbm>>
      %dma_wait3A_547 = arith.constant 0 : i32
      %dma_wait3A_548 = tpu.memref_slice %dma_wait3A_546[%add3A_168, %dma_wait3A_547] : memref<10240x64xf32, #tpu.memory_space<hbm>> -> memref<128x64xf32, #tpu.memory_space<hbm>>
      tpu.wait_dma2 semaphore(%run_scoped3A : memref<!tpu.dma_semaphore, #tpu.memory_space<semaphore_mem>>) src(%arg19 : memref<128x64xf32, #tpu.memory_space<vmem>>) dst(%dma_wait3A_548 : memref<128x64xf32, #tpu.memory_space<hbm>>)
      tpu.yield
    }) : () -> ()
    %mul3A_176 = arith.constant 640 : i32
    %mul3A_177 = arith.muli %arg1, %mul3A_176 : i32
    %add3A_178 = arith.constant 128 : i32
    %add3A_179 = arith.addi %mul3A_177, %add3A_178 : i32
    "tpu.region"() ({
      %run_scoped3A = tpu.sem_alloc : memref<!tpu.dma_semaphore, #tpu.memory_space<semaphore_mem>>
      %dma_start3A_525 = arith.constant 0 : i32
      %dma_start3A_526 = tpu.memref_slice %arg21[%add3A_179, %dma_start3A_525] : memref<10240x64xf32, #tpu.memory_space<vmem_shared>> -> memref<128x64xf32, #tpu.memory_space<vmem_shared>>
      %dma_start3A_527 = arith.constant 0 : i32
      %dma_start3A_528 = tpu.memref_slice %arg21[%add3A_179, %dma_start3A_527] : memref<10240x64xf32, #tpu.memory_space<vmem_shared>> -> memref<128x64xf32, #tpu.memory_space<vmem_shared>>
      tpu.enqueue_dma source(%dma_start3A_528 : memref<128x64xf32, #tpu.memory_space<vmem_shared>>) target(%arg19 : memref<128x64xf32, #tpu.memory_space<vmem>>) target_semaphore(%run_scoped3A : memref<!tpu.dma_semaphore, #tpu.memory_space<semaphore_mem>>)
      %dma_wait3A_529 = arith.constant 0 : i32
      %dma_wait3A_530 = tpu.memref_slice %arg21[%add3A_179, %dma_wait3A_529] : memref<10240x64xf32, #tpu.memory_space<vmem_shared>> -> memref<128x64xf32, #tpu.memory_space<vmem_shared>>
      %dma_wait3A_531 = arith.constant 0 : i32
      %dma_wait3A_532 = tpu.memref_slice %arg21[%add3A_179, %dma_wait3A_531] : memref<10240x64xf32, #tpu.memory_space<vmem_shared>> -> memref<128x64xf32, #tpu.memory_space<vmem_shared>>
      tpu.wait_dma2 semaphore(%run_scoped3A : memref<!tpu.dma_semaphore, #tpu.memory_space<semaphore_mem>>) src(%dma_wait3A_532 : memref<128x64xf32, #tpu.memory_space<vmem_shared>>) dst(%arg19 : memref<128x64xf32, #tpu.memory_space<vmem>>)
      tpu.yield
    }) : () -> ()
    "tpu.region"() ({
      %run_scoped3A = tpu.sem_alloc : memref<!tpu.dma_semaphore, #tpu.memory_space<semaphore_mem>>
      %dma_start3A_525 = arith.constant 0 : i32
      %dma_start3A_526 = tpu.memref_slice %arg22[%add3A_179, %dma_start3A_525] : memref<10240x16xf32, #tpu.memory_space<vmem_shared>> -> memref<128x16xf32, #tpu.memory_space<vmem_shared>>
      %dma_start3A_527 = arith.constant 0 : i32
      %dma_start3A_528 = tpu.memref_slice %arg22[%add3A_179, %dma_start3A_527] : memref<10240x16xf32, #tpu.memory_space<vmem_shared>> -> memref<128x16xf32, #tpu.memory_space<vmem_shared>>
      tpu.enqueue_dma source(%dma_start3A_528 : memref<128x16xf32, #tpu.memory_space<vmem_shared>>) target(%arg20 : memref<128x16xf32, #tpu.memory_space<vmem>>) target_semaphore(%run_scoped3A : memref<!tpu.dma_semaphore, #tpu.memory_space<semaphore_mem>>)
      %dma_wait3A_529 = arith.constant 0 : i32
      %dma_wait3A_530 = tpu.memref_slice %arg22[%add3A_179, %dma_wait3A_529] : memref<10240x16xf32, #tpu.memory_space<vmem_shared>> -> memref<128x16xf32, #tpu.memory_space<vmem_shared>>
      %dma_wait3A_531 = arith.constant 0 : i32
      %dma_wait3A_532 = tpu.memref_slice %arg22[%add3A_179, %dma_wait3A_531] : memref<10240x16xf32, #tpu.memory_space<vmem_shared>> -> memref<128x16xf32, #tpu.memory_space<vmem_shared>>
      tpu.wait_dma2 semaphore(%run_scoped3A : memref<!tpu.dma_semaphore, #tpu.memory_space<semaphore_mem>>) src(%dma_wait3A_532 : memref<128x16xf32, #tpu.memory_space<vmem_shared>>) dst(%arg20 : memref<128x16xf32, #tpu.memory_space<vmem>>)
      tpu.yield
    }) : () -> ()
    %scan3A_180 = arith.constant 0 : i32
    %scan3A_181 = arith.constant 0 : i32
    %scan3A_182 = arith.constant 128 : i32
    %scan3A_183 = arith.addi %scan3A_181, %scan3A_182 : i32
    %scan3A_184 = arith.constant 1 : i32
    %scan3A_185 = scf.for %scan3A_525 = %scan3A_181 to %scan3A_183 step %scan3A_184 iter_args(%scan3A_526 = %scan3A_180) -> (i32)  : i32 {
      %get3A = arith.index_cast %scan3A_525 : i32 to index
      %get3A_527 = arith.constant 0 : index
      %get3A_528 = tpu.vector_load %arg20[%get3A, %get3A_527] {strides = array<i32>} : memref<128x16xf32, #tpu.memory_space<vmem>>, vector<1x16xf32>,
      %get3A_529 = vector.shape_cast %get3A_528 : vector<1x16xf32> to vector<16xf32>
      %max3A = arith.constant 1.000000e+00 : f32
      %max3A_530 = vector.broadcast %max3A : f32 to vector<16xf32>
      %max3A_531 = arith.maximumf %get3A_529, %max3A_530 : vector<16xf32>
      %div3A_532 = arith.constant 1.000000e+00 : f32
      %div3A_533 = vector.broadcast %div3A_532 : f32 to vector<16xf32>
      %div3A_534 = arith.divf %div3A_533, %max3A_531 : vector<16xf32>
      %get3A_535 = arith.index_cast %scan3A_525 : i32 to index
      %get3A_536 = arith.constant 0 : index
      %get3A_537 = tpu.vector_load %arg19[%get3A_535, %get3A_536] {strides = array<i32>} : memref<128x64xf32, #tpu.memory_space<vmem>>, vector<1x16xf32>,
      %get3A_538 = vector.shape_cast %get3A_537 : vector<1x16xf32> to vector<16xf32>
      %mul3A_539 = arith.mulf %get3A_538, %div3A_534 : vector<16xf32>
      %swap3A = arith.index_cast %scan3A_525 : i32 to index
      %swap3A_540 = arith.constant 0 : index
      %swap3A_541 = tpu.vector_load %arg19[%swap3A, %swap3A_540] {strides = array<i32>} : memref<128x64xf32, #tpu.memory_space<vmem>>, vector<1x16xf32>,
      %swap3A_542 = vector.shape_cast %swap3A_541 : vector<1x16xf32> to vector<16xf32>
      %swap3A_543 = vector.shape_cast %mul3A_539 : vector<16xf32> to vector<1x16xf32>
      tpu.vector_store %arg19[%swap3A, %swap3A_540], %swap3A_543 {strides = array<i32>} : memref<128x64xf32, #tpu.memory_space<vmem>>, vector<1x16xf32>,
      %get3A_544 = arith.index_cast %scan3A_525 : i32 to index
      %get3A_545 = arith.constant 16 : index
      %get3A_546 = tpu.vector_load %arg19[%get3A_544, %get3A_545] {strides = array<i32>} : memref<128x64xf32, #tpu.memory_space<vmem>>, vector<1x16xf32>,
      %get3A_547 = vector.shape_cast %get3A_546 : vector<1x16xf32> to vector<16xf32>
      %mul3A_548 = arith.mulf %get3A_547, %div3A_534 : vector<16xf32>
      %swap3A_549 = arith.index_cast %scan3A_525 : i32 to index
      %swap3A_550 = arith.constant 16 : index
      %swap3A_551 = tpu.vector_load %arg19[%swap3A_549, %swap3A_550] {strides = array<i32>} : memref<128x64xf32, #tpu.memory_space<vmem>>, vector<1x16xf32>,
      %swap3A_552 = vector.shape_cast %swap3A_551 : vector<1x16xf32> to vector<16xf32>
      %swap3A_553 = vector.shape_cast %mul3A_548 : vector<16xf32> to vector<1x16xf32>
      tpu.vector_store %arg19[%swap3A_549, %swap3A_550], %swap3A_553 {strides = array<i32>} : memref<128x64xf32, #tpu.memory_space<vmem>>, vector<1x16xf32>,
      %get3A_554 = arith.index_cast %scan3A_525 : i32 to index
      %get3A_555 = arith.constant 32 : index
      %get3A_556 = tpu.vector_load %arg19[%get3A_554, %get3A_555] {strides = array<i32>} : memref<128x64xf32, #tpu.memory_space<vmem>>, vector<1x16xf32>,
      %get3A_557 = vector.shape_cast %get3A_556 : vector<1x16xf32> to vector<16xf32>
      %mul3A_558 = arith.mulf %get3A_557, %div3A_534 : vector<16xf32>
      %swap3A_559 = arith.index_cast %scan3A_525 : i32 to index
      %swap3A_560 = arith.constant 32 : index
      %swap3A_561 = tpu.vector_load %arg19[%swap3A_559, %swap3A_560] {strides = array<i32>} : memref<128x64xf32, #tpu.memory_space<vmem>>, vector<1x16xf32>,
      %swap3A_562 = vector.shape_cast %swap3A_561 : vector<1x16xf32> to vector<16xf32>
      %swap3A_563 = vector.shape_cast %mul3A_558 : vector<16xf32> to vector<1x16xf32>
      tpu.vector_store %arg19[%swap3A_559, %swap3A_560], %swap3A_563 {strides = array<i32>} : memref<128x64xf32, #tpu.memory_space<vmem>>, vector<1x16xf32>,
      %get3A_564 = arith.index_cast %scan3A_525 : i32 to index
      %get3A_565 = arith.constant 48 : index
      %get3A_566 = tpu.vector_load %arg19[%get3A_564, %get3A_565] {strides = array<i32>} : memref<128x64xf32, #tpu.memory_space<vmem>>, vector<1x16xf32>,
      %get3A_567 = vector.shape_cast %get3A_566 : vector<1x16xf32> to vector<16xf32>
      %mul3A_568 = arith.mulf %get3A_567, %div3A_534 : vector<16xf32>
      %swap3A_569 = arith.index_cast %scan3A_525 : i32 to index
      %swap3A_570 = arith.constant 48 : index
      %swap3A_571 = tpu.vector_load %arg19[%swap3A_569, %swap3A_570] {strides = array<i32>} : memref<128x64xf32, #tpu.memory_space<vmem>>, vector<1x16xf32>,
      %swap3A_572 = vector.shape_cast %swap3A_571 : vector<1x16xf32> to vector<16xf32>
      %swap3A_573 = vector.shape_cast %mul3A_568 : vector<16xf32> to vector<1x16xf32>
      tpu.vector_store %arg19[%swap3A_569, %swap3A_570], %swap3A_573 {strides = array<i32>} : memref<128x64xf32, #tpu.memory_space<vmem>>, vector<1x16xf32>,
      %scan3A_574 = arith.constant 0 : i32
      scf.yield %scan3A_574 : i32
    }
    %scan3A_186 = arith.constant 128 : i32
    "tpu.region"() ({
      %run_scoped3A = tpu.sem_alloc : memref<!tpu.dma_semaphore, #tpu.memory_space<semaphore_mem>>
      %dma_start3A_525 = arith.constant 0 : i32
      %dma_start3A_526 = arith.constant 0 : i32
      %dma_start3A_527 = tpu.memref_slice %arg7[%arg0, %dma_start3A_525, %dma_start3A_526] : memref<2x10240x64xf32, #tpu.memory_space<hbm>> -> memref<1x10240x64xf32, #tpu.memory_space<hbm>>
      %dma_start3A_528 = tpu.memref_squeeze %dma_start3A_527 : memref<1x10240x64xf32, #tpu.memory_space<hbm>> -> memref<10240x64xf32, #tpu.memory_space<hbm>>
      %dma_start3A_529 = arith.constant 0 : i32
      %dma_start3A_530 = tpu.memref_slice %dma_start3A_528[%add3A_179, %dma_start3A_529] : memref<10240x64xf32, #tpu.memory_space<hbm>> -> memref<128x64xf32, #tpu.memory_space<hbm>>
      %dma_start3A_531 = arith.constant 0 : i32
      %dma_start3A_532 = arith.constant 0 : i32
      %dma_start3A_533 = tpu.memref_slice %arg7[%arg0, %dma_start3A_531, %dma_start3A_532] : memref<2x10240x64xf32, #tpu.memory_space<hbm>> -> memref<1x10240x64xf32, #tpu.memory_space<hbm>>
      %dma_start3A_534 = tpu.memref_squeeze %dma_start3A_533 : memref<1x10240x64xf32, #tpu.memory_space<hbm>> -> memref<10240x64xf32, #tpu.memory_space<hbm>>
      %dma_start3A_535 = arith.constant 0 : i32
      %dma_start3A_536 = tpu.memref_slice %dma_start3A_534[%add3A_179, %dma_start3A_535] : memref<10240x64xf32, #tpu.memory_space<hbm>> -> memref<128x64xf32, #tpu.memory_space<hbm>>
      tpu.enqueue_dma source(%arg19 : memref<128x64xf32, #tpu.memory_space<vmem>>) target(%dma_start3A_536 : memref<128x64xf32, #tpu.memory_space<hbm>>) target_semaphore(%run_scoped3A : memref<!tpu.dma_semaphore, #tpu.memory_space<semaphore_mem>>)
      %dma_wait3A_537 = arith.constant 0 : i32
      %dma_wait3A_538 = arith.constant 0 : i32
      %dma_wait3A_539 = tpu.memref_slice %arg7[%arg0, %dma_wait3A_537, %dma_wait3A_538] : memref<2x10240x64xf32, #tpu.memory_space<hbm>> -> memref<1x10240x64xf32, #tpu.memory_space<hbm>>
      %dma_wait3A_540 = tpu.memref_squeeze %dma_wait3A_539 : memref<1x10240x64xf32, #tpu.memory_space<hbm>> -> memref<10240x64xf32, #tpu.memory_space<hbm>>
      %dma_wait3A_541 = arith.constant 0 : i32
      %dma_wait3A_542 = tpu.memref_slice %dma_wait3A_540[%add3A_179, %dma_wait3A_541] : memref<10240x64xf32, #tpu.memory_space<hbm>> -> memref<128x64xf32, #tpu.memory_space<hbm>>
      %dma_wait3A_543 = arith.constant 0 : i32
      %dma_wait3A_544 = arith.constant 0 : i32
      %dma_wait3A_545 = tpu.memref_slice %arg7[%arg0, %dma_wait3A_543, %dma_wait3A_544] : memref<2x10240x64xf32, #tpu.memory_space<hbm>> -> memref<1x10240x64xf32, #tpu.memory_space<hbm>>
      %dma_wait3A_546 = tpu.memref_squeeze %dma_wait3A_545 : memref<1x10240x64xf32, #tpu.memory_space<hbm>> -> memref<10240x64xf32, #tpu.memory_space<hbm>>
      %dma_wait3A_547 = arith.constant 0 : i32
      %dma_wait3A_548 = tpu.memref_slice %dma_wait3A_546[%add3A_179, %dma_wait3A_547] : memref<10240x64xf32, #tpu.memory_space<hbm>> -> memref<128x64xf32, #tpu.memory_space<hbm>>
      tpu.wait_dma2 semaphore(%run_scoped3A : memref<!tpu.dma_semaphore, #tpu.memory_space<semaphore_mem>>) src(%arg19 : memref<128x64xf32, #tpu.memory_space<vmem>>) dst(%dma_wait3A_548 : memref<128x64xf32, #tpu.memory_space<hbm>>)
      tpu.yield
    }) : () -> ()
    %mul3A_187 = arith.constant 640 : i32
    %mul3A_188 = arith.muli %arg1, %mul3A_187 : i32
    %add3A_189 = arith.constant 256 : i32
    %add3A_190 = arith.addi %mul3A_188, %add3A_189 : i32
    "tpu.region"() ({
      %run_scoped3A = tpu.sem_alloc : memref<!tpu.dma_semaphore, #tpu.memory_space<semaphore_mem>>
      %dma_start3A_525 = arith.constant 0 : i32
      %dma_start3A_526 = tpu.memref_slice %arg21[%add3A_190, %dma_start3A_525] : memref<10240x64xf32, #tpu.memory_space<vmem_shared>> -> memref<128x64xf32, #tpu.memory_space<vmem_shared>>
      %dma_start3A_527 = arith.constant 0 : i32
      %dma_start3A_528 = tpu.memref_slice %arg21[%add3A_190, %dma_start3A_527] : memref<10240x64xf32, #tpu.memory_space<vmem_shared>> -> memref<128x64xf32, #tpu.memory_space<vmem_shared>>
      tpu.enqueue_dma source(%dma_start3A_528 : memref<128x64xf32, #tpu.memory_space<vmem_shared>>) target(%arg19 : memref<128x64xf32, #tpu.memory_space<vmem>>) target_semaphore(%run_scoped3A : memref<!tpu.dma_semaphore, #tpu.memory_space<semaphore_mem>>)
      %dma_wait3A_529 = arith.constant 0 : i32
      %dma_wait3A_530 = tpu.memref_slice %arg21[%add3A_190, %dma_wait3A_529] : memref<10240x64xf32, #tpu.memory_space<vmem_shared>> -> memref<128x64xf32, #tpu.memory_space<vmem_shared>>
      %dma_wait3A_531 = arith.constant 0 : i32
      %dma_wait3A_532 = tpu.memref_slice %arg21[%add3A_190, %dma_wait3A_531] : memref<10240x64xf32, #tpu.memory_space<vmem_shared>> -> memref<128x64xf32, #tpu.memory_space<vmem_shared>>
      tpu.wait_dma2 semaphore(%run_scoped3A : memref<!tpu.dma_semaphore, #tpu.memory_space<semaphore_mem>>) src(%dma_wait3A_532 : memref<128x64xf32, #tpu.memory_space<vmem_shared>>) dst(%arg19 : memref<128x64xf32, #tpu.memory_space<vmem>>)
      tpu.yield
    }) : () -> ()
    "tpu.region"() ({
      %run_scoped3A = tpu.sem_alloc : memref<!tpu.dma_semaphore, #tpu.memory_space<semaphore_mem>>
      %dma_start3A_525 = arith.constant 0 : i32
      %dma_start3A_526 = tpu.memref_slice %arg22[%add3A_190, %dma_start3A_525] : memref<10240x16xf32, #tpu.memory_space<vmem_shared>> -> memref<128x16xf32, #tpu.memory_space<vmem_shared>>
      %dma_start3A_527 = arith.constant 0 : i32
      %dma_start3A_528 = tpu.memref_slice %arg22[%add3A_190, %dma_start3A_527] : memref<10240x16xf32, #tpu.memory_space<vmem_shared>> -> memref<128x16xf32, #tpu.memory_space<vmem_shared>>
      tpu.enqueue_dma source(%dma_start3A_528 : memref<128x16xf32, #tpu.memory_space<vmem_shared>>) target(%arg20 : memref<128x16xf32, #tpu.memory_space<vmem>>) target_semaphore(%run_scoped3A : memref<!tpu.dma_semaphore, #tpu.memory_space<semaphore_mem>>)
      %dma_wait3A_529 = arith.constant 0 : i32
      %dma_wait3A_530 = tpu.memref_slice %arg22[%add3A_190, %dma_wait3A_529] : memref<10240x16xf32, #tpu.memory_space<vmem_shared>> -> memref<128x16xf32, #tpu.memory_space<vmem_shared>>
      %dma_wait3A_531 = arith.constant 0 : i32
      %dma_wait3A_532 = tpu.memref_slice %arg22[%add3A_190, %dma_wait3A_531] : memref<10240x16xf32, #tpu.memory_space<vmem_shared>> -> memref<128x16xf32, #tpu.memory_space<vmem_shared>>
      tpu.wait_dma2 semaphore(%run_scoped3A : memref<!tpu.dma_semaphore, #tpu.memory_space<semaphore_mem>>) src(%dma_wait3A_532 : memref<128x16xf32, #tpu.memory_space<vmem_shared>>) dst(%arg20 : memref<128x16xf32, #tpu.memory_space<vmem>>)
      tpu.yield
    }) : () -> ()
    %scan3A_191 = arith.constant 0 : i32
    %scan3A_192 = arith.constant 0 : i32
    %scan3A_193 = arith.constant 128 : i32
    %scan3A_194 = arith.addi %scan3A_192, %scan3A_193 : i32
    %scan3A_195 = arith.constant 1 : i32
    %scan3A_196 = scf.for %scan3A_525 = %scan3A_192 to %scan3A_194 step %scan3A_195 iter_args(%scan3A_526 = %scan3A_191) -> (i32)  : i32 {
      %get3A = arith.index_cast %scan3A_525 : i32 to index
      %get3A_527 = arith.constant 0 : index
      %get3A_528 = tpu.vector_load %arg20[%get3A, %get3A_527] {strides = array<i32>} : memref<128x16xf32, #tpu.memory_space<vmem>>, vector<1x16xf32>,
      %get3A_529 = vector.shape_cast %get3A_528 : vector<1x16xf32> to vector<16xf32>
      %max3A = arith.constant 1.000000e+00 : f32
      %max3A_530 = vector.broadcast %max3A : f32 to vector<16xf32>
      %max3A_531 = arith.maximumf %get3A_529, %max3A_530 : vector<16xf32>
      %div3A_532 = arith.constant 1.000000e+00 : f32
      %div3A_533 = vector.broadcast %div3A_532 : f32 to vector<16xf32>
      %div3A_534 = arith.divf %div3A_533, %max3A_531 : vector<16xf32>
      %get3A_535 = arith.index_cast %scan3A_525 : i32 to index
      %get3A_536 = arith.constant 0 : index
      %get3A_537 = tpu.vector_load %arg19[%get3A_535, %get3A_536] {strides = array<i32>} : memref<128x64xf32, #tpu.memory_space<vmem>>, vector<1x16xf32>,
      %get3A_538 = vector.shape_cast %get3A_537 : vector<1x16xf32> to vector<16xf32>
      %mul3A_539 = arith.mulf %get3A_538, %div3A_534 : vector<16xf32>
      %swap3A = arith.index_cast %scan3A_525 : i32 to index
      %swap3A_540 = arith.constant 0 : index
      %swap3A_541 = tpu.vector_load %arg19[%swap3A, %swap3A_540] {strides = array<i32>} : memref<128x64xf32, #tpu.memory_space<vmem>>, vector<1x16xf32>,
      %swap3A_542 = vector.shape_cast %swap3A_541 : vector<1x16xf32> to vector<16xf32>
      %swap3A_543 = vector.shape_cast %mul3A_539 : vector<16xf32> to vector<1x16xf32>
      tpu.vector_store %arg19[%swap3A, %swap3A_540], %swap3A_543 {strides = array<i32>} : memref<128x64xf32, #tpu.memory_space<vmem>>, vector<1x16xf32>,
      %get3A_544 = arith.index_cast %scan3A_525 : i32 to index
      %get3A_545 = arith.constant 16 : index
      %get3A_546 = tpu.vector_load %arg19[%get3A_544, %get3A_545] {strides = array<i32>} : memref<128x64xf32, #tpu.memory_space<vmem>>, vector<1x16xf32>,
      %get3A_547 = vector.shape_cast %get3A_546 : vector<1x16xf32> to vector<16xf32>
      %mul3A_548 = arith.mulf %get3A_547, %div3A_534 : vector<16xf32>
      %swap3A_549 = arith.index_cast %scan3A_525 : i32 to index
      %swap3A_550 = arith.constant 16 : index
      %swap3A_551 = tpu.vector_load %arg19[%swap3A_549, %swap3A_550] {strides = array<i32>} : memref<128x64xf32, #tpu.memory_space<vmem>>, vector<1x16xf32>,
      %swap3A_552 = vector.shape_cast %swap3A_551 : vector<1x16xf32> to vector<16xf32>
      %swap3A_553 = vector.shape_cast %mul3A_548 : vector<16xf32> to vector<1x16xf32>
      tpu.vector_store %arg19[%swap3A_549, %swap3A_550], %swap3A_553 {strides = array<i32>} : memref<128x64xf32, #tpu.memory_space<vmem>>, vector<1x16xf32>,
      %get3A_554 = arith.index_cast %scan3A_525 : i32 to index
      %get3A_555 = arith.constant 32 : index
      %get3A_556 = tpu.vector_load %arg19[%get3A_554, %get3A_555] {strides = array<i32>} : memref<128x64xf32, #tpu.memory_space<vmem>>, vector<1x16xf32>,
      %get3A_557 = vector.shape_cast %get3A_556 : vector<1x16xf32> to vector<16xf32>
      %mul3A_558 = arith.mulf %get3A_557, %div3A_534 : vector<16xf32>
      %swap3A_559 = arith.index_cast %scan3A_525 : i32 to index
      %swap3A_560 = arith.constant 32 : index
      %swap3A_561 = tpu.vector_load %arg19[%swap3A_559, %swap3A_560] {strides = array<i32>} : memref<128x64xf32, #tpu.memory_space<vmem>>, vector<1x16xf32>,
      %swap3A_562 = vector.shape_cast %swap3A_561 : vector<1x16xf32> to vector<16xf32>
      %swap3A_563 = vector.shape_cast %mul3A_558 : vector<16xf32> to vector<1x16xf32>
      tpu.vector_store %arg19[%swap3A_559, %swap3A_560], %swap3A_563 {strides = array<i32>} : memref<128x64xf32, #tpu.memory_space<vmem>>, vector<1x16xf32>,
      %get3A_564 = arith.index_cast %scan3A_525 : i32 to index
      %get3A_565 = arith.constant 48 : index
      %get3A_566 = tpu.vector_load %arg19[%get3A_564, %get3A_565] {strides = array<i32>} : memref<128x64xf32, #tpu.memory_space<vmem>>, vector<1x16xf32>,
      %get3A_567 = vector.shape_cast %get3A_566 : vector<1x16xf32> to vector<16xf32>
      %mul3A_568 = arith.mulf %get3A_567, %div3A_534 : vector<16xf32>
      %swap3A_569 = arith.index_cast %scan3A_525 : i32 to index
      %swap3A_570 = arith.constant 48 : index
      %swap3A_571 = tpu.vector_load %arg19[%swap3A_569, %swap3A_570] {strides = array<i32>} : memref<128x64xf32, #tpu.memory_space<vmem>>, vector<1x16xf32>,
      %swap3A_572 = vector.shape_cast %swap3A_571 : vector<1x16xf32> to vector<16xf32>
      %swap3A_573 = vector.shape_cast %mul3A_568 : vector<16xf32> to vector<1x16xf32>
      tpu.vector_store %arg19[%swap3A_569, %swap3A_570], %swap3A_573 {strides = array<i32>} : memref<128x64xf32, #tpu.memory_space<vmem>>, vector<1x16xf32>,
      %scan3A_574 = arith.constant 0 : i32
      scf.yield %scan3A_574 : i32
    }
    %scan3A_197 = arith.constant 128 : i32
    "tpu.region"() ({
      %run_scoped3A = tpu.sem_alloc : memref<!tpu.dma_semaphore, #tpu.memory_space<semaphore_mem>>
      %dma_start3A_525 = arith.constant 0 : i32
      %dma_start3A_526 = arith.constant 0 : i32
      %dma_start3A_527 = tpu.memref_slice %arg7[%arg0, %dma_start3A_525, %dma_start3A_526] : memref<2x10240x64xf32, #tpu.memory_space<hbm>> -> memref<1x10240x64xf32, #tpu.memory_space<hbm>>
      %dma_start3A_528 = tpu.memref_squeeze %dma_start3A_527 : memref<1x10240x64xf32, #tpu.memory_space<hbm>> -> memref<10240x64xf32, #tpu.memory_space<hbm>>
      %dma_start3A_529 = arith.constant 0 : i32
      %dma_start3A_530 = tpu.memref_slice %dma_start3A_528[%add3A_190, %dma_start3A_529] : memref<10240x64xf32, #tpu.memory_space<hbm>> -> memref<128x64xf32, #tpu.memory_space<hbm>>
      %dma_start3A_531 = arith.constant 0 : i32
      %dma_start3A_532 = arith.constant 0 : i32
      %dma_start3A_533 = tpu.memref_slice %arg7[%arg0, %dma_start3A_531, %dma_start3A_532] : memref<2x10240x64xf32, #tpu.memory_space<hbm>> -> memref<1x10240x64xf32, #tpu.memory_space<hbm>>
      %dma_start3A_534 = tpu.memref_squeeze %dma_start3A_533 : memref<1x10240x64xf32, #tpu.memory_space<hbm>> -> memref<10240x64xf32, #tpu.memory_space<hbm>>
      %dma_start3A_535 = arith.constant 0 : i32
      %dma_start3A_536 = tpu.memref_slice %dma_start3A_534[%add3A_190, %dma_start3A_535] : memref<10240x64xf32, #tpu.memory_space<hbm>> -> memref<128x64xf32, #tpu.memory_space<hbm>>
      tpu.enqueue_dma source(%arg19 : memref<128x64xf32, #tpu.memory_space<vmem>>) target(%dma_start3A_536 : memref<128x64xf32, #tpu.memory_space<hbm>>) target_semaphore(%run_scoped3A : memref<!tpu.dma_semaphore, #tpu.memory_space<semaphore_mem>>)
      %dma_wait3A_537 = arith.constant 0 : i32
      %dma_wait3A_538 = arith.constant 0 : i32
      %dma_wait3A_539 = tpu.memref_slice %arg7[%arg0, %dma_wait3A_537, %dma_wait3A_538] : memref<2x10240x64xf32, #tpu.memory_space<hbm>> -> memref<1x10240x64xf32, #tpu.memory_space<hbm>>
      %dma_wait3A_540 = tpu.memref_squeeze %dma_wait3A_539 : memref<1x10240x64xf32, #tpu.memory_space<hbm>> -> memref<10240x64xf32, #tpu.memory_space<hbm>>
      %dma_wait3A_541 = arith.constant 0 : i32
      %dma_wait3A_542 = tpu.memref_slice %dma_wait3A_540[%add3A_190, %dma_wait3A_541] : memref<10240x64xf32, #tpu.memory_space<hbm>> -> memref<128x64xf32, #tpu.memory_space<hbm>>
      %dma_wait3A_543 = arith.constant 0 : i32
      %dma_wait3A_544 = arith.constant 0 : i32
      %dma_wait3A_545 = tpu.memref_slice %arg7[%arg0, %dma_wait3A_543, %dma_wait3A_544] : memref<2x10240x64xf32, #tpu.memory_space<hbm>> -> memref<1x10240x64xf32, #tpu.memory_space<hbm>>
      %dma_wait3A_546 = tpu.memref_squeeze %dma_wait3A_545 : memref<1x10240x64xf32, #tpu.memory_space<hbm>> -> memref<10240x64xf32, #tpu.memory_space<hbm>>
      %dma_wait3A_547 = arith.constant 0 : i32
      %dma_wait3A_548 = tpu.memref_slice %dma_wait3A_546[%add3A_190, %dma_wait3A_547] : memref<10240x64xf32, #tpu.memory_space<hbm>> -> memref<128x64xf32, #tpu.memory_space<hbm>>
      tpu.wait_dma2 semaphore(%run_scoped3A : memref<!tpu.dma_semaphore, #tpu.memory_space<semaphore_mem>>) src(%arg19 : memref<128x64xf32, #tpu.memory_space<vmem>>) dst(%dma_wait3A_548 : memref<128x64xf32, #tpu.memory_space<hbm>>)
      tpu.yield
    }) : () -> ()
    %mul3A_198 = arith.constant 640 : i32
    %mul3A_199 = arith.muli %arg1, %mul3A_198 : i32
    %add3A_200 = arith.constant 384 : i32
    %add3A_201 = arith.addi %mul3A_199, %add3A_200 : i32
    "tpu.region"() ({
      %run_scoped3A = tpu.sem_alloc : memref<!tpu.dma_semaphore, #tpu.memory_space<semaphore_mem>>
      %dma_start3A_525 = arith.constant 0 : i32
      %dma_start3A_526 = tpu.memref_slice %arg21[%add3A_201, %dma_start3A_525] : memref<10240x64xf32, #tpu.memory_space<vmem_shared>> -> memref<128x64xf32, #tpu.memory_space<vmem_shared>>
      %dma_start3A_527 = arith.constant 0 : i32
      %dma_start3A_528 = tpu.memref_slice %arg21[%add3A_201, %dma_start3A_527] : memref<10240x64xf32, #tpu.memory_space<vmem_shared>> -> memref<128x64xf32, #tpu.memory_space<vmem_shared>>
      tpu.enqueue_dma source(%dma_start3A_528 : memref<128x64xf32, #tpu.memory_space<vmem_shared>>) target(%arg19 : memref<128x64xf32, #tpu.memory_space<vmem>>) target_semaphore(%run_scoped3A : memref<!tpu.dma_semaphore, #tpu.memory_space<semaphore_mem>>)
      %dma_wait3A_529 = arith.constant 0 : i32
      %dma_wait3A_530 = tpu.memref_slice %arg21[%add3A_201, %dma_wait3A_529] : memref<10240x64xf32, #tpu.memory_space<vmem_shared>> -> memref<128x64xf32, #tpu.memory_space<vmem_shared>>
      %dma_wait3A_531 = arith.constant 0 : i32
      %dma_wait3A_532 = tpu.memref_slice %arg21[%add3A_201, %dma_wait3A_531] : memref<10240x64xf32, #tpu.memory_space<vmem_shared>> -> memref<128x64xf32, #tpu.memory_space<vmem_shared>>
      tpu.wait_dma2 semaphore(%run_scoped3A : memref<!tpu.dma_semaphore, #tpu.memory_space<semaphore_mem>>) src(%dma_wait3A_532 : memref<128x64xf32, #tpu.memory_space<vmem_shared>>) dst(%arg19 : memref<128x64xf32, #tpu.memory_space<vmem>>)
      tpu.yield
    }) : () -> ()
    "tpu.region"() ({
      %run_scoped3A = tpu.sem_alloc : memref<!tpu.dma_semaphore, #tpu.memory_space<semaphore_mem>>
      %dma_start3A_525 = arith.constant 0 : i32
      %dma_start3A_526 = tpu.memref_slice %arg22[%add3A_201, %dma_start3A_525] : memref<10240x16xf32, #tpu.memory_space<vmem_shared>> -> memref<128x16xf32, #tpu.memory_space<vmem_shared>>
      %dma_start3A_527 = arith.constant 0 : i32
      %dma_start3A_528 = tpu.memref_slice %arg22[%add3A_201, %dma_start3A_527] : memref<10240x16xf32, #tpu.memory_space<vmem_shared>> -> memref<128x16xf32, #tpu.memory_space<vmem_shared>>
      tpu.enqueue_dma source(%dma_start3A_528 : memref<128x16xf32, #tpu.memory_space<vmem_shared>>) target(%arg20 : memref<128x16xf32, #tpu.memory_space<vmem>>) target_semaphore(%run_scoped3A : memref<!tpu.dma_semaphore, #tpu.memory_space<semaphore_mem>>)
      %dma_wait3A_529 = arith.constant 0 : i32
      %dma_wait3A_530 = tpu.memref_slice %arg22[%add3A_201, %dma_wait3A_529] : memref<10240x16xf32, #tpu.memory_space<vmem_shared>> -> memref<128x16xf32, #tpu.memory_space<vmem_shared>>
      %dma_wait3A_531 = arith.constant 0 : i32
      %dma_wait3A_532 = tpu.memref_slice %arg22[%add3A_201, %dma_wait3A_531] : memref<10240x16xf32, #tpu.memory_space<vmem_shared>> -> memref<128x16xf32, #tpu.memory_space<vmem_shared>>
      tpu.wait_dma2 semaphore(%run_scoped3A : memref<!tpu.dma_semaphore, #tpu.memory_space<semaphore_mem>>) src(%dma_wait3A_532 : memref<128x16xf32, #tpu.memory_space<vmem_shared>>) dst(%arg20 : memref<128x16xf32, #tpu.memory_space<vmem>>)
      tpu.yield
    }) : () -> ()
    %scan3A_202 = arith.constant 0 : i32
    %scan3A_203 = arith.constant 0 : i32
    %scan3A_204 = arith.constant 128 : i32
    %scan3A_205 = arith.addi %scan3A_203, %scan3A_204 : i32
    %scan3A_206 = arith.constant 1 : i32
    %scan3A_207 = scf.for %scan3A_525 = %scan3A_203 to %scan3A_205 step %scan3A_206 iter_args(%scan3A_526 = %scan3A_202) -> (i32)  : i32 {
      %get3A = arith.index_cast %scan3A_525 : i32 to index
      %get3A_527 = arith.constant 0 : index
      %get3A_528 = tpu.vector_load %arg20[%get3A, %get3A_527] {strides = array<i32>} : memref<128x16xf32, #tpu.memory_space<vmem>>, vector<1x16xf32>,
      %get3A_529 = vector.shape_cast %get3A_528 : vector<1x16xf32> to vector<16xf32>
      %max3A = arith.constant 1.000000e+00 : f32
      %max3A_530 = vector.broadcast %max3A : f32 to vector<16xf32>
      %max3A_531 = arith.maximumf %get3A_529, %max3A_530 : vector<16xf32>
      %div3A_532 = arith.constant 1.000000e+00 : f32
      %div3A_533 = vector.broadcast %div3A_532 : f32 to vector<16xf32>
      %div3A_534 = arith.divf %div3A_533, %max3A_531 : vector<16xf32>
      %get3A_535 = arith.index_cast %scan3A_525 : i32 to index
      %get3A_536 = arith.constant 0 : index
      %get3A_537 = tpu.vector_load %arg19[%get3A_535, %get3A_536] {strides = array<i32>} : memref<128x64xf32, #tpu.memory_space<vmem>>, vector<1x16xf32>,
      %get3A_538 = vector.shape_cast %get3A_537 : vector<1x16xf32> to vector<16xf32>
      %mul3A_539 = arith.mulf %get3A_538, %div3A_534 : vector<16xf32>
      %swap3A = arith.index_cast %scan3A_525 : i32 to index
      %swap3A_540 = arith.constant 0 : index
      %swap3A_541 = tpu.vector_load %arg19[%swap3A, %swap3A_540] {strides = array<i32>} : memref<128x64xf32, #tpu.memory_space<vmem>>, vector<1x16xf32>,
      %swap3A_542 = vector.shape_cast %swap3A_541 : vector<1x16xf32> to vector<16xf32>
      %swap3A_543 = vector.shape_cast %mul3A_539 : vector<16xf32> to vector<1x16xf32>
      tpu.vector_store %arg19[%swap3A, %swap3A_540], %swap3A_543 {strides = array<i32>} : memref<128x64xf32, #tpu.memory_space<vmem>>, vector<1x16xf32>,
      %get3A_544 = arith.index_cast %scan3A_525 : i32 to index
      %get3A_545 = arith.constant 16 : index
      %get3A_546 = tpu.vector_load %arg19[%get3A_544, %get3A_545] {strides = array<i32>} : memref<128x64xf32, #tpu.memory_space<vmem>>, vector<1x16xf32>,
      %get3A_547 = vector.shape_cast %get3A_546 : vector<1x16xf32> to vector<16xf32>
      %mul3A_548 = arith.mulf %get3A_547, %div3A_534 : vector<16xf32>
      %swap3A_549 = arith.index_cast %scan3A_525 : i32 to index
      %swap3A_550 = arith.constant 16 : index
      %swap3A_551 = tpu.vector_load %arg19[%swap3A_549, %swap3A_550] {strides = array<i32>} : memref<128x64xf32, #tpu.memory_space<vmem>>, vector<1x16xf32>,
      %swap3A_552 = vector.shape_cast %swap3A_551 : vector<1x16xf32> to vector<16xf32>
      %swap3A_553 = vector.shape_cast %mul3A_548 : vector<16xf32> to vector<1x16xf32>
      tpu.vector_store %arg19[%swap3A_549, %swap3A_550], %swap3A_553 {strides = array<i32>} : memref<128x64xf32, #tpu.memory_space<vmem>>, vector<1x16xf32>,
      %get3A_554 = arith.index_cast %scan3A_525 : i32 to index
      %get3A_555 = arith.constant 32 : index
      %get3A_556 = tpu.vector_load %arg19[%get3A_554, %get3A_555] {strides = array<i32>} : memref<128x64xf32, #tpu.memory_space<vmem>>, vector<1x16xf32>,
      %get3A_557 = vector.shape_cast %get3A_556 : vector<1x16xf32> to vector<16xf32>
      %mul3A_558 = arith.mulf %get3A_557, %div3A_534 : vector<16xf32>
      %swap3A_559 = arith.index_cast %scan3A_525 : i32 to index
      %swap3A_560 = arith.constant 32 : index
      %swap3A_561 = tpu.vector_load %arg19[%swap3A_559, %swap3A_560] {strides = array<i32>} : memref<128x64xf32, #tpu.memory_space<vmem>>, vector<1x16xf32>,
      %swap3A_562 = vector.shape_cast %swap3A_561 : vector<1x16xf32> to vector<16xf32>
      %swap3A_563 = vector.shape_cast %mul3A_558 : vector<16xf32> to vector<1x16xf32>
      tpu.vector_store %arg19[%swap3A_559, %swap3A_560], %swap3A_563 {strides = array<i32>} : memref<128x64xf32, #tpu.memory_space<vmem>>, vector<1x16xf32>,
      %get3A_564 = arith.index_cast %scan3A_525 : i32 to index
      %get3A_565 = arith.constant 48 : index
      %get3A_566 = tpu.vector_load %arg19[%get3A_564, %get3A_565] {strides = array<i32>} : memref<128x64xf32, #tpu.memory_space<vmem>>, vector<1x16xf32>,
      %get3A_567 = vector.shape_cast %get3A_566 : vector<1x16xf32> to vector<16xf32>
      %mul3A_568 = arith.mulf %get3A_567, %div3A_534 : vector<16xf32>
      %swap3A_569 = arith.index_cast %scan3A_525 : i32 to index
      %swap3A_570 = arith.constant 48 : index
      %swap3A_571 = tpu.vector_load %arg19[%swap3A_569, %swap3A_570] {strides = array<i32>} : memref<128x64xf32, #tpu.memory_space<vmem>>, vector<1x16xf32>,
      %swap3A_572 = vector.shape_cast %swap3A_571 : vector<1x16xf32> to vector<16xf32>
      %swap3A_573 = vector.shape_cast %mul3A_568 : vector<16xf32> to vector<1x16xf32>
      tpu.vector_store %arg19[%swap3A_569, %swap3A_570], %swap3A_573 {strides = array<i32>} : memref<128x64xf32, #tpu.memory_space<vmem>>, vector<1x16xf32>,
      %scan3A_574 = arith.constant 0 : i32
      scf.yield %scan3A_574 : i32
    }
    %scan3A_208 = arith.constant 128 : i32
    "tpu.region"() ({
      %run_scoped3A = tpu.sem_alloc : memref<!tpu.dma_semaphore, #tpu.memory_space<semaphore_mem>>
      %dma_start3A_525 = arith.constant 0 : i32
      %dma_start3A_526 = arith.constant 0 : i32
      %dma_start3A_527 = tpu.memref_slice %arg7[%arg0, %dma_start3A_525, %dma_start3A_526] : memref<2x10240x64xf32, #tpu.memory_space<hbm>> -> memref<1x10240x64xf32, #tpu.memory_space<hbm>>
      %dma_start3A_528 = tpu.memref_squeeze %dma_start3A_527 : memref<1x10240x64xf32, #tpu.memory_space<hbm>> -> memref<10240x64xf32, #tpu.memory_space<hbm>>
      %dma_start3A_529 = arith.constant 0 : i32
      %dma_start3A_530 = tpu.memref_slice %dma_start3A_528[%add3A_201, %dma_start3A_529] : memref<10240x64xf32, #tpu.memory_space<hbm>> -> memref<128x64xf32, #tpu.memory_space<hbm>>
      %dma_start3A_531 = arith.constant 0 : i32
      %dma_start3A_532 = arith.constant 0 : i32
      %dma_start3A_533 = tpu.memref_slice %arg7[%arg0, %dma_start3A_531, %dma_start3A_532] : memref<2x10240x64xf32, #tpu.memory_space<hbm>> -> memref<1x10240x64xf32, #tpu.memory_space<hbm>>
      %dma_start3A_534 = tpu.memref_squeeze %dma_start3A_533 : memref<1x10240x64xf32, #tpu.memory_space<hbm>> -> memref<10240x64xf32, #tpu.memory_space<hbm>>
      %dma_start3A_535 = arith.constant 0 : i32
      %dma_start3A_536 = tpu.memref_slice %dma_start3A_534[%add3A_201, %dma_start3A_535] : memref<10240x64xf32, #tpu.memory_space<hbm>> -> memref<128x64xf32, #tpu.memory_space<hbm>>
      tpu.enqueue_dma source(%arg19 : memref<128x64xf32, #tpu.memory_space<vmem>>) target(%dma_start3A_536 : memref<128x64xf32, #tpu.memory_space<hbm>>) target_semaphore(%run_scoped3A : memref<!tpu.dma_semaphore, #tpu.memory_space<semaphore_mem>>)
      %dma_wait3A_537 = arith.constant 0 : i32
      %dma_wait3A_538 = arith.constant 0 : i32
      %dma_wait3A_539 = tpu.memref_slice %arg7[%arg0, %dma_wait3A_537, %dma_wait3A_538] : memref<2x10240x64xf32, #tpu.memory_space<hbm>> -> memref<1x10240x64xf32, #tpu.memory_space<hbm>>
      %dma_wait3A_540 = tpu.memref_squeeze %dma_wait3A_539 : memref<1x10240x64xf32, #tpu.memory_space<hbm>> -> memref<10240x64xf32, #tpu.memory_space<hbm>>
      %dma_wait3A_541 = arith.constant 0 : i32
      %dma_wait3A_542 = tpu.memref_slice %dma_wait3A_540[%add3A_201, %dma_wait3A_541] : memref<10240x64xf32, #tpu.memory_space<hbm>> -> memref<128x64xf32, #tpu.memory_space<hbm>>
      %dma_wait3A_543 = arith.constant 0 : i32
      %dma_wait3A_544 = arith.constant 0 : i32
      %dma_wait3A_545 = tpu.memref_slice %arg7[%arg0, %dma_wait3A_543, %dma_wait3A_544] : memref<2x10240x64xf32, #tpu.memory_space<hbm>> -> memref<1x10240x64xf32, #tpu.memory_space<hbm>>
      %dma_wait3A_546 = tpu.memref_squeeze %dma_wait3A_545 : memref<1x10240x64xf32, #tpu.memory_space<hbm>> -> memref<10240x64xf32, #tpu.memory_space<hbm>>
      %dma_wait3A_547 = arith.constant 0 : i32
      %dma_wait3A_548 = tpu.memref_slice %dma_wait3A_546[%add3A_201, %dma_wait3A_547] : memref<10240x64xf32, #tpu.memory_space<hbm>> -> memref<128x64xf32, #tpu.memory_space<hbm>>
      tpu.wait_dma2 semaphore(%run_scoped3A : memref<!tpu.dma_semaphore, #tpu.memory_space<semaphore_mem>>) src(%arg19 : memref<128x64xf32, #tpu.memory_space<vmem>>) dst(%dma_wait3A_548 : memref<128x64xf32, #tpu.memory_space<hbm>>)
      tpu.yield
    }) : () -> ()
    %mul3A_209 = arith.constant 640 : i32
    %mul3A_210 = arith.muli %arg1, %mul3A_209 : i32
    %add3A_211 = arith.constant 512 : i32
    %add3A_212 = arith.addi %mul3A_210, %add3A_211 : i32
    "tpu.region"() ({
      %run_scoped3A = tpu.sem_alloc : memref<!tpu.dma_semaphore, #tpu.memory_space<semaphore_mem>>
      %dma_start3A_525 = arith.constant 0 : i32
      %dma_start3A_526 = tpu.memref_slice %arg21[%add3A_212, %dma_start3A_525] : memref<10240x64xf32, #tpu.memory_space<vmem_shared>> -> memref<128x64xf32, #tpu.memory_space<vmem_shared>>
      %dma_start3A_527 = arith.constant 0 : i32
      %dma_start3A_528 = tpu.memref_slice %arg21[%add3A_212, %dma_start3A_527] : memref<10240x64xf32, #tpu.memory_space<vmem_shared>> -> memref<128x64xf32, #tpu.memory_space<vmem_shared>>
      tpu.enqueue_dma source(%dma_start3A_528 : memref<128x64xf32, #tpu.memory_space<vmem_shared>>) target(%arg19 : memref<128x64xf32, #tpu.memory_space<vmem>>) target_semaphore(%run_scoped3A : memref<!tpu.dma_semaphore, #tpu.memory_space<semaphore_mem>>)
      %dma_wait3A_529 = arith.constant 0 : i32
      %dma_wait3A_530 = tpu.memref_slice %arg21[%add3A_212, %dma_wait3A_529] : memref<10240x64xf32, #tpu.memory_space<vmem_shared>> -> memref<128x64xf32, #tpu.memory_space<vmem_shared>>
      %dma_wait3A_531 = arith.constant 0 : i32
      %dma_wait3A_532 = tpu.memref_slice %arg21[%add3A_212, %dma_wait3A_531] : memref<10240x64xf32, #tpu.memory_space<vmem_shared>> -> memref<128x64xf32, #tpu.memory_space<vmem_shared>>
      tpu.wait_dma2 semaphore(%run_scoped3A : memref<!tpu.dma_semaphore, #tpu.memory_space<semaphore_mem>>) src(%dma_wait3A_532 : memref<128x64xf32, #tpu.memory_space<vmem_shared>>) dst(%arg19 : memref<128x64xf32, #tpu.memory_space<vmem>>)
      tpu.yield
    }) : () -> ()
    "tpu.region"() ({
      %run_scoped3A = tpu.sem_alloc : memref<!tpu.dma_semaphore, #tpu.memory_space<semaphore_mem>>
      %dma_start3A_525 = arith.constant 0 : i32
      %dma_start3A_526 = tpu.memref_slice %arg22[%add3A_212, %dma_start3A_525] : memref<10240x16xf32, #tpu.memory_space<vmem_shared>> -> memref<128x16xf32, #tpu.memory_space<vmem_shared>>
      %dma_start3A_527 = arith.constant 0 : i32
      %dma_start3A_528 = tpu.memref_slice %arg22[%add3A_212, %dma_start3A_527] : memref<10240x16xf32, #tpu.memory_space<vmem_shared>> -> memref<128x16xf32, #tpu.memory_space<vmem_shared>>
      tpu.enqueue_dma source(%dma_start3A_528 : memref<128x16xf32, #tpu.memory_space<vmem_shared>>) target(%arg20 : memref<128x16xf32, #tpu.memory_space<vmem>>) target_semaphore(%run_scoped3A : memref<!tpu.dma_semaphore, #tpu.memory_space<semaphore_mem>>)
      %dma_wait3A_529 = arith.constant 0 : i32
      %dma_wait3A_530 = tpu.memref_slice %arg22[%add3A_212, %dma_wait3A_529] : memref<10240x16xf32, #tpu.memory_space<vmem_shared>> -> memref<128x16xf32, #tpu.memory_space<vmem_shared>>
      %dma_wait3A_531 = arith.constant 0 : i32
      %dma_wait3A_532 = tpu.memref_slice %arg22[%add3A_212, %dma_wait3A_531] : memref<10240x16xf32, #tpu.memory_space<vmem_shared>> -> memref<128x16xf32, #tpu.memory_space<vmem_shared>>
      tpu.wait_dma2 semaphore(%run_scoped3A : memref<!tpu.dma_semaphore, #tpu.memory_space<semaphore_mem>>) src(%dma_wait3A_532 : memref<128x16xf32, #tpu.memory_space<vmem_shared>>) dst(%arg20 : memref<128x16xf32, #tpu.memory_space<vmem>>)
      tpu.yield
    }) : () -> ()
    %scan3A_213 = arith.constant 0 : i32
    %scan3A_214 = arith.constant 0 : i32
    %scan3A_215 = arith.constant 128 : i32
    %scan3A_216 = arith.addi %scan3A_214, %scan3A_215 : i32
    %scan3A_217 = arith.constant 1 : i32
    %scan3A_218 = scf.for %scan3A_525 = %scan3A_214 to %scan3A_216 step %scan3A_217 iter_args(%scan3A_526 = %scan3A_213) -> (i32)  : i32 {
      %get3A = arith.index_cast %scan3A_525 : i32 to index
      %get3A_527 = arith.constant 0 : index
      %get3A_528 = tpu.vector_load %arg20[%get3A, %get3A_527] {strides = array<i32>} : memref<128x16xf32, #tpu.memory_space<vmem>>, vector<1x16xf32>,
      %get3A_529 = vector.shape_cast %get3A_528 : vector<1x16xf32> to vector<16xf32>
      %max3A = arith.constant 1.000000e+00 : f32
      %max3A_530 = vector.broadcast %max3A : f32 to vector<16xf32>
      %max3A_531 = arith.maximumf %get3A_529, %max3A_530 : vector<16xf32>
      %div3A_532 = arith.constant 1.000000e+00 : f32
      %div3A_533 = vector.broadcast %div3A_532 : f32 to vector<16xf32>
      %div3A_534 = arith.divf %div3A_533, %max3A_531 : vector<16xf32>
      %get3A_535 = arith.index_cast %scan3A_525 : i32 to index
      %get3A_536 = arith.constant 0 : index
      %get3A_537 = tpu.vector_load %arg19[%get3A_535, %get3A_536] {strides = array<i32>} : memref<128x64xf32, #tpu.memory_space<vmem>>, vector<1x16xf32>,
      %get3A_538 = vector.shape_cast %get3A_537 : vector<1x16xf32> to vector<16xf32>
      %mul3A_539 = arith.mulf %get3A_538, %div3A_534 : vector<16xf32>
      %swap3A = arith.index_cast %scan3A_525 : i32 to index
      %swap3A_540 = arith.constant 0 : index
      %swap3A_541 = tpu.vector_load %arg19[%swap3A, %swap3A_540] {strides = array<i32>} : memref<128x64xf32, #tpu.memory_space<vmem>>, vector<1x16xf32>,
      %swap3A_542 = vector.shape_cast %swap3A_541 : vector<1x16xf32> to vector<16xf32>
      %swap3A_543 = vector.shape_cast %mul3A_539 : vector<16xf32> to vector<1x16xf32>
      tpu.vector_store %arg19[%swap3A, %swap3A_540], %swap3A_543 {strides = array<i32>} : memref<128x64xf32, #tpu.memory_space<vmem>>, vector<1x16xf32>,
      %get3A_544 = arith.index_cast %scan3A_525 : i32 to index
      %get3A_545 = arith.constant 16 : index
      %get3A_546 = tpu.vector_load %arg19[%get3A_544, %get3A_545] {strides = array<i32>} : memref<128x64xf32, #tpu.memory_space<vmem>>, vector<1x16xf32>,
      %get3A_547 = vector.shape_cast %get3A_546 : vector<1x16xf32> to vector<16xf32>
      %mul3A_548 = arith.mulf %get3A_547, %div3A_534 : vector<16xf32>
      %swap3A_549 = arith.index_cast %scan3A_525 : i32 to index
      %swap3A_550 = arith.constant 16 : index
      %swap3A_551 = tpu.vector_load %arg19[%swap3A_549, %swap3A_550] {strides = array<i32>} : memref<128x64xf32, #tpu.memory_space<vmem>>, vector<1x16xf32>,
      %swap3A_552 = vector.shape_cast %swap3A_551 : vector<1x16xf32> to vector<16xf32>
      %swap3A_553 = vector.shape_cast %mul3A_548 : vector<16xf32> to vector<1x16xf32>
      tpu.vector_store %arg19[%swap3A_549, %swap3A_550], %swap3A_553 {strides = array<i32>} : memref<128x64xf32, #tpu.memory_space<vmem>>, vector<1x16xf32>,
      %get3A_554 = arith.index_cast %scan3A_525 : i32 to index
      %get3A_555 = arith.constant 32 : index
      %get3A_556 = tpu.vector_load %arg19[%get3A_554, %get3A_555] {strides = array<i32>} : memref<128x64xf32, #tpu.memory_space<vmem>>, vector<1x16xf32>,
      %get3A_557 = vector.shape_cast %get3A_556 : vector<1x16xf32> to vector<16xf32>
      %mul3A_558 = arith.mulf %get3A_557, %div3A_534 : vector<16xf32>
      %swap3A_559 = arith.index_cast %scan3A_525 : i32 to index
      %swap3A_560 = arith.constant 32 : index
      %swap3A_561 = tpu.vector_load %arg19[%swap3A_559, %swap3A_560] {strides = array<i32>} : memref<128x64xf32, #tpu.memory_space<vmem>>, vector<1x16xf32>,
      %swap3A_562 = vector.shape_cast %swap3A_561 : vector<1x16xf32> to vector<16xf32>
      %swap3A_563 = vector.shape_cast %mul3A_558 : vector<16xf32> to vector<1x16xf32>
      tpu.vector_store %arg19[%swap3A_559, %swap3A_560], %swap3A_563 {strides = array<i32>} : memref<128x64xf32, #tpu.memory_space<vmem>>, vector<1x16xf32>,
      %get3A_564 = arith.index_cast %scan3A_525 : i32 to index
      %get3A_565 = arith.constant 48 : index
      %get3A_566 = tpu.vector_load %arg19[%get3A_564, %get3A_565] {strides = array<i32>} : memref<128x64xf32, #tpu.memory_space<vmem>>, vector<1x16xf32>,
      %get3A_567 = vector.shape_cast %get3A_566 : vector<1x16xf32> to vector<16xf32>
      %mul3A_568 = arith.mulf %get3A_567, %div3A_534 : vector<16xf32>
      %swap3A_569 = arith.index_cast %scan3A_525 : i32 to index
      %swap3A_570 = arith.constant 48 : index
      %swap3A_571 = tpu.vector_load %arg19[%swap3A_569, %swap3A_570] {strides = array<i32>} : memref<128x64xf32, #tpu.memory_space<vmem>>, vector<1x16xf32>,
      %swap3A_572 = vector.shape_cast %swap3A_571 : vector<1x16xf32> to vector<16xf32>
      %swap3A_573 = vector.shape_cast %mul3A_568 : vector<16xf32> to vector<1x16xf32>
      tpu.vector_store %arg19[%swap3A_569, %swap3A_570], %swap3A_573 {strides = array<i32>} : memref<128x64xf32, #tpu.memory_space<vmem>>, vector<1x16xf32>,
      %scan3A_574 = arith.constant 0 : i32
      scf.yield %scan3A_574 : i32
    }
    %scan3A_219 = arith.constant 128 : i32
    "tpu.region"() ({
      %run_scoped3A = tpu.sem_alloc : memref<!tpu.dma_semaphore, #tpu.memory_space<semaphore_mem>>
      %dma_start3A_525 = arith.constant 0 : i32
      %dma_start3A_526 = arith.constant 0 : i32
      %dma_start3A_527 = tpu.memref_slice %arg7[%arg0, %dma_start3A_525, %dma_start3A_526] : memref<2x10240x64xf32, #tpu.memory_space<hbm>> -> memref<1x10240x64xf32, #tpu.memory_space<hbm>>
      %dma_start3A_528 = tpu.memref_squeeze %dma_start3A_527 : memref<1x10240x64xf32, #tpu.memory_space<hbm>> -> memref<10240x64xf32, #tpu.memory_space<hbm>>
      %dma_start3A_529 = arith.constant 0 : i32
      %dma_start3A_530 = tpu.memref_slice %dma_start3A_528[%add3A_212, %dma_start3A_529] : memref<10240x64xf32, #tpu.memory_space<hbm>> -> memref<128x64xf32, #tpu.memory_space<hbm>>
      %dma_start3A_531 = arith.constant 0 : i32
      %dma_start3A_532 = arith.constant 0 : i32
      %dma_start3A_533 = tpu.memref_slice %arg7[%arg0, %dma_start3A_531, %dma_start3A_532] : memref<2x10240x64xf32, #tpu.memory_space<hbm>> -> memref<1x10240x64xf32, #tpu.memory_space<hbm>>
      %dma_start3A_534 = tpu.memref_squeeze %dma_start3A_533 : memref<1x10240x64xf32, #tpu.memory_space<hbm>> -> memref<10240x64xf32, #tpu.memory_space<hbm>>
      %dma_start3A_535 = arith.constant 0 : i32
      %dma_start3A_536 = tpu.memref_slice %dma_start3A_534[%add3A_212, %dma_start3A_535] : memref<10240x64xf32, #tpu.memory_space<hbm>> -> memref<128x64xf32, #tpu.memory_space<hbm>>
      tpu.enqueue_dma source(%arg19 : memref<128x64xf32, #tpu.memory_space<vmem>>) target(%dma_start3A_536 : memref<128x64xf32, #tpu.memory_space<hbm>>) target_semaphore(%run_scoped3A : memref<!tpu.dma_semaphore, #tpu.memory_space<semaphore_mem>>)
      %dma_wait3A_537 = arith.constant 0 : i32
      %dma_wait3A_538 = arith.constant 0 : i32
      %dma_wait3A_539 = tpu.memref_slice %arg7[%arg0, %dma_wait3A_537, %dma_wait3A_538] : memref<2x10240x64xf32, #tpu.memory_space<hbm>> -> memref<1x10240x64xf32, #tpu.memory_space<hbm>>
      %dma_wait3A_540 = tpu.memref_squeeze %dma_wait3A_539 : memref<1x10240x64xf32, #tpu.memory_space<hbm>> -> memref<10240x64xf32, #tpu.memory_space<hbm>>
      %dma_wait3A_541 = arith.constant 0 : i32
      %dma_wait3A_542 = tpu.memref_slice %dma_wait3A_540[%add3A_212, %dma_wait3A_541] : memref<10240x64xf32, #tpu.memory_space<hbm>> -> memref<128x64xf32, #tpu.memory_space<hbm>>
      %dma_wait3A_543 = arith.constant 0 : i32
      %dma_wait3A_544 = arith.constant 0 : i32
      %dma_wait3A_545 = tpu.memref_slice %arg7[%arg0, %dma_wait3A_543, %dma_wait3A_544] : memref<2x10240x64xf32, #tpu.memory_space<hbm>> -> memref<1x10240x64xf32, #tpu.memory_space<hbm>>
      %dma_wait3A_546 = tpu.memref_squeeze %dma_wait3A_545 : memref<1x10240x64xf32, #tpu.memory_space<hbm>> -> memref<10240x64xf32, #tpu.memory_space<hbm>>
      %dma_wait3A_547 = arith.constant 0 : i32
      %dma_wait3A_548 = tpu.memref_slice %dma_wait3A_546[%add3A_212, %dma_wait3A_547] : memref<10240x64xf32, #tpu.memory_space<hbm>> -> memref<128x64xf32, #tpu.memory_space<hbm>>
      tpu.wait_dma2 semaphore(%run_scoped3A : memref<!tpu.dma_semaphore, #tpu.memory_space<semaphore_mem>>) src(%arg19 : memref<128x64xf32, #tpu.memory_space<vmem>>) dst(%dma_wait3A_548 : memref<128x64xf32, #tpu.memory_space<hbm>>)
      tpu.yield
    }) : () -> ()
    %broadcast_in_dim3A_220 = arith.constant 0.000000e+00 : f32
    %broadcast_in_dim3A_221 = vector.broadcast %broadcast_in_dim3A_220 : f32 to vector<16xf32>
    %scan3A_222 = arith.constant 0 : i32
    %scan3A_223 = arith.constant 0 : i32
    %scan3A_224 = arith.constant 128 : i32
    %scan3A_225 = arith.addi %scan3A_223, %scan3A_224 : i32
    %scan3A_226 = arith.constant 1 : i32
    %scan3A_227 = scf.for %scan3A_525 = %scan3A_223 to %scan3A_225 step %scan3A_226 iter_args(%scan3A_526 = %scan3A_222) -> (i32)  : i32 {
      %swap3A = arith.index_cast %scan3A_525 : i32 to index
      %swap3A_527 = arith.constant 0 : index
      %swap3A_528 = tpu.vector_load %arg19[%swap3A, %swap3A_527] {strides = array<i32>} : memref<128x64xf32, #tpu.memory_space<vmem>>, vector<1x16xf32>,
      %swap3A_529 = vector.shape_cast %swap3A_528 : vector<1x16xf32> to vector<16xf32>
      %swap3A_530 = vector.shape_cast %broadcast_in_dim3A_221 : vector<16xf32> to vector<1x16xf32>
      tpu.vector_store %arg19[%swap3A, %swap3A_527], %swap3A_530 {strides = array<i32>} : memref<128x64xf32, #tpu.memory_space<vmem>>, vector<1x16xf32>,
      %swap3A_531 = arith.index_cast %scan3A_525 : i32 to index
      %swap3A_532 = arith.constant 16 : index
      %swap3A_533 = tpu.vector_load %arg19[%swap3A_531, %swap3A_532] {strides = array<i32>} : memref<128x64xf32, #tpu.memory_space<vmem>>, vector<1x16xf32>,
      %swap3A_534 = vector.shape_cast %swap3A_533 : vector<1x16xf32> to vector<16xf32>
      %swap3A_535 = vector.shape_cast %broadcast_in_dim3A_221 : vector<16xf32> to vector<1x16xf32>
      tpu.vector_store %arg19[%swap3A_531, %swap3A_532], %swap3A_535 {strides = array<i32>} : memref<128x64xf32, #tpu.memory_space<vmem>>, vector<1x16xf32>,
      %swap3A_536 = arith.index_cast %scan3A_525 : i32 to index
      %swap3A_537 = arith.constant 32 : index
      %swap3A_538 = tpu.vector_load %arg19[%swap3A_536, %swap3A_537] {strides = array<i32>} : memref<128x64xf32, #tpu.memory_space<vmem>>, vector<1x16xf32>,
      %swap3A_539 = vector.shape_cast %swap3A_538 : vector<1x16xf32> to vector<16xf32>
      %swap3A_540 = vector.shape_cast %broadcast_in_dim3A_221 : vector<16xf32> to vector<1x16xf32>
      tpu.vector_store %arg19[%swap3A_536, %swap3A_537], %swap3A_540 {strides = array<i32>} : memref<128x64xf32, #tpu.memory_space<vmem>>, vector<1x16xf32>,
      %swap3A_541 = arith.index_cast %scan3A_525 : i32 to index
      %swap3A_542 = arith.constant 48 : index
      %swap3A_543 = tpu.vector_load %arg19[%swap3A_541, %swap3A_542] {strides = array<i32>} : memref<128x64xf32, #tpu.memory_space<vmem>>, vector<1x16xf32>,
      %swap3A_544 = vector.shape_cast %swap3A_543 : vector<1x16xf32> to vector<16xf32>
      %swap3A_545 = vector.shape_cast %broadcast_in_dim3A_221 : vector<16xf32> to vector<1x16xf32>
      tpu.vector_store %arg19[%swap3A_541, %swap3A_542], %swap3A_545 {strides = array<i32>} : memref<128x64xf32, #tpu.memory_space<vmem>>, vector<1x16xf32>,
      %scan3A_546 = arith.constant 0 : i32
      scf.yield %scan3A_546 : i32
    }
    %scan3A_228 = arith.constant 128 : i32
    %mul3A_229 = arith.constant 640 : i32
    %mul3A_230 = arith.muli %arg1, %mul3A_229 : i32
    %add3A_231 = arith.constant 0 : i32
    %add3A_232 = arith.addi %mul3A_230, %add3A_231 : i32
    "tpu.region"() ({
      %run_scoped3A = tpu.sem_alloc : memref<!tpu.dma_semaphore, #tpu.memory_space<semaphore_mem>>
      %dma_start3A_525 = arith.constant 0 : i32
      %dma_start3A_526 = tpu.memref_slice %arg21[%add3A_232, %dma_start3A_525] : memref<10240x64xf32, #tpu.memory_space<vmem_shared>> -> memref<128x64xf32, #tpu.memory_space<vmem_shared>>
      %dma_start3A_527 = arith.constant 0 : i32
      %dma_start3A_528 = tpu.memref_slice %arg21[%add3A_232, %dma_start3A_527] : memref<10240x64xf32, #tpu.memory_space<vmem_shared>> -> memref<128x64xf32, #tpu.memory_space<vmem_shared>>
      tpu.enqueue_dma source(%arg19 : memref<128x64xf32, #tpu.memory_space<vmem>>) target(%dma_start3A_528 : memref<128x64xf32, #tpu.memory_space<vmem_shared>>) target_semaphore(%run_scoped3A : memref<!tpu.dma_semaphore, #tpu.memory_space<semaphore_mem>>)
      %dma_wait3A_529 = arith.constant 0 : i32
      %dma_wait3A_530 = tpu.memref_slice %arg21[%add3A_232, %dma_wait3A_529] : memref<10240x64xf32, #tpu.memory_space<vmem_shared>> -> memref<128x64xf32, #tpu.memory_space<vmem_shared>>
      %dma_wait3A_531 = arith.constant 0 : i32
      %dma_wait3A_532 = tpu.memref_slice %arg21[%add3A_232, %dma_wait3A_531] : memref<10240x64xf32, #tpu.memory_space<vmem_shared>> -> memref<128x64xf32, #tpu.memory_space<vmem_shared>>
      tpu.wait_dma2 semaphore(%run_scoped3A : memref<!tpu.dma_semaphore, #tpu.memory_space<semaphore_mem>>) src(%arg19 : memref<128x64xf32, #tpu.memory_space<vmem>>) dst(%dma_wait3A_532 : memref<128x64xf32, #tpu.memory_space<vmem_shared>>)
      tpu.yield
    }) : () -> ()
    %mul3A_233 = arith.constant 640 : i32
    %mul3A_234 = arith.muli %arg1, %mul3A_233 : i32
    %add3A_235 = arith.constant 128 : i32
    %add3A_236 = arith.addi %mul3A_234, %add3A_235 : i32
    "tpu.region"() ({
      %run_scoped3A = tpu.sem_alloc : memref<!tpu.dma_semaphore, #tpu.memory_space<semaphore_mem>>
      %dma_start3A_525 = arith.constant 0 : i32
      %dma_start3A_526 = tpu.memref_slice %arg21[%add3A_236, %dma_start3A_525] : memref<10240x64xf32, #tpu.memory_space<vmem_shared>> -> memref<128x64xf32, #tpu.memory_space<vmem_shared>>
      %dma_start3A_527 = arith.constant 0 : i32
      %dma_start3A_528 = tpu.memref_slice %arg21[%add3A_236, %dma_start3A_527] : memref<10240x64xf32, #tpu.memory_space<vmem_shared>> -> memref<128x64xf32, #tpu.memory_space<vmem_shared>>
      tpu.enqueue_dma source(%arg19 : memref<128x64xf32, #tpu.memory_space<vmem>>) target(%dma_start3A_528 : memref<128x64xf32, #tpu.memory_space<vmem_shared>>) target_semaphore(%run_scoped3A : memref<!tpu.dma_semaphore, #tpu.memory_space<semaphore_mem>>)
      %dma_wait3A_529 = arith.constant 0 : i32
      %dma_wait3A_530 = tpu.memref_slice %arg21[%add3A_236, %dma_wait3A_529] : memref<10240x64xf32, #tpu.memory_space<vmem_shared>> -> memref<128x64xf32, #tpu.memory_space<vmem_shared>>
      %dma_wait3A_531 = arith.constant 0 : i32
      %dma_wait3A_532 = tpu.memref_slice %arg21[%add3A_236, %dma_wait3A_531] : memref<10240x64xf32, #tpu.memory_space<vmem_shared>> -> memref<128x64xf32, #tpu.memory_space<vmem_shared>>
      tpu.wait_dma2 semaphore(%run_scoped3A : memref<!tpu.dma_semaphore, #tpu.memory_space<semaphore_mem>>) src(%arg19 : memref<128x64xf32, #tpu.memory_space<vmem>>) dst(%dma_wait3A_532 : memref<128x64xf32, #tpu.memory_space<vmem_shared>>)
      tpu.yield
    }) : () -> ()
    %mul3A_237 = arith.constant 640 : i32
    %mul3A_238 = arith.muli %arg1, %mul3A_237 : i32
    %add3A_239 = arith.constant 256 : i32
    %add3A_240 = arith.addi %mul3A_238, %add3A_239 : i32
    "tpu.region"() ({
      %run_scoped3A = tpu.sem_alloc : memref<!tpu.dma_semaphore, #tpu.memory_space<semaphore_mem>>
      %dma_start3A_525 = arith.constant 0 : i32
      %dma_start3A_526 = tpu.memref_slice %arg21[%add3A_240, %dma_start3A_525] : memref<10240x64xf32, #tpu.memory_space<vmem_shared>> -> memref<128x64xf32, #tpu.memory_space<vmem_shared>>
      %dma_start3A_527 = arith.constant 0 : i32
      %dma_start3A_528 = tpu.memref_slice %arg21[%add3A_240, %dma_start3A_527] : memref<10240x64xf32, #tpu.memory_space<vmem_shared>> -> memref<128x64xf32, #tpu.memory_space<vmem_shared>>
      tpu.enqueue_dma source(%arg19 : memref<128x64xf32, #tpu.memory_space<vmem>>) target(%dma_start3A_528 : memref<128x64xf32, #tpu.memory_space<vmem_shared>>) target_semaphore(%run_scoped3A : memref<!tpu.dma_semaphore, #tpu.memory_space<semaphore_mem>>)
      %dma_wait3A_529 = arith.constant 0 : i32
      %dma_wait3A_530 = tpu.memref_slice %arg21[%add3A_240, %dma_wait3A_529] : memref<10240x64xf32, #tpu.memory_space<vmem_shared>> -> memref<128x64xf32, #tpu.memory_space<vmem_shared>>
      %dma_wait3A_531 = arith.constant 0 : i32
      %dma_wait3A_532 = tpu.memref_slice %arg21[%add3A_240, %dma_wait3A_531] : memref<10240x64xf32, #tpu.memory_space<vmem_shared>> -> memref<128x64xf32, #tpu.memory_space<vmem_shared>>
      tpu.wait_dma2 semaphore(%run_scoped3A : memref<!tpu.dma_semaphore, #tpu.memory_space<semaphore_mem>>) src(%arg19 : memref<128x64xf32, #tpu.memory_space<vmem>>) dst(%dma_wait3A_532 : memref<128x64xf32, #tpu.memory_space<vmem_shared>>)
      tpu.yield
    }) : () -> ()
    %mul3A_241 = arith.constant 640 : i32
    %mul3A_242 = arith.muli %arg1, %mul3A_241 : i32
    %add3A_243 = arith.constant 384 : i32
    %add3A_244 = arith.addi %mul3A_242, %add3A_243 : i32
    "tpu.region"() ({
      %run_scoped3A = tpu.sem_alloc : memref<!tpu.dma_semaphore, #tpu.memory_space<semaphore_mem>>
      %dma_start3A_525 = arith.constant 0 : i32
      %dma_start3A_526 = tpu.memref_slice %arg21[%add3A_244, %dma_start3A_525] : memref<10240x64xf32, #tpu.memory_space<vmem_shared>> -> memref<128x64xf32, #tpu.memory_space<vmem_shared>>
      %dma_start3A_527 = arith.constant 0 : i32
      %dma_start3A_528 = tpu.memref_slice %arg21[%add3A_244, %dma_start3A_527] : memref<10240x64xf32, #tpu.memory_space<vmem_shared>> -> memref<128x64xf32, #tpu.memory_space<vmem_shared>>
      tpu.enqueue_dma source(%arg19 : memref<128x64xf32, #tpu.memory_space<vmem>>) target(%dma_start3A_528 : memref<128x64xf32, #tpu.memory_space<vmem_shared>>) target_semaphore(%run_scoped3A : memref<!tpu.dma_semaphore, #tpu.memory_space<semaphore_mem>>)
      %dma_wait3A_529 = arith.constant 0 : i32
      %dma_wait3A_530 = tpu.memref_slice %arg21[%add3A_244, %dma_wait3A_529] : memref<10240x64xf32, #tpu.memory_space<vmem_shared>> -> memref<128x64xf32, #tpu.memory_space<vmem_shared>>
      %dma_wait3A_531 = arith.constant 0 : i32
      %dma_wait3A_532 = tpu.memref_slice %arg21[%add3A_244, %dma_wait3A_531] : memref<10240x64xf32, #tpu.memory_space<vmem_shared>> -> memref<128x64xf32, #tpu.memory_space<vmem_shared>>
      tpu.wait_dma2 semaphore(%run_scoped3A : memref<!tpu.dma_semaphore, #tpu.memory_space<semaphore_mem>>) src(%arg19 : memref<128x64xf32, #tpu.memory_space<vmem>>) dst(%dma_wait3A_532 : memref<128x64xf32, #tpu.memory_space<vmem_shared>>)
      tpu.yield
    }) : () -> ()
    %mul3A_245 = arith.constant 640 : i32
    %mul3A_246 = arith.muli %arg1, %mul3A_245 : i32
    %add3A_247 = arith.constant 512 : i32
    %add3A_248 = arith.addi %mul3A_246, %add3A_247 : i32
    "tpu.region"() ({
      %run_scoped3A = tpu.sem_alloc : memref<!tpu.dma_semaphore, #tpu.memory_space<semaphore_mem>>
      %dma_start3A_525 = arith.constant 0 : i32
      %dma_start3A_526 = tpu.memref_slice %arg21[%add3A_248, %dma_start3A_525] : memref<10240x64xf32, #tpu.memory_space<vmem_shared>> -> memref<128x64xf32, #tpu.memory_space<vmem_shared>>
      %dma_start3A_527 = arith.constant 0 : i32
      %dma_start3A_528 = tpu.memref_slice %arg21[%add3A_248, %dma_start3A_527] : memref<10240x64xf32, #tpu.memory_space<vmem_shared>> -> memref<128x64xf32, #tpu.memory_space<vmem_shared>>
      tpu.enqueue_dma source(%arg19 : memref<128x64xf32, #tpu.memory_space<vmem>>) target(%dma_start3A_528 : memref<128x64xf32, #tpu.memory_space<vmem_shared>>) target_semaphore(%run_scoped3A : memref<!tpu.dma_semaphore, #tpu.memory_space<semaphore_mem>>)
      %dma_wait3A_529 = arith.constant 0 : i32
      %dma_wait3A_530 = tpu.memref_slice %arg21[%add3A_248, %dma_wait3A_529] : memref<10240x64xf32, #tpu.memory_space<vmem_shared>> -> memref<128x64xf32, #tpu.memory_space<vmem_shared>>
      %dma_wait3A_531 = arith.constant 0 : i32
      %dma_wait3A_532 = tpu.memref_slice %arg21[%add3A_248, %dma_wait3A_531] : memref<10240x64xf32, #tpu.memory_space<vmem_shared>> -> memref<128x64xf32, #tpu.memory_space<vmem_shared>>
      tpu.wait_dma2 semaphore(%run_scoped3A : memref<!tpu.dma_semaphore, #tpu.memory_space<semaphore_mem>>) src(%arg19 : memref<128x64xf32, #tpu.memory_space<vmem>>) dst(%dma_wait3A_532 : memref<128x64xf32, #tpu.memory_space<vmem_shared>>)
      tpu.yield
    }) : () -> ()
    %barrier3A_249 = arith.constant 0 : index
    tpu.barrier barrier_id(%barrier3A_249)
    %dma_start3A_250 = arith.constant 0 : i32
    %dma_start3A_251 = arith.constant 0 : i32
    %dma_start3A_252 = tpu.memref_slice %arg9[%dma_start3A_250, %dma_start3A_251] : memref<160x125xi32, #tpu.memory_space<vmem>> -> memref<1x125xi32, #tpu.memory_space<vmem>>
    %dma_start3A_253 = tpu.memref_squeeze %dma_start3A_252 : memref<1x125xi32, #tpu.memory_space<vmem>> -> memref<125xi32, #tpu.memory_space<vmem>>
    %dma_start3A_254 = arith.constant 0 : i32
    %dma_start3A_255 = arith.constant 0 : i32
    %dma_start3A_256 = tpu.memref_slice %arg7[%arg0, %dma_start3A_254, %dma_start3A_255] : memref<2x10240x64xf32, #tpu.memory_space<hbm>> -> memref<1x10240x64xf32, #tpu.memory_space<hbm>>
    %dma_start3A_257 = tpu.memref_squeeze %dma_start3A_256 : memref<1x10240x64xf32, #tpu.memory_space<hbm>> -> memref<10240x64xf32, #tpu.memory_space<hbm>>
    %dma_start3A_258 = arith.constant 0 : i32
    %dma_start3A_259 = arith.constant 0 : i32
    %dma_start3A_260 = tpu.memref_slice %dma_start3A_257[%dma_start3A_258, %dma_start3A_259] : memref<10240x64xf32, #tpu.memory_space<hbm>> -> memref<10240x64xf32, #tpu.memory_space<hbm>>
    tpu.enqueue_indirect_dma source(%dma_start3A_260 : memref<10240x64xf32, #tpu.memory_space<hbm>>) target(%arg14 : memref<125x64xf32, #tpu.memory_space<vmem>>) offsets(%dma_start3A_253 : memref<125xi32, #tpu.memory_space<vmem>>) semaphore(%arg23 : memref<!tpu.dma_semaphore, #tpu.memory_space<semaphore_mem>>)
    %dma_start3A_261 = arith.constant 1 : i32
    %dma_start3A_262 = arith.constant 0 : i32
    %dma_start3A_263 = tpu.memref_slice %arg9[%dma_start3A_261, %dma_start3A_262] : memref<160x125xi32, #tpu.memory_space<vmem>> -> memref<1x125xi32, #tpu.memory_space<vmem>>
    %dma_start3A_264 = tpu.memref_squeeze %dma_start3A_263 : memref<1x125xi32, #tpu.memory_space<vmem>> -> memref<125xi32, #tpu.memory_space<vmem>>
    %dma_start3A_265 = arith.constant 0 : i32
    %dma_start3A_266 = arith.constant 0 : i32
    %dma_start3A_267 = tpu.memref_slice %arg7[%arg0, %dma_start3A_265, %dma_start3A_266] : memref<2x10240x64xf32, #tpu.memory_space<hbm>> -> memref<1x10240x64xf32, #tpu.memory_space<hbm>>
    %dma_start3A_268 = tpu.memref_squeeze %dma_start3A_267 : memref<1x10240x64xf32, #tpu.memory_space<hbm>> -> memref<10240x64xf32, #tpu.memory_space<hbm>>
    %dma_start3A_269 = arith.constant 0 : i32
    %dma_start3A_270 = arith.constant 0 : i32
    %dma_start3A_271 = tpu.memref_slice %dma_start3A_268[%dma_start3A_269, %dma_start3A_270] : memref<10240x64xf32, #tpu.memory_space<hbm>> -> memref<10240x64xf32, #tpu.memory_space<hbm>>
    tpu.enqueue_indirect_dma source(%dma_start3A_271 : memref<10240x64xf32, #tpu.memory_space<hbm>>) target(%arg15 : memref<125x64xf32, #tpu.memory_space<vmem>>) offsets(%dma_start3A_264 : memref<125xi32, #tpu.memory_space<vmem>>) semaphore(%arg24 : memref<!tpu.dma_semaphore, #tpu.memory_space<semaphore_mem>>)
    %dma_start3A_272 = arith.constant 0 : i32
    %dma_start3A_273 = arith.constant 0 : i32
    %dma_start3A_274 = tpu.memref_slice %arg4[%arg1, %dma_start3A_272, %dma_start3A_273] : memref<16x160x125xi32, #tpu.memory_space<hbm>> -> memref<1x1x125xi32, #tpu.memory_space<hbm>>
    %dma_start3A_275 = tpu.memref_squeeze %dma_start3A_274 : memref<1x1x125xi32, #tpu.memory_space<hbm>> -> memref<125xi32, #tpu.memory_space<hbm>>
    %dma_start3A_276 = arith.constant 0 : i32
    %dma_start3A_277 = tpu.memref_slice %arg4[%arg1, %dma_start3A_272, %dma_start3A_276] : memref<16x160x125xi32, #tpu.memory_space<hbm>> -> memref<1x1x125xi32, #tpu.memory_space<hbm>>
    %dma_start3A_278 = tpu.memref_squeeze %dma_start3A_277 : memref<1x1x125xi32, #tpu.memory_space<hbm>> -> memref<125xi32, #tpu.memory_space<hbm>>
    tpu.enqueue_dma source(%dma_start3A_278 : memref<125xi32, #tpu.memory_space<hbm>>) target(%arg10 : memref<125xi32, #tpu.memory_space<vmem>>) target_semaphore(%arg27 : memref<!tpu.dma_semaphore, #tpu.memory_space<semaphore_mem>>)
    %dma_start3A_279 = arith.constant 1 : i32
    %dma_start3A_280 = arith.constant 0 : i32
    %dma_start3A_281 = tpu.memref_slice %arg4[%arg1, %dma_start3A_279, %dma_start3A_280] : memref<16x160x125xi32, #tpu.memory_space<hbm>> -> memref<1x1x125xi32, #tpu.memory_space<hbm>>
    %dma_start3A_282 = tpu.memref_squeeze %dma_start3A_281 : memref<1x1x125xi32, #tpu.memory_space<hbm>> -> memref<125xi32, #tpu.memory_space<hbm>>
    %dma_start3A_283 = arith.constant 0 : i32
    %dma_start3A_284 = tpu.memref_slice %arg4[%arg1, %dma_start3A_279, %dma_start3A_283] : memref<16x160x125xi32, #tpu.memory_space<hbm>> -> memref<1x1x125xi32, #tpu.memory_space<hbm>>
    %dma_start3A_285 = tpu.memref_squeeze %dma_start3A_284 : memref<1x1x125xi32, #tpu.memory_space<hbm>> -> memref<125xi32, #tpu.memory_space<hbm>>
    tpu.enqueue_dma source(%dma_start3A_285 : memref<125xi32, #tpu.memory_space<hbm>>) target(%arg11 : memref<125xi32, #tpu.memory_space<vmem>>) target_semaphore(%arg28 : memref<!tpu.dma_semaphore, #tpu.memory_space<semaphore_mem>>)
    %scan3A_286 = arith.constant 0 : i32
    %scan3A_287 = arith.constant 0 : i32
    %scan3A_288 = arith.constant 40 : i32
    %scan3A_289 = arith.addi %scan3A_287, %scan3A_288 : i32
    %scan3A_290 = arith.constant 1 : i32
    %scan3A_291 = scf.for %scan3A_525 = %scan3A_287 to %scan3A_289 step %scan3A_290 iter_args(%scan3A_526 = %scan3A_286) -> (i32)  : i32 {
      %mul3A_527 = arith.constant 4 : i32
      %mul3A_528 = arith.muli %scan3A_525, %mul3A_527 : i32
      %add3A_529 = arith.constant 0 : i32
      %add3A_530 = arith.addi %mul3A_528, %add3A_529 : i32
      %dma_wait3A_531 = arith.constant 0 : i32
      %dma_wait3A_532 = tpu.memref_slice %arg9[%add3A_530, %dma_wait3A_531] : memref<160x125xi32, #tpu.memory_space<vmem>> -> memref<1x125xi32, #tpu.memory_space<vmem>>
      %dma_wait3A_533 = tpu.memref_squeeze %dma_wait3A_532 : memref<1x125xi32, #tpu.memory_space<vmem>> -> memref<125xi32, #tpu.memory_space<vmem>>
      %dma_wait3A_534 = arith.constant 0 : i32
      %dma_wait3A_535 = arith.constant 0 : i32
      %dma_wait3A_536 = tpu.memref_slice %arg7[%arg0, %dma_wait3A_534, %dma_wait3A_535] : memref<2x10240x64xf32, #tpu.memory_space<hbm>> -> memref<1x10240x64xf32, #tpu.memory_space<hbm>>
      %dma_wait3A_537 = tpu.memref_squeeze %dma_wait3A_536 : memref<1x10240x64xf32, #tpu.memory_space<hbm>> -> memref<10240x64xf32, #tpu.memory_space<hbm>>
      %dma_wait3A_538 = arith.constant 0 : i32
      %dma_wait3A_539 = arith.constant 0 : i32
      %dma_wait3A_540 = tpu.memref_slice %dma_wait3A_537[%dma_wait3A_538, %dma_wait3A_539] : memref<10240x64xf32, #tpu.memory_space<hbm>> -> memref<10240x64xf32, #tpu.memory_space<hbm>>
      tpu.wait_indirect_dma semaphore(%arg23 : memref<!tpu.dma_semaphore, #tpu.memory_space<semaphore_mem>>) src(%dma_wait3A_540 : memref<10240x64xf32, #tpu.memory_space<hbm>>) dst(%arg14 : memref<125x64xf32, #tpu.memory_space<vmem>>)
      %dma_wait3A_541 = arith.constant 0 : i32
      %dma_wait3A_542 = arith.constant 0 : i32
      %dma_wait3A_543 = tpu.memref_slice %arg4[%arg1, %dma_wait3A_541, %dma_wait3A_542] : memref<16x160x125xi32, #tpu.memory_space<hbm>> -> memref<1x1x125xi32, #tpu.memory_space<hbm>>
      %dma_wait3A_544 = tpu.memref_squeeze %dma_wait3A_543 : memref<1x1x125xi32, #tpu.memory_space<hbm>> -> memref<125xi32, #tpu.memory_space<hbm>>
      %dma_wait3A_545 = arith.constant 0 : i32
      %dma_wait3A_546 = tpu.memref_slice %arg4[%arg1, %dma_wait3A_541, %dma_wait3A_545] : memref<16x160x125xi32, #tpu.memory_space<hbm>> -> memref<1x1x125xi32, #tpu.memory_space<hbm>>
      %dma_wait3A_547 = tpu.memref_squeeze %dma_wait3A_546 : memref<1x1x125xi32, #tpu.memory_space<hbm>> -> memref<125xi32, #tpu.memory_space<hbm>>
      tpu.wait_dma2 semaphore(%arg27 : memref<!tpu.dma_semaphore, #tpu.memory_space<semaphore_mem>>) src(%dma_wait3A_547 : memref<125xi32, #tpu.memory_space<hbm>>) dst(%arg10 : memref<125xi32, #tpu.memory_space<vmem>>)
      %dma_start3A_548 = arith.constant 0 : i32
      %dma_start3A_549 = arith.constant 0 : i32
      %dma_start3A_550 = tpu.memref_slice %arg21[%dma_start3A_548, %dma_start3A_549] : memref<10240x64xf32, #tpu.memory_space<vmem_shared>> -> memref<10240x64xf32, #tpu.memory_space<vmem_shared>>
      tpu.enqueue_indirect_dma source(%arg14 : memref<125x64xf32, #tpu.memory_space<vmem>>) target(%dma_start3A_550 : memref<10240x64xf32, #tpu.memory_space<vmem_shared>>) offsets(%arg10 : memref<125xi32, #tpu.memory_space<vmem>>) semaphore(%arg31 : memref<!tpu.dma_semaphore, #tpu.memory_space<semaphore_mem>>) {add = true}
      %ge3A = arith.constant 2 : i32
      %ge3A_551 = arith.cmpi sge, %add3A_530, %ge3A : i32
      %convert_element_type3A_552 = arith.extui %ge3A_551 : i1 to i32
      %cond3A_553 = arith.constant 0 : i32
      %cond3A_554 = arith.cmpi ne, %convert_element_type3A_552, %cond3A_553 : i32
      scf.if %cond3A_554 {
        %dma_wait3A_670 = arith.constant 0 : i32
        %dma_wait3A_671 = arith.constant 0 : i32
        %dma_wait3A_672 = tpu.memref_slice %arg21[%dma_wait3A_670, %dma_wait3A_671] : memref<10240x64xf32, #tpu.memory_space<vmem_shared>> -> memref<10240x64xf32, #tpu.memory_space<vmem_shared>>
        tpu.wait_indirect_dma semaphore(%arg33 : memref<!tpu.dma_semaphore, #tpu.memory_space<semaphore_mem>>) src(%arg16 : memref<125x64xf32, #tpu.memory_space<vmem>>) dst(%dma_wait3A_672 : memref<10240x64xf32, #tpu.memory_space<vmem_shared>>)
      } else {
      }
      %add3A_555 = arith.constant 2 : i32
      %add3A_556 = arith.addi %add3A_530, %add3A_555 : i32
      %lt3A = arith.constant 160 : i32
      %lt3A_557 = arith.cmpi slt, %add3A_556, %lt3A : i32
      %convert_element_type3A_558 = arith.extui %lt3A_557 : i1 to i32
      %cond3A_559 = arith.constant 0 : i32
      %cond3A_560 = arith.cmpi ne, %convert_element_type3A_558, %cond3A_559 : i32
      scf.if %cond3A_560 {
        %add3A_670 = arith.constant 2 : i32
        %add3A_671 = arith.addi %add3A_530, %add3A_670 : i32
        %dma_start3A_672 = arith.constant 0 : i32
        %dma_start3A_673 = tpu.memref_slice %arg9[%add3A_671, %dma_start3A_672] : memref<160x125xi32, #tpu.memory_space<vmem>> -> memref<1x125xi32, #tpu.memory_space<vmem>>
        %dma_start3A_674 = tpu.memref_squeeze %dma_start3A_673 : memref<1x125xi32, #tpu.memory_space<vmem>> -> memref<125xi32, #tpu.memory_space<vmem>>
        %dma_start3A_675 = arith.constant 0 : i32
        %dma_start3A_676 = arith.constant 0 : i32
        %dma_start3A_677 = tpu.memref_slice %arg7[%arg0, %dma_start3A_675, %dma_start3A_676] : memref<2x10240x64xf32, #tpu.memory_space<hbm>> -> memref<1x10240x64xf32, #tpu.memory_space<hbm>>
        %dma_start3A_678 = tpu.memref_squeeze %dma_start3A_677 : memref<1x10240x64xf32, #tpu.memory_space<hbm>> -> memref<10240x64xf32, #tpu.memory_space<hbm>>
        %dma_start3A_679 = arith.constant 0 : i32
        %dma_start3A_680 = arith.constant 0 : i32
        %dma_start3A_681 = tpu.memref_slice %dma_start3A_678[%dma_start3A_679, %dma_start3A_680] : memref<10240x64xf32, #tpu.memory_space<hbm>> -> memref<10240x64xf32, #tpu.memory_space<hbm>>
        tpu.enqueue_indirect_dma source(%dma_start3A_681 : memref<10240x64xf32, #tpu.memory_space<hbm>>) target(%arg16 : memref<125x64xf32, #tpu.memory_space<vmem>>) offsets(%dma_start3A_674 : memref<125xi32, #tpu.memory_space<vmem>>) semaphore(%arg25 : memref<!tpu.dma_semaphore, #tpu.memory_space<semaphore_mem>>)
        %add3A_682 = arith.constant 2 : i32
        %add3A_683 = arith.addi %add3A_530, %add3A_682 : i32
        %dma_start3A_684 = arith.constant 0 : i32
        %dma_start3A_685 = tpu.memref_slice %arg4[%arg1, %add3A_683, %dma_start3A_684] : memref<16x160x125xi32, #tpu.memory_space<hbm>> -> memref<1x1x125xi32, #tpu.memory_space<hbm>>
        %dma_start3A_686 = tpu.memref_squeeze %dma_start3A_685 : memref<1x1x125xi32, #tpu.memory_space<hbm>> -> memref<125xi32, #tpu.memory_space<hbm>>
        %dma_start3A_687 = arith.constant 0 : i32
        %dma_start3A_688 = tpu.memref_slice %arg4[%arg1, %add3A_683, %dma_start3A_687] : memref<16x160x125xi32, #tpu.memory_space<hbm>> -> memref<1x1x125xi32, #tpu.memory_space<hbm>>
        %dma_start3A_689 = tpu.memref_squeeze %dma_start3A_688 : memref<1x1x125xi32, #tpu.memory_space<hbm>> -> memref<125xi32, #tpu.memory_space<hbm>>
        tpu.enqueue_dma source(%dma_start3A_689 : memref<125xi32, #tpu.memory_space<hbm>>) target(%arg12 : memref<125xi32, #tpu.memory_space<vmem>>) target_semaphore(%arg29 : memref<!tpu.dma_semaphore, #tpu.memory_space<semaphore_mem>>)
      } else {
      }
      %mul3A_561 = arith.constant 4 : i32
      %mul3A_562 = arith.muli %scan3A_525, %mul3A_561 : i32
      %add3A_563 = arith.constant 1 : i32
      %add3A_564 = arith.addi %mul3A_562, %add3A_563 : i32
      %dma_wait3A_565 = arith.constant 0 : i32
      %dma_wait3A_566 = tpu.memref_slice %arg9[%add3A_564, %dma_wait3A_565] : memref<160x125xi32, #tpu.memory_space<vmem>> -> memref<1x125xi32, #tpu.memory_space<vmem>>
      %dma_wait3A_567 = tpu.memref_squeeze %dma_wait3A_566 : memref<1x125xi32, #tpu.memory_space<vmem>> -> memref<125xi32, #tpu.memory_space<vmem>>
      %dma_wait3A_568 = arith.constant 0 : i32
      %dma_wait3A_569 = arith.constant 0 : i32
      %dma_wait3A_570 = tpu.memref_slice %arg7[%arg0, %dma_wait3A_568, %dma_wait3A_569] : memref<2x10240x64xf32, #tpu.memory_space<hbm>> -> memref<1x10240x64xf32, #tpu.memory_space<hbm>>
      %dma_wait3A_571 = tpu.memref_squeeze %dma_wait3A_570 : memref<1x10240x64xf32, #tpu.memory_space<hbm>> -> memref<10240x64xf32, #tpu.memory_space<hbm>>
      %dma_wait3A_572 = arith.constant 0 : i32
      %dma_wait3A_573 = arith.constant 0 : i32
      %dma_wait3A_574 = tpu.memref_slice %dma_wait3A_571[%dma_wait3A_572, %dma_wait3A_573] : memref<10240x64xf32, #tpu.memory_space<hbm>> -> memref<10240x64xf32, #tpu.memory_space<hbm>>
      tpu.wait_indirect_dma semaphore(%arg24 : memref<!tpu.dma_semaphore, #tpu.memory_space<semaphore_mem>>) src(%dma_wait3A_574 : memref<10240x64xf32, #tpu.memory_space<hbm>>) dst(%arg15 : memref<125x64xf32, #tpu.memory_space<vmem>>)
      %dma_wait3A_575 = arith.constant 0 : i32
      %dma_wait3A_576 = arith.constant 0 : i32
      %dma_wait3A_577 = tpu.memref_slice %arg4[%arg1, %dma_wait3A_575, %dma_wait3A_576] : memref<16x160x125xi32, #tpu.memory_space<hbm>> -> memref<1x1x125xi32, #tpu.memory_space<hbm>>
      %dma_wait3A_578 = tpu.memref_squeeze %dma_wait3A_577 : memref<1x1x125xi32, #tpu.memory_space<hbm>> -> memref<125xi32, #tpu.memory_space<hbm>>
      %dma_wait3A_579 = arith.constant 0 : i32
      %dma_wait3A_580 = tpu.memref_slice %arg4[%arg1, %dma_wait3A_575, %dma_wait3A_579] : memref<16x160x125xi32, #tpu.memory_space<hbm>> -> memref<1x1x125xi32, #tpu.memory_space<hbm>>
      %dma_wait3A_581 = tpu.memref_squeeze %dma_wait3A_580 : memref<1x1x125xi32, #tpu.memory_space<hbm>> -> memref<125xi32, #tpu.memory_space<hbm>>
      tpu.wait_dma2 semaphore(%arg28 : memref<!tpu.dma_semaphore, #tpu.memory_space<semaphore_mem>>) src(%dma_wait3A_581 : memref<125xi32, #tpu.memory_space<hbm>>) dst(%arg11 : memref<125xi32, #tpu.memory_space<vmem>>)
      %dma_start3A_582 = arith.constant 0 : i32
      %dma_start3A_583 = arith.constant 0 : i32
      %dma_start3A_584 = tpu.memref_slice %arg21[%dma_start3A_582, %dma_start3A_583] : memref<10240x64xf32, #tpu.memory_space<vmem_shared>> -> memref<10240x64xf32, #tpu.memory_space<vmem_shared>>
      tpu.enqueue_indirect_dma source(%arg15 : memref<125x64xf32, #tpu.memory_space<vmem>>) target(%dma_start3A_584 : memref<10240x64xf32, #tpu.memory_space<vmem_shared>>) offsets(%arg11 : memref<125xi32, #tpu.memory_space<vmem>>) semaphore(%arg32 : memref<!tpu.dma_semaphore, #tpu.memory_space<semaphore_mem>>) {add = true}
      %ge3A_585 = arith.constant 2 : i32
      %ge3A_586 = arith.cmpi sge, %add3A_564, %ge3A_585 : i32
      %convert_element_type3A_587 = arith.extui %ge3A_586 : i1 to i32
      %cond3A_588 = arith.constant 0 : i32
      %cond3A_589 = arith.cmpi ne, %convert_element_type3A_587, %cond3A_588 : i32
      scf.if %cond3A_589 {
        %dma_wait3A_670 = arith.constant 0 : i32
        %dma_wait3A_671 = arith.constant 0 : i32
        %dma_wait3A_672 = tpu.memref_slice %arg21[%dma_wait3A_670, %dma_wait3A_671] : memref<10240x64xf32, #tpu.memory_space<vmem_shared>> -> memref<10240x64xf32, #tpu.memory_space<vmem_shared>>
        tpu.wait_indirect_dma semaphore(%arg34 : memref<!tpu.dma_semaphore, #tpu.memory_space<semaphore_mem>>) src(%arg17 : memref<125x64xf32, #tpu.memory_space<vmem>>) dst(%dma_wait3A_672 : memref<10240x64xf32, #tpu.memory_space<vmem_shared>>)
      } else {
      }
      %add3A_590 = arith.constant 2 : i32
      %add3A_591 = arith.addi %add3A_564, %add3A_590 : i32
      %lt3A_592 = arith.constant 160 : i32
      %lt3A_593 = arith.cmpi slt, %add3A_591, %lt3A_592 : i32
      %convert_element_type3A_594 = arith.extui %lt3A_593 : i1 to i32
      %cond3A_595 = arith.constant 0 : i32
      %cond3A_596 = arith.cmpi ne, %convert_element_type3A_594, %cond3A_595 : i32
      scf.if %cond3A_596 {
        %add3A_670 = arith.constant 2 : i32
        %add3A_671 = arith.addi %add3A_564, %add3A_670 : i32
        %dma_start3A_672 = arith.constant 0 : i32
        %dma_start3A_673 = tpu.memref_slice %arg9[%add3A_671, %dma_start3A_672] : memref<160x125xi32, #tpu.memory_space<vmem>> -> memref<1x125xi32, #tpu.memory_space<vmem>>
        %dma_start3A_674 = tpu.memref_squeeze %dma_start3A_673 : memref<1x125xi32, #tpu.memory_space<vmem>> -> memref<125xi32, #tpu.memory_space<vmem>>
        %dma_start3A_675 = arith.constant 0 : i32
        %dma_start3A_676 = arith.constant 0 : i32
        %dma_start3A_677 = tpu.memref_slice %arg7[%arg0, %dma_start3A_675, %dma_start3A_676] : memref<2x10240x64xf32, #tpu.memory_space<hbm>> -> memref<1x10240x64xf32, #tpu.memory_space<hbm>>
        %dma_start3A_678 = tpu.memref_squeeze %dma_start3A_677 : memref<1x10240x64xf32, #tpu.memory_space<hbm>> -> memref<10240x64xf32, #tpu.memory_space<hbm>>
        %dma_start3A_679 = arith.constant 0 : i32
        %dma_start3A_680 = arith.constant 0 : i32
        %dma_start3A_681 = tpu.memref_slice %dma_start3A_678[%dma_start3A_679, %dma_start3A_680] : memref<10240x64xf32, #tpu.memory_space<hbm>> -> memref<10240x64xf32, #tpu.memory_space<hbm>>
        tpu.enqueue_indirect_dma source(%dma_start3A_681 : memref<10240x64xf32, #tpu.memory_space<hbm>>) target(%arg17 : memref<125x64xf32, #tpu.memory_space<vmem>>) offsets(%dma_start3A_674 : memref<125xi32, #tpu.memory_space<vmem>>) semaphore(%arg26 : memref<!tpu.dma_semaphore, #tpu.memory_space<semaphore_mem>>)
        %add3A_682 = arith.constant 2 : i32
        %add3A_683 = arith.addi %add3A_564, %add3A_682 : i32
        %dma_start3A_684 = arith.constant 0 : i32
        %dma_start3A_685 = tpu.memref_slice %arg4[%arg1, %add3A_683, %dma_start3A_684] : memref<16x160x125xi32, #tpu.memory_space<hbm>> -> memref<1x1x125xi32, #tpu.memory_space<hbm>>
        %dma_start3A_686 = tpu.memref_squeeze %dma_start3A_685 : memref<1x1x125xi32, #tpu.memory_space<hbm>> -> memref<125xi32, #tpu.memory_space<hbm>>
        %dma_start3A_687 = arith.constant 0 : i32
        %dma_start3A_688 = tpu.memref_slice %arg4[%arg1, %add3A_683, %dma_start3A_687] : memref<16x160x125xi32, #tpu.memory_space<hbm>> -> memref<1x1x125xi32, #tpu.memory_space<hbm>>
        %dma_start3A_689 = tpu.memref_squeeze %dma_start3A_688 : memref<1x1x125xi32, #tpu.memory_space<hbm>> -> memref<125xi32, #tpu.memory_space<hbm>>
        tpu.enqueue_dma source(%dma_start3A_689 : memref<125xi32, #tpu.memory_space<hbm>>) target(%arg13 : memref<125xi32, #tpu.memory_space<vmem>>) target_semaphore(%arg30 : memref<!tpu.dma_semaphore, #tpu.memory_space<semaphore_mem>>)
      } else {
      }
      %mul3A_597 = arith.constant 4 : i32
      %mul3A_598 = arith.muli %scan3A_525, %mul3A_597 : i32
      %add3A_599 = arith.constant 2 : i32
      %add3A_600 = arith.addi %mul3A_598, %add3A_599 : i32
      %dma_wait3A_601 = arith.constant 0 : i32
      %dma_wait3A_602 = tpu.memref_slice %arg9[%add3A_600, %dma_wait3A_601] : memref<160x125xi32, #tpu.memory_space<vmem>> -> memref<1x125xi32, #tpu.memory_space<vmem>>
      %dma_wait3A_603 = tpu.memref_squeeze %dma_wait3A_602 : memref<1x125xi32, #tpu.memory_space<vmem>> -> memref<125xi32, #tpu.memory_space<vmem>>
      %dma_wait3A_604 = arith.constant 0 : i32
      %dma_wait3A_605 = arith.constant 0 : i32
      %dma_wait3A_606 = tpu.memref_slice %arg7[%arg0, %dma_wait3A_604, %dma_wait3A_605] : memref<2x10240x64xf32, #tpu.memory_space<hbm>> -> memref<1x10240x64xf32, #tpu.memory_space<hbm>>
      %dma_wait3A_607 = tpu.memref_squeeze %dma_wait3A_606 : memref<1x10240x64xf32, #tpu.memory_space<hbm>> -> memref<10240x64xf32, #tpu.memory_space<hbm>>
      %dma_wait3A_608 = arith.constant 0 : i32
      %dma_wait3A_609 = arith.constant 0 : i32
      %dma_wait3A_610 = tpu.memref_slice %dma_wait3A_607[%dma_wait3A_608, %dma_wait3A_609] : memref<10240x64xf32, #tpu.memory_space<hbm>> -> memref<10240x64xf32, #tpu.memory_space<hbm>>
      tpu.wait_indirect_dma semaphore(%arg25 : memref<!tpu.dma_semaphore, #tpu.memory_space<semaphore_mem>>) src(%dma_wait3A_610 : memref<10240x64xf32, #tpu.memory_space<hbm>>) dst(%arg16 : memref<125x64xf32, #tpu.memory_space<vmem>>)
      %dma_wait3A_611 = arith.constant 0 : i32
      %dma_wait3A_612 = arith.constant 0 : i32
      %dma_wait3A_613 = tpu.memref_slice %arg4[%arg1, %dma_wait3A_611, %dma_wait3A_612] : memref<16x160x125xi32, #tpu.memory_space<hbm>> -> memref<1x1x125xi32, #tpu.memory_space<hbm>>
      %dma_wait3A_614 = tpu.memref_squeeze %dma_wait3A_613 : memref<1x1x125xi32, #tpu.memory_space<hbm>> -> memref<125xi32, #tpu.memory_space<hbm>>
      %dma_wait3A_615 = arith.constant 0 : i32
      %dma_wait3A_616 = tpu.memref_slice %arg4[%arg1, %dma_wait3A_611, %dma_wait3A_615] : memref<16x160x125xi32, #tpu.memory_space<hbm>> -> memref<1x1x125xi32, #tpu.memory_space<hbm>>
      %dma_wait3A_617 = tpu.memref_squeeze %dma_wait3A_616 : memref<1x1x125xi32, #tpu.memory_space<hbm>> -> memref<125xi32, #tpu.memory_space<hbm>>
      tpu.wait_dma2 semaphore(%arg29 : memref<!tpu.dma_semaphore, #tpu.memory_space<semaphore_mem>>) src(%dma_wait3A_617 : memref<125xi32, #tpu.memory_space<hbm>>) dst(%arg12 : memref<125xi32, #tpu.memory_space<vmem>>)
      %dma_start3A_618 = arith.constant 0 : i32
      %dma_start3A_619 = arith.constant 0 : i32
      %dma_start3A_620 = tpu.memref_slice %arg21[%dma_start3A_618, %dma_start3A_619] : memref<10240x64xf32, #tpu.memory_space<vmem_shared>> -> memref<10240x64xf32, #tpu.memory_space<vmem_shared>>
      tpu.enqueue_indirect_dma source(%arg16 : memref<125x64xf32, #tpu.memory_space<vmem>>) target(%dma_start3A_620 : memref<10240x64xf32, #tpu.memory_space<vmem_shared>>) offsets(%arg12 : memref<125xi32, #tpu.memory_space<vmem>>) semaphore(%arg33 : memref<!tpu.dma_semaphore, #tpu.memory_space<semaphore_mem>>) {add = true}
      %ge3A_621 = arith.constant 2 : i32
      %ge3A_622 = arith.cmpi sge, %add3A_600, %ge3A_621 : i32
      %convert_element_type3A_623 = arith.extui %ge3A_622 : i1 to i32
      %cond3A_624 = arith.constant 0 : i32
      %cond3A_625 = arith.cmpi ne, %convert_element_type3A_623, %cond3A_624 : i32
      scf.if %cond3A_625 {
        %dma_wait3A_670 = arith.constant 0 : i32
        %dma_wait3A_671 = arith.constant 0 : i32
        %dma_wait3A_672 = tpu.memref_slice %arg21[%dma_wait3A_670, %dma_wait3A_671] : memref<10240x64xf32, #tpu.memory_space<vmem_shared>> -> memref<10240x64xf32, #tpu.memory_space<vmem_shared>>
        tpu.wait_indirect_dma semaphore(%arg31 : memref<!tpu.dma_semaphore, #tpu.memory_space<semaphore_mem>>) src(%arg14 : memref<125x64xf32, #tpu.memory_space<vmem>>) dst(%dma_wait3A_672 : memref<10240x64xf32, #tpu.memory_space<vmem_shared>>)
      } else {
      }
      %add3A_626 = arith.constant 2 : i32
      %add3A_627 = arith.addi %add3A_600, %add3A_626 : i32
      %lt3A_628 = arith.constant 160 : i32
      %lt3A_629 = arith.cmpi slt, %add3A_627, %lt3A_628 : i32
      %convert_element_type3A_630 = arith.extui %lt3A_629 : i1 to i32
      %cond3A_631 = arith.constant 0 : i32
      %cond3A_632 = arith.cmpi ne, %convert_element_type3A_630, %cond3A_631 : i32
      scf.if %cond3A_632 {
        %add3A_670 = arith.constant 2 : i32
        %add3A_671 = arith.addi %add3A_600, %add3A_670 : i32
        %dma_start3A_672 = arith.constant 0 : i32
        %dma_start3A_673 = tpu.memref_slice %arg9[%add3A_671, %dma_start3A_672] : memref<160x125xi32, #tpu.memory_space<vmem>> -> memref<1x125xi32, #tpu.memory_space<vmem>>
        %dma_start3A_674 = tpu.memref_squeeze %dma_start3A_673 : memref<1x125xi32, #tpu.memory_space<vmem>> -> memref<125xi32, #tpu.memory_space<vmem>>
        %dma_start3A_675 = arith.constant 0 : i32
        %dma_start3A_676 = arith.constant 0 : i32
        %dma_start3A_677 = tpu.memref_slice %arg7[%arg0, %dma_start3A_675, %dma_start3A_676] : memref<2x10240x64xf32, #tpu.memory_space<hbm>> -> memref<1x10240x64xf32, #tpu.memory_space<hbm>>
        %dma_start3A_678 = tpu.memref_squeeze %dma_start3A_677 : memref<1x10240x64xf32, #tpu.memory_space<hbm>> -> memref<10240x64xf32, #tpu.memory_space<hbm>>
        %dma_start3A_679 = arith.constant 0 : i32
        %dma_start3A_680 = arith.constant 0 : i32
        %dma_start3A_681 = tpu.memref_slice %dma_start3A_678[%dma_start3A_679, %dma_start3A_680] : memref<10240x64xf32, #tpu.memory_space<hbm>> -> memref<10240x64xf32, #tpu.memory_space<hbm>>
        tpu.enqueue_indirect_dma source(%dma_start3A_681 : memref<10240x64xf32, #tpu.memory_space<hbm>>) target(%arg14 : memref<125x64xf32, #tpu.memory_space<vmem>>) offsets(%dma_start3A_674 : memref<125xi32, #tpu.memory_space<vmem>>) semaphore(%arg23 : memref<!tpu.dma_semaphore, #tpu.memory_space<semaphore_mem>>)
        %add3A_682 = arith.constant 2 : i32
        %add3A_683 = arith.addi %add3A_600, %add3A_682 : i32
        %dma_start3A_684 = arith.constant 0 : i32
        %dma_start3A_685 = tpu.memref_slice %arg4[%arg1, %add3A_683, %dma_start3A_684] : memref<16x160x125xi32, #tpu.memory_space<hbm>> -> memref<1x1x125xi32, #tpu.memory_space<hbm>>
        %dma_start3A_686 = tpu.memref_squeeze %dma_start3A_685 : memref<1x1x125xi32, #tpu.memory_space<hbm>> -> memref<125xi32, #tpu.memory_space<hbm>>
        %dma_start3A_687 = arith.constant 0 : i32
        %dma_start3A_688 = tpu.memref_slice %arg4[%arg1, %add3A_683, %dma_start3A_687] : memref<16x160x125xi32, #tpu.memory_space<hbm>> -> memref<1x1x125xi32, #tpu.memory_space<hbm>>
        %dma_start3A_689 = tpu.memref_squeeze %dma_start3A_688 : memref<1x1x125xi32, #tpu.memory_space<hbm>> -> memref<125xi32, #tpu.memory_space<hbm>>
        tpu.enqueue_dma source(%dma_start3A_689 : memref<125xi32, #tpu.memory_space<hbm>>) target(%arg10 : memref<125xi32, #tpu.memory_space<vmem>>) target_semaphore(%arg27 : memref<!tpu.dma_semaphore, #tpu.memory_space<semaphore_mem>>)
      } else {
      }
      %mul3A_633 = arith.constant 4 : i32
      %mul3A_634 = arith.muli %scan3A_525, %mul3A_633 : i32
      %add3A_635 = arith.constant 3 : i32
      %add3A_636 = arith.addi %mul3A_634, %add3A_635 : i32
      %dma_wait3A_637 = arith.constant 0 : i32
      %dma_wait3A_638 = tpu.memref_slice %arg9[%add3A_636, %dma_wait3A_637] : memref<160x125xi32, #tpu.memory_space<vmem>> -> memref<1x125xi32, #tpu.memory_space<vmem>>
      %dma_wait3A_639 = tpu.memref_squeeze %dma_wait3A_638 : memref<1x125xi32, #tpu.memory_space<vmem>> -> memref<125xi32, #tpu.memory_space<vmem>>
      %dma_wait3A_640 = arith.constant 0 : i32
      %dma_wait3A_641 = arith.constant 0 : i32
      %dma_wait3A_642 = tpu.memref_slice %arg7[%arg0, %dma_wait3A_640, %dma_wait3A_641] : memref<2x10240x64xf32, #tpu.memory_space<hbm>> -> memref<1x10240x64xf32, #tpu.memory_space<hbm>>
      %dma_wait3A_643 = tpu.memref_squeeze %dma_wait3A_642 : memref<1x10240x64xf32, #tpu.memory_space<hbm>> -> memref<10240x64xf32, #tpu.memory_space<hbm>>
      %dma_wait3A_644 = arith.constant 0 : i32
      %dma_wait3A_645 = arith.constant 0 : i32
      %dma_wait3A_646 = tpu.memref_slice %dma_wait3A_643[%dma_wait3A_644, %dma_wait3A_645] : memref<10240x64xf32, #tpu.memory_space<hbm>> -> memref<10240x64xf32, #tpu.memory_space<hbm>>
      tpu.wait_indirect_dma semaphore(%arg26 : memref<!tpu.dma_semaphore, #tpu.memory_space<semaphore_mem>>) src(%dma_wait3A_646 : memref<10240x64xf32, #tpu.memory_space<hbm>>) dst(%arg17 : memref<125x64xf32, #tpu.memory_space<vmem>>)
      %dma_wait3A_647 = arith.constant 0 : i32
      %dma_wait3A_648 = arith.constant 0 : i32
      %dma_wait3A_649 = tpu.memref_slice %arg4[%arg1, %dma_wait3A_647, %dma_wait3A_648] : memref<16x160x125xi32, #tpu.memory_space<hbm>> -> memref<1x1x125xi32, #tpu.memory_space<hbm>>
      %dma_wait3A_650 = tpu.memref_squeeze %dma_wait3A_649 : memref<1x1x125xi32, #tpu.memory_space<hbm>> -> memref<125xi32, #tpu.memory_space<hbm>>
      %dma_wait3A_651 = arith.constant 0 : i32
      %dma_wait3A_652 = tpu.memref_slice %arg4[%arg1, %dma_wait3A_647, %dma_wait3A_651] : memref<16x160x125xi32, #tpu.memory_space<hbm>> -> memref<1x1x125xi32, #tpu.memory_space<hbm>>
      %dma_wait3A_653 = tpu.memref_squeeze %dma_wait3A_652 : memref<1x1x125xi32, #tpu.memory_space<hbm>> -> memref<125xi32, #tpu.memory_space<hbm>>
      tpu.wait_dma2 semaphore(%arg30 : memref<!tpu.dma_semaphore, #tpu.memory_space<semaphore_mem>>) src(%dma_wait3A_653 : memref<125xi32, #tpu.memory_space<hbm>>) dst(%arg13 : memref<125xi32, #tpu.memory_space<vmem>>)
      %dma_start3A_654 = arith.constant 0 : i32
      %dma_start3A_655 = arith.constant 0 : i32
      %dma_start3A_656 = tpu.memref_slice %arg21[%dma_start3A_654, %dma_start3A_655] : memref<10240x64xf32, #tpu.memory_space<vmem_shared>> -> memref<10240x64xf32, #tpu.memory_space<vmem_shared>>
      tpu.enqueue_indirect_dma source(%arg17 : memref<125x64xf32, #tpu.memory_space<vmem>>) target(%dma_start3A_656 : memref<10240x64xf32, #tpu.memory_space<vmem_shared>>) offsets(%arg13 : memref<125xi32, #tpu.memory_space<vmem>>) semaphore(%arg34 : memref<!tpu.dma_semaphore, #tpu.memory_space<semaphore_mem>>) {add = true}
      %ge3A_657 = arith.constant 2 : i32
      %ge3A_658 = arith.cmpi sge, %add3A_636, %ge3A_657 : i32
      %convert_element_type3A_659 = arith.extui %ge3A_658 : i1 to i32
      %cond3A_660 = arith.constant 0 : i32
      %cond3A_661 = arith.cmpi ne, %convert_element_type3A_659, %cond3A_660 : i32
      scf.if %cond3A_661 {
        %dma_wait3A_670 = arith.constant 0 : i32
        %dma_wait3A_671 = arith.constant 0 : i32
        %dma_wait3A_672 = tpu.memref_slice %arg21[%dma_wait3A_670, %dma_wait3A_671] : memref<10240x64xf32, #tpu.memory_space<vmem_shared>> -> memref<10240x64xf32, #tpu.memory_space<vmem_shared>>
        tpu.wait_indirect_dma semaphore(%arg32 : memref<!tpu.dma_semaphore, #tpu.memory_space<semaphore_mem>>) src(%arg15 : memref<125x64xf32, #tpu.memory_space<vmem>>) dst(%dma_wait3A_672 : memref<10240x64xf32, #tpu.memory_space<vmem_shared>>)
      } else {
      }
      %add3A_662 = arith.constant 2 : i32
      %add3A_663 = arith.addi %add3A_636, %add3A_662 : i32
      %lt3A_664 = arith.constant 160 : i32
      %lt3A_665 = arith.cmpi slt, %add3A_663, %lt3A_664 : i32
      %convert_element_type3A_666 = arith.extui %lt3A_665 : i1 to i32
      %cond3A_667 = arith.constant 0 : i32
      %cond3A_668 = arith.cmpi ne, %convert_element_type3A_666, %cond3A_667 : i32
      scf.if %cond3A_668 {
        %add3A_670 = arith.constant 2 : i32
        %add3A_671 = arith.addi %add3A_636, %add3A_670 : i32
        %dma_start3A_672 = arith.constant 0 : i32
        %dma_start3A_673 = tpu.memref_slice %arg9[%add3A_671, %dma_start3A_672] : memref<160x125xi32, #tpu.memory_space<vmem>> -> memref<1x125xi32, #tpu.memory_space<vmem>>
        %dma_start3A_674 = tpu.memref_squeeze %dma_start3A_673 : memref<1x125xi32, #tpu.memory_space<vmem>> -> memref<125xi32, #tpu.memory_space<vmem>>
        %dma_start3A_675 = arith.constant 0 : i32
        %dma_start3A_676 = arith.constant 0 : i32
        %dma_start3A_677 = tpu.memref_slice %arg7[%arg0, %dma_start3A_675, %dma_start3A_676] : memref<2x10240x64xf32, #tpu.memory_space<hbm>> -> memref<1x10240x64xf32, #tpu.memory_space<hbm>>
        %dma_start3A_678 = tpu.memref_squeeze %dma_start3A_677 : memref<1x10240x64xf32, #tpu.memory_space<hbm>> -> memref<10240x64xf32, #tpu.memory_space<hbm>>
        %dma_start3A_679 = arith.constant 0 : i32
        %dma_start3A_680 = arith.constant 0 : i32
        %dma_start3A_681 = tpu.memref_slice %dma_start3A_678[%dma_start3A_679, %dma_start3A_680] : memref<10240x64xf32, #tpu.memory_space<hbm>> -> memref<10240x64xf32, #tpu.memory_space<hbm>>
        tpu.enqueue_indirect_dma source(%dma_start3A_681 : memref<10240x64xf32, #tpu.memory_space<hbm>>) target(%arg15 : memref<125x64xf32, #tpu.memory_space<vmem>>) offsets(%dma_start3A_674 : memref<125xi32, #tpu.memory_space<vmem>>) semaphore(%arg24 : memref<!tpu.dma_semaphore, #tpu.memory_space<semaphore_mem>>)
        %add3A_682 = arith.constant 2 : i32
        %add3A_683 = arith.addi %add3A_636, %add3A_682 : i32
        %dma_start3A_684 = arith.constant 0 : i32
        %dma_start3A_685 = tpu.memref_slice %arg4[%arg1, %add3A_683, %dma_start3A_684] : memref<16x160x125xi32, #tpu.memory_space<hbm>> -> memref<1x1x125xi32, #tpu.memory_space<hbm>>
        %dma_start3A_686 = tpu.memref_squeeze %dma_start3A_685 : memref<1x1x125xi32, #tpu.memory_space<hbm>> -> memref<125xi32, #tpu.memory_space<hbm>>
        %dma_start3A_687 = arith.constant 0 : i32
        %dma_start3A_688 = tpu.memref_slice %arg4[%arg1, %add3A_683, %dma_start3A_687] : memref<16x160x125xi32, #tpu.memory_space<hbm>> -> memref<1x1x125xi32, #tpu.memory_space<hbm>>
        %dma_start3A_689 = tpu.memref_squeeze %dma_start3A_688 : memref<1x1x125xi32, #tpu.memory_space<hbm>> -> memref<125xi32, #tpu.memory_space<hbm>>
        tpu.enqueue_dma source(%dma_start3A_689 : memref<125xi32, #tpu.memory_space<hbm>>) target(%arg11 : memref<125xi32, #tpu.memory_space<vmem>>) target_semaphore(%arg28 : memref<!tpu.dma_semaphore, #tpu.memory_space<semaphore_mem>>)
      } else {
      }
      %scan3A_669 = arith.constant 0 : i32
      scf.yield %scan3A_669 : i32
    }
    %scan3A_292 = arith.constant 40 : i32
    %dma_wait3A_293 = arith.constant 0 : i32
    %dma_wait3A_294 = arith.constant 0 : i32
    %dma_wait3A_295 = tpu.memref_slice %arg21[%dma_wait3A_293, %dma_wait3A_294] : memref<10240x64xf32, #tpu.memory_space<vmem_shared>> -> memref<10240x64xf32, #tpu.memory_space<vmem_shared>>
    tpu.wait_indirect_dma semaphore(%arg33 : memref<!tpu.dma_semaphore, #tpu.memory_space<semaphore_mem>>) src(%arg16 : memref<125x64xf32, #tpu.memory_space<vmem>>) dst(%dma_wait3A_295 : memref<10240x64xf32, #tpu.memory_space<vmem_shared>>)
    %dma_wait3A_296 = arith.constant 0 : i32
    %dma_wait3A_297 = arith.constant 0 : i32
    %dma_wait3A_298 = tpu.memref_slice %arg21[%dma_wait3A_296, %dma_wait3A_297] : memref<10240x64xf32, #tpu.memory_space<vmem_shared>> -> memref<10240x64xf32, #tpu.memory_space<vmem_shared>>
    tpu.wait_indirect_dma semaphore(%arg34 : memref<!tpu.dma_semaphore, #tpu.memory_space<semaphore_mem>>) src(%arg17 : memref<125x64xf32, #tpu.memory_space<vmem>>) dst(%dma_wait3A_298 : memref<10240x64xf32, #tpu.memory_space<vmem_shared>>)
    %barrier3A_299 = arith.constant 0 : index
    tpu.barrier barrier_id(%barrier3A_299)
    %mul3A_300 = arith.constant 640 : i32
    %mul3A_301 = arith.muli %arg1, %mul3A_300 : i32
    %add3A_302 = arith.constant 0 : i32
    %add3A_303 = arith.addi %mul3A_301, %add3A_302 : i32
    "tpu.region"() ({
      %run_scoped3A = tpu.sem_alloc : memref<!tpu.dma_semaphore, #tpu.memory_space<semaphore_mem>>
      %dma_start3A_525 = arith.constant 0 : i32
      %dma_start3A_526 = tpu.memref_slice %arg21[%add3A_303, %dma_start3A_525] : memref<10240x64xf32, #tpu.memory_space<vmem_shared>> -> memref<128x64xf32, #tpu.memory_space<vmem_shared>>
      %dma_start3A_527 = arith.constant 0 : i32
      %dma_start3A_528 = tpu.memref_slice %arg21[%add3A_303, %dma_start3A_527] : memref<10240x64xf32, #tpu.memory_space<vmem_shared>> -> memref<128x64xf32, #tpu.memory_space<vmem_shared>>
      tpu.enqueue_dma source(%dma_start3A_528 : memref<128x64xf32, #tpu.memory_space<vmem_shared>>) target(%arg19 : memref<128x64xf32, #tpu.memory_space<vmem>>) target_semaphore(%run_scoped3A : memref<!tpu.dma_semaphore, #tpu.memory_space<semaphore_mem>>)
      %dma_wait3A_529 = arith.constant 0 : i32
      %dma_wait3A_530 = tpu.memref_slice %arg21[%add3A_303, %dma_wait3A_529] : memref<10240x64xf32, #tpu.memory_space<vmem_shared>> -> memref<128x64xf32, #tpu.memory_space<vmem_shared>>
      %dma_wait3A_531 = arith.constant 0 : i32
      %dma_wait3A_532 = tpu.memref_slice %arg21[%add3A_303, %dma_wait3A_531] : memref<10240x64xf32, #tpu.memory_space<vmem_shared>> -> memref<128x64xf32, #tpu.memory_space<vmem_shared>>
      tpu.wait_dma2 semaphore(%run_scoped3A : memref<!tpu.dma_semaphore, #tpu.memory_space<semaphore_mem>>) src(%dma_wait3A_532 : memref<128x64xf32, #tpu.memory_space<vmem_shared>>) dst(%arg19 : memref<128x64xf32, #tpu.memory_space<vmem>>)
      tpu.yield
    }) : () -> ()
    "tpu.region"() ({
      %run_scoped3A = tpu.sem_alloc : memref<!tpu.dma_semaphore, #tpu.memory_space<semaphore_mem>>
      %dma_start3A_525 = arith.constant 0 : i32
      %dma_start3A_526 = tpu.memref_slice %arg22[%add3A_303, %dma_start3A_525] : memref<10240x16xf32, #tpu.memory_space<vmem_shared>> -> memref<128x16xf32, #tpu.memory_space<vmem_shared>>
      %dma_start3A_527 = arith.constant 0 : i32
      %dma_start3A_528 = tpu.memref_slice %arg22[%add3A_303, %dma_start3A_527] : memref<10240x16xf32, #tpu.memory_space<vmem_shared>> -> memref<128x16xf32, #tpu.memory_space<vmem_shared>>
      tpu.enqueue_dma source(%dma_start3A_528 : memref<128x16xf32, #tpu.memory_space<vmem_shared>>) target(%arg20 : memref<128x16xf32, #tpu.memory_space<vmem>>) target_semaphore(%run_scoped3A : memref<!tpu.dma_semaphore, #tpu.memory_space<semaphore_mem>>)
      %dma_wait3A_529 = arith.constant 0 : i32
      %dma_wait3A_530 = tpu.memref_slice %arg22[%add3A_303, %dma_wait3A_529] : memref<10240x16xf32, #tpu.memory_space<vmem_shared>> -> memref<128x16xf32, #tpu.memory_space<vmem_shared>>
      %dma_wait3A_531 = arith.constant 0 : i32
      %dma_wait3A_532 = tpu.memref_slice %arg22[%add3A_303, %dma_wait3A_531] : memref<10240x16xf32, #tpu.memory_space<vmem_shared>> -> memref<128x16xf32, #tpu.memory_space<vmem_shared>>
      tpu.wait_dma2 semaphore(%run_scoped3A : memref<!tpu.dma_semaphore, #tpu.memory_space<semaphore_mem>>) src(%dma_wait3A_532 : memref<128x16xf32, #tpu.memory_space<vmem_shared>>) dst(%arg20 : memref<128x16xf32, #tpu.memory_space<vmem>>)
      tpu.yield
    }) : () -> ()
    %scan3A_304 = arith.constant 0 : i32
    %scan3A_305 = arith.constant 0 : i32
    %scan3A_306 = arith.constant 128 : i32
    %scan3A_307 = arith.addi %scan3A_305, %scan3A_306 : i32
    %scan3A_308 = arith.constant 1 : i32
    %scan3A_309 = scf.for %scan3A_525 = %scan3A_305 to %scan3A_307 step %scan3A_308 iter_args(%scan3A_526 = %scan3A_304) -> (i32)  : i32 {
      %get3A = arith.index_cast %scan3A_525 : i32 to index
      %get3A_527 = arith.constant 0 : index
      %get3A_528 = tpu.vector_load %arg20[%get3A, %get3A_527] {strides = array<i32>} : memref<128x16xf32, #tpu.memory_space<vmem>>, vector<1x16xf32>,
      %get3A_529 = vector.shape_cast %get3A_528 : vector<1x16xf32> to vector<16xf32>
      %max3A = arith.constant 1.000000e+00 : f32
      %max3A_530 = vector.broadcast %max3A : f32 to vector<16xf32>
      %max3A_531 = arith.maximumf %get3A_529, %max3A_530 : vector<16xf32>
      %div3A_532 = arith.constant 1.000000e+00 : f32
      %div3A_533 = vector.broadcast %div3A_532 : f32 to vector<16xf32>
      %div3A_534 = arith.divf %div3A_533, %max3A_531 : vector<16xf32>
      %get3A_535 = arith.index_cast %scan3A_525 : i32 to index
      %get3A_536 = arith.constant 0 : index
      %get3A_537 = tpu.vector_load %arg19[%get3A_535, %get3A_536] {strides = array<i32>} : memref<128x64xf32, #tpu.memory_space<vmem>>, vector<1x16xf32>,
      %get3A_538 = vector.shape_cast %get3A_537 : vector<1x16xf32> to vector<16xf32>
      %mul3A_539 = arith.mulf %get3A_538, %div3A_534 : vector<16xf32>
      %swap3A = arith.index_cast %scan3A_525 : i32 to index
      %swap3A_540 = arith.constant 0 : index
      %swap3A_541 = tpu.vector_load %arg19[%swap3A, %swap3A_540] {strides = array<i32>} : memref<128x64xf32, #tpu.memory_space<vmem>>, vector<1x16xf32>,
      %swap3A_542 = vector.shape_cast %swap3A_541 : vector<1x16xf32> to vector<16xf32>
      %swap3A_543 = vector.shape_cast %mul3A_539 : vector<16xf32> to vector<1x16xf32>
      tpu.vector_store %arg19[%swap3A, %swap3A_540], %swap3A_543 {strides = array<i32>} : memref<128x64xf32, #tpu.memory_space<vmem>>, vector<1x16xf32>,
      %get3A_544 = arith.index_cast %scan3A_525 : i32 to index
      %get3A_545 = arith.constant 16 : index
      %get3A_546 = tpu.vector_load %arg19[%get3A_544, %get3A_545] {strides = array<i32>} : memref<128x64xf32, #tpu.memory_space<vmem>>, vector<1x16xf32>,
      %get3A_547 = vector.shape_cast %get3A_546 : vector<1x16xf32> to vector<16xf32>
      %mul3A_548 = arith.mulf %get3A_547, %div3A_534 : vector<16xf32>
      %swap3A_549 = arith.index_cast %scan3A_525 : i32 to index
      %swap3A_550 = arith.constant 16 : index
      %swap3A_551 = tpu.vector_load %arg19[%swap3A_549, %swap3A_550] {strides = array<i32>} : memref<128x64xf32, #tpu.memory_space<vmem>>, vector<1x16xf32>,
      %swap3A_552 = vector.shape_cast %swap3A_551 : vector<1x16xf32> to vector<16xf32>
      %swap3A_553 = vector.shape_cast %mul3A_548 : vector<16xf32> to vector<1x16xf32>
      tpu.vector_store %arg19[%swap3A_549, %swap3A_550], %swap3A_553 {strides = array<i32>} : memref<128x64xf32, #tpu.memory_space<vmem>>, vector<1x16xf32>,
      %get3A_554 = arith.index_cast %scan3A_525 : i32 to index
      %get3A_555 = arith.constant 32 : index
      %get3A_556 = tpu.vector_load %arg19[%get3A_554, %get3A_555] {strides = array<i32>} : memref<128x64xf32, #tpu.memory_space<vmem>>, vector<1x16xf32>,
      %get3A_557 = vector.shape_cast %get3A_556 : vector<1x16xf32> to vector<16xf32>
      %mul3A_558 = arith.mulf %get3A_557, %div3A_534 : vector<16xf32>
      %swap3A_559 = arith.index_cast %scan3A_525 : i32 to index
      %swap3A_560 = arith.constant 32 : index
      %swap3A_561 = tpu.vector_load %arg19[%swap3A_559, %swap3A_560] {strides = array<i32>} : memref<128x64xf32, #tpu.memory_space<vmem>>, vector<1x16xf32>,
      %swap3A_562 = vector.shape_cast %swap3A_561 : vector<1x16xf32> to vector<16xf32>
      %swap3A_563 = vector.shape_cast %mul3A_558 : vector<16xf32> to vector<1x16xf32>
      tpu.vector_store %arg19[%swap3A_559, %swap3A_560], %swap3A_563 {strides = array<i32>} : memref<128x64xf32, #tpu.memory_space<vmem>>, vector<1x16xf32>,
      %get3A_564 = arith.index_cast %scan3A_525 : i32 to index
      %get3A_565 = arith.constant 48 : index
      %get3A_566 = tpu.vector_load %arg19[%get3A_564, %get3A_565] {strides = array<i32>} : memref<128x64xf32, #tpu.memory_space<vmem>>, vector<1x16xf32>,
      %get3A_567 = vector.shape_cast %get3A_566 : vector<1x16xf32> to vector<16xf32>
      %mul3A_568 = arith.mulf %get3A_567, %div3A_534 : vector<16xf32>
      %swap3A_569 = arith.index_cast %scan3A_525 : i32 to index
      %swap3A_570 = arith.constant 48 : index
      %swap3A_571 = tpu.vector_load %arg19[%swap3A_569, %swap3A_570] {strides = array<i32>} : memref<128x64xf32, #tpu.memory_space<vmem>>, vector<1x16xf32>,
      %swap3A_572 = vector.shape_cast %swap3A_571 : vector<1x16xf32> to vector<16xf32>
      %swap3A_573 = vector.shape_cast %mul3A_568 : vector<16xf32> to vector<1x16xf32>
      tpu.vector_store %arg19[%swap3A_569, %swap3A_570], %swap3A_573 {strides = array<i32>} : memref<128x64xf32, #tpu.memory_space<vmem>>, vector<1x16xf32>,
      %scan3A_574 = arith.constant 0 : i32
      scf.yield %scan3A_574 : i32
    }
    %scan3A_310 = arith.constant 128 : i32
    %mul3A_311 = arith.constant 640 : i32
    %mul3A_312 = arith.muli %arg1, %mul3A_311 : i32
    %sub3A_313 = arith.constant 10000 : i32
    %sub3A_314 = arith.subi %sub3A_313, %mul3A_312 : i32
    %jit3A_315 = arith.constant 128 : i32
    %div3A_316 = arith.divsi %sub3A_314, %jit3A_315 : i32
    %sign3A_317 = arith.constant 0 : i32
    %sign3A_318 = arith.cmpi sgt, %sub3A_314, %sign3A_317 : i32
    %sign3A_319 = arith.extui %sign3A_318 : i1 to i32
    %sign3A_320 = arith.constant 0 : i32
    %sign3A_321 = arith.cmpi slt, %sub3A_314, %sign3A_320 : i32
    %sign3A_322 = arith.extui %sign3A_321 : i1 to i32
    %sign3A_323 = arith.subi %sign3A_319, %sign3A_322 : i32
    %sign3A_324 = arith.constant 0 : i32
    %sign3A_325 = arith.cmpi sgt, %jit3A_315, %sign3A_324 : i32
    %sign3A_326 = arith.extui %sign3A_325 : i1 to i32
    %sign3A_327 = arith.constant 0 : i32
    %sign3A_328 = arith.cmpi slt, %jit3A_315, %sign3A_327 : i32
    %sign3A_329 = arith.extui %sign3A_328 : i1 to i32
    %sign3A_330 = arith.subi %sign3A_326, %sign3A_329 : i32
    %ne3A_331 = arith.cmpi ne, %sign3A_323, %sign3A_330 : i32
    %rem3A_332 = arith.remsi %sub3A_314, %jit3A_315 : i32
    %ne3A_333 = arith.constant 0 : i32
    %ne3A_334 = arith.cmpi ne, %rem3A_332, %ne3A_333 : i32
    %and3A_335 = arith.andi %ne3A_331, %ne3A_334 : i1
    %sub3A_336 = arith.constant 1 : i32
    %sub3A_337 = arith.subi %div3A_316, %sub3A_336 : i32
    %select_n3A_338 = arith.select %and3A_335, %sub3A_337, %div3A_316 : i32
    %gt3A_339 = arith.constant 0 : i32
    %gt3A_340 = arith.cmpi sgt, %select_n3A_338, %gt3A_339 : i32
    %convert_element_type3A_341 = arith.extui %gt3A_340 : i1 to i32
    %cond3A_342 = arith.constant 0 : i32
    %cond3A_343 = arith.cmpi ne, %convert_element_type3A_341, %cond3A_342 : i32
    scf.if %cond3A_343 {
      %mul3A_525 = arith.constant 64 : i32
      %mul3A_526 = arith.muli %arg0, %mul3A_525 : i32
      "tpu.region"() ({
        %run_scoped3A = tpu.sem_alloc : memref<!tpu.dma_semaphore, #tpu.memory_space<semaphore_mem>>
        %dma_start3A_527 = tpu.memref_slice %arg8[%add3A_303, %mul3A_526] : memref<10000x128xf32, #tpu.memory_space<hbm>> -> memref<128x64xf32, #tpu.memory_space<hbm>>
        %dma_start3A_528 = tpu.memref_slice %arg8[%add3A_303, %mul3A_526] : memref<10000x128xf32, #tpu.memory_space<hbm>> -> memref<128x64xf32, #tpu.memory_space<hbm>>
        tpu.enqueue_dma source(%arg19 : memref<128x64xf32, #tpu.memory_space<vmem>>) target(%dma_start3A_528 : memref<128x64xf32, #tpu.memory_space<hbm>>) target_semaphore(%run_scoped3A : memref<!tpu.dma_semaphore, #tpu.memory_space<semaphore_mem>>)
        %dma_wait3A_529 = tpu.memref_slice %arg8[%add3A_303, %mul3A_526] : memref<10000x128xf32, #tpu.memory_space<hbm>> -> memref<128x64xf32, #tpu.memory_space<hbm>>
        %dma_wait3A_530 = tpu.memref_slice %arg8[%add3A_303, %mul3A_526] : memref<10000x128xf32, #tpu.memory_space<hbm>> -> memref<128x64xf32, #tpu.memory_space<hbm>>
        tpu.wait_dma2 semaphore(%run_scoped3A : memref<!tpu.dma_semaphore, #tpu.memory_space<semaphore_mem>>) src(%arg19 : memref<128x64xf32, #tpu.memory_space<vmem>>) dst(%dma_wait3A_530 : memref<128x64xf32, #tpu.memory_space<hbm>>)
        tpu.yield
      }) : () -> ()
    } else {
    }
    %mul3A_344 = arith.constant 640 : i32
    %mul3A_345 = arith.muli %arg1, %mul3A_344 : i32
    %add3A_346 = arith.constant 128 : i32
    %add3A_347 = arith.addi %mul3A_345, %add3A_346 : i32
    "tpu.region"() ({
      %run_scoped3A = tpu.sem_alloc : memref<!tpu.dma_semaphore, #tpu.memory_space<semaphore_mem>>
      %dma_start3A_525 = arith.constant 0 : i32
      %dma_start3A_526 = tpu.memref_slice %arg21[%add3A_347, %dma_start3A_525] : memref<10240x64xf32, #tpu.memory_space<vmem_shared>> -> memref<128x64xf32, #tpu.memory_space<vmem_shared>>
      %dma_start3A_527 = arith.constant 0 : i32
      %dma_start3A_528 = tpu.memref_slice %arg21[%add3A_347, %dma_start3A_527] : memref<10240x64xf32, #tpu.memory_space<vmem_shared>> -> memref<128x64xf32, #tpu.memory_space<vmem_shared>>
      tpu.enqueue_dma source(%dma_start3A_528 : memref<128x64xf32, #tpu.memory_space<vmem_shared>>) target(%arg19 : memref<128x64xf32, #tpu.memory_space<vmem>>) target_semaphore(%run_scoped3A : memref<!tpu.dma_semaphore, #tpu.memory_space<semaphore_mem>>)
      %dma_wait3A_529 = arith.constant 0 : i32
      %dma_wait3A_530 = tpu.memref_slice %arg21[%add3A_347, %dma_wait3A_529] : memref<10240x64xf32, #tpu.memory_space<vmem_shared>> -> memref<128x64xf32, #tpu.memory_space<vmem_shared>>
      %dma_wait3A_531 = arith.constant 0 : i32
      %dma_wait3A_532 = tpu.memref_slice %arg21[%add3A_347, %dma_wait3A_531] : memref<10240x64xf32, #tpu.memory_space<vmem_shared>> -> memref<128x64xf32, #tpu.memory_space<vmem_shared>>
      tpu.wait_dma2 semaphore(%run_scoped3A : memref<!tpu.dma_semaphore, #tpu.memory_space<semaphore_mem>>) src(%dma_wait3A_532 : memref<128x64xf32, #tpu.memory_space<vmem_shared>>) dst(%arg19 : memref<128x64xf32, #tpu.memory_space<vmem>>)
      tpu.yield
    }) : () -> ()
    "tpu.region"() ({
      %run_scoped3A = tpu.sem_alloc : memref<!tpu.dma_semaphore, #tpu.memory_space<semaphore_mem>>
      %dma_start3A_525 = arith.constant 0 : i32
      %dma_start3A_526 = tpu.memref_slice %arg22[%add3A_347, %dma_start3A_525] : memref<10240x16xf32, #tpu.memory_space<vmem_shared>> -> memref<128x16xf32, #tpu.memory_space<vmem_shared>>
      %dma_start3A_527 = arith.constant 0 : i32
      %dma_start3A_528 = tpu.memref_slice %arg22[%add3A_347, %dma_start3A_527] : memref<10240x16xf32, #tpu.memory_space<vmem_shared>> -> memref<128x16xf32, #tpu.memory_space<vmem_shared>>
      tpu.enqueue_dma source(%dma_start3A_528 : memref<128x16xf32, #tpu.memory_space<vmem_shared>>) target(%arg20 : memref<128x16xf32, #tpu.memory_space<vmem>>) target_semaphore(%run_scoped3A : memref<!tpu.dma_semaphore, #tpu.memory_space<semaphore_mem>>)
      %dma_wait3A_529 = arith.constant 0 : i32
      %dma_wait3A_530 = tpu.memref_slice %arg22[%add3A_347, %dma_wait3A_529] : memref<10240x16xf32, #tpu.memory_space<vmem_shared>> -> memref<128x16xf32, #tpu.memory_space<vmem_shared>>
      %dma_wait3A_531 = arith.constant 0 : i32
      %dma_wait3A_532 = tpu.memref_slice %arg22[%add3A_347, %dma_wait3A_531] : memref<10240x16xf32, #tpu.memory_space<vmem_shared>> -> memref<128x16xf32, #tpu.memory_space<vmem_shared>>
      tpu.wait_dma2 semaphore(%run_scoped3A : memref<!tpu.dma_semaphore, #tpu.memory_space<semaphore_mem>>) src(%dma_wait3A_532 : memref<128x16xf32, #tpu.memory_space<vmem_shared>>) dst(%arg20 : memref<128x16xf32, #tpu.memory_space<vmem>>)
      tpu.yield
    }) : () -> ()
    %scan3A_348 = arith.constant 0 : i32
    %scan3A_349 = arith.constant 0 : i32
    %scan3A_350 = arith.constant 128 : i32
    %scan3A_351 = arith.addi %scan3A_349, %scan3A_350 : i32
    %scan3A_352 = arith.constant 1 : i32
    %scan3A_353 = scf.for %scan3A_525 = %scan3A_349 to %scan3A_351 step %scan3A_352 iter_args(%scan3A_526 = %scan3A_348) -> (i32)  : i32 {
      %get3A = arith.index_cast %scan3A_525 : i32 to index
      %get3A_527 = arith.constant 0 : index
      %get3A_528 = tpu.vector_load %arg20[%get3A, %get3A_527] {strides = array<i32>} : memref<128x16xf32, #tpu.memory_space<vmem>>, vector<1x16xf32>,
      %get3A_529 = vector.shape_cast %get3A_528 : vector<1x16xf32> to vector<16xf32>
      %max3A = arith.constant 1.000000e+00 : f32
      %max3A_530 = vector.broadcast %max3A : f32 to vector<16xf32>
      %max3A_531 = arith.maximumf %get3A_529, %max3A_530 : vector<16xf32>
      %div3A_532 = arith.constant 1.000000e+00 : f32
      %div3A_533 = vector.broadcast %div3A_532 : f32 to vector<16xf32>
      %div3A_534 = arith.divf %div3A_533, %max3A_531 : vector<16xf32>
      %get3A_535 = arith.index_cast %scan3A_525 : i32 to index
      %get3A_536 = arith.constant 0 : index
      %get3A_537 = tpu.vector_load %arg19[%get3A_535, %get3A_536] {strides = array<i32>} : memref<128x64xf32, #tpu.memory_space<vmem>>, vector<1x16xf32>,
      %get3A_538 = vector.shape_cast %get3A_537 : vector<1x16xf32> to vector<16xf32>
      %mul3A_539 = arith.mulf %get3A_538, %div3A_534 : vector<16xf32>
      %swap3A = arith.index_cast %scan3A_525 : i32 to index
      %swap3A_540 = arith.constant 0 : index
      %swap3A_541 = tpu.vector_load %arg19[%swap3A, %swap3A_540] {strides = array<i32>} : memref<128x64xf32, #tpu.memory_space<vmem>>, vector<1x16xf32>,
      %swap3A_542 = vector.shape_cast %swap3A_541 : vector<1x16xf32> to vector<16xf32>
      %swap3A_543 = vector.shape_cast %mul3A_539 : vector<16xf32> to vector<1x16xf32>
      tpu.vector_store %arg19[%swap3A, %swap3A_540], %swap3A_543 {strides = array<i32>} : memref<128x64xf32, #tpu.memory_space<vmem>>, vector<1x16xf32>,
      %get3A_544 = arith.index_cast %scan3A_525 : i32 to index
      %get3A_545 = arith.constant 16 : index
      %get3A_546 = tpu.vector_load %arg19[%get3A_544, %get3A_545] {strides = array<i32>} : memref<128x64xf32, #tpu.memory_space<vmem>>, vector<1x16xf32>,
      %get3A_547 = vector.shape_cast %get3A_546 : vector<1x16xf32> to vector<16xf32>
      %mul3A_548 = arith.mulf %get3A_547, %div3A_534 : vector<16xf32>
      %swap3A_549 = arith.index_cast %scan3A_525 : i32 to index
      %swap3A_550 = arith.constant 16 : index
      %swap3A_551 = tpu.vector_load %arg19[%swap3A_549, %swap3A_550] {strides = array<i32>} : memref<128x64xf32, #tpu.memory_space<vmem>>, vector<1x16xf32>,
      %swap3A_552 = vector.shape_cast %swap3A_551 : vector<1x16xf32> to vector<16xf32>
      %swap3A_553 = vector.shape_cast %mul3A_548 : vector<16xf32> to vector<1x16xf32>
      tpu.vector_store %arg19[%swap3A_549, %swap3A_550], %swap3A_553 {strides = array<i32>} : memref<128x64xf32, #tpu.memory_space<vmem>>, vector<1x16xf32>,
      %get3A_554 = arith.index_cast %scan3A_525 : i32 to index
      %get3A_555 = arith.constant 32 : index
      %get3A_556 = tpu.vector_load %arg19[%get3A_554, %get3A_555] {strides = array<i32>} : memref<128x64xf32, #tpu.memory_space<vmem>>, vector<1x16xf32>,
      %get3A_557 = vector.shape_cast %get3A_556 : vector<1x16xf32> to vector<16xf32>
      %mul3A_558 = arith.mulf %get3A_557, %div3A_534 : vector<16xf32>
      %swap3A_559 = arith.index_cast %scan3A_525 : i32 to index
      %swap3A_560 = arith.constant 32 : index
      %swap3A_561 = tpu.vector_load %arg19[%swap3A_559, %swap3A_560] {strides = array<i32>} : memref<128x64xf32, #tpu.memory_space<vmem>>, vector<1x16xf32>,
      %swap3A_562 = vector.shape_cast %swap3A_561 : vector<1x16xf32> to vector<16xf32>
      %swap3A_563 = vector.shape_cast %mul3A_558 : vector<16xf32> to vector<1x16xf32>
      tpu.vector_store %arg19[%swap3A_559, %swap3A_560], %swap3A_563 {strides = array<i32>} : memref<128x64xf32, #tpu.memory_space<vmem>>, vector<1x16xf32>,
      %get3A_564 = arith.index_cast %scan3A_525 : i32 to index
      %get3A_565 = arith.constant 48 : index
      %get3A_566 = tpu.vector_load %arg19[%get3A_564, %get3A_565] {strides = array<i32>} : memref<128x64xf32, #tpu.memory_space<vmem>>, vector<1x16xf32>,
      %get3A_567 = vector.shape_cast %get3A_566 : vector<1x16xf32> to vector<16xf32>
      %mul3A_568 = arith.mulf %get3A_567, %div3A_534 : vector<16xf32>
      %swap3A_569 = arith.index_cast %scan3A_525 : i32 to index
      %swap3A_570 = arith.constant 48 : index
      %swap3A_571 = tpu.vector_load %arg19[%swap3A_569, %swap3A_570] {strides = array<i32>} : memref<128x64xf32, #tpu.memory_space<vmem>>, vector<1x16xf32>,
      %swap3A_572 = vector.shape_cast %swap3A_571 : vector<1x16xf32> to vector<16xf32>
      %swap3A_573 = vector.shape_cast %mul3A_568 : vector<16xf32> to vector<1x16xf32>
      tpu.vector_store %arg19[%swap3A_569, %swap3A_570], %swap3A_573 {strides = array<i32>} : memref<128x64xf32, #tpu.memory_space<vmem>>, vector<1x16xf32>,
      %scan3A_574 = arith.constant 0 : i32
      scf.yield %scan3A_574 : i32
    }
    %scan3A_354 = arith.constant 128 : i32
    %mul3A_355 = arith.constant 640 : i32
    %mul3A_356 = arith.muli %arg1, %mul3A_355 : i32
    %sub3A_357 = arith.constant 10000 : i32
    %sub3A_358 = arith.subi %sub3A_357, %mul3A_356 : i32
    %jit3A_359 = arith.constant 128 : i32
    %div3A_360 = arith.divsi %sub3A_358, %jit3A_359 : i32
    %sign3A_361 = arith.constant 0 : i32
    %sign3A_362 = arith.cmpi sgt, %sub3A_358, %sign3A_361 : i32
    %sign3A_363 = arith.extui %sign3A_362 : i1 to i32
    %sign3A_364 = arith.constant 0 : i32
    %sign3A_365 = arith.cmpi slt, %sub3A_358, %sign3A_364 : i32
    %sign3A_366 = arith.extui %sign3A_365 : i1 to i32
    %sign3A_367 = arith.subi %sign3A_363, %sign3A_366 : i32
    %sign3A_368 = arith.constant 0 : i32
    %sign3A_369 = arith.cmpi sgt, %jit3A_359, %sign3A_368 : i32
    %sign3A_370 = arith.extui %sign3A_369 : i1 to i32
    %sign3A_371 = arith.constant 0 : i32
    %sign3A_372 = arith.cmpi slt, %jit3A_359, %sign3A_371 : i32
    %sign3A_373 = arith.extui %sign3A_372 : i1 to i32
    %sign3A_374 = arith.subi %sign3A_370, %sign3A_373 : i32
    %ne3A_375 = arith.cmpi ne, %sign3A_367, %sign3A_374 : i32
    %rem3A_376 = arith.remsi %sub3A_358, %jit3A_359 : i32
    %ne3A_377 = arith.constant 0 : i32
    %ne3A_378 = arith.cmpi ne, %rem3A_376, %ne3A_377 : i32
    %and3A_379 = arith.andi %ne3A_375, %ne3A_378 : i1
    %sub3A_380 = arith.constant 1 : i32
    %sub3A_381 = arith.subi %div3A_360, %sub3A_380 : i32
    %select_n3A_382 = arith.select %and3A_379, %sub3A_381, %div3A_360 : i32
    %gt3A_383 = arith.constant 1 : i32
    %gt3A_384 = arith.cmpi sgt, %select_n3A_382, %gt3A_383 : i32
    %convert_element_type3A_385 = arith.extui %gt3A_384 : i1 to i32
    %cond3A_386 = arith.constant 0 : i32
    %cond3A_387 = arith.cmpi ne, %convert_element_type3A_385, %cond3A_386 : i32
    scf.if %cond3A_387 {
      %mul3A_525 = arith.constant 64 : i32
      %mul3A_526 = arith.muli %arg0, %mul3A_525 : i32
      "tpu.region"() ({
        %run_scoped3A = tpu.sem_alloc : memref<!tpu.dma_semaphore, #tpu.memory_space<semaphore_mem>>
        %dma_start3A_527 = tpu.memref_slice %arg8[%add3A_347, %mul3A_526] : memref<10000x128xf32, #tpu.memory_space<hbm>> -> memref<128x64xf32, #tpu.memory_space<hbm>>
        %dma_start3A_528 = tpu.memref_slice %arg8[%add3A_347, %mul3A_526] : memref<10000x128xf32, #tpu.memory_space<hbm>> -> memref<128x64xf32, #tpu.memory_space<hbm>>
        tpu.enqueue_dma source(%arg19 : memref<128x64xf32, #tpu.memory_space<vmem>>) target(%dma_start3A_528 : memref<128x64xf32, #tpu.memory_space<hbm>>) target_semaphore(%run_scoped3A : memref<!tpu.dma_semaphore, #tpu.memory_space<semaphore_mem>>)
        %dma_wait3A_529 = tpu.memref_slice %arg8[%add3A_347, %mul3A_526] : memref<10000x128xf32, #tpu.memory_space<hbm>> -> memref<128x64xf32, #tpu.memory_space<hbm>>
        %dma_wait3A_530 = tpu.memref_slice %arg8[%add3A_347, %mul3A_526] : memref<10000x128xf32, #tpu.memory_space<hbm>> -> memref<128x64xf32, #tpu.memory_space<hbm>>
        tpu.wait_dma2 semaphore(%run_scoped3A : memref<!tpu.dma_semaphore, #tpu.memory_space<semaphore_mem>>) src(%arg19 : memref<128x64xf32, #tpu.memory_space<vmem>>) dst(%dma_wait3A_530 : memref<128x64xf32, #tpu.memory_space<hbm>>)
        tpu.yield
      }) : () -> ()
    } else {
    }
    %mul3A_388 = arith.constant 640 : i32
    %mul3A_389 = arith.muli %arg1, %mul3A_388 : i32
    %add3A_390 = arith.constant 256 : i32
    %add3A_391 = arith.addi %mul3A_389, %add3A_390 : i32
    "tpu.region"() ({
      %run_scoped3A = tpu.sem_alloc : memref<!tpu.dma_semaphore, #tpu.memory_space<semaphore_mem>>
      %dma_start3A_525 = arith.constant 0 : i32
      %dma_start3A_526 = tpu.memref_slice %arg21[%add3A_391, %dma_start3A_525] : memref<10240x64xf32, #tpu.memory_space<vmem_shared>> -> memref<128x64xf32, #tpu.memory_space<vmem_shared>>
      %dma_start3A_527 = arith.constant 0 : i32
      %dma_start3A_528 = tpu.memref_slice %arg21[%add3A_391, %dma_start3A_527] : memref<10240x64xf32, #tpu.memory_space<vmem_shared>> -> memref<128x64xf32, #tpu.memory_space<vmem_shared>>
      tpu.enqueue_dma source(%dma_start3A_528 : memref<128x64xf32, #tpu.memory_space<vmem_shared>>) target(%arg19 : memref<128x64xf32, #tpu.memory_space<vmem>>) target_semaphore(%run_scoped3A : memref<!tpu.dma_semaphore, #tpu.memory_space<semaphore_mem>>)
      %dma_wait3A_529 = arith.constant 0 : i32
      %dma_wait3A_530 = tpu.memref_slice %arg21[%add3A_391, %dma_wait3A_529] : memref<10240x64xf32, #tpu.memory_space<vmem_shared>> -> memref<128x64xf32, #tpu.memory_space<vmem_shared>>
      %dma_wait3A_531 = arith.constant 0 : i32
      %dma_wait3A_532 = tpu.memref_slice %arg21[%add3A_391, %dma_wait3A_531] : memref<10240x64xf32, #tpu.memory_space<vmem_shared>> -> memref<128x64xf32, #tpu.memory_space<vmem_shared>>
      tpu.wait_dma2 semaphore(%run_scoped3A : memref<!tpu.dma_semaphore, #tpu.memory_space<semaphore_mem>>) src(%dma_wait3A_532 : memref<128x64xf32, #tpu.memory_space<vmem_shared>>) dst(%arg19 : memref<128x64xf32, #tpu.memory_space<vmem>>)
      tpu.yield
    }) : () -> ()
    "tpu.region"() ({
      %run_scoped3A = tpu.sem_alloc : memref<!tpu.dma_semaphore, #tpu.memory_space<semaphore_mem>>
      %dma_start3A_525 = arith.constant 0 : i32
      %dma_start3A_526 = tpu.memref_slice %arg22[%add3A_391, %dma_start3A_525] : memref<10240x16xf32, #tpu.memory_space<vmem_shared>> -> memref<128x16xf32, #tpu.memory_space<vmem_shared>>
      %dma_start3A_527 = arith.constant 0 : i32
      %dma_start3A_528 = tpu.memref_slice %arg22[%add3A_391, %dma_start3A_527] : memref<10240x16xf32, #tpu.memory_space<vmem_shared>> -> memref<128x16xf32, #tpu.memory_space<vmem_shared>>
      tpu.enqueue_dma source(%dma_start3A_528 : memref<128x16xf32, #tpu.memory_space<vmem_shared>>) target(%arg20 : memref<128x16xf32, #tpu.memory_space<vmem>>) target_semaphore(%run_scoped3A : memref<!tpu.dma_semaphore, #tpu.memory_space<semaphore_mem>>)
      %dma_wait3A_529 = arith.constant 0 : i32
      %dma_wait3A_530 = tpu.memref_slice %arg22[%add3A_391, %dma_wait3A_529] : memref<10240x16xf32, #tpu.memory_space<vmem_shared>> -> memref<128x16xf32, #tpu.memory_space<vmem_shared>>
      %dma_wait3A_531 = arith.constant 0 : i32
      %dma_wait3A_532 = tpu.memref_slice %arg22[%add3A_391, %dma_wait3A_531] : memref<10240x16xf32, #tpu.memory_space<vmem_shared>> -> memref<128x16xf32, #tpu.memory_space<vmem_shared>>
      tpu.wait_dma2 semaphore(%run_scoped3A : memref<!tpu.dma_semaphore, #tpu.memory_space<semaphore_mem>>) src(%dma_wait3A_532 : memref<128x16xf32, #tpu.memory_space<vmem_shared>>) dst(%arg20 : memref<128x16xf32, #tpu.memory_space<vmem>>)
      tpu.yield
    }) : () -> ()
    %scan3A_392 = arith.constant 0 : i32
    %scan3A_393 = arith.constant 0 : i32
    %scan3A_394 = arith.constant 128 : i32
    %scan3A_395 = arith.addi %scan3A_393, %scan3A_394 : i32
    %scan3A_396 = arith.constant 1 : i32
    %scan3A_397 = scf.for %scan3A_525 = %scan3A_393 to %scan3A_395 step %scan3A_396 iter_args(%scan3A_526 = %scan3A_392) -> (i32)  : i32 {
      %get3A = arith.index_cast %scan3A_525 : i32 to index
      %get3A_527 = arith.constant 0 : index
      %get3A_528 = tpu.vector_load %arg20[%get3A, %get3A_527] {strides = array<i32>} : memref<128x16xf32, #tpu.memory_space<vmem>>, vector<1x16xf32>,
      %get3A_529 = vector.shape_cast %get3A_528 : vector<1x16xf32> to vector<16xf32>
      %max3A = arith.constant 1.000000e+00 : f32
      %max3A_530 = vector.broadcast %max3A : f32 to vector<16xf32>
      %max3A_531 = arith.maximumf %get3A_529, %max3A_530 : vector<16xf32>
      %div3A_532 = arith.constant 1.000000e+00 : f32
      %div3A_533 = vector.broadcast %div3A_532 : f32 to vector<16xf32>
      %div3A_534 = arith.divf %div3A_533, %max3A_531 : vector<16xf32>
      %get3A_535 = arith.index_cast %scan3A_525 : i32 to index
      %get3A_536 = arith.constant 0 : index
      %get3A_537 = tpu.vector_load %arg19[%get3A_535, %get3A_536] {strides = array<i32>} : memref<128x64xf32, #tpu.memory_space<vmem>>, vector<1x16xf32>,
      %get3A_538 = vector.shape_cast %get3A_537 : vector<1x16xf32> to vector<16xf32>
      %mul3A_539 = arith.mulf %get3A_538, %div3A_534 : vector<16xf32>
      %swap3A = arith.index_cast %scan3A_525 : i32 to index
      %swap3A_540 = arith.constant 0 : index
      %swap3A_541 = tpu.vector_load %arg19[%swap3A, %swap3A_540] {strides = array<i32>} : memref<128x64xf32, #tpu.memory_space<vmem>>, vector<1x16xf32>,
      %swap3A_542 = vector.shape_cast %swap3A_541 : vector<1x16xf32> to vector<16xf32>
      %swap3A_543 = vector.shape_cast %mul3A_539 : vector<16xf32> to vector<1x16xf32>
      tpu.vector_store %arg19[%swap3A, %swap3A_540], %swap3A_543 {strides = array<i32>} : memref<128x64xf32, #tpu.memory_space<vmem>>, vector<1x16xf32>,
      %get3A_544 = arith.index_cast %scan3A_525 : i32 to index
      %get3A_545 = arith.constant 16 : index
      %get3A_546 = tpu.vector_load %arg19[%get3A_544, %get3A_545] {strides = array<i32>} : memref<128x64xf32, #tpu.memory_space<vmem>>, vector<1x16xf32>,
      %get3A_547 = vector.shape_cast %get3A_546 : vector<1x16xf32> to vector<16xf32>
      %mul3A_548 = arith.mulf %get3A_547, %div3A_534 : vector<16xf32>
      %swap3A_549 = arith.index_cast %scan3A_525 : i32 to index
      %swap3A_550 = arith.constant 16 : index
      %swap3A_551 = tpu.vector_load %arg19[%swap3A_549, %swap3A_550] {strides = array<i32>} : memref<128x64xf32, #tpu.memory_space<vmem>>, vector<1x16xf32>,
      %swap3A_552 = vector.shape_cast %swap3A_551 : vector<1x16xf32> to vector<16xf32>
      %swap3A_553 = vector.shape_cast %mul3A_548 : vector<16xf32> to vector<1x16xf32>
      tpu.vector_store %arg19[%swap3A_549, %swap3A_550], %swap3A_553 {strides = array<i32>} : memref<128x64xf32, #tpu.memory_space<vmem>>, vector<1x16xf32>,
      %get3A_554 = arith.index_cast %scan3A_525 : i32 to index
      %get3A_555 = arith.constant 32 : index
      %get3A_556 = tpu.vector_load %arg19[%get3A_554, %get3A_555] {strides = array<i32>} : memref<128x64xf32, #tpu.memory_space<vmem>>, vector<1x16xf32>,
      %get3A_557 = vector.shape_cast %get3A_556 : vector<1x16xf32> to vector<16xf32>
      %mul3A_558 = arith.mulf %get3A_557, %div3A_534 : vector<16xf32>
      %swap3A_559 = arith.index_cast %scan3A_525 : i32 to index
      %swap3A_560 = arith.constant 32 : index
      %swap3A_561 = tpu.vector_load %arg19[%swap3A_559, %swap3A_560] {strides = array<i32>} : memref<128x64xf32, #tpu.memory_space<vmem>>, vector<1x16xf32>,
      %swap3A_562 = vector.shape_cast %swap3A_561 : vector<1x16xf32> to vector<16xf32>
      %swap3A_563 = vector.shape_cast %mul3A_558 : vector<16xf32> to vector<1x16xf32>
      tpu.vector_store %arg19[%swap3A_559, %swap3A_560], %swap3A_563 {strides = array<i32>} : memref<128x64xf32, #tpu.memory_space<vmem>>, vector<1x16xf32>,
      %get3A_564 = arith.index_cast %scan3A_525 : i32 to index
      %get3A_565 = arith.constant 48 : index
      %get3A_566 = tpu.vector_load %arg19[%get3A_564, %get3A_565] {strides = array<i32>} : memref<128x64xf32, #tpu.memory_space<vmem>>, vector<1x16xf32>,
      %get3A_567 = vector.shape_cast %get3A_566 : vector<1x16xf32> to vector<16xf32>
      %mul3A_568 = arith.mulf %get3A_567, %div3A_534 : vector<16xf32>
      %swap3A_569 = arith.index_cast %scan3A_525 : i32 to index
      %swap3A_570 = arith.constant 48 : index
      %swap3A_571 = tpu.vector_load %arg19[%swap3A_569, %swap3A_570] {strides = array<i32>} : memref<128x64xf32, #tpu.memory_space<vmem>>, vector<1x16xf32>,
      %swap3A_572 = vector.shape_cast %swap3A_571 : vector<1x16xf32> to vector<16xf32>
      %swap3A_573 = vector.shape_cast %mul3A_568 : vector<16xf32> to vector<1x16xf32>
      tpu.vector_store %arg19[%swap3A_569, %swap3A_570], %swap3A_573 {strides = array<i32>} : memref<128x64xf32, #tpu.memory_space<vmem>>, vector<1x16xf32>,
      %scan3A_574 = arith.constant 0 : i32
      scf.yield %scan3A_574 : i32
    }
    %scan3A_398 = arith.constant 128 : i32
    %mul3A_399 = arith.constant 640 : i32
    %mul3A_400 = arith.muli %arg1, %mul3A_399 : i32
    %sub3A_401 = arith.constant 10000 : i32
    %sub3A_402 = arith.subi %sub3A_401, %mul3A_400 : i32
    %jit3A_403 = arith.constant 128 : i32
    %div3A_404 = arith.divsi %sub3A_402, %jit3A_403 : i32
    %sign3A_405 = arith.constant 0 : i32
    %sign3A_406 = arith.cmpi sgt, %sub3A_402, %sign3A_405 : i32
    %sign3A_407 = arith.extui %sign3A_406 : i1 to i32
    %sign3A_408 = arith.constant 0 : i32
    %sign3A_409 = arith.cmpi slt, %sub3A_402, %sign3A_408 : i32
    %sign3A_410 = arith.extui %sign3A_409 : i1 to i32
    %sign3A_411 = arith.subi %sign3A_407, %sign3A_410 : i32
    %sign3A_412 = arith.constant 0 : i32
    %sign3A_413 = arith.cmpi sgt, %jit3A_403, %sign3A_412 : i32
    %sign3A_414 = arith.extui %sign3A_413 : i1 to i32
    %sign3A_415 = arith.constant 0 : i32
    %sign3A_416 = arith.cmpi slt, %jit3A_403, %sign3A_415 : i32
    %sign3A_417 = arith.extui %sign3A_416 : i1 to i32
    %sign3A_418 = arith.subi %sign3A_414, %sign3A_417 : i32
    %ne3A_419 = arith.cmpi ne, %sign3A_411, %sign3A_418 : i32
    %rem3A_420 = arith.remsi %sub3A_402, %jit3A_403 : i32
    %ne3A_421 = arith.constant 0 : i32
    %ne3A_422 = arith.cmpi ne, %rem3A_420, %ne3A_421 : i32
    %and3A_423 = arith.andi %ne3A_419, %ne3A_422 : i1
    %sub3A_424 = arith.constant 1 : i32
    %sub3A_425 = arith.subi %div3A_404, %sub3A_424 : i32
    %select_n3A_426 = arith.select %and3A_423, %sub3A_425, %div3A_404 : i32
    %gt3A_427 = arith.constant 2 : i32
    %gt3A_428 = arith.cmpi sgt, %select_n3A_426, %gt3A_427 : i32
    %convert_element_type3A_429 = arith.extui %gt3A_428 : i1 to i32
    %cond3A_430 = arith.constant 0 : i32
    %cond3A_431 = arith.cmpi ne, %convert_element_type3A_429, %cond3A_430 : i32
    scf.if %cond3A_431 {
      %mul3A_525 = arith.constant 64 : i32
      %mul3A_526 = arith.muli %arg0, %mul3A_525 : i32
      "tpu.region"() ({
        %run_scoped3A = tpu.sem_alloc : memref<!tpu.dma_semaphore, #tpu.memory_space<semaphore_mem>>
        %dma_start3A_527 = tpu.memref_slice %arg8[%add3A_391, %mul3A_526] : memref<10000x128xf32, #tpu.memory_space<hbm>> -> memref<128x64xf32, #tpu.memory_space<hbm>>
        %dma_start3A_528 = tpu.memref_slice %arg8[%add3A_391, %mul3A_526] : memref<10000x128xf32, #tpu.memory_space<hbm>> -> memref<128x64xf32, #tpu.memory_space<hbm>>
        tpu.enqueue_dma source(%arg19 : memref<128x64xf32, #tpu.memory_space<vmem>>) target(%dma_start3A_528 : memref<128x64xf32, #tpu.memory_space<hbm>>) target_semaphore(%run_scoped3A : memref<!tpu.dma_semaphore, #tpu.memory_space<semaphore_mem>>)
        %dma_wait3A_529 = tpu.memref_slice %arg8[%add3A_391, %mul3A_526] : memref<10000x128xf32, #tpu.memory_space<hbm>> -> memref<128x64xf32, #tpu.memory_space<hbm>>
        %dma_wait3A_530 = tpu.memref_slice %arg8[%add3A_391, %mul3A_526] : memref<10000x128xf32, #tpu.memory_space<hbm>> -> memref<128x64xf32, #tpu.memory_space<hbm>>
        tpu.wait_dma2 semaphore(%run_scoped3A : memref<!tpu.dma_semaphore, #tpu.memory_space<semaphore_mem>>) src(%arg19 : memref<128x64xf32, #tpu.memory_space<vmem>>) dst(%dma_wait3A_530 : memref<128x64xf32, #tpu.memory_space<hbm>>)
        tpu.yield
      }) : () -> ()
    } else {
    }
    %mul3A_432 = arith.constant 640 : i32
    %mul3A_433 = arith.muli %arg1, %mul3A_432 : i32
    %add3A_434 = arith.constant 384 : i32
    %add3A_435 = arith.addi %mul3A_433, %add3A_434 : i32
    "tpu.region"() ({
      %run_scoped3A = tpu.sem_alloc : memref<!tpu.dma_semaphore, #tpu.memory_space<semaphore_mem>>
      %dma_start3A_525 = arith.constant 0 : i32
      %dma_start3A_526 = tpu.memref_slice %arg21[%add3A_435, %dma_start3A_525] : memref<10240x64xf32, #tpu.memory_space<vmem_shared>> -> memref<128x64xf32, #tpu.memory_space<vmem_shared>>
      %dma_start3A_527 = arith.constant 0 : i32
      %dma_start3A_528 = tpu.memref_slice %arg21[%add3A_435, %dma_start3A_527] : memref<10240x64xf32, #tpu.memory_space<vmem_shared>> -> memref<128x64xf32, #tpu.memory_space<vmem_shared>>
      tpu.enqueue_dma source(%dma_start3A_528 : memref<128x64xf32, #tpu.memory_space<vmem_shared>>) target(%arg19 : memref<128x64xf32, #tpu.memory_space<vmem>>) target_semaphore(%run_scoped3A : memref<!tpu.dma_semaphore, #tpu.memory_space<semaphore_mem>>)
      %dma_wait3A_529 = arith.constant 0 : i32
      %dma_wait3A_530 = tpu.memref_slice %arg21[%add3A_435, %dma_wait3A_529] : memref<10240x64xf32, #tpu.memory_space<vmem_shared>> -> memref<128x64xf32, #tpu.memory_space<vmem_shared>>
      %dma_wait3A_531 = arith.constant 0 : i32
      %dma_wait3A_532 = tpu.memref_slice %arg21[%add3A_435, %dma_wait3A_531] : memref<10240x64xf32, #tpu.memory_space<vmem_shared>> -> memref<128x64xf32, #tpu.memory_space<vmem_shared>>
      tpu.wait_dma2 semaphore(%run_scoped3A : memref<!tpu.dma_semaphore, #tpu.memory_space<semaphore_mem>>) src(%dma_wait3A_532 : memref<128x64xf32, #tpu.memory_space<vmem_shared>>) dst(%arg19 : memref<128x64xf32, #tpu.memory_space<vmem>>)
      tpu.yield
    }) : () -> ()
    "tpu.region"() ({
      %run_scoped3A = tpu.sem_alloc : memref<!tpu.dma_semaphore, #tpu.memory_space<semaphore_mem>>
      %dma_start3A_525 = arith.constant 0 : i32
      %dma_start3A_526 = tpu.memref_slice %arg22[%add3A_435, %dma_start3A_525] : memref<10240x16xf32, #tpu.memory_space<vmem_shared>> -> memref<128x16xf32, #tpu.memory_space<vmem_shared>>
      %dma_start3A_527 = arith.constant 0 : i32
      %dma_start3A_528 = tpu.memref_slice %arg22[%add3A_435, %dma_start3A_527] : memref<10240x16xf32, #tpu.memory_space<vmem_shared>> -> memref<128x16xf32, #tpu.memory_space<vmem_shared>>
      tpu.enqueue_dma source(%dma_start3A_528 : memref<128x16xf32, #tpu.memory_space<vmem_shared>>) target(%arg20 : memref<128x16xf32, #tpu.memory_space<vmem>>) target_semaphore(%run_scoped3A : memref<!tpu.dma_semaphore, #tpu.memory_space<semaphore_mem>>)
      %dma_wait3A_529 = arith.constant 0 : i32
      %dma_wait3A_530 = tpu.memref_slice %arg22[%add3A_435, %dma_wait3A_529] : memref<10240x16xf32, #tpu.memory_space<vmem_shared>> -> memref<128x16xf32, #tpu.memory_space<vmem_shared>>
      %dma_wait3A_531 = arith.constant 0 : i32
      %dma_wait3A_532 = tpu.memref_slice %arg22[%add3A_435, %dma_wait3A_531] : memref<10240x16xf32, #tpu.memory_space<vmem_shared>> -> memref<128x16xf32, #tpu.memory_space<vmem_shared>>
      tpu.wait_dma2 semaphore(%run_scoped3A : memref<!tpu.dma_semaphore, #tpu.memory_space<semaphore_mem>>) src(%dma_wait3A_532 : memref<128x16xf32, #tpu.memory_space<vmem_shared>>) dst(%arg20 : memref<128x16xf32, #tpu.memory_space<vmem>>)
      tpu.yield
    }) : () -> ()
    %scan3A_436 = arith.constant 0 : i32
    %scan3A_437 = arith.constant 0 : i32
    %scan3A_438 = arith.constant 128 : i32
    %scan3A_439 = arith.addi %scan3A_437, %scan3A_438 : i32
    %scan3A_440 = arith.constant 1 : i32
    %scan3A_441 = scf.for %scan3A_525 = %scan3A_437 to %scan3A_439 step %scan3A_440 iter_args(%scan3A_526 = %scan3A_436) -> (i32)  : i32 {
      %get3A = arith.index_cast %scan3A_525 : i32 to index
      %get3A_527 = arith.constant 0 : index
      %get3A_528 = tpu.vector_load %arg20[%get3A, %get3A_527] {strides = array<i32>} : memref<128x16xf32, #tpu.memory_space<vmem>>, vector<1x16xf32>,
      %get3A_529 = vector.shape_cast %get3A_528 : vector<1x16xf32> to vector<16xf32>
      %max3A = arith.constant 1.000000e+00 : f32
      %max3A_530 = vector.broadcast %max3A : f32 to vector<16xf32>
      %max3A_531 = arith.maximumf %get3A_529, %max3A_530 : vector<16xf32>
      %div3A_532 = arith.constant 1.000000e+00 : f32
      %div3A_533 = vector.broadcast %div3A_532 : f32 to vector<16xf32>
      %div3A_534 = arith.divf %div3A_533, %max3A_531 : vector<16xf32>
      %get3A_535 = arith.index_cast %scan3A_525 : i32 to index
      %get3A_536 = arith.constant 0 : index
      %get3A_537 = tpu.vector_load %arg19[%get3A_535, %get3A_536] {strides = array<i32>} : memref<128x64xf32, #tpu.memory_space<vmem>>, vector<1x16xf32>,
      %get3A_538 = vector.shape_cast %get3A_537 : vector<1x16xf32> to vector<16xf32>
      %mul3A_539 = arith.mulf %get3A_538, %div3A_534 : vector<16xf32>
      %swap3A = arith.index_cast %scan3A_525 : i32 to index
      %swap3A_540 = arith.constant 0 : index
      %swap3A_541 = tpu.vector_load %arg19[%swap3A, %swap3A_540] {strides = array<i32>} : memref<128x64xf32, #tpu.memory_space<vmem>>, vector<1x16xf32>,
      %swap3A_542 = vector.shape_cast %swap3A_541 : vector<1x16xf32> to vector<16xf32>
      %swap3A_543 = vector.shape_cast %mul3A_539 : vector<16xf32> to vector<1x16xf32>
      tpu.vector_store %arg19[%swap3A, %swap3A_540], %swap3A_543 {strides = array<i32>} : memref<128x64xf32, #tpu.memory_space<vmem>>, vector<1x16xf32>,
      %get3A_544 = arith.index_cast %scan3A_525 : i32 to index
      %get3A_545 = arith.constant 16 : index
      %get3A_546 = tpu.vector_load %arg19[%get3A_544, %get3A_545] {strides = array<i32>} : memref<128x64xf32, #tpu.memory_space<vmem>>, vector<1x16xf32>,
      %get3A_547 = vector.shape_cast %get3A_546 : vector<1x16xf32> to vector<16xf32>
      %mul3A_548 = arith.mulf %get3A_547, %div3A_534 : vector<16xf32>
      %swap3A_549 = arith.index_cast %scan3A_525 : i32 to index
      %swap3A_550 = arith.constant 16 : index
      %swap3A_551 = tpu.vector_load %arg19[%swap3A_549, %swap3A_550] {strides = array<i32>} : memref<128x64xf32, #tpu.memory_space<vmem>>, vector<1x16xf32>,
      %swap3A_552 = vector.shape_cast %swap3A_551 : vector<1x16xf32> to vector<16xf32>
      %swap3A_553 = vector.shape_cast %mul3A_548 : vector<16xf32> to vector<1x16xf32>
      tpu.vector_store %arg19[%swap3A_549, %swap3A_550], %swap3A_553 {strides = array<i32>} : memref<128x64xf32, #tpu.memory_space<vmem>>, vector<1x16xf32>,
      %get3A_554 = arith.index_cast %scan3A_525 : i32 to index
      %get3A_555 = arith.constant 32 : index
      %get3A_556 = tpu.vector_load %arg19[%get3A_554, %get3A_555] {strides = array<i32>} : memref<128x64xf32, #tpu.memory_space<vmem>>, vector<1x16xf32>,
      %get3A_557 = vector.shape_cast %get3A_556 : vector<1x16xf32> to vector<16xf32>
      %mul3A_558 = arith.mulf %get3A_557, %div3A_534 : vector<16xf32>
      %swap3A_559 = arith.index_cast %scan3A_525 : i32 to index
      %swap3A_560 = arith.constant 32 : index
      %swap3A_561 = tpu.vector_load %arg19[%swap3A_559, %swap3A_560] {strides = array<i32>} : memref<128x64xf32, #tpu.memory_space<vmem>>, vector<1x16xf32>,
      %swap3A_562 = vector.shape_cast %swap3A_561 : vector<1x16xf32> to vector<16xf32>
      %swap3A_563 = vector.shape_cast %mul3A_558 : vector<16xf32> to vector<1x16xf32>
      tpu.vector_store %arg19[%swap3A_559, %swap3A_560], %swap3A_563 {strides = array<i32>} : memref<128x64xf32, #tpu.memory_space<vmem>>, vector<1x16xf32>,
      %get3A_564 = arith.index_cast %scan3A_525 : i32 to index
      %get3A_565 = arith.constant 48 : index
      %get3A_566 = tpu.vector_load %arg19[%get3A_564, %get3A_565] {strides = array<i32>} : memref<128x64xf32, #tpu.memory_space<vmem>>, vector<1x16xf32>,
      %get3A_567 = vector.shape_cast %get3A_566 : vector<1x16xf32> to vector<16xf32>
      %mul3A_568 = arith.mulf %get3A_567, %div3A_534 : vector<16xf32>
      %swap3A_569 = arith.index_cast %scan3A_525 : i32 to index
      %swap3A_570 = arith.constant 48 : index
      %swap3A_571 = tpu.vector_load %arg19[%swap3A_569, %swap3A_570] {strides = array<i32>} : memref<128x64xf32, #tpu.memory_space<vmem>>, vector<1x16xf32>,
      %swap3A_572 = vector.shape_cast %swap3A_571 : vector<1x16xf32> to vector<16xf32>
      %swap3A_573 = vector.shape_cast %mul3A_568 : vector<16xf32> to vector<1x16xf32>
      tpu.vector_store %arg19[%swap3A_569, %swap3A_570], %swap3A_573 {strides = array<i32>} : memref<128x64xf32, #tpu.memory_space<vmem>>, vector<1x16xf32>,
      %scan3A_574 = arith.constant 0 : i32
      scf.yield %scan3A_574 : i32
    }
    %scan3A_442 = arith.constant 128 : i32
    %mul3A_443 = arith.constant 640 : i32
    %mul3A_444 = arith.muli %arg1, %mul3A_443 : i32
    %sub3A_445 = arith.constant 10000 : i32
    %sub3A_446 = arith.subi %sub3A_445, %mul3A_444 : i32
    %jit3A_447 = arith.constant 128 : i32
    %div3A_448 = arith.divsi %sub3A_446, %jit3A_447 : i32
    %sign3A_449 = arith.constant 0 : i32
    %sign3A_450 = arith.cmpi sgt, %sub3A_446, %sign3A_449 : i32
    %sign3A_451 = arith.extui %sign3A_450 : i1 to i32
    %sign3A_452 = arith.constant 0 : i32
    %sign3A_453 = arith.cmpi slt, %sub3A_446, %sign3A_452 : i32
    %sign3A_454 = arith.extui %sign3A_453 : i1 to i32
    %sign3A_455 = arith.subi %sign3A_451, %sign3A_454 : i32
    %sign3A_456 = arith.constant 0 : i32
    %sign3A_457 = arith.cmpi sgt, %jit3A_447, %sign3A_456 : i32
    %sign3A_458 = arith.extui %sign3A_457 : i1 to i32
    %sign3A_459 = arith.constant 0 : i32
    %sign3A_460 = arith.cmpi slt, %jit3A_447, %sign3A_459 : i32
    %sign3A_461 = arith.extui %sign3A_460 : i1 to i32
    %sign3A_462 = arith.subi %sign3A_458, %sign3A_461 : i32
    %ne3A_463 = arith.cmpi ne, %sign3A_455, %sign3A_462 : i32
    %rem3A_464 = arith.remsi %sub3A_446, %jit3A_447 : i32
    %ne3A_465 = arith.constant 0 : i32
    %ne3A_466 = arith.cmpi ne, %rem3A_464, %ne3A_465 : i32
    %and3A_467 = arith.andi %ne3A_463, %ne3A_466 : i1
    %sub3A_468 = arith.constant 1 : i32
    %sub3A_469 = arith.subi %div3A_448, %sub3A_468 : i32
    %select_n3A_470 = arith.select %and3A_467, %sub3A_469, %div3A_448 : i32
    %gt3A_471 = arith.constant 3 : i32
    %gt3A_472 = arith.cmpi sgt, %select_n3A_470, %gt3A_471 : i32
    %convert_element_type3A_473 = arith.extui %gt3A_472 : i1 to i32
    %cond3A_474 = arith.constant 0 : i32
    %cond3A_475 = arith.cmpi ne, %convert_element_type3A_473, %cond3A_474 : i32
    scf.if %cond3A_475 {
      %mul3A_525 = arith.constant 64 : i32
      %mul3A_526 = arith.muli %arg0, %mul3A_525 : i32
      "tpu.region"() ({
        %run_scoped3A = tpu.sem_alloc : memref<!tpu.dma_semaphore, #tpu.memory_space<semaphore_mem>>
        %dma_start3A_527 = tpu.memref_slice %arg8[%add3A_435, %mul3A_526] : memref<10000x128xf32, #tpu.memory_space<hbm>> -> memref<128x64xf32, #tpu.memory_space<hbm>>
        %dma_start3A_528 = tpu.memref_slice %arg8[%add3A_435, %mul3A_526] : memref<10000x128xf32, #tpu.memory_space<hbm>> -> memref<128x64xf32, #tpu.memory_space<hbm>>
        tpu.enqueue_dma source(%arg19 : memref<128x64xf32, #tpu.memory_space<vmem>>) target(%dma_start3A_528 : memref<128x64xf32, #tpu.memory_space<hbm>>) target_semaphore(%run_scoped3A : memref<!tpu.dma_semaphore, #tpu.memory_space<semaphore_mem>>)
        %dma_wait3A_529 = tpu.memref_slice %arg8[%add3A_435, %mul3A_526] : memref<10000x128xf32, #tpu.memory_space<hbm>> -> memref<128x64xf32, #tpu.memory_space<hbm>>
        %dma_wait3A_530 = tpu.memref_slice %arg8[%add3A_435, %mul3A_526] : memref<10000x128xf32, #tpu.memory_space<hbm>> -> memref<128x64xf32, #tpu.memory_space<hbm>>
        tpu.wait_dma2 semaphore(%run_scoped3A : memref<!tpu.dma_semaphore, #tpu.memory_space<semaphore_mem>>) src(%arg19 : memref<128x64xf32, #tpu.memory_space<vmem>>) dst(%dma_wait3A_530 : memref<128x64xf32, #tpu.memory_space<hbm>>)
        tpu.yield
      }) : () -> ()
    } else {
    }
    %eq3A_476 = arith.constant 15 : i32
    %eq3A_477 = arith.cmpi eq, %arg1, %eq3A_476 : i32
    %convert_element_type3A_478 = arith.extui %eq3A_477 : i1 to i32
    %cond3A_479 = arith.constant 0 : i32
    %cond3A_480 = arith.cmpi ne, %convert_element_type3A_478, %cond3A_479 : i32
    scf.if %cond3A_480 {
      %mul3A_525 = arith.constant 64 : i32
      %mul3A_526 = arith.muli %arg0, %mul3A_525 : i32
      "tpu.region"() ({
        %run_scoped3A = tpu.sem_alloc : memref<!tpu.dma_semaphore, #tpu.memory_space<semaphore_mem>>
        %dma_start3A_527 = arith.constant 0 : i32
        %dma_start3A_528 = arith.constant 0 : i32
        %dma_start3A_529 = tpu.memref_slice %arg19[%dma_start3A_527, %dma_start3A_528] : memref<128x64xf32, #tpu.memory_space<vmem>> -> memref<16x64xf32, #tpu.memory_space<vmem>>
        %dma_start3A_530 = arith.constant 9984 : i32
        %dma_start3A_531 = tpu.memref_slice %arg8[%dma_start3A_530, %mul3A_526] : memref<10000x128xf32, #tpu.memory_space<hbm>> -> memref<16x64xf32, #tpu.memory_space<hbm>>
        %dma_start3A_532 = arith.constant 9984 : i32
        %dma_start3A_533 = tpu.memref_slice %arg8[%dma_start3A_532, %mul3A_526] : memref<10000x128xf32, #tpu.memory_space<hbm>> -> memref<16x64xf32, #tpu.memory_space<hbm>>
        %dma_start3A_534 = arith.constant 0 : i32
        %dma_start3A_535 = arith.constant 0 : i32
        %dma_start3A_536 = tpu.memref_slice %arg19[%dma_start3A_534, %dma_start3A_535] : memref<128x64xf32, #tpu.memory_space<vmem>> -> memref<16x64xf32, #tpu.memory_space<vmem>>
        tpu.enqueue_dma source(%dma_start3A_536 : memref<16x64xf32, #tpu.memory_space<vmem>>) target(%dma_start3A_533 : memref<16x64xf32, #tpu.memory_space<hbm>>) target_semaphore(%run_scoped3A : memref<!tpu.dma_semaphore, #tpu.memory_space<semaphore_mem>>)
        %dma_wait3A_537 = arith.constant 0 : i32
        %dma_wait3A_538 = arith.constant 0 : i32
        %dma_wait3A_539 = tpu.memref_slice %arg19[%dma_wait3A_537, %dma_wait3A_538] : memref<128x64xf32, #tpu.memory_space<vmem>> -> memref<16x64xf32, #tpu.memory_space<vmem>>
        %dma_wait3A_540 = arith.constant 9984 : i32
        %dma_wait3A_541 = tpu.memref_slice %arg8[%dma_wait3A_540, %mul3A_526] : memref<10000x128xf32, #tpu.memory_space<hbm>> -> memref<16x64xf32, #tpu.memory_space<hbm>>
        %dma_wait3A_542 = arith.constant 9984 : i32
        %dma_wait3A_543 = tpu.memref_slice %arg8[%dma_wait3A_542, %mul3A_526] : memref<10000x128xf32, #tpu.memory_space<hbm>> -> memref<16x64xf32, #tpu.memory_space<hbm>>
        %dma_wait3A_544 = arith.constant 0 : i32
        %dma_wait3A_545 = arith.constant 0 : i32
        %dma_wait3A_546 = tpu.memref_slice %arg19[%dma_wait3A_544, %dma_wait3A_545] : memref<128x64xf32, #tpu.memory_space<vmem>> -> memref<16x64xf32, #tpu.memory_space<vmem>>
        tpu.wait_dma2 semaphore(%run_scoped3A : memref<!tpu.dma_semaphore, #tpu.memory_space<semaphore_mem>>) src(%dma_wait3A_546 : memref<16x64xf32, #tpu.memory_space<vmem>>) dst(%dma_wait3A_543 : memref<16x64xf32, #tpu.memory_space<hbm>>)
        tpu.yield
      }) : () -> ()
    } else {
    }
    %mul3A_481 = arith.constant 640 : i32
    %mul3A_482 = arith.muli %arg1, %mul3A_481 : i32
    %add3A_483 = arith.constant 512 : i32
    %add3A_484 = arith.addi %mul3A_482, %add3A_483 : i32
    "tpu.region"() ({
      %run_scoped3A = tpu.sem_alloc : memref<!tpu.dma_semaphore, #tpu.memory_space<semaphore_mem>>
      %dma_start3A_525 = arith.constant 0 : i32
      %dma_start3A_526 = tpu.memref_slice %arg21[%add3A_484, %dma_start3A_525] : memref<10240x64xf32, #tpu.memory_space<vmem_shared>> -> memref<128x64xf32, #tpu.memory_space<vmem_shared>>
      %dma_start3A_527 = arith.constant 0 : i32
      %dma_start3A_528 = tpu.memref_slice %arg21[%add3A_484, %dma_start3A_527] : memref<10240x64xf32, #tpu.memory_space<vmem_shared>> -> memref<128x64xf32, #tpu.memory_space<vmem_shared>>
      tpu.enqueue_dma source(%dma_start3A_528 : memref<128x64xf32, #tpu.memory_space<vmem_shared>>) target(%arg19 : memref<128x64xf32, #tpu.memory_space<vmem>>) target_semaphore(%run_scoped3A : memref<!tpu.dma_semaphore, #tpu.memory_space<semaphore_mem>>)
      %dma_wait3A_529 = arith.constant 0 : i32
      %dma_wait3A_530 = tpu.memref_slice %arg21[%add3A_484, %dma_wait3A_529] : memref<10240x64xf32, #tpu.memory_space<vmem_shared>> -> memref<128x64xf32, #tpu.memory_space<vmem_shared>>
      %dma_wait3A_531 = arith.constant 0 : i32
      %dma_wait3A_532 = tpu.memref_slice %arg21[%add3A_484, %dma_wait3A_531] : memref<10240x64xf32, #tpu.memory_space<vmem_shared>> -> memref<128x64xf32, #tpu.memory_space<vmem_shared>>
      tpu.wait_dma2 semaphore(%run_scoped3A : memref<!tpu.dma_semaphore, #tpu.memory_space<semaphore_mem>>) src(%dma_wait3A_532 : memref<128x64xf32, #tpu.memory_space<vmem_shared>>) dst(%arg19 : memref<128x64xf32, #tpu.memory_space<vmem>>)
      tpu.yield
    }) : () -> ()
    "tpu.region"() ({
      %run_scoped3A = tpu.sem_alloc : memref<!tpu.dma_semaphore, #tpu.memory_space<semaphore_mem>>
      %dma_start3A_525 = arith.constant 0 : i32
      %dma_start3A_526 = tpu.memref_slice %arg22[%add3A_484, %dma_start3A_525] : memref<10240x16xf32, #tpu.memory_space<vmem_shared>> -> memref<128x16xf32, #tpu.memory_space<vmem_shared>>
      %dma_start3A_527 = arith.constant 0 : i32
      %dma_start3A_528 = tpu.memref_slice %arg22[%add3A_484, %dma_start3A_527] : memref<10240x16xf32, #tpu.memory_space<vmem_shared>> -> memref<128x16xf32, #tpu.memory_space<vmem_shared>>
      tpu.enqueue_dma source(%dma_start3A_528 : memref<128x16xf32, #tpu.memory_space<vmem_shared>>) target(%arg20 : memref<128x16xf32, #tpu.memory_space<vmem>>) target_semaphore(%run_scoped3A : memref<!tpu.dma_semaphore, #tpu.memory_space<semaphore_mem>>)
      %dma_wait3A_529 = arith.constant 0 : i32
      %dma_wait3A_530 = tpu.memref_slice %arg22[%add3A_484, %dma_wait3A_529] : memref<10240x16xf32, #tpu.memory_space<vmem_shared>> -> memref<128x16xf32, #tpu.memory_space<vmem_shared>>
      %dma_wait3A_531 = arith.constant 0 : i32
      %dma_wait3A_532 = tpu.memref_slice %arg22[%add3A_484, %dma_wait3A_531] : memref<10240x16xf32, #tpu.memory_space<vmem_shared>> -> memref<128x16xf32, #tpu.memory_space<vmem_shared>>
      tpu.wait_dma2 semaphore(%run_scoped3A : memref<!tpu.dma_semaphore, #tpu.memory_space<semaphore_mem>>) src(%dma_wait3A_532 : memref<128x16xf32, #tpu.memory_space<vmem_shared>>) dst(%arg20 : memref<128x16xf32, #tpu.memory_space<vmem>>)
      tpu.yield
    }) : () -> ()
    %scan3A_485 = arith.constant 0 : i32
    %scan3A_486 = arith.constant 0 : i32
    %scan3A_487 = arith.constant 128 : i32
    %scan3A_488 = arith.addi %scan3A_486, %scan3A_487 : i32
    %scan3A_489 = arith.constant 1 : i32
    %scan3A_490 = scf.for %scan3A_525 = %scan3A_486 to %scan3A_488 step %scan3A_489 iter_args(%scan3A_526 = %scan3A_485) -> (i32)  : i32 {
      %get3A = arith.index_cast %scan3A_525 : i32 to index
      %get3A_527 = arith.constant 0 : index
      %get3A_528 = tpu.vector_load %arg20[%get3A, %get3A_527] {strides = array<i32>} : memref<128x16xf32, #tpu.memory_space<vmem>>, vector<1x16xf32>,
      %get3A_529 = vector.shape_cast %get3A_528 : vector<1x16xf32> to vector<16xf32>
      %max3A = arith.constant 1.000000e+00 : f32
      %max3A_530 = vector.broadcast %max3A : f32 to vector<16xf32>
      %max3A_531 = arith.maximumf %get3A_529, %max3A_530 : vector<16xf32>
      %div3A_532 = arith.constant 1.000000e+00 : f32
      %div3A_533 = vector.broadcast %div3A_532 : f32 to vector<16xf32>
      %div3A_534 = arith.divf %div3A_533, %max3A_531 : vector<16xf32>
      %get3A_535 = arith.index_cast %scan3A_525 : i32 to index
      %get3A_536 = arith.constant 0 : index
      %get3A_537 = tpu.vector_load %arg19[%get3A_535, %get3A_536] {strides = array<i32>} : memref<128x64xf32, #tpu.memory_space<vmem>>, vector<1x16xf32>,
      %get3A_538 = vector.shape_cast %get3A_537 : vector<1x16xf32> to vector<16xf32>
      %mul3A_539 = arith.mulf %get3A_538, %div3A_534 : vector<16xf32>
      %swap3A = arith.index_cast %scan3A_525 : i32 to index
      %swap3A_540 = arith.constant 0 : index
      %swap3A_541 = tpu.vector_load %arg19[%swap3A, %swap3A_540] {strides = array<i32>} : memref<128x64xf32, #tpu.memory_space<vmem>>, vector<1x16xf32>,
      %swap3A_542 = vector.shape_cast %swap3A_541 : vector<1x16xf32> to vector<16xf32>
      %swap3A_543 = vector.shape_cast %mul3A_539 : vector<16xf32> to vector<1x16xf32>
      tpu.vector_store %arg19[%swap3A, %swap3A_540], %swap3A_543 {strides = array<i32>} : memref<128x64xf32, #tpu.memory_space<vmem>>, vector<1x16xf32>,
      %get3A_544 = arith.index_cast %scan3A_525 : i32 to index
      %get3A_545 = arith.constant 16 : index
      %get3A_546 = tpu.vector_load %arg19[%get3A_544, %get3A_545] {strides = array<i32>} : memref<128x64xf32, #tpu.memory_space<vmem>>, vector<1x16xf32>,
      %get3A_547 = vector.shape_cast %get3A_546 : vector<1x16xf32> to vector<16xf32>
      %mul3A_548 = arith.mulf %get3A_547, %div3A_534 : vector<16xf32>
      %swap3A_549 = arith.index_cast %scan3A_525 : i32 to index
      %swap3A_550 = arith.constant 16 : index
      %swap3A_551 = tpu.vector_load %arg19[%swap3A_549, %swap3A_550] {strides = array<i32>} : memref<128x64xf32, #tpu.memory_space<vmem>>, vector<1x16xf32>,
      %swap3A_552 = vector.shape_cast %swap3A_551 : vector<1x16xf32> to vector<16xf32>
      %swap3A_553 = vector.shape_cast %mul3A_548 : vector<16xf32> to vector<1x16xf32>
      tpu.vector_store %arg19[%swap3A_549, %swap3A_550], %swap3A_553 {strides = array<i32>} : memref<128x64xf32, #tpu.memory_space<vmem>>, vector<1x16xf32>,
      %get3A_554 = arith.index_cast %scan3A_525 : i32 to index
      %get3A_555 = arith.constant 32 : index
      %get3A_556 = tpu.vector_load %arg19[%get3A_554, %get3A_555] {strides = array<i32>} : memref<128x64xf32, #tpu.memory_space<vmem>>, vector<1x16xf32>,
      %get3A_557 = vector.shape_cast %get3A_556 : vector<1x16xf32> to vector<16xf32>
      %mul3A_558 = arith.mulf %get3A_557, %div3A_534 : vector<16xf32>
      %swap3A_559 = arith.index_cast %scan3A_525 : i32 to index
      %swap3A_560 = arith.constant 32 : index
      %swap3A_561 = tpu.vector_load %arg19[%swap3A_559, %swap3A_560] {strides = array<i32>} : memref<128x64xf32, #tpu.memory_space<vmem>>, vector<1x16xf32>,
      %swap3A_562 = vector.shape_cast %swap3A_561 : vector<1x16xf32> to vector<16xf32>
      %swap3A_563 = vector.shape_cast %mul3A_558 : vector<16xf32> to vector<1x16xf32>
      tpu.vector_store %arg19[%swap3A_559, %swap3A_560], %swap3A_563 {strides = array<i32>} : memref<128x64xf32, #tpu.memory_space<vmem>>, vector<1x16xf32>,
      %get3A_564 = arith.index_cast %scan3A_525 : i32 to index
      %get3A_565 = arith.constant 48 : index
      %get3A_566 = tpu.vector_load %arg19[%get3A_564, %get3A_565] {strides = array<i32>} : memref<128x64xf32, #tpu.memory_space<vmem>>, vector<1x16xf32>,
      %get3A_567 = vector.shape_cast %get3A_566 : vector<1x16xf32> to vector<16xf32>
      %mul3A_568 = arith.mulf %get3A_567, %div3A_534 : vector<16xf32>
      %swap3A_569 = arith.index_cast %scan3A_525 : i32 to index
      %swap3A_570 = arith.constant 48 : index
      %swap3A_571 = tpu.vector_load %arg19[%swap3A_569, %swap3A_570] {strides = array<i32>} : memref<128x64xf32, #tpu.memory_space<vmem>>, vector<1x16xf32>,
      %swap3A_572 = vector.shape_cast %swap3A_571 : vector<1x16xf32> to vector<16xf32>
      %swap3A_573 = vector.shape_cast %mul3A_568 : vector<16xf32> to vector<1x16xf32>
      tpu.vector_store %arg19[%swap3A_569, %swap3A_570], %swap3A_573 {strides = array<i32>} : memref<128x64xf32, #tpu.memory_space<vmem>>, vector<1x16xf32>,
      %scan3A_574 = arith.constant 0 : i32
      scf.yield %scan3A_574 : i32
    }
    %scan3A_491 = arith.constant 128 : i32
    %mul3A_492 = arith.constant 640 : i32
    %mul3A_493 = arith.muli %arg1, %mul3A_492 : i32
    %sub3A_494 = arith.constant 10000 : i32
    %sub3A_495 = arith.subi %sub3A_494, %mul3A_493 : i32
    %jit3A_496 = arith.constant 128 : i32
    %div3A_497 = arith.divsi %sub3A_495, %jit3A_496 : i32
    %sign3A_498 = arith.constant 0 : i32
    %sign3A_499 = arith.cmpi sgt, %sub3A_495, %sign3A_498 : i32
    %sign3A_500 = arith.extui %sign3A_499 : i1 to i32
    %sign3A_501 = arith.constant 0 : i32
    %sign3A_502 = arith.cmpi slt, %sub3A_495, %sign3A_501 : i32
    %sign3A_503 = arith.extui %sign3A_502 : i1 to i32
    %sign3A_504 = arith.subi %sign3A_500, %sign3A_503 : i32
    %sign3A_505 = arith.constant 0 : i32
    %sign3A_506 = arith.cmpi sgt, %jit3A_496, %sign3A_505 : i32
    %sign3A_507 = arith.extui %sign3A_506 : i1 to i32
    %sign3A_508 = arith.constant 0 : i32
    %sign3A_509 = arith.cmpi slt, %jit3A_496, %sign3A_508 : i32
    %sign3A_510 = arith.extui %sign3A_509 : i1 to i32
    %sign3A_511 = arith.subi %sign3A_507, %sign3A_510 : i32
    %ne3A_512 = arith.cmpi ne, %sign3A_504, %sign3A_511 : i32
    %rem3A_513 = arith.remsi %sub3A_495, %jit3A_496 : i32
    %ne3A_514 = arith.constant 0 : i32
    %ne3A_515 = arith.cmpi ne, %rem3A_513, %ne3A_514 : i32
    %and3A_516 = arith.andi %ne3A_512, %ne3A_515 : i1
    %sub3A_517 = arith.constant 1 : i32
    %sub3A_518 = arith.subi %div3A_497, %sub3A_517 : i32
    %select_n3A_519 = arith.select %and3A_516, %sub3A_518, %div3A_497 : i32
    %gt3A_520 = arith.constant 4 : i32
    %gt3A_521 = arith.cmpi sgt, %select_n3A_519, %gt3A_520 : i32
    %convert_element_type3A_522 = arith.extui %gt3A_521 : i1 to i32
    %cond3A_523 = arith.constant 0 : i32
    %cond3A_524 = arith.cmpi ne, %convert_element_type3A_522, %cond3A_523 : i32
    scf.if %cond3A_524 {
      %mul3A_525 = arith.constant 64 : i32
      %mul3A_526 = arith.muli %arg0, %mul3A_525 : i32
      "tpu.region"() ({
        %run_scoped3A = tpu.sem_alloc : memref<!tpu.dma_semaphore, #tpu.memory_space<semaphore_mem>>
        %dma_start3A_527 = tpu.memref_slice %arg8[%add3A_484, %mul3A_526] : memref<10000x128xf32, #tpu.memory_space<hbm>> -> memref<128x64xf32, #tpu.memory_space<hbm>>
        %dma_start3A_528 = tpu.memref_slice %arg8[%add3A_484, %mul3A_526] : memref<10000x128xf32, #tpu.memory_space<hbm>> -> memref<128x64xf32, #tpu.memory_space<hbm>>
        tpu.enqueue_dma source(%arg19 : memref<128x64xf32, #tpu.memory_space<vmem>>) target(%dma_start3A_528 : memref<128x64xf32, #tpu.memory_space<hbm>>) target_semaphore(%run_scoped3A : memref<!tpu.dma_semaphore, #tpu.memory_space<semaphore_mem>>)
        %dma_wait3A_529 = tpu.memref_slice %arg8[%add3A_484, %mul3A_526] : memref<10000x128xf32, #tpu.memory_space<hbm>> -> memref<128x64xf32, #tpu.memory_space<hbm>>
        %dma_wait3A_530 = tpu.memref_slice %arg8[%add3A_484, %mul3A_526] : memref<10000x128xf32, #tpu.memory_space<hbm>> -> memref<128x64xf32, #tpu.memory_space<hbm>>
        tpu.wait_dma2 semaphore(%run_scoped3A : memref<!tpu.dma_semaphore, #tpu.memory_space<semaphore_mem>>) src(%arg19 : memref<128x64xf32, #tpu.memory_space<vmem>>) dst(%dma_wait3A_530 : memref<128x64xf32, #tpu.memory_space<hbm>>)
        tpu.yield
      }) : () -> ()
    } else {
    }
    return
  }
}

</mosaic_0001>

<sc_bundles>
// kernel: _gcn.3.cloned.1.call-start
scs
__scs_entry_jumppad:
0x0: {  	(pc) =	sbr.rel $0x88, $3  }
0x1: {  	(tag) =	ssettag $0x0;
	lr =	simm.s32 $0x1  }
0x2: {  	[smem:$0x3F9C] =	sst lr;
	_ =	strace $0xD0000000  }
0x3: {  	_ = 	snop  }
0x4: {  	_ = 	snop  }
0x5: {  	_ = 	snop  }
0x6: {  	_ = 	snop  }
0x7: {  	_ = 	snop  }
__scs_overlays_trampoline_lowered:
0x8: {  	[smem:$0x3FAB] =	sst s0  }
0x9: {  	[smem:$0x3FAC] =	sst s1  }
0xa: {  	[smem:$0x3FAD] =	sst s2  }
0xb: {  	[smem:$0x3FAE] =	sst s3  }
0xc: {  	[smem:$0x3FAF] =	sst s4  }
0xd: {  	[smem:$0x3FB0] =	sst s5  }
0xe: {  	[smem:$0x3FB1] =	sst s6  }
0xf: {  	[smem:$0x3FB2] =	sst s7  }
0x10: {  	[smem:$0x3FB3] =	sst s8  }
0x11: {  	[smem:$0x3FB4] =	sst s9;
	s0 =	simm.s32 @!p0 $0x0  }
0x12: {  	s1 =	sld [smem:$0x3F9A];
	s0 =	simm.s32 @p0 $0x1  }
0x13: {  	[smem:$0x3FB5] =	sst s0;
	s0 =	simm.s32 @!p1 $0x0  }
0x14: {  	s2 =	sld [smem:$0x3F99];
	s0 =	simm.s32 @p1 $0x1  }
0x15: {  	[smem:$0x3FB6] =	sst s0;
	s0 =	simm.s32 @!p2 $0x0  }
0x16: {  	s3 =	sld [smem:$0x3FDB];
	s0 =	simm.s32 @p2 $0x1  }
0x17: {  	s4 =	simm.s32 $0x1BF5;
	[smem:$0x3FB8] =	sst s0  }
0x18: {  	s0 =	sld [smem:$0x3F9B];
	_ =	swait.ge [sflag:s4], $0x0  }
0x19: {  	s7 =	sld [smem:$0x3F9C]  }
0x1a: {  	s8 =	sadd.s32 $0xFFFFE003, lr  }
0x1b: {  	s9 =	sadd.s32 $0xFFFFFEF7, lr;
	s5 =	simm.s32 $0xFFFFFFFF;
	p2 =	slt.u32 s8, $0xFFFFF086  }
0x1c: {  	p1 =	slt.u32 s9, $0xF7A;
	s5 =	simm.s32 @!p2 $0x0  }
0x1d: {  	s5 =	simm.s32 @p1 $0x1;
	p0 =	seq.s32 s7, s2  }
0x1e: {  	s7 =	smul.u32 @!p0 $0xF7A, s2;
	p2 =	seq.s32 @!p0 s5, $0x0  }
0x1f: {  	s9 =	smul.u32 $0xF7A, s1;
	s8 =	simm.s32 @!p0 $0x1BF5;
	p2 =	por !p2, p0  }
0x20: {  	[sflag:s8] =	ssyncset.s32 @!p0 $0xFFFFF086;
	s6 =	sadd.s32 @!p0 s3, s7;
	s7 =	simm.s32 @!p0 $0x108  }
0x21: {  	s3 =	sadd.s32 s3, s9;
	s6 =	sadd.s32 @!p0 $0x88, s6;
	s7 =	simm.s32 @p2 $0x1082  }
0x22: {  	[simem:s7], [sflag:s8] =	dma.local @!p0 [hbm:s6], $0xF7A  }
0x23: {  	s9 =	sor.u32 $0xD0000000, s2;
	s6 =	simm.s32 $0x108;
	_ =	swait.ge @!p0 [sflag:s8], $0x0  }
0x24: {  	s3 =	sadd.s32 $0x88, s3;
	s6 =	simm.s32 @!p1 $0x1082;
	[sflag:s4] =	ssyncset.s32 $0xFFFFF086  }
0x25: {  	[simem:s6], [sflag:s4] =	dma.local [hbm:s3], $0xF7A  }
0x26: {  	[smem:$0x3F9C] =	sst s1;
	(tag) =	ssettag s2;
	_ =	strace s9  }
0x27: {  	s1 =	sld [smem:$0x3FAC]  }
0x28: {  	s2 =	sld [smem:$0x3FAD]  }
0x29: {  	s4 =	sld [smem:$0x3FAF]  }
0x2a: {  	p0 =	seq.s32 s5, $0x0;
	s5 =	sld [smem:$0x3FB0]  }
0x2b: {  	s6 =	sld [smem:$0x3FB1]  }
0x2c: {  	s7 =	sld [smem:$0x3FB2]  }
0x2d: {  	s3 =	simm.s32 $0x108;
	s8 =	sld [smem:$0x3FB3]  }
0x2e: {  	s3 =	simm.s32 @!p0 $0x1082;
	s9 =	sld [smem:$0x3FB4]  }
0x2f: {  	lr =	sadd.s32 s0, s3;
	s0 =	sld [smem:$0x3FAB]  }
0x30: {  	s3 =	sld [smem:$0x3FAE]  }
0x31: {  	[smem:$0x3FB7] =	sst s10  }
0x32: {  	s10 =	sld [smem:$0x3FB5];
	_ =	sdelay $0x3  }
0x33: {  	p0 =	seq.s32 s10, $0x1;
	s10 =	sld [smem:$0x3FB7];
	_ =	sdelay $0x3  }
0x34: {  	[smem:$0x3FB7] =	sst s10  }
0x35: {  	s10 =	sld [smem:$0x3FB6];
	_ =	sdelay $0x3  }
0x36: {  	p1 =	seq.s32 s10, $0x1;
	s10 =	sld [smem:$0x3FB7];
	_ =	sdelay $0x3  }
0x37: {  	[smem:$0x3FB7] =	sst s10  }
0x38: {  	s10 =	sld [smem:$0x3FB8]  }
0x39: {  	_ = 	snop;
	(pc) =	sbr.ind lr, $3  }
0x3a: {  	_ = 	snop  }
0x3b: {  	_ = 	snop  }
0x3c: {  	p2 =	seq.s32 s10, $0x1;
	s10 =	sld [smem:$0x3FB7]  }
0x3d: {  	_ =	shalt  }
0x3e: {  	_ =	shalt  }
0x3f: {  	_ =	shalt  }
0x40: {  	_ =	shalt  }
0x41: {  	_ =	shalt  }
0x42: {  	_ =	shalt  }
0x43: {  	_ =	shalt  }
0x44: {  	_ =	shalt  }
0x45: {  	_ =	shalt  }
0x46: {  	_ =	shalt  }
0x47: {  	_ =	shalt  }
0x48: {  	_ =	shalt  }
0x49: {  	_ =	shalt  }
0x4a: {  	_ =	shalt  }
0x4b: {  	_ =	shalt  }
0x4c: {  	_ =	shalt  }
0x4d: {  	_ =	shalt  }
0x4e: {  	_ =	shalt  }
0x4f: {  	_ =	shalt  }
0x50: {  	_ =	shalt  }
0x51: {  	_ =	shalt  }
0x52: {  	_ =	shalt  }
0x53: {  	_ =	shalt  }
0x54: {  	_ =	shalt  }
0x55: {  	_ =	shalt  }
0x56: {  	_ =	shalt  }
0x57: {  	_ =	shalt  }
0x58: {  	_ =	shalt  }
0x59: {  	_ =	shalt  }
0x5a: {  	_ =	shalt  }
0x5b: {  	_ =	shalt  }
0x5c: {  	_ =	shalt  }
0x5d: {  	_ =	shalt  }
0x5e: {  	_ =	shalt  }
0x5f: {  	_ =	shalt  }
0x60: {  	_ =	shalt  }
0x61: {  	_ =	shalt  }
0x62: {  	_ =	shalt  }
0x63: {  	_ =	shalt  }
0x64: {  	_ =	shalt  }
0x65: {  	_ =	shalt  }
0x66: {  	_ =	shalt  }
0x67: {  	_ =	shalt  }
0x68: {  	_ =	shalt  }
0x69: {  	_ =	shalt  }
0x6a: {  	_ =	shalt  }
0x6b: {  	_ =	shalt  }
0x6c: {  	_ =	shalt  }
0x6d: {  	_ =	shalt  }
0x6e: {  	_ =	shalt  }
0x6f: {  	_ =	shalt  }
0x70: {  	_ =	shalt  }
0x71: {  	_ =	shalt  }
0x72: {  	_ =	shalt  }
0x73: {  	_ =	shalt  }
0x74: {  	_ =	shalt  }
0x75: {  	_ =	shalt  }
0x76: {  	_ =	shalt  }
0x77: {  	_ =	shalt  }
0x78: {  	_ =	shalt  }
0x79: {  	_ =	shalt  }
0x7a: {  	_ =	shalt  }
0x7b: {  	_ =	shalt  }
0x7c: {  	_ =	shalt  }
0x7d: {  	_ =	shalt  }
0x7e: {  	_ =	shalt  }
0x7f: {  	_ =	shalt  }
0x80: {  	_ =	shalt  }
0x81: {  	_ =	shalt  }
0x82: {  	_ =	shalt  }
0x83: {  	_ =	shalt  }
0x84: {  	_ =	shalt  }
0x85: {  	_ =	shalt  }
0x86: {  	_ =	shalt  }
0x87: {  	_ =	shalt  }
.Lfunc_end0:
.L_simem_size_0:
called_computation_lowered:
.L_overlay_start_0:
0x88: {  	s2 =	sld [smem:$0x3FD9]  }
0x89: {  	s3 =	sld [smem:$0x3FFE];
	_ =	sdelay $0x1  }
0x8a: {  	s1 =	srdreg.scid  }
0x8b: {  	s0 =	sand.u32 $0x1, s1  }
0x8c: {  	s17 =	sshll.u32 s0, $0xA;
	s2 =	sadd.s32 s3, s2  }
0x8d: {  	s2 =	sadd.s32 s2, s17  }
0x8e: {  	[smem:$0x3FC3] =	sst s2  }
0x8f: {  	_ = 	snop  }
0x90: {  	s2 =	sld [smem:$0x3FC9]  }
0x91: {  	s18 =	sld [smem:$0x3FD0];
	(tm) =	ssettm $0x1  }
0x92: {  	s4 =	sld [smem:$0x3FFB];
	_ =	sdelay $0x3  }
0x93: {  	_ =	strace s4  }
0x94: {  	s4 =	sld [smem:$0x3FFC];
	_ =	sdelay $0x3  }
0x95: {  	_ =	strace s4  }
0x96: {  	s4 =	sld [smem:$0x3FFD];
	_ =	sdelay $0x3  }
0x97: {  	_ =	strace s4  }
0x98: {  	_ =	strace $0x8FFFFFFF  }
0x99: {  	s19 =	sld [smem:$0x3FDB];
	_ =	sdelay $0x1  }
0x9a: {  	s5 =	simm.s32 $_scs_section_size  }
0x9b: {  	s6 =	simm.s32 $_size__tile_overlayer_lowered;
	s7 =	simm.s32 $_tile_overlayer_lowered  }
0x9c: {  	s22 =	simm.s32 $0x1BFF;
	s21 =	sshll.u32 s7, $0x1;
	s4 =	sadd.s32 s5, s19  }
0x9d: {  	s8 =	simm.s32 $0x0;
	s20 =	sshll.u32 s6, $0x1;
	s6 =	sadd.s32 s21, s4  }
0x9e: {  	[timem:s8], [sflag:s22] =	dma.local [hbm:s6], s20  }
0x9f: {  	_ =	swait.ge [sflag:s22], s20  }
0xa0: {  	s5 =	ssub.s32 $0x0, s20;
	[sflag:s22] =	ssyncset.done $0x0  }
0xa1: {  	[sflag:s22] =	ssyncadd.s32 s5;
	_ =	sdelay $0x1  }
0xa2: {  	s23 =	simm.s32 $0x1B8B  }
0xa3: {  	_ =	swait.ge [sflag:s23], $0x1  }
0xa4: {  	[sflag:s23] =	ssyncset.done $0x0  }
0xa5: {  	s25 =	simm.s32 $0x1B8E;
	s24 =	sld [smem:$0x3FFE];
	[sflag:s23] =	ssyncadd.s32 $0xFFFFFFFF  }
0xa6: {  	s26 =	simm.s32 $execute0_lowered;
	[smem:$0x3FD2] =	sst s25  }
0xa7: {  	s6 =	sshll.u32 s26, $0x1;
	_ =	strace $0x80000046;
	[dreg:$0x1] =	wrdreg $0xFFFFFFFF  }
0xa8: {  	s28 =	simm.s32 $_size_execute0_lowered;
	s4 =	sadd.s32 s4, s6;
	[dreg:$0x0] =	wrdreg $0x0  }
0xa9: {  	s6 =	sshll.u32 s28, $0x1;
	[dreg:$0x2] =	wrdreg s4  }
0xaa: {  	[dreg:$0x3] =	wrdreg s6  }
0xab: {  	[dreg:$0x4] =	wrdreg $0xC0  }
0xac: {  	_ =	task [dreg:s8], $0x5FFFF  }
0xad: {  	[dreg:$0x1] =	wrdreg $0xFFFFFFFF  }
0xae: {  	[dreg:$0x0] =	wrdreg $0x60  }
0xaf: {  	[dreg:$0x2] =	wrdreg s2  }
0xb0: {  	[dreg:$0x3] =	wrdreg s24  }
0xb1: {  	[dreg:$0x4] =	wrdreg s18  }
0xb2: {  	[dreg:$0x5] =	wrdreg $0xFED00  }
0xb3: {  	[dreg:$0x6] =	wrdreg $0x19ED00  }
0xb4: {  	[dreg:$0x7] =	wrdreg $0x9  }
0xb5: {  	_ =	task.clear_ibuf [dreg:s8], $0x8FFFF;
	_ =	strace $0x90000046  }
0xb6: {  	s29 =	simm.s32 $0x9;
	_ =	strace $0x80000048  }
0xb7: {  	_ =	swait.ge [sflag:s29], $0x1  }
0xb8: {  	[sflag:s29] =	ssyncadd.s32 $0xFFFFFFFF  }
0xb9: {  	_ =	strace $0x90000048  }
0xba: {  	_ =	sfence  }
0xbb: {  	s30 =	sld [smem:$0x0];
	_ =	sdelay $0x2  }
0xbc: {  	s31 =	sshll.u32 s1, $0xD;
	s1 =	sshrl.u32 s1, $0x2  }
0xbd: {  	s3 =	sand.u32 $0x4000, s31;
	s1 =	sadd.s32 s1, s30  }
0xbe: {  	s0 =	sor.u32 s3, s0;
	s1 =	sshll.u32 s1, $0x11  }
0xbf: {  	s0 =	sor.u32 s1, s0  }
0xc0: {  	s0 =	sadd.s32 $0x8F2B, s0  }
0xc1: {  	[sflag:s0] =	ssyncadd.remote.s32 $0x1  }
0xc2: {  	_ =	sfence.sel $0xFFFF  }
0xc3: {  	[dreg:$0x0] =	wrdreg $0xFFFFFFFF;
	(pc) =	sbr.abs _section_cstart, $3  }
0xc4: {  	[dreg:$0x1] =	wrdreg $0xFFFFFFFF  }
0xc5: {  	_ =	task.clear_ibuf [dreg:s8], $0x2FFFF;
	_ =	strace $0x9FFFFFFF  }
0xc6: {  	(tm) =	ssettm $0x7FFFFFFF  }
0xc7: {  	_ =	shalt  }
tec
execute0_lowered:
.L_overlay_start_1:
0x0: {  	(tag) =	ssettag $0x1  }
0x1: {  	s0 =	rddreg [dreg:$0x0]  }
0x2: {  	s1 =	rddreg [dreg:$0x1]  }
0x3: {  	s20 =	rddreg [dreg:$0x2]  }
0x4: {  	s3 =	rddreg [dreg:$0x3]  }
0x5: {  	s19 =	stileid.u32;
	s4 =	rddreg [dreg:$0x4]  }
0x6: {  	s5 =	simm.s32 $0x0;
	s6 =	srdreg.scid;
	s29 =	simm.s32 $0xD6D0  }
0x7: {  	s28 =	simm.s32 $0x9;
	s30 =	simm.s32 $0x0;
	s2 =	smul.u32 $0x5000, s19  }
0x8: {  	[smem:$0x7FF] =	sst s5;
	s6 =	sand.u32 $0x1, s6;
	s11 =	smul.u32 $0x280, s19  }
0x9: {  	s8 =	sadd.s32 $0xAE00, s1;
	s9 =	sadd.s32 $0xA00, s1;
	s12 =	smul.u32 $0x14000, s19  }
0xa: {  	s10 =	sadd.s32 $0xC00, s1;
	s31 =	smul.u32 $0xA00, s19;
	p0 =	sne.s32 s19, $0xF  }
0xb: {  	p1 =	seq.s32 s19, $0xF;
	_ =	strace $0x80000047;
	[dreg:$0x6] =	wrdreg s9  }
0xc: {  	s21 =	smul.u32 $0x14000, s6;
	[dreg:$0x7] =	wrdreg s10;
	s22 =	ssub.s32 $0x2, s6  }
0xd: {  	s17 =	sshll.u32 s6, $0x6;
	s6 =	sshll.u32 s6, $0x3;
	s2 =	sshrl.u32 s2, $0x3  }
0xe: {  	s23 =	sshrl.u32 s22, $0x1;
	s13 =	sadd.s32 $0x80, s11;
	s24 =	sor.u32 s17, s12  }
0xf: {  	s12 =	sadd.s32 $0x100, s11;
	[dreg:$0x8] =	wrdreg s17;
	s7 =	sadd.s32 s2, s1  }
0x10: {  	s1 =	sadd.s32 s21, s1;
	s9 =	ssub.s32 s22, s23;
	s25 =	sshll.u32 s13, $0x7  }
0x11: {  	s21 =	sadd.s32 $0x200, s11;
	s14 =	sshll.u32 s12, $0x7;
	s11 =	sadd.s32 $0x180, s11  }
0x12: {  	s7 =	sadd.s32 $0xE00, s7;
	s10 =	sadd.s32 $0x14E00, s1;
	s26 =	sor.u32 s17, s25  }
0x13: {  	s15 =	sshll.u32 s21, $0x7;
	s14 =	sor.u32 s17, s14;
	[dreg:$0xa] =	wrdreg s21  }
0x14: {  	s16 =	sshll.u32 s11, $0x7;
	[dreg:$0x9] =	wrdreg s7;
	s7 =	sshrl.u32 s24, $0x3  }
0x15: {  	s1 =	sshrl.u32 s26, $0x3;
	s15 =	sor.u32 s17, s15;
	s16 =	sor.u32 s17, s16  }
0x16: {  	s18 =	sshrl.u32 s14, $0x3;
	s14 =	sadd.s32 s31, s8;
	s26 =	sadd.s32 s6, s0  }
0x17: {  	s17 =	sshll.u32 s13, $0x6;
	s15 =	sshrl.u32 s15, $0x3;
	s23 =	sadd.s32 s0, s7  }
0x18: {  	s16 =	sshrl.u32 s16, $0x3;
	s24 =	sadd.s32 s0, s1;
	[dreg:$0xd] =	wrdreg s23  }
0x19: {  	s25 =	sadd.s32 s0, s18;
	s7 =	sadd.s32 s20, s7;
	[dreg:$0xe] =	wrdreg s24  }
0x1a: {  	s1 =	sadd.s32 s20, s1;
	s18 =	sadd.s32 s20, s18;
	[dreg:$0xf] =	wrdreg s25  }
0x1b: {  	s22 =	sadd.s32 s0, s15;
	s0 =	sadd.s32 s0, s16;
	[dreg:$0x1b] =	wrdreg s7  }
0x1c: {  	s24 =	sshll.u32 s12, $0x6;
	s25 =	sshll.u32 s11, $0x3;
	[dreg:$0x1c] =	wrdreg s1  }
0x1d: {  	[dreg:$0x1d] =	wrdreg s18;
	s18 =	simm.s32 $0x11;
	s7 =	simm.s32 $0x7140  }
0x1e: {  	[dreg:$0xb] =	wrdreg s22;
	s22 =	sadd.s32 s8, s2;
	s2 =	smul.u32 $0xA000, s19  }
0x1f: {  	[dreg:$0x10] =	wrdreg s0;
	s8 =	sadd.s32 $0x27000, s26;
	s0 =	sshll.u32 s13, $0x3  }
0x20: {  	s13 =	sshll.u32 s13, $0x4;
	[dreg:$0x16] =	wrdreg s25;
	s26 =	sshll.u32 s11, $0x6  }
0x21: {  	s11 =	sshll.u32 s11, $0x4;
	[dreg:$0x11] =	wrdreg s8;
	s8 =	sadd.s32 s17, s3  }
0x22: {  	s23 =	sadd.s32 s13, s4;
	s11 =	sadd.s32 s11, s4;
	[dreg:$0xc] =	wrdreg s22  }
0x23: {  	s17 =	smul.u32 $0x1400, s19;
	s0 =	sadd.s32 s0, s10;
	[dreg:$0x13] =	wrdreg s8  }
0x24: {  	s19 =	simm.s32 $0x80;
	s31 =	sshrl.u32 s2, $0x2;
	[dreg:$0x14] =	wrdreg s23  }
0x25: {  	s8 =	sadd.s32 s24, s3;
	[dreg:$0x19] =	wrdreg s11;
	s13 =	sadd.s32 s2, s3  }
0x26: {  	s2 =	sshrl.u32 s2, $0x3;
	s23 =	smax.u32 s9, $0x1;
	[smem:$0x7F9] =	sst s0  }
0x27: {  	s0 =	sshll.u32 s21, $0x3;
	s11 =	simm.s32 $0x1;
	s9 =	simm.s32 $0x2  }
0x28: {  	s21 =	simm.s32 $0x4;
	s15 =	sadd.s32 s31, s4;
	[dreg:$0x15] =	wrdreg s8  }
0x29: {  	s8 =	sshll.u32 s12, $0x3;
	s12 =	sshll.u32 s12, $0x4;
	[dreg:$0x1a] =	wrdreg s13  }
0x2a: {  	s31 =	sadd.s32 s26, s3;
	[smem:$0x7F7] =	sst s23;
	s24 =	sadd.s32 s17, s10  }
0x2b: {  	s0 =	sadd.s32 @p0 s0, s10;
	s26 =	sadd.s32 s2, s10;
	[dreg:$0x12] =	wrdreg s15  }
0x2c: {  	s2 =	simm.s32 $0x7D;
	s13 =	simm.s32 $0x5100;
	[dreg:$0x18] =	wrdreg s31  }
0x2d: {  	s17 =	simm.s32 $0xAFC0;
	s23 =	simm.s32 $0x8;
	[smem:$0x7F8] =	sst s24  }
0x2e: {  	s12 =	sadd.s32 s12, s4;
	s15 =	sadd.s32 s6, s20;
	[smem:$0x7FB] =	sst s0  }
0x2f: {  	s20 =	sadd.s32 s20, s16;
	s25 =	sadd.s32 s8, s10;
	[smem:$0x7FC] =	sst s26  }
0x30: {  	s31 =	sadd.s32 $0x10, s22;
	s6 =	simm.s32 $0x40;
	[dreg:$0x17] =	wrdreg s12  }
0x31: {  	s16 =	simm.s32 $0x5080;
	s8 =	simm.s32 $0x5;
	[dreg:$0x1e] =	wrdreg s20  }
0x32: {  	s24 =	simm.s32 $0x9080;
	s22 =	simm.s32 $0x3;
	[smem:$0x7FA] =	sst s25  }
0x33: {  	s26 =	simm.s32 $0xA;
	s1 =	sadd.s32 $0x27000, s15;
	[smem:$0x7FD] =	sst s31  }
0x34: {  	s15 =	simm.s32 $0x5000;
	s12 =	simm.s32 $0x6;
	s20 =	simm.s32 $0x5180  }
0x35: {  	v0 =	vimm.f32 $0.0e+00;
	s25 =	simm.s32 $0x7;
	[dreg:$0x1f] =	wrdreg s1;
	s1 =	simm.s32 $0xCF00  }
.LBB2_1:
0x36: {  	[smem:$0x7F5] =	sst s30  }
0x37: {  	s0 =	rddreg [dreg:$0x9]  }
0x38: {  	[tilespmem:s5], [sflag:$0x11] =	stream.linear.gather [hbm4b:s0+s5], $0x5000, $0x38;
	[tilespmem:$0x1C6D0] =	vst v63  }
0x39: {  	_ =	swait.ge [sflag:s18], $0x5000  }
0x3a: {  	[sflag:s18] =	ssyncset.done $0x0  }
0x3b: {  	s31 =	rddreg [dreg:$0xd];
	[sflag:s18] =	ssyncadd.s32 $0xFFFFB000  }
0x3c: {  	[tilespmem:s29], [sflag:$0x11] =	stream.strided.gather [hbm4b:s31+s6], $0x2000, s19, s6, $0x38;
	[tilespmem:$0x1C6D0] =	vst v63  }
0x3d: {  	_ =	swait.ge [sflag:s18], $0x2000  }
0x3e: {  	s31 =	sld [smem:$0x7F8]  }
0x3f: {  	[sflag:s18] =	ssyncset.done $0x0  }
0x40: {  	[sflag:s18] =	ssyncadd.s32 $0xFFFFE000  }
0x41: {  	[hbm4b:s31+s5] =	stream.linear.scatter [tilespmem:s29], [sflag:$0x11], $0x2000, $0x38;
	[tilespmem:$0x1C6D0] =	vst v63  }
0x42: {  	_ =	swait.ge [sflag:s18], $0x2000  }
0x43: {  	[sflag:s18] =	ssyncset.done $0x0  }
0x44: {  	s31 =	rddreg [dreg:$0xe];
	[sflag:s18] =	ssyncadd.s32 $0xFFFFE000  }
0x45: {  	[tilespmem:s29], [sflag:$0x11] =	stream.strided.gather [hbm4b:s31+s6], $0x2000, s19, s6, $0x38;
	[tilespmem:$0x1C6D0] =	vst v63  }
0x46: {  	_ =	swait.ge [sflag:s18], $0x2000  }
0x47: {  	s31 =	sld [smem:$0x7F9]  }
0x48: {  	[sflag:s18] =	ssyncset.done $0x0  }
0x49: {  	[sflag:s18] =	ssyncadd.s32 $0xFFFFE000  }
0x4a: {  	[hbm4b:s31+s5] =	stream.linear.scatter [tilespmem:s29], [sflag:$0x11], $0x2000, $0x38;
	[tilespmem:$0x1C6D0] =	vst v63  }
0x4b: {  	_ =	swait.ge [sflag:s18], $0x2000  }
0x4c: {  	[sflag:s18] =	ssyncset.done $0x0  }
0x4d: {  	s31 =	rddreg [dreg:$0xf];
	[sflag:s18] =	ssyncadd.s32 $0xFFFFE000  }
0x4e: {  	[tilespmem:s29], [sflag:$0x11] =	stream.strided.gather [hbm4b:s31+s6], $0x2000, s19, s6, $0x38;
	[tilespmem:$0x1C6D0] =	vst v63  }
0x4f: {  	_ =	swait.ge [sflag:s18], $0x2000  }
0x50: {  	s6 =	sld [smem:$0x7FA]  }
0x51: {  	[sflag:s18] =	ssyncset.done $0x0  }
0x52: {  	[sflag:s18] =	ssyncadd.s32 $0xFFFFE000  }
0x53: {  	[hbm4b:s6+s5] =	stream.linear.scatter [tilespmem:s29], [sflag:$0x11], $0x2000, $0x38;
	[tilespmem:$0x1C6D0] =	vst v63  }
0x54: {  	_ =	swait.ge [sflag:s18], $0x2000  }
0x55: {  	s30 =	simm.s32 @p0 $0x80;
	s0 =	simm.s32 @p0 $0x40;
	[sflag:s18] =	ssyncset.done $0x0  }
0x56: {  	s31 =	simm.s32 @p0 $0xD6D0;
	s6 =	rddreg [dreg:$0x10];
	[sflag:s18] =	ssyncadd.s32 $0xFFFFE000  }
0x57: {  	[tilespmem:s31], [sflag:$0x11] =	stream.strided.gather @p0 [hbm4b:s6+s0], $0x2000, s30, s0, $0x38;
	[tilespmem:$0x1C6D0] =	vst v63  }
0x58: {  	s6 =	simm.s32 @p0 $0x11  }
0x59: {  	_ =	swait.ge @p0 [sflag:s6], $0x2000  }
0x5a: {  	[sflag:s6] =	ssyncset.done @p0 $0x0;
	s19 =	rddreg [dreg:$0x16]  }
0x5b: {  	s29 =	simm.s32 @p0 $0x0;
	[sflag:s6] =	ssyncadd.s32 @p0 $0xFFFFE000;
	s19 =	sadd.s32 @p0 s19, s10  }
0x5c: {  	[hbm4b:s19+s29] =	stream.linear.scatter @p0 [tilespmem:s31], [sflag:$0x11], $0x2000, $0x38;
	[tilespmem:$0x1C6D0] =	vst v63  }
0x5d: {  	_ =	swait.ge @p0 [sflag:s6], $0x2000  }
0x5e: {  	[sflag:s6] =	ssyncset.done @p0 $0x0  }
0x5f: {  	s19 =	rddreg [dreg:$0xb];
	[sflag:s6] =	ssyncadd.s32 @p0 $0xFFFFE000  }
0x60: {  	[tilespmem:s31], [sflag:$0x11] =	stream.strided.gather @p0 [hbm4b:s19+s0], $0x2000, s30, s0, $0x38;
	[tilespmem:$0x1C6D0] =	vst v63  }
0x61: {  	_ =	swait.ge @p0 [sflag:s6], $0x2000  }
0x62: {  	s0 =	sld [smem:$0x7FB]  }
0x63: {  	[sflag:s6] =	ssyncset.done @p0 $0x0  }
0x64: {  	[sflag:s6] =	ssyncadd.s32 @p0 $0xFFFFE000  }
0x65: {  	[hbm4b:s0+s29] =	stream.linear.scatter @p0 [tilespmem:s31], [sflag:$0x11], $0x2000, $0x38;
	[tilespmem:$0x1C6D0] =	vst v63  }
0x66: {  	_ =	swait.ge @p0 [sflag:s6], $0x2000  }
0x67: {  	s19 =	simm.s32 @!p0 $0xD6D0;
	s0 =	simm.s32 @!p0 $0x40;
	[sflag:s6] =	ssyncset.done @p0 $0x0  }
0x68: {  	s29 =	rddreg [dreg:$0x11];
	[sflag:s6] =	ssyncadd.s32 @p0 $0xFFFFE000;
	s6 =	simm.s32 @!p0 $0x80  }
0x69: {  	[tilespmem:s19], [sflag:$0x11] =	stream.strided.gather @!p0 [hbm4b:s29+s0], $0x400, s6, s0, $0x38;
	[tilespmem:$0x1C6D0] =	vst v63  }
0x6a: {  	s0 =	simm.s32 @!p0 $0x11  }
0x6b: {  	_ =	swait.ge @!p0 [sflag:s0], $0x400  }
0x6c: {  	[sflag:s0] =	ssyncset.done @!p0 $0x0  }
0x6d: {  	s6 =	sadd.s32 @!p0 $0x13800, s10;
	s29 =	simm.s32 @!p0 $0x0;
	[sflag:s0] =	ssyncadd.s32 @!p0 $0xFFFFFC00  }
0x6e: {  	[hbm4b:s6+s29] =	stream.linear.scatter @!p0 [tilespmem:s19], [sflag:$0x11], $0x400, $0x38;
	[tilespmem:$0x1C6D0] =	vst v63  }
0x6f: {  	_ =	swait.ge @!p0 [sflag:s0], $0x400  }
0x70: {  	[sflag:s0] =	ssyncset.done @!p0 $0x0  }
0x71: {  	s19 =	rddreg [dreg:$0x6];
	[sflag:s0] =	ssyncadd.s32 @!p0 $0xFFFFFC00  }
0x72: {  	[tilespmem:s1], [sflag:$0x11] =	stream.linear.gather [hbm4b:s19+s5], $0x7D0, $0x38;
	[tilespmem:$0x1C6D0] =	vst v63  }
0x73: {  	_ =	swait.ge [sflag:s18], $0x7D0  }
0x74: {  	[sflag:s18] =	ssyncset.done $0x0  }
0x75: {  	s31 =	simm.s32 $0xF6D0;
	s29 =	rddreg [dreg:$0x7];
	[sflag:s18] =	ssyncadd.s32 $0xFFFFF830  }
0x76: {  	[tilespmem:s31], [sflag:$0x11] =	stream.linear.gather [hbm4b:s29+s5], $0x800, $0x38;
	[tilespmem:$0x1C6D0] =	vst v63  }
0x77: {  	s0 =	rddreg [dreg:$0xa];
	_ =	swait.ge [sflag:s18], $0x800  }
0x78: {  	s30 =	simm.s32 $0x100;
	s0 =	simm.s32 @!p0 $0x2780;
	[sflag:s18] =	ssyncset.done $0x0  }
0x79: {  	[smem:$0x7F6] =	sst s0;
	s0 =	simm.s32 $0x0;
	[sflag:s18] =	ssyncadd.s32 $0xFFFFF800  }
.LBB2_2:
0x7a: {  	p2 =	sne.s32 s30, $0x7F00;
	[tilespmem:s0+$0xD700] =	vst v0;
	s6 =	smov.u32 s30;
	s30 =	sadd.s32 $0x100, s30  }
.Ltmp0:
0x7b: {  	[tilespmem:s0+$0xD6F0] =	vst v0;
	(pc) =	sbr.rel @p2 .LBB2_2-.Ltmp0, $3  }
0x7c: {  	[tilespmem:s0+$0xD6D0] =	vst v0  }
0x7d: {  	[tilespmem:s0+$0xD6E0] =	vst v0;
	_ =	sdelay $0x1  }
0x7e: {  	s0 =	sshra.s32 s6, $0x2  }
0x7f: {  	[tilespmem:s0+$0xD700] =	vst v0  }
0x80: {  	[tilespmem:s0+$0xD6F0] =	vst v0  }
0x81: {  	[tilespmem:s0+$0xD6D0] =	vst v0  }
0x82: {  	[tilespmem:s0+$0xD6E0] =	vst v0;
	s19 =	rddreg [dreg:$0x1a];
	s6 =	simm.s32 $0xD6D0  }
0x83: {  	[spmem:s19] =	stream.linear.scatter [tilespmem:s6], [sflag:$0x11], $0x2000, $0x38;
	[tilespmem:$0x1C6D0] =	vst v63  }
0x84: {  	_ =	swait.ge [sflag:s18], $0x2000  }
0x85: {  	[sflag:s18] =	ssyncset.done $0x0  }
0x86: {  	s19 =	simm.s32 $0xF6D0;
	s29 =	rddreg [dreg:$0x12];
	[sflag:s18] =	ssyncadd.s32 $0xFFFFE000  }
0x87: {  	[spmem:s29] =	stream.linear.scatter [tilespmem:s19], [sflag:$0x11], $0x800, $0x38;
	[tilespmem:$0x1C6D0] =	vst v63  }
0x88: {  	_ =	swait.ge [sflag:s18], $0x800  }
0x89: {  	[sflag:s18] =	ssyncset.done $0x0  }
0x8a: {  	s31 =	rddreg [dreg:$0x13];
	[sflag:s18] =	ssyncadd.s32 $0xFFFFF800  }
0x8b: {  	[spmem:s31] =	stream.linear.scatter [tilespmem:s6], [sflag:$0x11], $0x2000, $0x38;
	[tilespmem:$0x1C6D0] =	vst v63  }
0x8c: {  	_ =	swait.ge [sflag:s18], $0x2000  }
0x8d: {  	[sflag:s18] =	ssyncset.done $0x0  }
0x8e: {  	s29 =	rddreg [dreg:$0x14];
	[sflag:s18] =	ssyncadd.s32 $0xFFFFE000  }
0x8f: {  	[spmem:s29] =	stream.linear.scatter [tilespmem:s19], [sflag:$0x11], $0x800, $0x38;
	[tilespmem:$0x1C6D0] =	vst v63  }
0x90: {  	_ =	swait.ge [sflag:s18], $0x800  }
0x91: {  	[sflag:s18] =	ssyncset.done $0x0  }
0x92: {  	s31 =	rddreg [dreg:$0x15];
	[sflag:s18] =	ssyncadd.s32 $0xFFFFF800  }
0x93: {  	[spmem:s31] =	stream.linear.scatter [tilespmem:s6], [sflag:$0x11], $0x2000, $0x38;
	[tilespmem:$0x1C6D0] =	vst v63  }
0x94: {  	_ =	swait.ge [sflag:s18], $0x2000  }
0x95: {  	[sflag:s18] =	ssyncset.done $0x0  }
0x96: {  	s29 =	rddreg [dreg:$0x17];
	[sflag:s18] =	ssyncadd.s32 $0xFFFFE000  }
0x97: {  	[spmem:s29] =	stream.linear.scatter [tilespmem:s19], [sflag:$0x11], $0x800, $0x38;
	[tilespmem:$0x1C6D0] =	vst v63  }
0x98: {  	_ =	swait.ge [sflag:s18], $0x800  }
0x99: {  	[sflag:s18] =	ssyncset.done $0x0  }
0x9a: {  	s31 =	rddreg [dreg:$0x18];
	[sflag:s18] =	ssyncadd.s32 $0xFFFFF800  }
0x9b: {  	[spmem:s31] =	stream.linear.scatter [tilespmem:s6], [sflag:$0x11], $0x2000, $0x38;
	[tilespmem:$0x1C6D0] =	vst v63  }
0x9c: {  	_ =	swait.ge [sflag:s18], $0x2000  }
0x9d: {  	[sflag:s18] =	ssyncset.done $0x0  }
0x9e: {  	s29 =	rddreg [dreg:$0x19];
	[sflag:s18] =	ssyncadd.s32 $0xFFFFE000  }
0x9f: {  	[spmem:s29] =	stream.linear.scatter [tilespmem:s19], [sflag:$0x11], $0x800, $0x38;
	[tilespmem:$0x1C6D0] =	vst v63  }
0xa0: {  	_ =	swait.ge [sflag:s18], $0x800  }
0xa1: {  	s29 =	sld [smem:$0x7F6];
	_ =	sdelay $0x2  }
0xa2: {  	s31 =	sshll.u32 s29, $0x6  }
0xa3: {  	[sflag:s18] =	ssyncset.done $0x0;
	s0 =	sadd.s32 s31, s3  }
0xa4: {  	[sflag:s18] =	ssyncadd.s32 $0xFFFFF800;
	[smem:$0x7F3] =	sst s0  }
0xa5: {  	[spmem:s0] =	stream.linear.scatter [tilespmem:s6], [sflag:$0x11], $0x2000, $0x38;
	[tilespmem:$0x1C6D0] =	vst v63  }
0xa6: {  	s6 =	sshll.u32 s29, $0x4;
	_ =	swait.ge [sflag:s18], $0x2000  }
0xa7: {  	s0 =	sadd.s32 s6, s4;
	[sflag:s18] =	ssyncset.done $0x0  }
0xa8: {  	[smem:$0x7F4] =	sst s0;
	[sflag:s18] =	ssyncadd.s32 $0xFFFFE000  }
0xa9: {  	[spmem:s0] =	stream.linear.scatter [tilespmem:s19], [sflag:$0x11], $0x800, $0x38;
	[tilespmem:$0x1C6D0] =	vst v63  }
0xaa: {  	_ =	swait.ge [sflag:s18], $0x800  }
0xab: {  	[sflag:s18] =	ssyncset.done $0x0  }
0xac: {  	[sflag:s18] =	ssyncadd.s32 $0xFFFFF800  }
0xad: {  	s30 =	simm.s32 $0x0;
	s6 =	simm.s32 $0x5200;
	[bflag:$0x0] =	sbarrier.arrive $0xFFFF  }
0xae: {  	[tilespmem:s6], [sflag:$0x1] =	stream.indirect.gather [hbm4b:s10+s2], $0x40, s30, s2, $0xb8;
	[tilespmem:$0x1C6D0] =	vst v63  }
0xaf: {  	s19 =	simm.s32 $0x80;
	s29 =	rddreg [dreg:$0xc]  }
0xb0: {  	[tilespmem:s7], [sflag:$0x2] =	stream.indirect.gather [hbm4b:s10+s2], $0x40, s19, s2, $0xb8;
	[tilespmem:$0x1C6D0] =	vst v63  }
0xb1: {  	s31 =	sld [smem:$0x7FD]  }
0xb2: {  	[tilespmem:s15], [sflag:$0x5] =	stream.linear.gather [hbm4b:s29+s30], $0x80, $0x38;
	[tilespmem:$0x1C6D0] =	vst v63  }
0xb3: {  	s0 =	simm.s32 $0x280  }
0xb4: {  	[tilespmem:s16], [sflag:$0x6] =	stream.linear.gather [hbm4b:s31+s30], $0x80, $0x38;
	[tilespmem:$0x1C6D0] =	vst v63  }
.LBB2_4:
0xb5: {  	_ =	swait.ge [sflag:s11], $0x1F40  }
0xb6: {  	[sflag:s11] =	ssyncset.done $0x0  }
0xb7: {  	[sflag:s11] =	ssyncadd.s32 $0xFFFFE0C0  }
0xb8: {  	_ =	swait.ge [sflag:s8], $0x80  }
0xb9: {  	[sflag:s8] =	ssyncset.done $0x0  }
0xba: {  	[sflag:s8] =	ssyncadd.s32 $0xFFFFFF80  }
0xbb: {  	[spmem:s4] =	stream.indirect.scatter.add.f32 [tilespmem:s1], [sflag:$0xD], $0x10, s15, s2, $0xb8;
	[tilespmem:$0x1C6D0] =	vst v63  }
0xbc: {  	p2 =	seq.s32 s30, $0x0  }
0xbd: {  	[spmem:s3] =	stream.indirect.scatter.add.f32 [tilespmem:s6], [sflag:$0x9], $0x40, s15, s2, $0xb8;
	[tilespmem:$0x1C6D0] =	vst v63  }
0xbe: {  	s6 =	simm.s32 @!p2 $0xB  }
0xbf: {  	_ =	swait.ge @!p2 [sflag:s6], $0x1F40  }
0xc0: {  	[sflag:s6] =	ssyncset.done @!p2 $0x0  }
0xc1: {  	[sflag:s6] =	ssyncadd.s32 @!p2 $0xFFFFE0C0;
	s6 =	simm.s32 @!p2 $0xF  }
0xc2: {  	_ =	swait.ge @!p2 [sflag:s6], $0x7D0  }
0xc3: {  	[sflag:s6] =	ssyncset.done @!p2 $0x0  }
0xc4: {  	s19 =	sadd.s32 $0xFFFFFE80, s0;
	s31 =	sadd.s32 s30, s14;
	[sflag:s6] =	ssyncadd.s32 @!p2 $0xFFFFF830  }
0xc5: {  	[tilespmem:s24], [sflag:$0x3] =	stream.indirect.gather [hbm4b:s10+s2], $0x40, s19, s2, $0xb8;
	[tilespmem:$0x1C6D0] =	vst v63  }
0xc6: {  	s29 =	sadd.s32 $0x20, s31  }
0xc7: {  	[tilespmem:s13], [sflag:$0x7] =	stream.linear.gather [hbm4b:s29+s5], $0x80, $0x38;
	[tilespmem:$0x1C6D0] =	vst v63  }
0xc8: {  	_ =	swait.ge [sflag:s9], $0x1F40  }
0xc9: {  	[sflag:s9] =	ssyncset.done $0x0  }
0xca: {  	[sflag:s9] =	ssyncadd.s32 $0xFFFFE0C0  }
0xcb: {  	_ =	swait.ge [sflag:s12], $0x80  }
0xcc: {  	[sflag:s12] =	ssyncset.done $0x0  }
0xcd: {  	[sflag:s12] =	ssyncadd.s32 $0xFFFFFF80  }
0xce: {  	[spmem:s4] =	stream.indirect.scatter.add.f32 [tilespmem:s1], [sflag:$0xE], $0x10, s16, s2, $0xb8;
	[tilespmem:$0x1C6D0] =	vst v63  }
0xcf: {  	s6 =	simm.s32 @!p2 $0xC  }
0xd0: {  	[spmem:s3] =	stream.indirect.scatter.add.f32 [tilespmem:s7], [sflag:$0xA], $0x40, s16, s2, $0xb8;
	[tilespmem:$0x1C6D0] =	vst v63  }
0xd1: {  	_ =	swait.ge @!p2 [sflag:s6], $0x1F40  }
0xd2: {  	[sflag:s6] =	ssyncset.done @!p2 $0x0  }
0xd3: {  	[sflag:s6] =	ssyncadd.s32 @!p2 $0xFFFFE0C0;
	s6 =	simm.s32 @!p2 $0x10  }
0xd4: {  	_ =	swait.ge @!p2 [sflag:s6], $0x7D0  }
0xd5: {  	[sflag:s6] =	ssyncset.done @!p2 $0x0  }
0xd6: {  	s19 =	sadd.s32 $0xFFFFFF00, s0;
	[sflag:s6] =	ssyncadd.s32 @!p2 $0xFFFFF830  }
0xd7: {  	[tilespmem:s17], [sflag:$0x4] =	stream.indirect.gather [hbm4b:s10+s2], $0x40, s19, s2, $0xb8;
	[tilespmem:$0x1C6D0] =	vst v63  }
0xd8: {  	s29 =	sadd.s32 $0x30, s31  }
0xd9: {  	[tilespmem:s20], [sflag:$0x8] =	stream.linear.gather [hbm4b:s29+s5], $0x80, $0x38;
	[tilespmem:$0x1C6D0] =	vst v63  }
0xda: {  	_ =	swait.ge [sflag:s22], $0x1F40  }
0xdb: {  	[sflag:s22] =	ssyncset.done $0x0  }
0xdc: {  	[sflag:s22] =	ssyncadd.s32 $0xFFFFE0C0  }
0xdd: {  	_ =	swait.ge [sflag:s25], $0x80  }
0xde: {  	[sflag:s25] =	ssyncset.done $0x0  }
0xdf: {  	[sflag:s25] =	ssyncadd.s32 $0xFFFFFF80  }
0xe0: {  	[spmem:s4] =	stream.indirect.scatter.add.f32 [tilespmem:s1], [sflag:$0xF], $0x10, s13, s2, $0xb8;
	[tilespmem:$0x1C6D0] =	vst v63  }
0xe1: {  	_ = 	snop  }
0xe2: {  	[spmem:s3] =	stream.indirect.scatter.add.f32 [tilespmem:s24], [sflag:$0xB], $0x40, s13, s2, $0xb8;
	[tilespmem:$0x1C6D0] =	vst v63  }
0xe3: {  	_ =	swait.ge [sflag:s28], $0x1F40  }
0xe4: {  	[sflag:s28] =	ssyncset.done $0x0  }
0xe5: {  	s19 =	simm.s32 $0xD;
	[sflag:s28] =	ssyncadd.s32 $0xFFFFE0C0  }
0xe6: {  	p2 =	seq.s32 s30, $0x9C0;
	_ =	swait.ge [sflag:s19], $0x7D0  }
0xe7: {  	s6 =	sadd.s32 @!p2 $0xFFFFFF80, s0;
	[sflag:s19] =	ssyncset.done $0x0  }
0xe8: {  	s29 =	simm.s32 @!p2 $0x5200;
	[sflag:s19] =	ssyncadd.s32 $0xFFFFF830;
	s19 =	simm.s32 @!p2 $0x7D  }
0xe9: {  	[tilespmem:s29], [sflag:$0x1] =	stream.indirect.gather @!p2 [hbm4b:s10+s19], $0x40, s6, s19, $0xb8;
	[tilespmem:$0x1C6D0] =	vst v63  }
0xea: {  	s6 =	sadd.s32 @!p2 s30, s14  }
0xeb: {  	s19 =	simm.s32 @!p2 $0x0;
	s29 =	simm.s32 @!p2 $0x5000;
	s6 =	sadd.s32 @!p2 $0x40, s6  }
0xec: {  	[tilespmem:s29], [sflag:$0x5] =	stream.linear.gather @!p2 [hbm4b:s6+s19], $0x80, $0x38;
	[tilespmem:$0x1C6D0] =	vst v63  }
0xed: {  	_ =	swait.ge [sflag:s21], $0x1F40  }
0xee: {  	[sflag:s21] =	ssyncset.done $0x0  }
0xef: {  	[sflag:s21] =	ssyncadd.s32 $0xFFFFE0C0  }
0xf0: {  	_ =	swait.ge [sflag:s23], $0x80  }
0xf1: {  	[sflag:s23] =	ssyncset.done $0x0  }
0xf2: {  	[sflag:s23] =	ssyncadd.s32 $0xFFFFFF80  }
0xf3: {  	[spmem:s4] =	stream.indirect.scatter.add.f32 [tilespmem:s1], [sflag:$0x10], $0x10, s20, s2, $0xb8;
	[tilespmem:$0x1C6D0] =	vst v63  }
0xf4: {  	_ = 	snop  }
0xf5: {  	[spmem:s3] =	stream.indirect.scatter.add.f32 [tilespmem:s17], [sflag:$0xC], $0x40, s20, s2, $0xb8;
	[tilespmem:$0x1C6D0] =	vst v63  }
0xf6: {  	_ =	swait.ge [sflag:s26], $0x1F40  }
.Ltmp1:
0xf7: {  	[sflag:s26] =	ssyncset.done $0x0;
	(pc) =	sbr.rel @p2 .LBB2_6-.Ltmp1, $4  }
0xf8: {  	s29 =	simm.s32 $0xE;
	[sflag:s26] =	ssyncadd.s32 $0xFFFFE0C0  }
0xf9: {  	_ =	swait.ge [sflag:s29], $0x7D0  }
0xfa: {  	[sflag:s29] =	ssyncset.done $0x0  }
0xfb: {  	[sflag:s29] =	ssyncadd.s32 $0xFFFFF830  }
.Ltmp2:
0xfc: {  	(pc) =	sbr.rel .LBB2_4-.Ltmp2, $4  }
0xfd: {  	[tilespmem:s7], [sflag:$0x2] =	stream.indirect.gather [hbm4b:s10+s2], $0x40, s0, s2, $0xb8;
	[tilespmem:$0x1C6D0] =	vst v63  }
0xfe: {  	s6 =	sadd.s32 $0x50, s31  }
0xff: {  	[tilespmem:s16], [sflag:$0x6] =	stream.linear.gather [hbm4b:s6+s5], $0x80, $0x38;
	[tilespmem:$0x1C6D0] =	vst v63  }
0x100: {  	s30 =	sadd.s32 $0x40, s30;
	s0 =	sadd.s32 $0x200, s0;
	s6 =	simm.s32 $0x5200  }
.LBB2_6:
0x101: {  	s0 =	simm.s32 $0xB  }
0x102: {  	_ =	swait.ge [sflag:s0], $0x1F40  }
0x103: {  	[sflag:s0] =	ssyncset.done $0x0  }
0x104: {  	s19 =	simm.s32 $0xF;
	[sflag:s0] =	ssyncadd.s32 $0xFFFFE0C0  }
0x105: {  	_ =	swait.ge [sflag:s19], $0x7D0  }
0x106: {  	[sflag:s19] =	ssyncset.done $0x0  }
0x107: {  	s6 =	simm.s32 $0xC;
	[sflag:s19] =	ssyncadd.s32 $0xFFFFF830  }
0x108: {  	_ =	swait.ge [sflag:s6], $0x1F40  }
0x109: {  	[sflag:s6] =	ssyncset.done $0x0  }
0x10a: {  	s19 =	simm.s32 $0x10;
	[sflag:s6] =	ssyncadd.s32 $0xFFFFE0C0  }
0x10b: {  	_ =	swait.ge [sflag:s19], $0x7D0  }
0x10c: {  	[sflag:s19] =	ssyncset.done $0x0  }
0x10d: {  	[sflag:s19] =	ssyncadd.s32 $0xFFFFF830  }
0x10e: {  	[bflag:$0x0] =	sbarrier.arrive $0xFFFF  }
0x10f: {  	s29 =	simm.s32 $0xD6D0;
	s6 =	rddreg [dreg:$0x1a]  }
0x110: {  	[tilespmem:s29], [sflag:$0x11] =	stream.linear.gather [spmem:s6], $0x2000, $0x38;
	[tilespmem:$0x1C6D0] =	vst v63  }
0x111: {  	_ =	swait.ge [sflag:s18], $0x2000  }
0x112: {  	[sflag:s18] =	ssyncset.done $0x0  }
0x113: {  	s6 =	simm.s32 $0xF6D0;
	s19 =	rddreg [dreg:$0x12];
	[sflag:s18] =	ssyncadd.s32 $0xFFFFE000  }
0x114: {  	[tilespmem:s6], [sflag:$0x11] =	stream.linear.gather [spmem:s19], $0x800, $0x38;
	[tilespmem:$0x1C6D0] =	vst v63  }
0x115: {  	_ =	swait.ge [sflag:s18], $0x800  }
0x116: {  	[sflag:s18] =	ssyncset.done $0x0  }
0x117: {  	s19 =	simm.s32 $0x0;
	[sflag:s18] =	ssyncadd.s32 $0xFFFFF800  }
0x118: {  	v1 =	vld [tilespmem:s19+$0xF6D0];
	_ =	sdelay $0x4  }
0x119: {  	v1 =	vmax.f32 v1, $1.000000000e+00  }
0x11a: {  	(erf) = vrcp.f32 v1;
	_ =	sdelay $0x3  }
0x11b: {  	s0 =	simm.s32 $0xD6F0  }
0x11c: {  	v1 =	vld [tilespmem:s0+$0xFFFFFFE0]  }
0x11d: {  	v2 =	vld [tilespmem:s0+$0xFFFFFFF0]  }
0x11e: {  	v3 =	vld [tilespmem:s0+$0x0]  }
0x11f: {  	v4 =	vld [tilespmem:s0+$0x10]  }
0x120: {  	v5 =	vpop (erf)  }
0x121: {  	v1 =	vmul.f32 v5, v1  }
0x122: {  	v2 =	vmul.f32 v2, v5  }
0x123: {  	v3 =	vmul.f32 v3, v5;
	[tilespmem:s0+$0xFFFFFFE0] =	vst v1  }
0x124: {  	v1 =	vmul.f32 v4, v5;
	[tilespmem:s0+$0xFFFFFFF0] =	vst v2  }
0x125: {  	[tilespmem:s0+$0x0] =	vst v3  }
0x126: {  	s31 =	simm.s32 $0x10;
	s30 =	simm.s32 $0x80;
	[tilespmem:s0+$0x10] =	vst v1  }
.LBB2_7:
0x127: {  	p2 =	sne.s32 s30, $0x1FC0;
	v1 =	vld [tilespmem:s31+$0xF6D0];
	_ =	sdelay $0x4  }
0x128: {  	v1 =	vmax.f32 v1, $1.000000000e+00  }
0x129: {  	(erf) = vrcp.f32 v1;
	_ =	sdelay $0x1  }
0x12a: {  	s0 =	sadd.s32 $0x40, s0  }
0x12b: {  	v1 =	vld [tilespmem:s0+$0xFFFFFFF0]  }
0x12c: {  	v2 =	vld [tilespmem:s0+$0x10]  }
0x12d: {  	v3 =	vld [tilespmem:s0+$0xFFFFFFE0]  }
0x12e: {  	v4 =	vld [tilespmem:s0+$0x0];
	_ =	sdelay $0x2  }
0x12f: {  	v5 =	vpop (erf)  }
0x130: {  	v3 =	vmul.f32 v5, v3;
	v1 =	vmul.f32 v1, v5  }
.Ltmp3:
0x131: {  	v2 =	vmul.f32 v2, v5;
	v4 =	vmul.f32 v4, v5;
	(pc) =	sbr.rel @p2 .LBB2_7-.Ltmp3, $4  }
0x132: {  	[tilespmem:s0+$0xFFFFFFE0] =	vst v3  }
0x133: {  	[tilespmem:s0+$0xFFFFFFF0] =	vst v1  }
0x134: {  	[tilespmem:s0+$0x0] =	vst v4  }
0x135: {  	s31 =	sshra.s32 s30, $0x2;
	s30 =	sadd.s32 $0x40, s30;
	[tilespmem:s0+$0x10] =	vst v2  }
0x136: {  	v1 =	vld [tilespmem:s31+$0xF6D0];
	_ =	sdelay $0x4  }
0x137: {  	v1 =	vmax.f32 v1, $1.000000000e+00  }
0x138: {  	(erf) = vrcp.f32 v1;
	_ =	sdelay $0x3  }
0x139: {  	s0 =	sadd.s32 $0x40, s0  }
0x13a: {  	v1 =	vld [tilespmem:s0+$0xFFFFFFE0]  }
0x13b: {  	v2 =	vld [tilespmem:s0+$0xFFFFFFF0]  }
0x13c: {  	v3 =	vld [tilespmem:s0+$0x0]  }
0x13d: {  	v4 =	vld [tilespmem:s0+$0x10]  }
0x13e: {  	v5 =	vpop (erf)  }
0x13f: {  	v1 =	vmul.f32 v5, v1  }
0x140: {  	v2 =	vmul.f32 v2, v5  }
0x141: {  	v3 =	vmul.f32 v3, v5;
	[tilespmem:s0+$0xFFFFFFE0] =	vst v1  }
0x142: {  	s6 =	sld [smem:$0x7FC];
	v1 =	vmul.f32 v4, v5;
	[tilespmem:s0+$0xFFFFFFF0] =	vst v2  }
0x143: {  	[tilespmem:s0+$0x0] =	vst v3  }
0x144: {  	s19 =	simm.s32 $0x0;
	[tilespmem:s0+$0x10] =	vst v1  }
0x145: {  	[hbm4b:s6+s19] =	stream.linear.scatter [tilespmem:s29], [sflag:$0x11], $0x2000, $0x38;
	[tilespmem:$0x1C6D0] =	vst v63  }
0x146: {  	_ =	swait.ge [sflag:s18], $0x2000  }
0x147: {  	[sflag:s18] =	ssyncset.done $0x0  }
0x148: {  	s19 =	rddreg [dreg:$0x13];
	[sflag:s18] =	ssyncadd.s32 $0xFFFFE000  }
0x149: {  	[tilespmem:s29], [sflag:$0x11] =	stream.linear.gather [spmem:s19], $0x2000, $0x38;
	[tilespmem:$0x1C6D0] =	vst v63  }
0x14a: {  	_ =	swait.ge [sflag:s18], $0x2000  }
0x14b: {  	[sflag:s18] =	ssyncset.done $0x0  }
0x14c: {  	s19 =	simm.s32 $0xF6D0;
	s6 =	rddreg [dreg:$0x14];
	[sflag:s18] =	ssyncadd.s32 $0xFFFFE000  }
0x14d: {  	[tilespmem:s19], [sflag:$0x11] =	stream.linear.gather [spmem:s6], $0x800, $0x38;
	[tilespmem:$0x1C6D0] =	vst v63  }
0x14e: {  	_ =	swait.ge [sflag:s18], $0x800  }
0x14f: {  	[sflag:s18] =	ssyncset.done $0x0  }
0x150: {  	s19 =	simm.s32 $0x0;
	[sflag:s18] =	ssyncadd.s32 $0xFFFFF800  }
0x151: {  	v1 =	vld [tilespmem:s19+$0xF6D0];
	_ =	sdelay $0x4  }
0x152: {  	v1 =	vmax.f32 v1, $1.000000000e+00  }
0x153: {  	(erf) = vrcp.f32 v1;
	_ =	sdelay $0x3  }
0x154: {  	s0 =	simm.s32 $0xD6F0  }
0x155: {  	v1 =	vld [tilespmem:s0+$0xFFFFFFE0]  }
0x156: {  	v2 =	vld [tilespmem:s0+$0xFFFFFFF0]  }
0x157: {  	v3 =	vld [tilespmem:s0+$0x0]  }
0x158: {  	v62 =	vld [tilespmem:s0+$0x10]  }
0x159: {  	v63 =	vpop (erf)  }
0x15a: {  	v1 =	vmul.f32 v63, v1  }
0x15b: {  	v2 =	vmul.f32 v2, v63  }
0x15c: {  	v3 =	vmul.f32 v3, v63;
	[tilespmem:s0+$0xFFFFFFE0] =	vst v1  }
0x15d: {  	v1 =	vmul.f32 v62, v63;
	[tilespmem:s0+$0xFFFFFFF0] =	vst v2  }
0x15e: {  	[tilespmem:s0+$0x0] =	vst v3  }
0x15f: {  	s31 =	simm.s32 $0x10;
	s30 =	simm.s32 $0x80;
	[tilespmem:s0+$0x10] =	vst v1  }
.LBB2_9:
0x160: {  	p2 =	sne.s32 s30, $0x1FC0;
	v1 =	vld [tilespmem:s31+$0xF6D0];
	_ =	sdelay $0x4  }
0x161: {  	v1 =	vmax.f32 v1, $1.000000000e+00  }
0x162: {  	(erf) = vrcp.f32 v1;
	_ =	sdelay $0x1  }
0x163: {  	s0 =	sadd.s32 $0x40, s0  }
0x164: {  	v1 =	vld [tilespmem:s0+$0xFFFFFFF0]  }
0x165: {  	v2 =	vld [tilespmem:s0+$0x10]  }
0x166: {  	v3 =	vld [tilespmem:s0+$0xFFFFFFE0]  }
0x167: {  	v4 =	vld [tilespmem:s0+$0x0];
	_ =	sdelay $0x2  }
0x168: {  	v5 =	vpop (erf)  }
0x169: {  	v3 =	vmul.f32 v5, v3;
	v1 =	vmul.f32 v1, v5  }
.Ltmp4:
0x16a: {  	v2 =	vmul.f32 v2, v5;
	v4 =	vmul.f32 v4, v5;
	(pc) =	sbr.rel @p2 .LBB2_9-.Ltmp4, $4  }
0x16b: {  	[tilespmem:s0+$0xFFFFFFE0] =	vst v3  }
0x16c: {  	[tilespmem:s0+$0xFFFFFFF0] =	vst v1  }
0x16d: {  	[tilespmem:s0+$0x0] =	vst v4  }
0x16e: {  	s31 =	sshra.s32 s30, $0x2;
	s30 =	sadd.s32 $0x40, s30;
	[tilespmem:s0+$0x10] =	vst v2  }
0x16f: {  	v1 =	vld [tilespmem:s31+$0xF6D0];
	_ =	sdelay $0x4  }
0x170: {  	v1 =	vmax.f32 v1, $1.000000000e+00  }
0x171: {  	(erf) = vrcp.f32 v1;
	_ =	sdelay $0x3  }
0x172: {  	s0 =	sadd.s32 $0x40, s0  }
0x173: {  	v1 =	vld [tilespmem:s0+$0xFFFFFFE0]  }
0x174: {  	v2 =	vld [tilespmem:s0+$0xFFFFFFF0]  }
0x175: {  	v3 =	vld [tilespmem:s0+$0x0]  }
0x176: {  	v4 =	vld [tilespmem:s0+$0x10]  }
0x177: {  	v5 =	vpop (erf)  }
0x178: {  	v1 =	vmul.f32 v5, v1  }
0x179: {  	v2 =	vmul.f32 v2, v5  }
0x17a: {  	v3 =	vmul.f32 v3, v5;
	[tilespmem:s0+$0xFFFFFFE0] =	vst v1  }
0x17b: {  	s6 =	sld [smem:$0x7F9];
	v1 =	vmul.f32 v4, v5;
	[tilespmem:s0+$0xFFFFFFF0] =	vst v2  }
0x17c: {  	[tilespmem:s0+$0x0] =	vst v3  }
0x17d: {  	s19 =	simm.s32 $0x0;
	[tilespmem:s0+$0x10] =	vst v1  }
0x17e: {  	[hbm4b:s6+s19] =	stream.linear.scatter [tilespmem:s29], [sflag:$0x11], $0x2000, $0x38;
	[tilespmem:$0x1C6D0] =	vst v63  }
0x17f: {  	_ =	swait.ge [sflag:s18], $0x2000  }
0x180: {  	[sflag:s18] =	ssyncset.done $0x0  }
0x181: {  	s19 =	rddreg [dreg:$0x15];
	[sflag:s18] =	ssyncadd.s32 $0xFFFFE000  }
0x182: {  	[tilespmem:s29], [sflag:$0x11] =	stream.linear.gather [spmem:s19], $0x2000, $0x38;
	[tilespmem:$0x1C6D0] =	vst v63  }
0x183: {  	_ =	swait.ge [sflag:s18], $0x2000  }
0x184: {  	[sflag:s18] =	ssyncset.done $0x0  }
0x185: {  	s19 =	simm.s32 $0xF6D0;
	s6 =	rddreg [dreg:$0x17];
	[sflag:s18] =	ssyncadd.s32 $0xFFFFE000  }
0x186: {  	[tilespmem:s19], [sflag:$0x11] =	stream.linear.gather [spmem:s6], $0x800, $0x38;
	[tilespmem:$0x1C6D0] =	vst v63  }
0x187: {  	_ =	swait.ge [sflag:s18], $0x800  }
0x188: {  	[sflag:s18] =	ssyncset.done $0x0  }
0x189: {  	s19 =	simm.s32 $0x0;
	[sflag:s18] =	ssyncadd.s32 $0xFFFFF800  }
0x18a: {  	v1 =	vld [tilespmem:s19+$0xF6D0];
	_ =	sdelay $0x4  }
0x18b: {  	v1 =	vmax.f32 v1, $1.000000000e+00  }
0x18c: {  	(erf) = vrcp.f32 v1;
	_ =	sdelay $0x3  }
0x18d: {  	s0 =	simm.s32 $0xD6F0  }
0x18e: {  	v1 =	vld [tilespmem:s0+$0xFFFFFFE0]  }
0x18f: {  	v2 =	vld [tilespmem:s0+$0xFFFFFFF0]  }
0x190: {  	v3 =	vld [tilespmem:s0+$0x0]  }
0x191: {  	v62 =	vld [tilespmem:s0+$0x10]  }
0x192: {  	v63 =	vpop (erf)  }
0x193: {  	v1 =	vmul.f32 v63, v1  }
0x194: {  	v2 =	vmul.f32 v2, v63  }
0x195: {  	v3 =	vmul.f32 v3, v63;
	[tilespmem:s0+$0xFFFFFFE0] =	vst v1  }
0x196: {  	v1 =	vmul.f32 v62, v63;
	[tilespmem:s0+$0xFFFFFFF0] =	vst v2  }
0x197: {  	[tilespmem:s0+$0x0] =	vst v3  }
0x198: {  	s31 =	simm.s32 $0x10;
	s30 =	simm.s32 $0x80;
	[tilespmem:s0+$0x10] =	vst v1  }
.LBB2_11:
0x199: {  	p2 =	sne.s32 s30, $0x1FC0;
	v1 =	vld [tilespmem:s31+$0xF6D0];
	_ =	sdelay $0x4  }
0x19a: {  	v1 =	vmax.f32 v1, $1.000000000e+00  }
0x19b: {  	(erf) = vrcp.f32 v1;
	_ =	sdelay $0x1  }
0x19c: {  	s0 =	sadd.s32 $0x40, s0  }
0x19d: {  	v1 =	vld [tilespmem:s0+$0xFFFFFFF0]  }
0x19e: {  	v2 =	vld [tilespmem:s0+$0x10]  }
0x19f: {  	v3 =	vld [tilespmem:s0+$0xFFFFFFE0]  }
0x1a0: {  	v4 =	vld [tilespmem:s0+$0x0];
	_ =	sdelay $0x2  }
0x1a1: {  	v5 =	vpop (erf)  }
0x1a2: {  	v3 =	vmul.f32 v5, v3;
	v1 =	vmul.f32 v1, v5  }
.Ltmp5:
0x1a3: {  	v2 =	vmul.f32 v2, v5;
	v4 =	vmul.f32 v4, v5;
	(pc) =	sbr.rel @p2 .LBB2_11-.Ltmp5, $4  }
0x1a4: {  	[tilespmem:s0+$0xFFFFFFE0] =	vst v3  }
0x1a5: {  	[tilespmem:s0+$0xFFFFFFF0] =	vst v1  }
0x1a6: {  	[tilespmem:s0+$0x0] =	vst v4  }
0x1a7: {  	s31 =	sshra.s32 s30, $0x2;
	s30 =	sadd.s32 $0x40, s30;
	[tilespmem:s0+$0x10] =	vst v2  }
0x1a8: {  	v1 =	vld [tilespmem:s31+$0xF6D0];
	_ =	sdelay $0x4  }
0x1a9: {  	v1 =	vmax.f32 v1, $1.000000000e+00  }
0x1aa: {  	(erf) = vrcp.f32 v1;
	_ =	sdelay $0x3  }
0x1ab: {  	s0 =	sadd.s32 $0x40, s0  }
0x1ac: {  	v1 =	vld [tilespmem:s0+$0xFFFFFFE0]  }
0x1ad: {  	v2 =	vld [tilespmem:s0+$0xFFFFFFF0]  }
0x1ae: {  	v3 =	vld [tilespmem:s0+$0x0]  }
0x1af: {  	v4 =	vld [tilespmem:s0+$0x10]  }
0x1b0: {  	v5 =	vpop (erf)  }
0x1b1: {  	v1 =	vmul.f32 v5, v1  }
0x1b2: {  	v2 =	vmul.f32 v2, v5  }
0x1b3: {  	v3 =	vmul.f32 v3, v5;
	[tilespmem:s0+$0xFFFFFFE0] =	vst v1  }
0x1b4: {  	s6 =	sld [smem:$0x7FA];
	v1 =	vmul.f32 v4, v5;
	[tilespmem:s0+$0xFFFFFFF0] =	vst v2  }
0x1b5: {  	[tilespmem:s0+$0x0] =	vst v3  }
0x1b6: {  	s19 =	simm.s32 $0x0;
	[tilespmem:s0+$0x10] =	vst v1  }
0x1b7: {  	[hbm4b:s6+s19] =	stream.linear.scatter [tilespmem:s29], [sflag:$0x11], $0x2000, $0x38;
	[tilespmem:$0x1C6D0] =	vst v63  }
0x1b8: {  	_ =	swait.ge [sflag:s18], $0x2000  }
0x1b9: {  	[sflag:s18] =	ssyncset.done $0x0  }
0x1ba: {  	s19 =	rddreg [dreg:$0x18];
	[sflag:s18] =	ssyncadd.s32 $0xFFFFE000  }
0x1bb: {  	[tilespmem:s29], [sflag:$0x11] =	stream.linear.gather [spmem:s19], $0x2000, $0x38;
	[tilespmem:$0x1C6D0] =	vst v63  }
0x1bc: {  	_ =	swait.ge [sflag:s18], $0x2000  }
0x1bd: {  	[sflag:s18] =	ssyncset.done $0x0  }
0x1be: {  	s19 =	simm.s32 $0xF6D0;
	s6 =	rddreg [dreg:$0x19];
	[sflag:s18] =	ssyncadd.s32 $0xFFFFE000  }
0x1bf: {  	[tilespmem:s19], [sflag:$0x11] =	stream.linear.gather [spmem:s6], $0x800, $0x38;
	[tilespmem:$0x1C6D0] =	vst v63  }
0x1c0: {  	_ =	swait.ge [sflag:s18], $0x800  }
0x1c1: {  	[sflag:s18] =	ssyncset.done $0x0  }
0x1c2: {  	s19 =	simm.s32 $0x0;
	[sflag:s18] =	ssyncadd.s32 $0xFFFFF800  }
0x1c3: {  	v1 =	vld [tilespmem:s19+$0xF6D0];
	_ =	sdelay $0x4  }
0x1c4: {  	v1 =	vmax.f32 v1, $1.000000000e+00  }
0x1c5: {  	(erf) = vrcp.f32 v1;
	_ =	sdelay $0x3  }
0x1c6: {  	s0 =	simm.s32 $0xD6F0  }
0x1c7: {  	v1 =	vld [tilespmem:s0+$0xFFFFFFE0]  }
0x1c8: {  	v2 =	vld [tilespmem:s0+$0xFFFFFFF0]  }
0x1c9: {  	v3 =	vld [tilespmem:s0+$0x0]  }
0x1ca: {  	v62 =	vld [tilespmem:s0+$0x10]  }
0x1cb: {  	v63 =	vpop (erf)  }
0x1cc: {  	v1 =	vmul.f32 v63, v1  }
0x1cd: {  	v2 =	vmul.f32 v2, v63  }
0x1ce: {  	v3 =	vmul.f32 v3, v63;
	[tilespmem:s0+$0xFFFFFFE0] =	vst v1  }
0x1cf: {  	v1 =	vmul.f32 v62, v63;
	[tilespmem:s0+$0xFFFFFFF0] =	vst v2  }
0x1d0: {  	[tilespmem:s0+$0x0] =	vst v3  }
0x1d1: {  	s31 =	simm.s32 $0x10;
	s30 =	simm.s32 $0x80;
	[tilespmem:s0+$0x10] =	vst v1  }
.LBB2_13:
0x1d2: {  	p2 =	sne.s32 s30, $0x1FC0;
	v1 =	vld [tilespmem:s31+$0xF6D0];
	_ =	sdelay $0x4  }
0x1d3: {  	v1 =	vmax.f32 v1, $1.000000000e+00  }
0x1d4: {  	(erf) = vrcp.f32 v1;
	_ =	sdelay $0x1  }
0x1d5: {  	s0 =	sadd.s32 $0x40, s0  }
0x1d6: {  	v1 =	vld [tilespmem:s0+$0xFFFFFFF0]  }
0x1d7: {  	v2 =	vld [tilespmem:s0+$0x10]  }
0x1d8: {  	v3 =	vld [tilespmem:s0+$0xFFFFFFE0]  }
0x1d9: {  	v4 =	vld [tilespmem:s0+$0x0];
	_ =	sdelay $0x2  }
0x1da: {  	v5 =	vpop (erf)  }
0x1db: {  	v3 =	vmul.f32 v5, v3;
	v1 =	vmul.f32 v1, v5  }
.Ltmp6:
0x1dc: {  	v2 =	vmul.f32 v2, v5;
	v4 =	vmul.f32 v4, v5;
	(pc) =	sbr.rel @p2 .LBB2_13-.Ltmp6, $4  }
0x1dd: {  	[tilespmem:s0+$0xFFFFFFE0] =	vst v3  }
0x1de: {  	[tilespmem:s0+$0xFFFFFFF0] =	vst v1  }
0x1df: {  	[tilespmem:s0+$0x0] =	vst v4  }
0x1e0: {  	s31 =	sshra.s32 s30, $0x2;
	s30 =	sadd.s32 $0x40, s30;
	[tilespmem:s0+$0x10] =	vst v2  }
0x1e1: {  	v1 =	vld [tilespmem:s31+$0xF6D0];
	_ =	sdelay $0x4  }
0x1e2: {  	v1 =	vmax.f32 v1, $1.000000000e+00  }
0x1e3: {  	(erf) = vrcp.f32 v1;
	_ =	sdelay $0x3  }
0x1e4: {  	s0 =	sadd.s32 $0x40, s0  }
0x1e5: {  	v1 =	vld [tilespmem:s0+$0xFFFFFFE0]  }
0x1e6: {  	v2 =	vld [tilespmem:s0+$0xFFFFFFF0]  }
0x1e7: {  	v3 =	vld [tilespmem:s0+$0x0]  }
0x1e8: {  	v4 =	vld [tilespmem:s0+$0x10]  }
0x1e9: {  	v5 =	vpop (erf)  }
0x1ea: {  	v1 =	vmul.f32 v5, v1  }
0x1eb: {  	v2 =	vmul.f32 v2, v5  }
0x1ec: {  	v3 =	vmul.f32 v3, v5;
	[tilespmem:s0+$0xFFFFFFE0] =	vst v1  }
0x1ed: {  	v1 =	vmul.f32 v4, v5;
	[tilespmem:s0+$0xFFFFFFF0] =	vst v2  }
0x1ee: {  	s6 =	rddreg [dreg:$0x16];
	[tilespmem:s0+$0x0] =	vst v3  }
0x1ef: {  	[tilespmem:s0+$0x10] =	vst v1;
	s0 =	sadd.s32 s6, s10;
	s6 =	simm.s32 $0x0  }
0x1f0: {  	[hbm4b:s0+s6] =	stream.linear.scatter [tilespmem:s29], [sflag:$0x11], $0x2000, $0x38;
	[tilespmem:$0x1C6D0] =	vst v63  }
0x1f1: {  	_ =	swait.ge [sflag:s18], $0x2000  }
0x1f2: {  	s19 =	sld [smem:$0x7F3]  }
0x1f3: {  	[sflag:s18] =	ssyncset.done $0x0  }
0x1f4: {  	[sflag:s18] =	ssyncadd.s32 $0xFFFFE000  }
0x1f5: {  	[tilespmem:s29], [sflag:$0x11] =	stream.linear.gather [spmem:s19], $0x2000, $0x38;
	[tilespmem:$0x1C6D0] =	vst v63  }
0x1f6: {  	_ =	swait.ge [sflag:s18], $0x2000  }
0x1f7: {  	s19 =	sld [smem:$0x7F4]  }
0x1f8: {  	[sflag:s18] =	ssyncset.done $0x0  }
0x1f9: {  	s6 =	simm.s32 $0xF6D0;
	[sflag:s18] =	ssyncadd.s32 $0xFFFFE000  }
0x1fa: {  	[tilespmem:s6], [sflag:$0x11] =	stream.linear.gather [spmem:s19], $0x800, $0x38;
	[tilespmem:$0x1C6D0] =	vst v63  }
0x1fb: {  	_ =	swait.ge [sflag:s18], $0x800  }
0x1fc: {  	[sflag:s18] =	ssyncset.done $0x0  }
0x1fd: {  	s19 =	simm.s32 $0x0;
	[sflag:s18] =	ssyncadd.s32 $0xFFFFF800  }
0x1fe: {  	v1 =	vld [tilespmem:s19+$0xF6D0];
	_ =	sdelay $0x4  }
0x1ff: {  	v1 =	vmax.f32 v1, $1.000000000e+00  }
0x200: {  	(erf) = vrcp.f32 v1;
	_ =	sdelay $0x3  }
0x201: {  	s0 =	simm.s32 $0xD6F0  }
0x202: {  	v1 =	vld [tilespmem:s0+$0xFFFFFFE0]  }
0x203: {  	v2 =	vld [tilespmem:s0+$0xFFFFFFF0]  }
0x204: {  	v3 =	vld [tilespmem:s0+$0x0]  }
0x205: {  	v62 =	vld [tilespmem:s0+$0x10]  }
0x206: {  	v63 =	vpop (erf)  }
0x207: {  	v1 =	vmul.f32 v63, v1  }
0x208: {  	v2 =	vmul.f32 v2, v63  }
0x209: {  	v3 =	vmul.f32 v3, v63;
	[tilespmem:s0+$0xFFFFFFE0] =	vst v1  }
0x20a: {  	v1 =	vmul.f32 v62, v63;
	[tilespmem:s0+$0xFFFFFFF0] =	vst v2  }
0x20b: {  	[tilespmem:s0+$0x0] =	vst v3  }
0x20c: {  	s31 =	simm.s32 $0x10;
	s30 =	simm.s32 $0x80;
	[tilespmem:s0+$0x10] =	vst v1  }
.LBB2_15:
0x20d: {  	p2 =	sne.s32 s30, $0x1FC0;
	v1 =	vld [tilespmem:s31+$0xF6D0];
	_ =	sdelay $0x4  }
0x20e: {  	v1 =	vmax.f32 v1, $1.000000000e+00  }
0x20f: {  	(erf) = vrcp.f32 v1;
	_ =	sdelay $0x1  }
0x210: {  	s0 =	sadd.s32 $0x40, s0  }
0x211: {  	v1 =	vld [tilespmem:s0+$0xFFFFFFF0]  }
0x212: {  	v2 =	vld [tilespmem:s0+$0x10]  }
0x213: {  	v3 =	vld [tilespmem:s0+$0xFFFFFFE0]  }
0x214: {  	v4 =	vld [tilespmem:s0+$0x0];
	_ =	sdelay $0x2  }
0x215: {  	v5 =	vpop (erf)  }
0x216: {  	v3 =	vmul.f32 v5, v3;
	v1 =	vmul.f32 v1, v5  }
.Ltmp7:
0x217: {  	v2 =	vmul.f32 v2, v5;
	v4 =	vmul.f32 v4, v5;
	(pc) =	sbr.rel @p2 .LBB2_15-.Ltmp7, $4  }
0x218: {  	[tilespmem:s0+$0xFFFFFFE0] =	vst v3  }
0x219: {  	[tilespmem:s0+$0xFFFFFFF0] =	vst v1  }
0x21a: {  	[tilespmem:s0+$0x0] =	vst v4  }
0x21b: {  	s31 =	sshra.s32 s30, $0x2;
	s30 =	sadd.s32 $0x40, s30;
	[tilespmem:s0+$0x10] =	vst v2  }
0x21c: {  	v1 =	vld [tilespmem:s31+$0xF6D0];
	_ =	sdelay $0x4  }
0x21d: {  	v1 =	vmax.f32 v1, $1.000000000e+00  }
0x21e: {  	(erf) = vrcp.f32 v1;
	_ =	sdelay $0x3  }
0x21f: {  	s0 =	sadd.s32 $0x40, s0  }
0x220: {  	v1 =	vld [tilespmem:s0+$0xFFFFFFE0]  }
0x221: {  	v2 =	vld [tilespmem:s0+$0xFFFFFFF0]  }
0x222: {  	v3 =	vld [tilespmem:s0+$0x0]  }
0x223: {  	v4 =	vld [tilespmem:s0+$0x10]  }
0x224: {  	v5 =	vpop (erf)  }
0x225: {  	v1 =	vmul.f32 v5, v1  }
0x226: {  	s6 =	sld [smem:$0x7F6];
	v2 =	vmul.f32 v2, v5  }
0x227: {  	v3 =	vmul.f32 v3, v5;
	[tilespmem:s0+$0xFFFFFFE0] =	vst v1  }
0x228: {  	v1 =	vmul.f32 v4, v5;
	[tilespmem:s0+$0xFFFFFFF0] =	vst v2  }
0x229: {  	s6 =	sshll.u32 s6, $0x3;
	[tilespmem:s0+$0x0] =	vst v3  }
0x22a: {  	s31 =	simm.s32 $0x0;
	s19 =	sadd.s32 s10, s6;
	[tilespmem:s0+$0x10] =	vst v1  }
0x22b: {  	[hbm4b:s19+s31] =	stream.linear.scatter [tilespmem:s29], [sflag:$0x11], $0x2000, $0x38;
	[tilespmem:$0x1C6D0] =	vst v63  }
0x22c: {  	_ =	swait.ge [sflag:s18], $0x2000  }
0x22d: {  	[sflag:s18] =	ssyncset.done $0x0  }
0x22e: {  	s30 =	simm.s32 $0x100;
	s0 =	simm.s32 $0x0;
	[sflag:s18] =	ssyncadd.s32 $0xFFFFE000  }
.LBB2_17:
0x22f: {  	p2 =	sne.s32 s30, $0x7F00;
	[tilespmem:s0+$0xD700] =	vst v0;
	s6 =	smov.u32 s30;
	s30 =	sadd.s32 $0x100, s30  }
.Ltmp8:
0x230: {  	[tilespmem:s0+$0xD6F0] =	vst v0;
	(pc) =	sbr.rel @p2 .LBB2_17-.Ltmp8, $3  }
0x231: {  	[tilespmem:s0+$0xD6D0] =	vst v0  }
0x232: {  	[tilespmem:s0+$0xD6E0] =	vst v0;
	_ =	sdelay $0x1  }
0x233: {  	s0 =	sshra.s32 s6, $0x2  }
0x234: {  	[tilespmem:s0+$0xD700] =	vst v0  }
0x235: {  	[tilespmem:s0+$0xD6F0] =	vst v0  }
0x236: {  	[tilespmem:s0+$0xD6D0] =	vst v0  }
0x237: {  	[tilespmem:s0+$0xD6E0] =	vst v0;
	s6 =	rddreg [dreg:$0x1a]  }
0x238: {  	[spmem:s6] =	stream.linear.scatter [tilespmem:s29], [sflag:$0x11], $0x2000, $0x38;
	[tilespmem:$0x1C6D0] =	vst v63  }
0x239: {  	_ =	swait.ge [sflag:s18], $0x2000  }
0x23a: {  	[sflag:s18] =	ssyncset.done $0x0  }
0x23b: {  	s19 =	rddreg [dreg:$0x13];
	[sflag:s18] =	ssyncadd.s32 $0xFFFFE000  }
0x23c: {  	[spmem:s19] =	stream.linear.scatter [tilespmem:s29], [sflag:$0x11], $0x2000, $0x38;
	[tilespmem:$0x1C6D0] =	vst v63  }
0x23d: {  	_ =	swait.ge [sflag:s18], $0x2000  }
0x23e: {  	[sflag:s18] =	ssyncset.done $0x0  }
0x23f: {  	s31 =	rddreg [dreg:$0x15];
	[sflag:s18] =	ssyncadd.s32 $0xFFFFE000  }
0x240: {  	[spmem:s31] =	stream.linear.scatter [tilespmem:s29], [sflag:$0x11], $0x2000, $0x38;
	[tilespmem:$0x1C6D0] =	vst v63  }
0x241: {  	_ =	swait.ge [sflag:s18], $0x2000  }
0x242: {  	[sflag:s18] =	ssyncset.done $0x0  }
0x243: {  	s6 =	rddreg [dreg:$0x18];
	[sflag:s18] =	ssyncadd.s32 $0xFFFFE000  }
0x244: {  	[spmem:s6] =	stream.linear.scatter [tilespmem:s29], [sflag:$0x11], $0x2000, $0x38;
	[tilespmem:$0x1C6D0] =	vst v63  }
0x245: {  	_ =	swait.ge [sflag:s18], $0x2000  }
0x246: {  	s19 =	sld [smem:$0x7F3]  }
0x247: {  	[sflag:s18] =	ssyncset.done $0x0  }
0x248: {  	[sflag:s18] =	ssyncadd.s32 $0xFFFFE000  }
0x249: {  	[spmem:s19] =	stream.linear.scatter [tilespmem:s29], [sflag:$0x11], $0x2000, $0x38;
	[tilespmem:$0x1C6D0] =	vst v63  }
0x24a: {  	_ =	swait.ge [sflag:s18], $0x2000  }
0x24b: {  	[sflag:s18] =	ssyncset.done $0x0  }
0x24c: {  	[sflag:s18] =	ssyncadd.s32 $0xFFFFE000  }
0x24d: {  	s0 =	simm.s32 $0x0;
	s19 =	simm.s32 $0x5200;
	[bflag:$0x0] =	sbarrier.arrive $0xFFFF  }
0x24e: {  	[tilespmem:s19], [sflag:$0x1] =	stream.indirect.gather [hbm4b:s10+s2], $0x40, s0, s2, $0xb8;
	[tilespmem:$0x1C6D0] =	vst v63  }
0x24f: {  	s6 =	simm.s32 $0x80  }
0x250: {  	[tilespmem:s7], [sflag:$0x2] =	stream.indirect.gather [hbm4b:s10+s2], $0x40, s6, s2, $0xb8;
	[tilespmem:$0x1C6D0] =	vst v63  }
0x251: {  	s31 =	rddreg [dreg:$0xc]  }
0x252: {  	[tilespmem:s15], [sflag:$0x5] =	stream.linear.gather [hbm4b:s31+s0], $0x80, $0x38;
	[tilespmem:$0x1C6D0] =	vst v63  }
0x253: {  	s31 =	sld [smem:$0x7FD];
	_ =	sdelay $0x1  }
0x254: {  	s30 =	simm.s32 $0x280  }
0x255: {  	[tilespmem:s16], [sflag:$0x6] =	stream.linear.gather [hbm4b:s31+s0], $0x80, $0x38;
	[tilespmem:$0x1C6D0] =	vst v63  }
.LBB2_19:
0x256: {  	_ =	swait.ge [sflag:s11], $0x1F40  }
0x257: {  	[sflag:s11] =	ssyncset.done $0x0  }
0x258: {  	[sflag:s11] =	ssyncadd.s32 $0xFFFFE0C0  }
0x259: {  	_ =	swait.ge [sflag:s8], $0x80  }
0x25a: {  	p2 =	seq.s32 s0, $0x0;
	[sflag:s8] =	ssyncset.done $0x0  }
0x25b: {  	s6 =	simm.s32 @!p2 $0xB;
	[sflag:s8] =	ssyncadd.s32 $0xFFFFFF80  }
0x25c: {  	[spmem:s3] =	stream.indirect.scatter.add.f32 [tilespmem:s19], [sflag:$0x9], $0x40, s15, s2, $0xb8;
	[tilespmem:$0x1C6D0] =	vst v63  }
0x25d: {  	_ =	swait.ge @!p2 [sflag:s6], $0x1F40  }
0x25e: {  	[sflag:s6] =	ssyncset.done @!p2 $0x0  }
0x25f: {  	s31 =	sadd.s32 s0, s14;
	s19 =	sadd.s32 $0xFFFFFE80, s30;
	[sflag:s6] =	ssyncadd.s32 @!p2 $0xFFFFE0C0  }
0x260: {  	[tilespmem:s24], [sflag:$0x3] =	stream.indirect.gather [hbm4b:s10+s2], $0x40, s19, s2, $0xb8;
	[tilespmem:$0x1C6D0] =	vst v63  }
0x261: {  	s6 =	sadd.s32 $0x20, s31  }
0x262: {  	[tilespmem:s13], [sflag:$0x7] =	stream.linear.gather [hbm4b:s6+s5], $0x80, $0x38;
	[tilespmem:$0x1C6D0] =	vst v63  }
0x263: {  	_ =	swait.ge [sflag:s9], $0x1F40  }
0x264: {  	[sflag:s9] =	ssyncset.done $0x0  }
0x265: {  	[sflag:s9] =	ssyncadd.s32 $0xFFFFE0C0  }
0x266: {  	_ =	swait.ge [sflag:s12], $0x80  }
0x267: {  	[sflag:s12] =	ssyncset.done $0x0  }
0x268: {  	s6 =	simm.s32 @!p2 $0xC;
	[sflag:s12] =	ssyncadd.s32 $0xFFFFFF80  }
0x269: {  	[spmem:s3] =	stream.indirect.scatter.add.f32 [tilespmem:s7], [sflag:$0xA], $0x40, s16, s2, $0xb8;
	[tilespmem:$0x1C6D0] =	vst v63  }
0x26a: {  	_ =	swait.ge @!p2 [sflag:s6], $0x1F40  }
0x26b: {  	[sflag:s6] =	ssyncset.done @!p2 $0x0  }
0x26c: {  	[sflag:s6] =	ssyncadd.s32 @!p2 $0xFFFFE0C0;
	s6 =	sadd.s32 $0xFFFFFF00, s30  }
0x26d: {  	[tilespmem:s17], [sflag:$0x4] =	stream.indirect.gather [hbm4b:s10+s2], $0x40, s6, s2, $0xb8;
	[tilespmem:$0x1C6D0] =	vst v63  }
0x26e: {  	s6 =	sadd.s32 $0x30, s31  }
0x26f: {  	[tilespmem:s20], [sflag:$0x8] =	stream.linear.gather [hbm4b:s6+s5], $0x80, $0x38;
	[tilespmem:$0x1C6D0] =	vst v63  }
0x270: {  	_ =	swait.ge [sflag:s22], $0x1F40  }
0x271: {  	[sflag:s22] =	ssyncset.done $0x0  }
0x272: {  	[sflag:s22] =	ssyncadd.s32 $0xFFFFE0C0  }
0x273: {  	_ =	swait.ge [sflag:s25], $0x80  }
0x274: {  	p2 =	seq.s32 s0, $0x9C0;
	[sflag:s25] =	ssyncset.done $0x0  }
.Ltmp9:
0x275: {  	[sflag:s25] =	ssyncadd.s32 $0xFFFFFF80;
	(pc) =	sbr.rel @p2 .LBB2_21-.Ltmp9, $4  }
0x276: {  	[spmem:s3] =	stream.indirect.scatter.add.f32 [tilespmem:s24], [sflag:$0xB], $0x40, s13, s2, $0xb8;
	[tilespmem:$0x1C6D0] =	vst v63  }
0x277: {  	_ =	swait.ge [sflag:s28], $0x1F40  }
0x278: {  	[sflag:s28] =	ssyncset.done $0x0  }
0x279: {  	s19 =	simm.s32 $0x5200;
	[sflag:s28] =	ssyncadd.s32 $0xFFFFE0C0  }
0x27a: {  	s6 =	sadd.s32 $0xFFFFFF80, s30  }
0x27b: {  	[tilespmem:s19], [sflag:$0x1] =	stream.indirect.gather [hbm4b:s10+s2], $0x40, s6, s2, $0xb8;
	[tilespmem:$0x1C6D0] =	vst v63  }
0x27c: {  	s19 =	sadd.s32 $0x40, s31  }
0x27d: {  	[tilespmem:s15], [sflag:$0x5] =	stream.linear.gather [hbm4b:s19+s5], $0x80, $0x38;
	[tilespmem:$0x1C6D0] =	vst v63  }
0x27e: {  	_ =	swait.ge [sflag:s21], $0x1F40  }
0x27f: {  	[sflag:s21] =	ssyncset.done $0x0  }
0x280: {  	[sflag:s21] =	ssyncadd.s32 $0xFFFFE0C0  }
0x281: {  	_ =	swait.ge [sflag:s23], $0x80  }
0x282: {  	[sflag:s23] =	ssyncset.done $0x0  }
0x283: {  	[sflag:s23] =	ssyncadd.s32 $0xFFFFFF80  }
0x284: {  	[spmem:s3] =	stream.indirect.scatter.add.f32 [tilespmem:s17], [sflag:$0xC], $0x40, s20, s2, $0xb8;
	[tilespmem:$0x1C6D0] =	vst v63  }
0x285: {  	_ =	swait.ge [sflag:s26], $0x1F40  }
.Ltmp10:
0x286: {  	[sflag:s26] =	ssyncset.done $0x0;
	(pc) =	sbr.rel .LBB2_19-.Ltmp10, $4  }
0x287: {  	s0 =	sadd.s32 $0x40, s0;
	[sflag:s26] =	ssyncadd.s32 $0xFFFFE0C0  }
0x288: {  	[tilespmem:s7], [sflag:$0x2] =	stream.indirect.gather [hbm4b:s10+s2], $0x40, s30, s2, $0xb8;
	[tilespmem:$0x1C6D0] =	vst v63  }
0x289: {  	s31 =	sadd.s32 $0x50, s31;
	s19 =	simm.s32 $0x5200;
	s30 =	sadd.s32 $0x200, s30  }
0x28a: {  	[tilespmem:s16], [sflag:$0x6] =	stream.linear.gather [hbm4b:s31+s5], $0x80, $0x38;
	[tilespmem:$0x1C6D0] =	vst v63  }
.LBB2_21:
0x28b: {  	_ =	swait.ge [sflag:s21], $0x1F40  }
0x28c: {  	[sflag:s21] =	ssyncset.done $0x0  }
0x28d: {  	[sflag:s21] =	ssyncadd.s32 $0xFFFFE0C0  }
0x28e: {  	_ =	swait.ge [sflag:s23], $0x80  }
0x28f: {  	[sflag:s23] =	ssyncset.done $0x0  }
0x290: {  	[sflag:s23] =	ssyncadd.s32 $0xFFFFFF80  }
0x291: {  	[spmem:s3] =	stream.indirect.scatter.add.f32 [tilespmem:s17], [sflag:$0xC], $0x40, s20, s2, $0xb8;
	[tilespmem:$0x1C6D0] =	vst v63  }
0x292: {  	_ =	swait.ge [sflag:s26], $0x1F40  }
0x293: {  	[sflag:s26] =	ssyncset.done $0x0  }
0x294: {  	s0 =	simm.s32 $0xB;
	[sflag:s26] =	ssyncadd.s32 $0xFFFFE0C0  }
0x295: {  	_ =	swait.ge [sflag:s0], $0x1F40  }
0x296: {  	[sflag:s0] =	ssyncset.done $0x0  }
0x297: {  	s19 =	simm.s32 $0xC;
	[sflag:s0] =	ssyncadd.s32 $0xFFFFE0C0  }
0x298: {  	_ =	swait.ge [sflag:s19], $0x1F40  }
0x299: {  	[sflag:s19] =	ssyncset.done $0x0  }
0x29a: {  	[sflag:s19] =	ssyncadd.s32 $0xFFFFE0C0  }
0x29b: {  	[bflag:$0x0] =	sbarrier.arrive $0xFFFF  }
0x29c: {  	s6 =	rddreg [dreg:$0x1a]  }
0x29d: {  	[tilespmem:s29], [sflag:$0x11] =	stream.linear.gather [spmem:s6], $0x2000, $0x38;
	[tilespmem:$0x1C6D0] =	vst v63  }
0x29e: {  	_ =	swait.ge [sflag:s18], $0x2000  }
0x29f: {  	[sflag:s18] =	ssyncset.done $0x0  }
0x2a0: {  	s6 =	simm.s32 $0xF6D0;
	s19 =	rddreg [dreg:$0x12];
	[sflag:s18] =	ssyncadd.s32 $0xFFFFE000  }
0x2a1: {  	[tilespmem:s6], [sflag:$0x11] =	stream.linear.gather [spmem:s19], $0x800, $0x38;
	[tilespmem:$0x1C6D0] =	vst v63  }
0x2a2: {  	_ =	swait.ge [sflag:s18], $0x800  }
0x2a3: {  	[sflag:s18] =	ssyncset.done $0x0  }
0x2a4: {  	s19 =	simm.s32 $0x0;
	[sflag:s18] =	ssyncadd.s32 $0xFFFFF800  }
0x2a5: {  	v1 =	vld [tilespmem:s19+$0xF6D0];
	_ =	sdelay $0x4  }
0x2a6: {  	v1 =	vmax.f32 v1, $1.000000000e+00  }
0x2a7: {  	(erf) = vrcp.f32 v1;
	_ =	sdelay $0x3  }
0x2a8: {  	s0 =	simm.s32 $0xD6F0  }
0x2a9: {  	v1 =	vld [tilespmem:s0+$0xFFFFFFE0]  }
0x2aa: {  	v2 =	vld [tilespmem:s0+$0xFFFFFFF0]  }
0x2ab: {  	v3 =	vld [tilespmem:s0+$0x0]  }
0x2ac: {  	v4 =	vld [tilespmem:s0+$0x10]  }
0x2ad: {  	v5 =	vpop (erf)  }
0x2ae: {  	v1 =	vmul.f32 v5, v1  }
0x2af: {  	v2 =	vmul.f32 v2, v5  }
0x2b0: {  	v3 =	vmul.f32 v3, v5;
	[tilespmem:s0+$0xFFFFFFE0] =	vst v1  }
0x2b1: {  	v1 =	vmul.f32 v4, v5;
	[tilespmem:s0+$0xFFFFFFF0] =	vst v2  }
0x2b2: {  	[tilespmem:s0+$0x0] =	vst v3  }
0x2b3: {  	s31 =	simm.s32 $0x10;
	s30 =	simm.s32 $0x80;
	[tilespmem:s0+$0x10] =	vst v1  }
.LBB2_22:
0x2b4: {  	p2 =	sne.s32 s30, $0x1FC0;
	v1 =	vld [tilespmem:s31+$0xF6D0];
	_ =	sdelay $0x4  }
0x2b5: {  	v1 =	vmax.f32 v1, $1.000000000e+00  }
0x2b6: {  	(erf) = vrcp.f32 v1;
	_ =	sdelay $0x1  }
0x2b7: {  	s0 =	sadd.s32 $0x40, s0  }
0x2b8: {  	v1 =	vld [tilespmem:s0+$0xFFFFFFF0]  }
0x2b9: {  	v2 =	vld [tilespmem:s0+$0x10]  }
0x2ba: {  	v3 =	vld [tilespmem:s0+$0xFFFFFFE0]  }
0x2bb: {  	v4 =	vld [tilespmem:s0+$0x0];
	_ =	sdelay $0x2  }
0x2bc: {  	v5 =	vpop (erf)  }
0x2bd: {  	v3 =	vmul.f32 v5, v3;
	v1 =	vmul.f32 v1, v5  }
.Ltmp11:
0x2be: {  	v2 =	vmul.f32 v2, v5;
	v4 =	vmul.f32 v4, v5;
	(pc) =	sbr.rel @p2 .LBB2_22-.Ltmp11, $4  }
0x2bf: {  	[tilespmem:s0+$0xFFFFFFE0] =	vst v3  }
0x2c0: {  	[tilespmem:s0+$0xFFFFFFF0] =	vst v1  }
0x2c1: {  	[tilespmem:s0+$0x0] =	vst v4  }
0x2c2: {  	s31 =	sshra.s32 s30, $0x2;
	s30 =	sadd.s32 $0x40, s30;
	[tilespmem:s0+$0x10] =	vst v2  }
0x2c3: {  	v1 =	vld [tilespmem:s31+$0xF6D0];
	_ =	sdelay $0x4  }
0x2c4: {  	v1 =	vmax.f32 v1, $1.000000000e+00  }
0x2c5: {  	(erf) = vrcp.f32 v1;
	_ =	sdelay $0x3  }
0x2c6: {  	s0 =	sadd.s32 $0x40, s0  }
0x2c7: {  	v1 =	vld [tilespmem:s0+$0xFFFFFFE0]  }
0x2c8: {  	v2 =	vld [tilespmem:s0+$0xFFFFFFF0]  }
0x2c9: {  	v3 =	vld [tilespmem:s0+$0x0]  }
0x2ca: {  	v4 =	vld [tilespmem:s0+$0x10]  }
0x2cb: {  	v5 =	vpop (erf)  }
0x2cc: {  	v1 =	vmul.f32 v5, v1  }
0x2cd: {  	v2 =	vmul.f32 v2, v5  }
0x2ce: {  	v3 =	vmul.f32 v3, v5;
	[tilespmem:s0+$0xFFFFFFE0] =	vst v1  }
0x2cf: {  	v1 =	vmul.f32 v4, v5;
	[tilespmem:s0+$0xFFFFFFF0] =	vst v2  }
0x2d0: {  	[tilespmem:s0+$0x0] =	vst v3  }
0x2d1: {  	s6 =	simm.s32 $0x40;
	s19 =	simm.s32 $0x80;
	[tilespmem:s0+$0x10] =	vst v1;
	s0 =	rddreg [dreg:$0x1b]  }
0x2d2: {  	[hbm4b:s0+s6] =	stream.strided.scatter [tilespmem:s29], [sflag:$0x11], $0x2000, s19, s6, $0x38;
	[tilespmem:$0x1C6D0] =	vst v63  }
0x2d3: {  	_ =	swait.ge [sflag:s18], $0x2000  }
0x2d4: {  	[sflag:s18] =	ssyncset.done $0x0  }
0x2d5: {  	s0 =	rddreg [dreg:$0x13];
	[sflag:s18] =	ssyncadd.s32 $0xFFFFE000  }
0x2d6: {  	[tilespmem:s29], [sflag:$0x11] =	stream.linear.gather [spmem:s0], $0x2000, $0x38;
	[tilespmem:$0x1C6D0] =	vst v63  }
0x2d7: {  	_ =	swait.ge [sflag:s18], $0x2000  }
0x2d8: {  	[sflag:s18] =	ssyncset.done $0x0  }
0x2d9: {  	s30 =	simm.s32 $0xF6D0;
	s0 =	rddreg [dreg:$0x14];
	[sflag:s18] =	ssyncadd.s32 $0xFFFFE000  }
0x2da: {  	[tilespmem:s30], [sflag:$0x11] =	stream.linear.gather [spmem:s0], $0x800, $0x38;
	[tilespmem:$0x1C6D0] =	vst v63  }
0x2db: {  	_ =	swait.ge [sflag:s18], $0x800  }
0x2dc: {  	[sflag:s18] =	ssyncset.done $0x0  }
0x2dd: {  	s0 =	simm.s32 $0x0;
	[sflag:s18] =	ssyncadd.s32 $0xFFFFF800  }
0x2de: {  	v1 =	vld [tilespmem:s0+$0xF6D0];
	_ =	sdelay $0x4  }
0x2df: {  	v1 =	vmax.f32 v1, $1.000000000e+00  }
0x2e0: {  	(erf) = vrcp.f32 v1;
	_ =	sdelay $0x3  }
0x2e1: {  	s0 =	simm.s32 $0xD6F0  }
0x2e2: {  	v1 =	vld [tilespmem:s0+$0xFFFFFFE0]  }
0x2e3: {  	v2 =	vld [tilespmem:s0+$0xFFFFFFF0]  }
0x2e4: {  	v3 =	vld [tilespmem:s0+$0x0]  }
0x2e5: {  	v62 =	vld [tilespmem:s0+$0x10]  }
0x2e6: {  	v63 =	vpop (erf)  }
0x2e7: {  	v1 =	vmul.f32 v63, v1  }
0x2e8: {  	v2 =	vmul.f32 v2, v63  }
0x2e9: {  	v3 =	vmul.f32 v3, v63;
	[tilespmem:s0+$0xFFFFFFE0] =	vst v1  }
0x2ea: {  	v1 =	vmul.f32 v62, v63;
	[tilespmem:s0+$0xFFFFFFF0] =	vst v2  }
0x2eb: {  	[tilespmem:s0+$0x0] =	vst v3  }
0x2ec: {  	s31 =	simm.s32 $0x10;
	s30 =	simm.s32 $0x80;
	[tilespmem:s0+$0x10] =	vst v1  }
.LBB2_24:
0x2ed: {  	p2 =	sne.s32 s30, $0x1FC0;
	v1 =	vld [tilespmem:s31+$0xF6D0];
	_ =	sdelay $0x4  }
0x2ee: {  	v1 =	vmax.f32 v1, $1.000000000e+00  }
0x2ef: {  	(erf) = vrcp.f32 v1;
	_ =	sdelay $0x1  }
0x2f0: {  	s0 =	sadd.s32 $0x40, s0  }
0x2f1: {  	v1 =	vld [tilespmem:s0+$0xFFFFFFF0]  }
0x2f2: {  	v2 =	vld [tilespmem:s0+$0x10]  }
0x2f3: {  	v3 =	vld [tilespmem:s0+$0xFFFFFFE0]  }
0x2f4: {  	v4 =	vld [tilespmem:s0+$0x0];
	_ =	sdelay $0x2  }
0x2f5: {  	v5 =	vpop (erf)  }
0x2f6: {  	v3 =	vmul.f32 v5, v3;
	v1 =	vmul.f32 v1, v5  }
.Ltmp12:
0x2f7: {  	v2 =	vmul.f32 v2, v5;
	v4 =	vmul.f32 v4, v5;
	(pc) =	sbr.rel @p2 .LBB2_24-.Ltmp12, $4  }
0x2f8: {  	[tilespmem:s0+$0xFFFFFFE0] =	vst v3  }
0x2f9: {  	[tilespmem:s0+$0xFFFFFFF0] =	vst v1  }
0x2fa: {  	[tilespmem:s0+$0x0] =	vst v4  }
0x2fb: {  	s31 =	sshra.s32 s30, $0x2;
	s30 =	sadd.s32 $0x40, s30;
	[tilespmem:s0+$0x10] =	vst v2  }
0x2fc: {  	v1 =	vld [tilespmem:s31+$0xF6D0];
	_ =	sdelay $0x4  }
0x2fd: {  	v1 =	vmax.f32 v1, $1.000000000e+00  }
0x2fe: {  	(erf) = vrcp.f32 v1;
	_ =	sdelay $0x3  }
0x2ff: {  	s0 =	sadd.s32 $0x40, s0  }
0x300: {  	v1 =	vld [tilespmem:s0+$0xFFFFFFE0]  }
0x301: {  	v2 =	vld [tilespmem:s0+$0xFFFFFFF0]  }
0x302: {  	v3 =	vld [tilespmem:s0+$0x0]  }
0x303: {  	v4 =	vld [tilespmem:s0+$0x10]  }
0x304: {  	v5 =	vpop (erf)  }
0x305: {  	v1 =	vmul.f32 v5, v1  }
0x306: {  	v2 =	vmul.f32 v2, v5  }
0x307: {  	v3 =	vmul.f32 v3, v5;
	[tilespmem:s0+$0xFFFFFFE0] =	vst v1  }
0x308: {  	v1 =	vmul.f32 v4, v5;
	[tilespmem:s0+$0xFFFFFFF0] =	vst v2  }
0x309: {  	[tilespmem:s0+$0x0] =	vst v3  }
0x30a: {  	[tilespmem:s0+$0x10] =	vst v1;
	s0 =	rddreg [dreg:$0x1c]  }
0x30b: {  	[hbm4b:s0+s6] =	stream.strided.scatter [tilespmem:s29], [sflag:$0x11], $0x2000, s19, s6, $0x38;
	[tilespmem:$0x1C6D0] =	vst v63  }
0x30c: {  	_ =	swait.ge [sflag:s18], $0x2000  }
0x30d: {  	[sflag:s18] =	ssyncset.done $0x0  }
0x30e: {  	s0 =	rddreg [dreg:$0x15];
	[sflag:s18] =	ssyncadd.s32 $0xFFFFE000  }
0x30f: {  	[tilespmem:s29], [sflag:$0x11] =	stream.linear.gather [spmem:s0], $0x2000, $0x38;
	[tilespmem:$0x1C6D0] =	vst v63  }
0x310: {  	_ =	swait.ge [sflag:s18], $0x2000  }
0x311: {  	[sflag:s18] =	ssyncset.done $0x0  }
0x312: {  	s30 =	simm.s32 $0xF6D0;
	s0 =	rddreg [dreg:$0x17];
	[sflag:s18] =	ssyncadd.s32 $0xFFFFE000  }
0x313: {  	[tilespmem:s30], [sflag:$0x11] =	stream.linear.gather [spmem:s0], $0x800, $0x38;
	[tilespmem:$0x1C6D0] =	vst v63  }
0x314: {  	_ =	swait.ge [sflag:s18], $0x800  }
0x315: {  	[sflag:s18] =	ssyncset.done $0x0  }
0x316: {  	s0 =	simm.s32 $0x0;
	[sflag:s18] =	ssyncadd.s32 $0xFFFFF800  }
0x317: {  	v1 =	vld [tilespmem:s0+$0xF6D0];
	_ =	sdelay $0x4  }
0x318: {  	v1 =	vmax.f32 v1, $1.000000000e+00  }
0x319: {  	(erf) = vrcp.f32 v1;
	_ =	sdelay $0x3  }
0x31a: {  	s0 =	simm.s32 $0xD6F0  }
0x31b: {  	v1 =	vld [tilespmem:s0+$0xFFFFFFE0]  }
0x31c: {  	v2 =	vld [tilespmem:s0+$0xFFFFFFF0]  }
0x31d: {  	v3 =	vld [tilespmem:s0+$0x0]  }
0x31e: {  	v62 =	vld [tilespmem:s0+$0x10]  }
0x31f: {  	v63 =	vpop (erf)  }
0x320: {  	v1 =	vmul.f32 v63, v1  }
0x321: {  	v2 =	vmul.f32 v2, v63  }
0x322: {  	v3 =	vmul.f32 v3, v63;
	[tilespmem:s0+$0xFFFFFFE0] =	vst v1  }
0x323: {  	v1 =	vmul.f32 v62, v63;
	[tilespmem:s0+$0xFFFFFFF0] =	vst v2  }
0x324: {  	[tilespmem:s0+$0x0] =	vst v3  }
0x325: {  	s31 =	simm.s32 $0x10;
	s30 =	simm.s32 $0x80;
	[tilespmem:s0+$0x10] =	vst v1  }
.LBB2_26:
0x326: {  	p2 =	sne.s32 s30, $0x1FC0;
	v1 =	vld [tilespmem:s31+$0xF6D0];
	_ =	sdelay $0x4  }
0x327: {  	v1 =	vmax.f32 v1, $1.000000000e+00  }
0x328: {  	(erf) = vrcp.f32 v1;
	_ =	sdelay $0x1  }
0x329: {  	s0 =	sadd.s32 $0x40, s0  }
0x32a: {  	v1 =	vld [tilespmem:s0+$0xFFFFFFF0]  }
0x32b: {  	v2 =	vld [tilespmem:s0+$0x10]  }
0x32c: {  	v3 =	vld [tilespmem:s0+$0xFFFFFFE0]  }
0x32d: {  	v4 =	vld [tilespmem:s0+$0x0];
	_ =	sdelay $0x2  }
0x32e: {  	v5 =	vpop (erf)  }
0x32f: {  	v3 =	vmul.f32 v5, v3;
	v1 =	vmul.f32 v1, v5  }
.Ltmp13:
0x330: {  	v2 =	vmul.f32 v2, v5;
	v4 =	vmul.f32 v4, v5;
	(pc) =	sbr.rel @p2 .LBB2_26-.Ltmp13, $4  }
0x331: {  	[tilespmem:s0+$0xFFFFFFE0] =	vst v3  }
0x332: {  	[tilespmem:s0+$0xFFFFFFF0] =	vst v1  }
0x333: {  	[tilespmem:s0+$0x0] =	vst v4  }
0x334: {  	s31 =	sshra.s32 s30, $0x2;
	s30 =	sadd.s32 $0x40, s30;
	[tilespmem:s0+$0x10] =	vst v2  }
0x335: {  	v1 =	vld [tilespmem:s31+$0xF6D0];
	_ =	sdelay $0x4  }
0x336: {  	v1 =	vmax.f32 v1, $1.000000000e+00  }
0x337: {  	(erf) = vrcp.f32 v1;
	_ =	sdelay $0x3  }
0x338: {  	s0 =	sadd.s32 $0x40, s0  }
0x339: {  	v1 =	vld [tilespmem:s0+$0xFFFFFFE0]  }
0x33a: {  	v2 =	vld [tilespmem:s0+$0xFFFFFFF0]  }
0x33b: {  	v3 =	vld [tilespmem:s0+$0x0]  }
0x33c: {  	v4 =	vld [tilespmem:s0+$0x10]  }
0x33d: {  	v5 =	vpop (erf)  }
0x33e: {  	v1 =	vmul.f32 v5, v1  }
0x33f: {  	v2 =	vmul.f32 v2, v5  }
0x340: {  	v3 =	vmul.f32 v3, v5;
	[tilespmem:s0+$0xFFFFFFE0] =	vst v1  }
0x341: {  	v1 =	vmul.f32 v4, v5;
	[tilespmem:s0+$0xFFFFFFF0] =	vst v2  }
0x342: {  	[tilespmem:s0+$0x0] =	vst v3  }
0x343: {  	[tilespmem:s0+$0x10] =	vst v1;
	s0 =	rddreg [dreg:$0x1d]  }
0x344: {  	[hbm4b:s0+s6] =	stream.strided.scatter [tilespmem:s29], [sflag:$0x11], $0x2000, s19, s6, $0x38;
	[tilespmem:$0x1C6D0] =	vst v63  }
0x345: {  	_ =	swait.ge [sflag:s18], $0x2000  }
0x346: {  	[sflag:s18] =	ssyncset.done $0x0  }
0x347: {  	s19 =	rddreg [dreg:$0x18];
	[sflag:s18] =	ssyncadd.s32 $0xFFFFE000  }
0x348: {  	[tilespmem:s29], [sflag:$0x11] =	stream.linear.gather [spmem:s19], $0x2000, $0x38;
	[tilespmem:$0x1C6D0] =	vst v63  }
0x349: {  	_ =	swait.ge [sflag:s18], $0x2000  }
0x34a: {  	[sflag:s18] =	ssyncset.done $0x0  }
0x34b: {  	s19 =	simm.s32 $0xF6D0;
	s6 =	rddreg [dreg:$0x19];
	[sflag:s18] =	ssyncadd.s32 $0xFFFFE000  }
0x34c: {  	[tilespmem:s19], [sflag:$0x11] =	stream.linear.gather [spmem:s6], $0x800, $0x38;
	[tilespmem:$0x1C6D0] =	vst v63  }
0x34d: {  	_ =	swait.ge [sflag:s18], $0x800  }
0x34e: {  	[sflag:s18] =	ssyncset.done $0x0  }
0x34f: {  	s29 =	simm.s32 $0x0;
	[sflag:s18] =	ssyncadd.s32 $0xFFFFF800  }
0x350: {  	v1 =	vld [tilespmem:s29+$0xF6D0];
	_ =	sdelay $0x4  }
0x351: {  	v1 =	vmax.f32 v1, $1.000000000e+00  }
0x352: {  	(erf) = vrcp.f32 v1;
	_ =	sdelay $0x3  }
0x353: {  	s0 =	simm.s32 $0xD6F0  }
0x354: {  	v1 =	vld [tilespmem:s0+$0xFFFFFFE0]  }
0x355: {  	v2 =	vld [tilespmem:s0+$0xFFFFFFF0]  }
0x356: {  	v3 =	vld [tilespmem:s0+$0x0]  }
0x357: {  	v62 =	vld [tilespmem:s0+$0x10]  }
0x358: {  	v63 =	vpop (erf)  }
0x359: {  	v1 =	vmul.f32 v63, v1  }
0x35a: {  	v2 =	vmul.f32 v2, v63  }
0x35b: {  	v3 =	vmul.f32 v3, v63;
	[tilespmem:s0+$0xFFFFFFE0] =	vst v1  }
0x35c: {  	v1 =	vmul.f32 v62, v63;
	[tilespmem:s0+$0xFFFFFFF0] =	vst v2  }
0x35d: {  	[tilespmem:s0+$0x0] =	vst v3  }
0x35e: {  	s31 =	simm.s32 $0x10;
	s30 =	simm.s32 $0x80;
	[tilespmem:s0+$0x10] =	vst v1  }
.LBB2_28:
0x35f: {  	p2 =	sne.s32 s30, $0x1FC0;
	v1 =	vld [tilespmem:s31+$0xF6D0];
	_ =	sdelay $0x4  }
0x360: {  	v1 =	vmax.f32 v1, $1.000000000e+00  }
0x361: {  	(erf) = vrcp.f32 v1;
	_ =	sdelay $0x1  }
0x362: {  	s0 =	sadd.s32 $0x40, s0  }
0x363: {  	v1 =	vld [tilespmem:s0+$0xFFFFFFF0]  }
0x364: {  	v2 =	vld [tilespmem:s0+$0x10]  }
0x365: {  	v3 =	vld [tilespmem:s0+$0xFFFFFFE0]  }
0x366: {  	v4 =	vld [tilespmem:s0+$0x0];
	_ =	sdelay $0x2  }
0x367: {  	v5 =	vpop (erf)  }
0x368: {  	v3 =	vmul.f32 v5, v3;
	v1 =	vmul.f32 v1, v5  }
.Ltmp14:
0x369: {  	v2 =	vmul.f32 v2, v5;
	v4 =	vmul.f32 v4, v5;
	(pc) =	sbr.rel @p2 .LBB2_28-.Ltmp14, $4  }
0x36a: {  	[tilespmem:s0+$0xFFFFFFE0] =	vst v3  }
0x36b: {  	[tilespmem:s0+$0xFFFFFFF0] =	vst v1  }
0x36c: {  	[tilespmem:s0+$0x0] =	vst v4  }
0x36d: {  	s31 =	sshra.s32 s30, $0x2;
	s30 =	sadd.s32 $0x40, s30;
	[tilespmem:s0+$0x10] =	vst v2  }
0x36e: {  	v1 =	vld [tilespmem:s31+$0xF6D0];
	_ =	sdelay $0x4  }
0x36f: {  	v1 =	vmax.f32 v1, $1.000000000e+00  }
0x370: {  	(erf) = vrcp.f32 v1;
	_ =	sdelay $0x3  }
0x371: {  	s0 =	sadd.s32 $0x40, s0  }
0x372: {  	v1 =	vld [tilespmem:s0+$0xFFFFFFE0]  }
0x373: {  	v2 =	vld [tilespmem:s0+$0xFFFFFFF0]  }
0x374: {  	v3 =	vld [tilespmem:s0+$0x0]  }
0x375: {  	v4 =	vld [tilespmem:s0+$0x10]  }
0x376: {  	v5 =	vpop (erf)  }
0x377: {  	v1 =	vmul.f32 v5, v1  }
0x378: {  	v2 =	vmul.f32 v2, v5  }
0x379: {  	v3 =	vmul.f32 v3, v5;
	[tilespmem:s0+$0xFFFFFFE0] =	vst v1  }
0x37a: {  	v1 =	vmul.f32 v4, v5;
	[tilespmem:s0+$0xFFFFFFF0] =	vst v2  }
0x37b: {  	s6 =	simm.s32 @p1 $0x80;
	[tilespmem:s0+$0x0] =	vst v3  }
0x37c: {  	s19 =	simm.s32 @p1 $0xD6D0;
	s29 =	rddreg [dreg:$0x1f];
	[tilespmem:s0+$0x10] =	vst v1;
	s0 =	simm.s32 @p1 $0x40  }
0x37d: {  	[hbm4b:s29+s0] =	stream.strided.scatter @p1 [tilespmem:s19], [sflag:$0x11], $0x400, s6, s0, $0x38;
	[tilespmem:$0x1C6D0] =	vst v63  }
0x37e: {  	s0 =	simm.s32 @p1 $0x11  }
0x37f: {  	_ =	swait.ge @p1 [sflag:s0], $0x400  }
0x380: {  	s6 =	simm.s32 @!p1 $0x80;
	s19 =	simm.s32 @!p1 $0xD6D0;
	[sflag:s0] =	ssyncset.done @p1 $0x0  }
0x381: {  	s29 =	rddreg [dreg:$0x1e];
	[sflag:s0] =	ssyncadd.s32 @p1 $0xFFFFFC00;
	s0 =	simm.s32 @!p1 $0x40  }
0x382: {  	[hbm4b:s29+s0] =	stream.strided.scatter @!p1 [tilespmem:s19], [sflag:$0x11], $0x2000, s6, s0, $0x38;
	[tilespmem:$0x1C6D0] =	vst v63  }
0x383: {  	s0 =	simm.s32 @!p1 $0x11  }
0x384: {  	_ =	swait.ge @!p1 [sflag:s0], $0x2000  }
0x385: {  	s29 =	sld [smem:$0x7F3]  }
0x386: {  	[sflag:s0] =	ssyncset.done @!p1 $0x0  }
0x387: {  	s19 =	simm.s32 $0xD6D0;
	[sflag:s0] =	ssyncadd.s32 @!p1 $0xFFFFE000  }
0x388: {  	[tilespmem:s19], [sflag:$0x11] =	stream.linear.gather [spmem:s29], $0x2000, $0x38;
	[tilespmem:$0x1C6D0] =	vst v63  }
0x389: {  	_ =	swait.ge [sflag:s18], $0x2000  }
0x38a: {  	s19 =	sld [smem:$0x7F4]  }
0x38b: {  	[sflag:s18] =	ssyncset.done $0x0  }
0x38c: {  	s6 =	simm.s32 $0xF6D0;
	[sflag:s18] =	ssyncadd.s32 $0xFFFFE000  }
0x38d: {  	[tilespmem:s6], [sflag:$0x11] =	stream.linear.gather [spmem:s19], $0x800, $0x38;
	[tilespmem:$0x1C6D0] =	vst v63  }
0x38e: {  	_ =	swait.ge [sflag:s18], $0x800  }
0x38f: {  	[sflag:s18] =	ssyncset.done $0x0  }
0x390: {  	s29 =	simm.s32 $0x0;
	[sflag:s18] =	ssyncadd.s32 $0xFFFFF800  }
0x391: {  	v1 =	vld [tilespmem:s29+$0xF6D0];
	_ =	sdelay $0x4  }
0x392: {  	v1 =	vmax.f32 v1, $1.000000000e+00  }
0x393: {  	(erf) = vrcp.f32 v1;
	_ =	sdelay $0x3  }
0x394: {  	s0 =	simm.s32 $0xD6F0  }
0x395: {  	v1 =	vld [tilespmem:s0+$0xFFFFFFE0]  }
0x396: {  	v2 =	vld [tilespmem:s0+$0xFFFFFFF0]  }
0x397: {  	v3 =	vld [tilespmem:s0+$0x0]  }
0x398: {  	v62 =	vld [tilespmem:s0+$0x10]  }
0x399: {  	v63 =	vpop (erf)  }
0x39a: {  	v1 =	vmul.f32 v63, v1  }
0x39b: {  	v2 =	vmul.f32 v2, v63  }
0x39c: {  	v3 =	vmul.f32 v3, v63;
	[tilespmem:s0+$0xFFFFFFE0] =	vst v1  }
0x39d: {  	v1 =	vmul.f32 v62, v63;
	[tilespmem:s0+$0xFFFFFFF0] =	vst v2  }
0x39e: {  	[tilespmem:s0+$0x0] =	vst v3  }
0x39f: {  	s31 =	simm.s32 $0x10;
	s30 =	simm.s32 $0x80;
	[tilespmem:s0+$0x10] =	vst v1  }
.LBB2_30:
0x3a0: {  	p2 =	sne.s32 s30, $0x1FC0;
	v1 =	vld [tilespmem:s31+$0xF6D0];
	_ =	sdelay $0x4  }
0x3a1: {  	v1 =	vmax.f32 v1, $1.000000000e+00  }
0x3a2: {  	(erf) = vrcp.f32 v1;
	_ =	sdelay $0x1  }
0x3a3: {  	s0 =	sadd.s32 $0x40, s0  }
0x3a4: {  	v1 =	vld [tilespmem:s0+$0xFFFFFFF0]  }
0x3a5: {  	v2 =	vld [tilespmem:s0+$0x10]  }
0x3a6: {  	v3 =	vld [tilespmem:s0+$0xFFFFFFE0]  }
0x3a7: {  	v4 =	vld [tilespmem:s0+$0x0];
	_ =	sdelay $0x2  }
0x3a8: {  	v5 =	vpop (erf)  }
0x3a9: {  	v3 =	vmul.f32 v5, v3;
	v1 =	vmul.f32 v1, v5  }
.Ltmp15:
0x3aa: {  	v2 =	vmul.f32 v2, v5;
	v4 =	vmul.f32 v4, v5;
	(pc) =	sbr.rel @p2 .LBB2_30-.Ltmp15, $4  }
0x3ab: {  	[tilespmem:s0+$0xFFFFFFE0] =	vst v3  }
0x3ac: {  	[tilespmem:s0+$0xFFFFFFF0] =	vst v1  }
0x3ad: {  	[tilespmem:s0+$0x0] =	vst v4  }
0x3ae: {  	s31 =	sshra.s32 s30, $0x2;
	s30 =	sadd.s32 $0x40, s30;
	[tilespmem:s0+$0x10] =	vst v2  }
0x3af: {  	v1 =	vld [tilespmem:s31+$0xF6D0];
	_ =	sdelay $0x4  }
0x3b0: {  	v1 =	vmax.f32 v1, $1.000000000e+00  }
0x3b1: {  	(erf) = vrcp.f32 v1;
	_ =	sdelay $0x3  }
0x3b2: {  	s0 =	sadd.s32 $0x40, s0  }
0x3b3: {  	v1 =	vld [tilespmem:s0+$0xFFFFFFE0]  }
0x3b4: {  	v2 =	vld [tilespmem:s0+$0xFFFFFFF0]  }
0x3b5: {  	v3 =	vld [tilespmem:s0+$0x0]  }
0x3b6: {  	v4 =	vld [tilespmem:s0+$0x10]  }
0x3b7: {  	s6 =	sld [smem:$0x7F6];
	v5 =	vpop (erf)  }
0x3b8: {  	v1 =	vmul.f32 v5, v1  }
0x3b9: {  	v2 =	vmul.f32 v2, v5  }
0x3ba: {  	s19 =	rddreg [dreg:$0x8];
	s6 =	sshll.u32 @!p1 s6, $0x7;
	v3 =	vmul.f32 v3, v5;
	[tilespmem:s0+$0xFFFFFFE0] =	vst v1  }
0x3bb: {  	s6 =	sor.u32 @!p1 s19, s6;
	v1 =	vmul.f32 v4, v5;
	[tilespmem:s0+$0xFFFFFFF0] =	vst v2  }
0x3bc: {  	s29 =	simm.s32 @!p1 $0xD6D0;
	s19 =	rddreg [dreg:$0x2];
	s6 =	sshrl.u32 @!p1 s6, $0x3;
	[tilespmem:s0+$0x0] =	vst v3  }
0x3bd: {  	s6 =	sadd.s32 @!p1 s19, s6;
	s19 =	simm.s32 @!p1 $0x80;
	[tilespmem:s0+$0x10] =	vst v1;
	s0 =	simm.s32 @!p1 $0x40  }
0x3be: {  	[hbm4b:s6+s0] =	stream.strided.scatter @!p1 [tilespmem:s29], [sflag:$0x11], $0x2000, s19, s0, $0x38;
	[tilespmem:$0x1C6D0] =	vst v63  }
0x3bf: {  	s0 =	simm.s32 @!p1 $0x11  }
0x3c0: {  	_ =	swait.ge @!p1 [sflag:s0], $0x2000  }
0x3c1: {  	s30 =	sld [smem:$0x7F5]  }
0x3c2: {  	s31 =	sld [smem:$0x7F7];
	_ =	sdelay $0x1  }
0x3c3: {  	s30 =	sadd.s32 $0x1, s30  }
0x3c4: {  	p2 =	sne.s32 s30, s31  }
.Ltmp16:
0x3c5: {  	_ = 	snop;
	(pc) =	sbr.rel @p2 .LBB2_1-.Ltmp16, $3  }
0x3c6: {  	_ =	sdelay $0x1  }
0x3c7: {  	s6 =	simm.s32 $0x40;
	[sflag:s0] =	ssyncset.done @!p1 $0x0  }
0x3c8: {  	s19 =	simm.s32 $0x80;
	s29 =	simm.s32 $0xD6D0;
	[sflag:s0] =	ssyncadd.s32 @!p1 $0xFFFFE000  }
0x3c9: {  	_ =	sfence.sel $0x180000  }
0x3ca: {  	[bflag:$0x0] =	sbarrier.arrive $0xFFFF  }
0x3cb: {  	_ =	strace $0x90000047  }
0x3cc: {  	s0 =	stileid.u32;
	[bflag:$0x2] =	sbarrier.arrive $0xFFFF  }
0x3cd: {  	p0 =	sne.s32 s0, $0x0;
	s0 =	rddreg [dreg:$0x5]  }
0x3ce: {  	s0 =	sadd.s32 @!p0 $0x100000, s0  }
0x3cf: {  	[sflag:s0] =	ssyncadd.tile.s32 @!p0 $0x1;
	_ =	shalt  }
.Lfunc_end2:
_tile_overlayer_lowered:
.L_overlay_start_2:
0x3d0: {  	(tag) =	ssettag $0x2  }
0x3d1: {  	s0 =	rddreg [dreg:$0x0];
	s2 =	stileid.u32  }
0x3d2: {  	s1 =	rddreg [dreg:$0x1];
	p0 =	sne.s32 s2, $0x0  }
0x3d3: {  	s3 =	rddreg [dreg:$0x2];
	[bflag:$0x3] =	sbarrier.arrive $0xFFFF;
	s2 =	simm.s32 @!p0 $0x1C11  }
0x3d4: {  	[timem:s3], [sflag:s2] =	dma.local @!p0 [hbm:s0], s1  }
0x3d5: {  	s0 =	simm.s32 @!p0 $0x11  }
0x3d6: {  	_ =	swait.ge @!p0 [sflag:s0], s1  }
0x3d7: {  	s1 =	ssub.s32 @!p0 $0x0, s1;
	[sflag:s0] =	ssyncset.done @!p0 $0x0  }
0x3d8: {  	[sflag:s0] =	ssyncadd.s32 @!p0 s1  }
0x3d9: {  	[bflag:$0x3] =	sbarrier.arrive $0xFFFF  }
0x3da: {  	_ =	shalt  }

</sc_bundles>
